<compile_context>
chip_gen: v7x
topology: tpu7x:2x2x1
jax: 0.10.2.dev20260603
libtpu: 0.0.44.dev20260713+nightly
codegen_flags: <defaults>
</compile_context>

<pallas_src>
import dataclasses
import functools

import jax
import jax.numpy as jnp
from jax import lax
from jax.experimental import pallas as pl
from jax.experimental.pallas import tpu as pltpu
from jax.experimental.pallas import tpu_sc as plsc

N_NODES = 50000
N_EDGES = 800000
N_CLASSES = 47
N_LAYERS = 50
ALPHA = 0.9

NTILES = 32
NPT = 1568
NPAD = NTILES * NPT
CP = 48

F = 2048
STAGE = 2 * F
CH1 = 2000
CH3 = 2048
CH4 = 128
CAP = 802816

_MESH = plsc.VectorSubcoreMesh(core_axis_name="c", subcore_axis_name="s")

_CP = pltpu.CompilerParams()
for _f, _v in (("needs_layout_passes", False), ("use_tc_tiling_on_sc", False)):
    if _f in pltpu.CompilerParams.__dataclass_fields__:
        _CP = dataclasses.replace(_CP, **{_f: _v})


def _wid():
    return lax.axis_index("s") * 2 + lax.axis_index("c")


def _k1_body(rowh, colh, orows, ocol, ocnt, odeg,
             rowc, colc, stage_r, stage_c, hist, degl, cntv):
    t = _wid()
    lo = pl.multiple_of(t * NPT, NPT)
    ebase = pl.multiple_of(t * CAP, F)
    iota = lax.iota(jnp.int32, 16)
    ones = jnp.ones((16,), jnp.float32)
    zf = jnp.zeros((16,), jnp.float32)
    zi = jnp.zeros((16,), jnp.int32)

    def zero_hist(j, c):
        for lane in range(16):
            hist[lane, pl.ds(j * 16, 16)] = zf
        return c
    lax.fori_loop(0, NPT // 16, zero_hist, 0)

    def zero_stage(j, c):
        stage_r[pl.ds(j * 16, 16)] = zi
        stage_c[pl.ds(j * 16, 16)] = zi
        return c
    lax.fori_loop(0, STAGE // 16, zero_stage, 0)

    def chunk_body(ci, carry):
        cnt, flushed = carry
        pltpu.sync_copy(rowh.at[pl.ds(ci * CH1, CH1)], rowc)
        pltpu.sync_copy(colh.at[pl.ds(ci * CH1, CH1)], colc)

        def vec_body(v, cnt):
            c16 = colc[pl.ds(v * 16, 16)]
            r16 = rowc[pl.ds(v * 16, 16)]
            m = (c16 >= lo) & (c16 < lo + NPT)
            mi = m.astype(jnp.int32)
            pos = cnt + plsc.cumsum(mi) - 1
            sidx = lax.rem(pos, STAGE)
            cl16 = c16 - lo
            plsc.store_scatter(stage_r, [sidx], r16, mask=m)
            plsc.store_scatter(stage_c, [sidx], cl16, mask=m)
            plsc.addupdate_scatter(hist, [iota, cl16], ones, mask=m)
            return cnt + jnp.sum(mi)

        cnt = lax.fori_loop(0, CH1 // 16, vec_body, cnt)

        def do_flush(fl):
            half = pl.multiple_of(lax.rem(fl, STAGE), F)
            dst = pl.multiple_of(ebase + fl, F)
            pltpu.sync_copy(stage_r.at[pl.ds(half, F)], orows.at[pl.ds(dst, F)])
            pltpu.sync_copy(stage_c.at[pl.ds(half, F)], ocol.at[pl.ds(dst, F)])
            return fl + F

        flushed = lax.cond(cnt - flushed >= F, do_flush, lambda fl: fl, flushed)
        return (cnt, flushed)

    cnt, flushed = lax.fori_loop(0, N_EDGES // CH1, chunk_body,
                                 (jnp.int32(0), jnp.int32(0)))

    half = pl.multiple_of(lax.rem(flushed, STAGE), F)
    dst = pl.multiple_of(ebase + flushed, F)
    pltpu.sync_copy(stage_r.at[pl.ds(half, F)], orows.at[pl.ds(dst, F)])
    pltpu.sync_copy(stage_c.at[pl.ds(half, F)], ocol.at[pl.ds(dst, F)])
    half2 = pl.multiple_of(F - half, F)
    dst2 = pl.multiple_of(dst + F, F)
    pltpu.sync_copy(stage_r.at[pl.ds(half2, F)], orows.at[pl.ds(dst2, F)])
    pltpu.sync_copy(stage_c.at[pl.ds(half2, F)], ocol.at[pl.ds(dst2, F)])

    cntv[...] = jnp.full((16,), cnt, jnp.int32)
    pltpu.sync_copy(cntv, ocnt.at[pl.ds(pl.multiple_of(t * 16, 16), 16)])

    def red_body(j, c):
        acc = jnp.zeros((16,), jnp.float32)
        for lane in range(16):
            acc = acc + hist[lane, pl.ds(j * 16, 16)]
        degl[pl.ds(j * 16, 16)] = acc
        return c
    lax.fori_loop(0, NPT // 16, red_body, 0)
    pltpu.sync_copy(degl, odeg.at[pl.ds(lo, NPT)])


_k1 = functools.partial(
    pl.kernel,
    out_type=(
        jax.ShapeDtypeStruct((NTILES * CAP,), jnp.int32),
        jax.ShapeDtypeStruct((NTILES * CAP,), jnp.int32),
        jax.ShapeDtypeStruct((NTILES * 16,), jnp.int32),
        jax.ShapeDtypeStruct((NPAD,), jnp.float32),
    ),
    mesh=_MESH,
    scratch_types=[
        pltpu.VMEM((CH1,), jnp.int32),
        pltpu.VMEM((CH1,), jnp.int32),
        pltpu.VMEM((STAGE,), jnp.int32),
        pltpu.VMEM((STAGE,), jnp.int32),
        pltpu.VMEM((16, NPT), jnp.float32),
        pltpu.VMEM((NPT,), jnp.float32),
        pltpu.VMEM((16,), jnp.int32),
    ],
    compiler_params=_CP,
)(_k1_body)


def _rsqrt_body(deg_ref, dis_ref):
    d = deg_ref[...]
    dis_ref[...] = jnp.where(d > 0.0, lax.rsqrt(d), 0.0)


def _init_body(y_ref, m_ref, out0_ref, res_ref):
    o = y_ref[...] * m_ref[...]
    out0_ref[...] = o
    res_ref[...] = o * jnp.float32(1.0 - ALPHA)


def _k3_body(rowsh, colh, cnth, dish, onorm, disv, rowc, colc, normc, cntv):
    t = _wid()
    lo = pl.multiple_of(t * NPT, NPT)
    ebase = pl.multiple_of(t * CAP, F)
    pltpu.sync_copy(dish, disv)
    pltpu.sync_copy(cnth.at[pl.ds(pl.multiple_of(t * 16, 16), 16)], cntv)
    n = jnp.max(cntv[...])
    nch = (n + CH3 - 1) // CH3
    iota = lax.iota(jnp.int32, 16)
    alpha = jnp.float32(ALPHA)

    def ch_body(ci, c):
        base = pl.multiple_of(ci * CH3, CH3)
        pltpu.sync_copy(rowsh.at[pl.ds(ebase + base, CH3)], rowc)
        pltpu.sync_copy(colh.at[pl.ds(ebase + base, CH3)], colc)

        def vb(v, cc):
            r16 = rowc[pl.ds(v * 16, 16)]
            c16 = colc[pl.ds(v * 16, 16)] + lo
            m = (base + v * 16 + iota) < n
            dr = plsc.load_gather(disv, [r16], mask=m)
            dc = plsc.load_gather(disv, [c16], mask=m)
            normc[pl.ds(v * 16, 16)] = dr * dc * alpha
            return cc
        lax.fori_loop(0, CH3 // 16, vb, 0)
        pltpu.sync_copy(normc, onorm.at[pl.ds(ebase + base, CH3)])
        return c

    lax.fori_loop(0, nch, ch_body, 0)


_k3 = functools.partial(
    pl.kernel,
    out_type=jax.ShapeDtypeStruct((NTILES * CAP,), jnp.float32),
    mesh=_MESH,
    scratch_types=[
        pltpu.VMEM((NPAD,), jnp.float32),
        pltpu.VMEM((CH3,), jnp.int32),
        pltpu.VMEM((CH3,), jnp.int32),
        pltpu.VMEM((CH3,), jnp.float32),
        pltpu.VMEM((16,), jnp.int32),
    ],
    compiler_params=_CP,
)(_k3_body)


S4 = 384
G4 = S4 // 128


def _k4_body(outh, resh, rowsh, colh, normh, cnth, onew,
             acc, rowb0, rowb1, colb0, colb1, nrmb0, nrmb1, msg0, msg1,
             cntv, semE0, semE1, semG0, semG1):
    t = _wid()
    lo = pl.multiple_of(t * NPT, NPT)
    ebase = pl.multiple_of(t * CAP, F)
    iota = lax.iota(jnp.int32, 16)
    iots = [iota, iota + 16, iota + 32]
    zf = jnp.zeros((16,), jnp.float32)
    pltpu.sync_copy(resh.at[pl.ds(lo, NPT)], acc)
    pltpu.sync_copy(cnth.at[pl.ds(pl.multiple_of(t * 16, 16), 16)], cntv)
    n = jnp.max(cntv[...])
    nsc = (n + S4 - 1) // S4
    lastb = jnp.maximum(nsc - 1, 0) * S4

    rowb = [rowb0, rowb1]
    colb = [colb0, colb1]
    nrmb = [nrmb0, nrmb1]
    msg = [msg0, msg1]
    semE = [semE0, semE1]
    semG = [semG0, semG1]

    def basei(i):
        return pl.multiple_of(jnp.minimum(i * S4, lastb), 128)

    def issue_e(b, i):
        base = ebase + basei(i)
        pltpu.async_copy(normh.at[pl.ds(base, S4)], nrmb[b], semE[b])
        for k in range(G4):
            pltpu.async_copy(rowsh.at[pl.ds(base + k * 128, 128)],
                             rowb[b].at[k], semE[b])
            pltpu.async_copy(colh.at[pl.ds(base + k * 128, 128)],
                             colb[b].at[k], semE[b])

    def wait_e(b, i):
        base = ebase + basei(i)
        pltpu.make_async_copy(normh.at[pl.ds(base, S4)], nrmb[b], semE[b]).wait()
        for k in range(G4):
            pltpu.make_async_copy(rowsh.at[pl.ds(base + k * 128, 128)],
                                  rowb[b].at[k], semE[b]).wait()
            pltpu.make_async_copy(colh.at[pl.ds(base + k * 128, 128)],
                                  colb[b].at[k], semE[b]).wait()

    def issue_g(b):
        for k in range(G4):
            pltpu.async_copy(outh.at[rowb[b].at[k]], msg[b].at[k], semG[b])

    def wait_g(b):
        for k in range(G4):
            pltpu.make_async_copy(outh.at[rowb[b].at[k]], msg[b].at[k],
                                  semG[b]).wait()

    def compute(b, i):
        ne = n - i * S4
        for kk in range(G4):
            nek16 = jnp.full((16,), ne - kk * 128, jnp.int32)
            ksp = jnp.full((16,), kk, jnp.int32)

            def ebq(j, cc, _b=b, _kk=kk, _ksp=ksp, _nek16=nek16):
                for u in range(4):
                    e2 = j * 4 + u
                    e2sp = jnp.full((16,), e2, jnp.int32)
                    esp = e2sp + _kk * 128
                    nrm = plsc.load_gather(nrmb[_b], [esp])
                    nrm = jnp.where(e2sp < _nek16, nrm, zf)
                    cl = plsc.load_gather(colb[_b], [_ksp, e2sp])
                    for k in range(3):
                        v = msg[_b][_kk, e2, pl.ds(k * 16, 16)] * nrm
                        plsc.addupdate_scatter(acc, [cl, iots[k]], v)
                return cc
            lax.fori_loop(0, 32, ebq, 0)

    issue_e(0, 0)
    wait_e(0, 0)
    issue_g(0)
    issue_e(1, 1)
    npairs = (jnp.maximum(nsc, 2) + 1) // 2

    def pair_body(j, c):
        i0 = 2 * j
        wait_g(0)
        wait_e(1, i0 + 1)
        issue_g(1)
        compute(0, i0)
        issue_e(0, i0 + 2)
        wait_g(1)
        wait_e(0, i0 + 2)
        issue_g(0)
        compute(1, i0 + 1)
        issue_e(1, i0 + 3)
        return c

    lax.fori_loop(0, npairs, pair_body, 0)
    wait_g(0)
    wait_e(1, 2 * npairs + 1)

    def cb(j, c):
        for k in range(3):
            x = acc[j, pl.ds(k * 16, 16)]
            acc[j, pl.ds(k * 16, 16)] = jnp.minimum(jnp.maximum(x, 0.0), 1.0)
        return c
    lax.fori_loop(0, NPT, cb, 0)
    pltpu.sync_copy(acc, onew.at[pl.ds(lo, NPT)])


_k4 = functools.partial(
    pl.kernel,
    out_type=jax.ShapeDtypeStruct((NPAD, CP), jnp.float32),
    mesh=_MESH,
    scratch_types=[
        pltpu.VMEM((NPT, CP), jnp.float32),
        pltpu.VMEM((G4, 128), jnp.int32),
        pltpu.VMEM((G4, 128), jnp.int32),
        pltpu.VMEM((G4, 128), jnp.int32),
        pltpu.VMEM((G4, 128), jnp.int32),
        pltpu.VMEM((S4,), jnp.float32),
        pltpu.VMEM((S4,), jnp.float32),
        pltpu.VMEM((G4, 128, CP), jnp.float32),
        pltpu.VMEM((G4, 128, CP), jnp.float32),
        pltpu.VMEM((16,), jnp.int32),
        pltpu.SemaphoreType.DMA,
        pltpu.SemaphoreType.DMA,
        pltpu.SemaphoreType.DMA,
        pltpu.SemaphoreType.DMA,
    ],
    compiler_params=_CP,
)(_k4_body)


def kernel(x, edge_index, y, train_mask):
    del x
    row = edge_index[0]
    col = edge_index[1]

    rows_s, col_s, counts, deg = _k1(row, col)

    dis2 = pl.pallas_call(
        _rsqrt_body,
        out_shape=jax.ShapeDtypeStruct((NPAD // 128, 128), jnp.float32),
    )(deg.reshape(NPAD // 128, 128))

    ypad = jnp.pad(y, ((0, NPAD - N_NODES), (0, CP - N_CLASSES)))
    maskp = jnp.pad(train_mask.astype(jnp.float32),
                    (0, NPAD - N_NODES)).reshape(NPAD, 1)
    out0, res = pl.pallas_call(
        _init_body,
        grid=(NPAD // 512,),
        in_specs=[
            pl.BlockSpec((512, CP), lambda i: (i, 0)),
            pl.BlockSpec((512, 1), lambda i: (i, 0)),
        ],
        out_specs=[
            pl.BlockSpec((512, CP), lambda i: (i, 0)),
            pl.BlockSpec((512, CP), lambda i: (i, 0)),
        ],
        out_shape=[jax.ShapeDtypeStruct((NPAD, CP), jnp.float32)] * 2,
    )(ypad, maskp)

    normv = _k3(rows_s, col_s, counts, dis2.reshape(NPAD))

    out = lax.fori_loop(
        0, N_LAYERS,
        lambda i, o: _k4(o, res, rows_s, col_s, normv, counts),
        out0,
    )
    return out[:N_NODES, :N_CLASSES]

# --- scband reference (transcript-rebuilt; emitter-appended) ---
"""Pipeline reference for scband-lp-43671227466235 (READ-ONLY COPY).

The authoritative reference and input builder live on the scoring server;
editing this copy changes nothing except your own understanding.
"""

import jax, jax.numpy as jnp
import numpy as np

NUM_NODES = 50000
NUM_EDGES = 800000
NUM_CLASSES = 47
NUM_LAYERS = 50
ALPHA = 0.9


def setup_inputs(seed: int = 0) -> dict:
    key = jax.random.key(seed)
    k1, k2, k3, k4 = jax.random.split(key, 4)
    x = jax.random.normal(k1, (NUM_NODES, 128), dtype=jnp.float32)
    edge_index = jax.random.randint(k2, (2, NUM_EDGES), 0, NUM_NODES, dtype=jnp.int32)
    # soft labels (float path of PyG LabelPropagation: no one-hot conversion)
    y = jax.random.uniform(k3, (NUM_NODES, NUM_CLASSES), dtype=jnp.float32)
    train_mask = jax.random.randint(k4, (NUM_NODES,), 0, 2, dtype=jnp.int32).astype(bool)
    return {"x": x, "edge_index": edge_index, "y": y, "train_mask": train_mask}


def reference(x, edge_index, y, train_mask):
    # x is unused (interface compatibility), matching the torch module.
    row = edge_index[0]
    col = edge_index[1]

    # out = zeros_like(y); out[mask] = y[mask]
    out = jnp.where(train_mask[:, None], y, 0.0)

    # gcn_norm without self-loops (edge_weight=None path):
    # deg computed on dst (col) for flow='source_to_target'
    ew = jnp.ones((NUM_EDGES,), dtype=jnp.float32)
    deg = jax.ops.segment_sum(ew, col, num_segments=NUM_NODES)
    deg_inv_sqrt = jnp.where(deg > 0, 1.0 / jnp.sqrt(deg), 0.0)
    norm = deg_inv_sqrt[row] * deg_inv_sqrt[col]

    res = (1.0 - ALPHA) * out
    for _ in range(NUM_LAYERS):
        msg = out[row] * norm[:, None]
        out = jax.ops.segment_sum(msg, col, num_segments=NUM_NODES)
        out = out * ALPHA + res
        out = jnp.clip(out, 0.0, 1.0)  # post_step clamp
    return out

if __name__ == "__main__":
    import jax
    _d = setup_inputs()
    print(jax.jit(kernel)(*tuple(_d.values())))

</pallas_src>

<mosaic_0001>
#map = affine_map<(d0, d1) -> (0)>
module attributes {stable_mosaic.version = 14 : i64} {
  func.func @_k1_body(%arg0: i32, %arg1: i32, %arg2: memref<800000xi32, #tpu.memory_space<hbm>>, %arg3: memref<800000xi32, #tpu.memory_space<hbm>>, %arg4: memref<25690112xi32, #tpu.memory_space<hbm>>, %arg5: memref<25690112xi32, #tpu.memory_space<hbm>>, %arg6: memref<512xi32, #tpu.memory_space<hbm>>, %arg7: memref<50176xf32, #tpu.memory_space<hbm>>, %arg8: memref<2000xi32, #tpu.memory_space<vmem>>, %arg9: memref<2000xi32, #tpu.memory_space<vmem>>, %arg10: memref<4096xi32, #tpu.memory_space<vmem>>, %arg11: memref<4096xi32, #tpu.memory_space<vmem>>, %arg12: memref<16x1568xf32, #tpu.memory_space<vmem>>, %arg13: memref<1568xf32, #tpu.memory_space<vmem>>, %arg14: memref<16xi32, #tpu.memory_space<vmem>>) attributes {dimension_semantics = [#tpu.dimension_semantics<core_parallel>, #tpu.dimension_semantics<subcore_parallel>], iteration_bounds = array<i64: 2, 16>, scalar_prefetch = 0 : i64, scratch_operands = 7 : i64, tpu.core_type = #tpu.core_type<sc_vector_subcore>, window_params = [{transform_indices = #map}, {transform_indices = #map}, {transform_indices = #map}, {transform_indices = #map}, {transform_indices = #map}, {transform_indices = #map}]} {
    %mul3A = arith.constant 2 : i32
    %mul3A_0 = arith.muli %arg1, %mul3A : i32
    %add3A = arith.addi %mul3A_0, %arg0 : i32
    %mul3A_1 = arith.constant 1568 : i32
    %mul3A_2 = arith.muli %add3A, %mul3A_1 : i32
    %multiple_of3A = tpu.assume_multiple %mul3A_2, 1568 : i32
    %mul3A_3 = arith.constant 802816 : i32
    %mul3A_4 = arith.muli %add3A, %mul3A_3 : i32
    %multiple_of3A_5 = tpu.assume_multiple %mul3A_4, 2048 : i32
    %iota3A = tpu.iota {dimensions = array<i32: 0>} : vector<16xi32>
    %broadcast_in_dim3A = arith.constant 1.000000e+00 : f32
    %broadcast_in_dim3A_6 = vector.broadcast %broadcast_in_dim3A : f32 to vector<16xf32>
    %broadcast_in_dim3A_7 = arith.constant 0.000000e+00 : f32
    %broadcast_in_dim3A_8 = vector.broadcast %broadcast_in_dim3A_7 : f32 to vector<16xf32>
    %broadcast_in_dim3A_9 = arith.constant 0 : i32
    %broadcast_in_dim3A_10 = vector.broadcast %broadcast_in_dim3A_9 : i32 to vector<16xi32>
    %scan3A = arith.constant 0 : i32
    %scan3A_11 = arith.constant 0 : i32
    %scan3A_12 = arith.constant 98 : i32
    %scan3A_13 = arith.addi %scan3A_11, %scan3A_12 : i32
    %scan3A_14 = arith.constant 1 : i32
    scf.for %scan3A_50 = %scan3A_11 to %scan3A_13 step %scan3A_14  : i32 {
      %mul3A_51 = arith.constant 16 : i32
      %mul3A_52 = arith.muli %scan3A_50, %mul3A_51 : i32
      %swap3A_53 = arith.constant 0 : i32
      %swap3A_54 = arith.index_cast %swap3A_53 : i32 to index
      %swap3A_55 = arith.index_cast %mul3A_52 : i32 to index
      %swap3A_56 = tpu.vector_load %arg12[%swap3A_54, %swap3A_55] {strides = array<i32>} : memref<16x1568xf32, #tpu.memory_space<vmem>>, vector<16xf32>,
      tpu.vector_store %arg12[%swap3A_54, %swap3A_55], %broadcast_in_dim3A_8 {strides = array<i32>} : memref<16x1568xf32, #tpu.memory_space<vmem>>, vector<16xf32>,
      %mul3A_57 = arith.constant 16 : i32
      %mul3A_58 = arith.muli %scan3A_50, %mul3A_57 : i32
      %swap3A_59 = arith.constant 1 : i32
      %swap3A_60 = arith.index_cast %swap3A_59 : i32 to index
      %swap3A_61 = arith.index_cast %mul3A_58 : i32 to index
      %swap3A_62 = tpu.vector_load %arg12[%swap3A_60, %swap3A_61] {strides = array<i32>} : memref<16x1568xf32, #tpu.memory_space<vmem>>, vector<16xf32>,
      tpu.vector_store %arg12[%swap3A_60, %swap3A_61], %broadcast_in_dim3A_8 {strides = array<i32>} : memref<16x1568xf32, #tpu.memory_space<vmem>>, vector<16xf32>,
      %mul3A_63 = arith.constant 16 : i32
      %mul3A_64 = arith.muli %scan3A_50, %mul3A_63 : i32
      %swap3A_65 = arith.constant 2 : i32
      %swap3A_66 = arith.index_cast %swap3A_65 : i32 to index
      %swap3A_67 = arith.index_cast %mul3A_64 : i32 to index
      %swap3A_68 = tpu.vector_load %arg12[%swap3A_66, %swap3A_67] {strides = array<i32>} : memref<16x1568xf32, #tpu.memory_space<vmem>>, vector<16xf32>,
      tpu.vector_store %arg12[%swap3A_66, %swap3A_67], %broadcast_in_dim3A_8 {strides = array<i32>} : memref<16x1568xf32, #tpu.memory_space<vmem>>, vector<16xf32>,
      %mul3A_69 = arith.constant 16 : i32
      %mul3A_70 = arith.muli %scan3A_50, %mul3A_69 : i32
      %swap3A_71 = arith.constant 3 : i32
      %swap3A_72 = arith.index_cast %swap3A_71 : i32 to index
      %swap3A_73 = arith.index_cast %mul3A_70 : i32 to index
      %swap3A_74 = tpu.vector_load %arg12[%swap3A_72, %swap3A_73] {strides = array<i32>} : memref<16x1568xf32, #tpu.memory_space<vmem>>, vector<16xf32>,
      tpu.vector_store %arg12[%swap3A_72, %swap3A_73], %broadcast_in_dim3A_8 {strides = array<i32>} : memref<16x1568xf32, #tpu.memory_space<vmem>>, vector<16xf32>,
      %mul3A_75 = arith.constant 16 : i32
      %mul3A_76 = arith.muli %scan3A_50, %mul3A_75 : i32
      %swap3A_77 = arith.constant 4 : i32
      %swap3A_78 = arith.index_cast %swap3A_77 : i32 to index
      %swap3A_79 = arith.index_cast %mul3A_76 : i32 to index
      %swap3A_80 = tpu.vector_load %arg12[%swap3A_78, %swap3A_79] {strides = array<i32>} : memref<16x1568xf32, #tpu.memory_space<vmem>>, vector<16xf32>,
      tpu.vector_store %arg12[%swap3A_78, %swap3A_79], %broadcast_in_dim3A_8 {strides = array<i32>} : memref<16x1568xf32, #tpu.memory_space<vmem>>, vector<16xf32>,
      %mul3A_81 = arith.constant 16 : i32
      %mul3A_82 = arith.muli %scan3A_50, %mul3A_81 : i32
      %swap3A_83 = arith.constant 5 : i32
      %swap3A_84 = arith.index_cast %swap3A_83 : i32 to index
      %swap3A_85 = arith.index_cast %mul3A_82 : i32 to index
      %swap3A_86 = tpu.vector_load %arg12[%swap3A_84, %swap3A_85] {strides = array<i32>} : memref<16x1568xf32, #tpu.memory_space<vmem>>, vector<16xf32>,
      tpu.vector_store %arg12[%swap3A_84, %swap3A_85], %broadcast_in_dim3A_8 {strides = array<i32>} : memref<16x1568xf32, #tpu.memory_space<vmem>>, vector<16xf32>,
      %mul3A_87 = arith.constant 16 : i32
      %mul3A_88 = arith.muli %scan3A_50, %mul3A_87 : i32
      %swap3A_89 = arith.constant 6 : i32
      %swap3A_90 = arith.index_cast %swap3A_89 : i32 to index
      %swap3A_91 = arith.index_cast %mul3A_88 : i32 to index
      %swap3A_92 = tpu.vector_load %arg12[%swap3A_90, %swap3A_91] {strides = array<i32>} : memref<16x1568xf32, #tpu.memory_space<vmem>>, vector<16xf32>,
      tpu.vector_store %arg12[%swap3A_90, %swap3A_91], %broadcast_in_dim3A_8 {strides = array<i32>} : memref<16x1568xf32, #tpu.memory_space<vmem>>, vector<16xf32>,
      %mul3A_93 = arith.constant 16 : i32
      %mul3A_94 = arith.muli %scan3A_50, %mul3A_93 : i32
      %swap3A_95 = arith.constant 7 : i32
      %swap3A_96 = arith.index_cast %swap3A_95 : i32 to index
      %swap3A_97 = arith.index_cast %mul3A_94 : i32 to index
      %swap3A_98 = tpu.vector_load %arg12[%swap3A_96, %swap3A_97] {strides = array<i32>} : memref<16x1568xf32, #tpu.memory_space<vmem>>, vector<16xf32>,
      tpu.vector_store %arg12[%swap3A_96, %swap3A_97], %broadcast_in_dim3A_8 {strides = array<i32>} : memref<16x1568xf32, #tpu.memory_space<vmem>>, vector<16xf32>,
      %mul3A_99 = arith.constant 16 : i32
      %mul3A_100 = arith.muli %scan3A_50, %mul3A_99 : i32
      %swap3A_101 = arith.constant 8 : i32
      %swap3A_102 = arith.index_cast %swap3A_101 : i32 to index
      %swap3A_103 = arith.index_cast %mul3A_100 : i32 to index
      %swap3A_104 = tpu.vector_load %arg12[%swap3A_102, %swap3A_103] {strides = array<i32>} : memref<16x1568xf32, #tpu.memory_space<vmem>>, vector<16xf32>,
      tpu.vector_store %arg12[%swap3A_102, %swap3A_103], %broadcast_in_dim3A_8 {strides = array<i32>} : memref<16x1568xf32, #tpu.memory_space<vmem>>, vector<16xf32>,
      %mul3A_105 = arith.constant 16 : i32
      %mul3A_106 = arith.muli %scan3A_50, %mul3A_105 : i32
      %swap3A_107 = arith.constant 9 : i32
      %swap3A_108 = arith.index_cast %swap3A_107 : i32 to index
      %swap3A_109 = arith.index_cast %mul3A_106 : i32 to index
      %swap3A_110 = tpu.vector_load %arg12[%swap3A_108, %swap3A_109] {strides = array<i32>} : memref<16x1568xf32, #tpu.memory_space<vmem>>, vector<16xf32>,
      tpu.vector_store %arg12[%swap3A_108, %swap3A_109], %broadcast_in_dim3A_8 {strides = array<i32>} : memref<16x1568xf32, #tpu.memory_space<vmem>>, vector<16xf32>,
      %mul3A_111 = arith.constant 16 : i32
      %mul3A_112 = arith.muli %scan3A_50, %mul3A_111 : i32
      %swap3A_113 = arith.constant 10 : i32
      %swap3A_114 = arith.index_cast %swap3A_113 : i32 to index
      %swap3A_115 = arith.index_cast %mul3A_112 : i32 to index
      %swap3A_116 = tpu.vector_load %arg12[%swap3A_114, %swap3A_115] {strides = array<i32>} : memref<16x1568xf32, #tpu.memory_space<vmem>>, vector<16xf32>,
      tpu.vector_store %arg12[%swap3A_114, %swap3A_115], %broadcast_in_dim3A_8 {strides = array<i32>} : memref<16x1568xf32, #tpu.memory_space<vmem>>, vector<16xf32>,
      %mul3A_117 = arith.constant 16 : i32
      %mul3A_118 = arith.muli %scan3A_50, %mul3A_117 : i32
      %swap3A_119 = arith.constant 11 : i32
      %swap3A_120 = arith.index_cast %swap3A_119 : i32 to index
      %swap3A_121 = arith.index_cast %mul3A_118 : i32 to index
      %swap3A_122 = tpu.vector_load %arg12[%swap3A_120, %swap3A_121] {strides = array<i32>} : memref<16x1568xf32, #tpu.memory_space<vmem>>, vector<16xf32>,
      tpu.vector_store %arg12[%swap3A_120, %swap3A_121], %broadcast_in_dim3A_8 {strides = array<i32>} : memref<16x1568xf32, #tpu.memory_space<vmem>>, vector<16xf32>,
      %mul3A_123 = arith.constant 16 : i32
      %mul3A_124 = arith.muli %scan3A_50, %mul3A_123 : i32
      %swap3A_125 = arith.constant 12 : i32
      %swap3A_126 = arith.index_cast %swap3A_125 : i32 to index
      %swap3A_127 = arith.index_cast %mul3A_124 : i32 to index
      %swap3A_128 = tpu.vector_load %arg12[%swap3A_126, %swap3A_127] {strides = array<i32>} : memref<16x1568xf32, #tpu.memory_space<vmem>>, vector<16xf32>,
      tpu.vector_store %arg12[%swap3A_126, %swap3A_127], %broadcast_in_dim3A_8 {strides = array<i32>} : memref<16x1568xf32, #tpu.memory_space<vmem>>, vector<16xf32>,
      %mul3A_129 = arith.constant 16 : i32
      %mul3A_130 = arith.muli %scan3A_50, %mul3A_129 : i32
      %swap3A_131 = arith.constant 13 : i32
      %swap3A_132 = arith.index_cast %swap3A_131 : i32 to index
      %swap3A_133 = arith.index_cast %mul3A_130 : i32 to index
      %swap3A_134 = tpu.vector_load %arg12[%swap3A_132, %swap3A_133] {strides = array<i32>} : memref<16x1568xf32, #tpu.memory_space<vmem>>, vector<16xf32>,
      tpu.vector_store %arg12[%swap3A_132, %swap3A_133], %broadcast_in_dim3A_8 {strides = array<i32>} : memref<16x1568xf32, #tpu.memory_space<vmem>>, vector<16xf32>,
      %mul3A_135 = arith.constant 16 : i32
      %mul3A_136 = arith.muli %scan3A_50, %mul3A_135 : i32
      %swap3A_137 = arith.constant 14 : i32
      %swap3A_138 = arith.index_cast %swap3A_137 : i32 to index
      %swap3A_139 = arith.index_cast %mul3A_136 : i32 to index
      %swap3A_140 = tpu.vector_load %arg12[%swap3A_138, %swap3A_139] {strides = array<i32>} : memref<16x1568xf32, #tpu.memory_space<vmem>>, vector<16xf32>,
      tpu.vector_store %arg12[%swap3A_138, %swap3A_139], %broadcast_in_dim3A_8 {strides = array<i32>} : memref<16x1568xf32, #tpu.memory_space<vmem>>, vector<16xf32>,
      %mul3A_141 = arith.constant 16 : i32
      %mul3A_142 = arith.muli %scan3A_50, %mul3A_141 : i32
      %swap3A_143 = arith.constant 15 : i32
      %swap3A_144 = arith.index_cast %swap3A_143 : i32 to index
      %swap3A_145 = arith.index_cast %mul3A_142 : i32 to index
      %swap3A_146 = tpu.vector_load %arg12[%swap3A_144, %swap3A_145] {strides = array<i32>} : memref<16x1568xf32, #tpu.memory_space<vmem>>, vector<16xf32>,
      tpu.vector_store %arg12[%swap3A_144, %swap3A_145], %broadcast_in_dim3A_8 {strides = array<i32>} : memref<16x1568xf32, #tpu.memory_space<vmem>>, vector<16xf32>,
    }
    %scan3A_15 = arith.constant 98 : i32
    %scan3A_16 = arith.constant 0 : i32
    %scan3A_17 = arith.constant 0 : i32
    %scan3A_18 = arith.constant 256 : i32
    %scan3A_19 = arith.addi %scan3A_17, %scan3A_18 : i32
    %scan3A_20 = arith.constant 1 : i32
    scf.for %scan3A_50 = %scan3A_17 to %scan3A_19 step %scan3A_20  : i32 {
      %mul3A_51 = arith.constant 16 : i32
      %mul3A_52 = arith.muli %scan3A_50, %mul3A_51 : i32
      %swap3A_53 = arith.index_cast %mul3A_52 : i32 to index
      %swap3A_54 = tpu.vector_load %arg10[%swap3A_53] {strides = array<i32>} : memref<4096xi32, #tpu.memory_space<vmem>>, vector<16xi32>,
      tpu.vector_store %arg10[%swap3A_53], %broadcast_in_dim3A_10 {strides = array<i32>} : memref<4096xi32, #tpu.memory_space<vmem>>, vector<16xi32>,
      %mul3A_55 = arith.constant 16 : i32
      %mul3A_56 = arith.muli %scan3A_50, %mul3A_55 : i32
      %swap3A_57 = arith.index_cast %mul3A_56 : i32 to index
      %swap3A_58 = tpu.vector_load %arg11[%swap3A_57] {strides = array<i32>} : memref<4096xi32, #tpu.memory_space<vmem>>, vector<16xi32>,
      tpu.vector_store %arg11[%swap3A_57], %broadcast_in_dim3A_10 {strides = array<i32>} : memref<4096xi32, #tpu.memory_space<vmem>>, vector<16xi32>,
    }
    %scan3A_21 = arith.constant 256 : i32
    %scan3A_22 = arith.constant 0 : i32
    %scan3A_23 = arith.constant 0 : i32
    %scan3A_24 = arith.constant 0 : i32
    %scan3A_25 = arith.constant 400 : i32
    %scan3A_26 = arith.addi %scan3A_24, %scan3A_25 : i32
    %scan3A_27 = arith.constant 1 : i32
    %scan3A_28:2 = scf.for %scan3A_50 = %scan3A_24 to %scan3A_26 step %scan3A_27 iter_args(%scan3A_51 = %scan3A_22, %scan3A_52 = %scan3A_23) -> (i32, i32)  : i32 {
      %mul3A_53 = arith.constant 2000 : i32
      %mul3A_54 = arith.muli %scan3A_50, %mul3A_53 : i32
      "tpu.region"() ({
        %run_scoped3A = tpu.sem_alloc : memref<!tpu.dma_semaphore, #tpu.memory_space<semaphore_mem>>
        %dma_start3A = tpu.memref_slice %arg2[%mul3A_54] : memref<800000xi32, #tpu.memory_space<hbm>> -> memref<2000xi32, #tpu.memory_space<hbm>>
        %dma_start3A_67 = tpu.memref_slice %arg2[%mul3A_54] : memref<800000xi32, #tpu.memory_space<hbm>> -> memref<2000xi32, #tpu.memory_space<hbm>>
        tpu.enqueue_dma source(%dma_start3A_67 : memref<2000xi32, #tpu.memory_space<hbm>>) target(%arg8 : memref<2000xi32, #tpu.memory_space<vmem>>) target_semaphore(%run_scoped3A : memref<!tpu.dma_semaphore, #tpu.memory_space<semaphore_mem>>)
        %dma_wait3A = tpu.memref_slice %arg2[%mul3A_54] : memref<800000xi32, #tpu.memory_space<hbm>> -> memref<2000xi32, #tpu.memory_space<hbm>>
        %dma_wait3A_68 = tpu.memref_slice %arg2[%mul3A_54] : memref<800000xi32, #tpu.memory_space<hbm>> -> memref<2000xi32, #tpu.memory_space<hbm>>
        tpu.wait_dma2 semaphore(%run_scoped3A : memref<!tpu.dma_semaphore, #tpu.memory_space<semaphore_mem>>) src(%dma_wait3A_68 : memref<2000xi32, #tpu.memory_space<hbm>>) dst(%arg8 : memref<2000xi32, #tpu.memory_space<vmem>>)
        tpu.yield
      }) : () -> ()
      %mul3A_55 = arith.constant 2000 : i32
      %mul3A_56 = arith.muli %scan3A_50, %mul3A_55 : i32
      "tpu.region"() ({
        %run_scoped3A = tpu.sem_alloc : memref<!tpu.dma_semaphore, #tpu.memory_space<semaphore_mem>>
        %dma_start3A = tpu.memref_slice %arg3[%mul3A_56] : memref<800000xi32, #tpu.memory_space<hbm>> -> memref<2000xi32, #tpu.memory_space<hbm>>
        %dma_start3A_67 = tpu.memref_slice %arg3[%mul3A_56] : memref<800000xi32, #tpu.memory_space<hbm>> -> memref<2000xi32, #tpu.memory_space<hbm>>
        tpu.enqueue_dma source(%dma_start3A_67 : memref<2000xi32, #tpu.memory_space<hbm>>) target(%arg9 : memref<2000xi32, #tpu.memory_space<vmem>>) target_semaphore(%run_scoped3A : memref<!tpu.dma_semaphore, #tpu.memory_space<semaphore_mem>>)
        %dma_wait3A = tpu.memref_slice %arg3[%mul3A_56] : memref<800000xi32, #tpu.memory_space<hbm>> -> memref<2000xi32, #tpu.memory_space<hbm>>
        %dma_wait3A_68 = tpu.memref_slice %arg3[%mul3A_56] : memref<800000xi32, #tpu.memory_space<hbm>> -> memref<2000xi32, #tpu.memory_space<hbm>>
        tpu.wait_dma2 semaphore(%run_scoped3A : memref<!tpu.dma_semaphore, #tpu.memory_space<semaphore_mem>>) src(%dma_wait3A_68 : memref<2000xi32, #tpu.memory_space<hbm>>) dst(%arg9 : memref<2000xi32, #tpu.memory_space<vmem>>)
        tpu.yield
      }) : () -> ()
      %scan3A_57 = arith.constant 0 : i32
      %scan3A_58 = arith.constant 125 : i32
      %scan3A_59 = arith.addi %scan3A_57, %scan3A_58 : i32
      %scan3A_60 = arith.constant 1 : i32
      %scan3A_61 = scf.for %scan3A_67 = %scan3A_57 to %scan3A_59 step %scan3A_60 iter_args(%scan3A_68 = %scan3A_51) -> (i32)  : i32 {
        %mul3A_69 = arith.constant 16 : i32
        %mul3A_70 = arith.muli %scan3A_67, %mul3A_69 : i32
        %get3A = arith.index_cast %mul3A_70 : i32 to index
        %get3A_71 = tpu.vector_load %arg9[%get3A] {strides = array<i32>} : memref<2000xi32, #tpu.memory_space<vmem>>, vector<16xi32>,
        %mul3A_72 = arith.constant 16 : i32
        %mul3A_73 = arith.muli %scan3A_67, %mul3A_72 : i32
        %get3A_74 = arith.index_cast %mul3A_73 : i32 to index
        %get3A_75 = tpu.vector_load %arg8[%get3A_74] {strides = array<i32>} : memref<2000xi32, #tpu.memory_space<vmem>>, vector<16xi32>,
        %ge3A_76 = vector.broadcast %multiple_of3A : i32 to vector<16xi32>
        %ge3A_77 = arith.cmpi sge, %get3A_71, %ge3A_76 : vector<16xi32>
        %add3A_78 = arith.constant 1568 : i32
        %add3A_79 = arith.addi %multiple_of3A, %add3A_78 : i32
        %lt3A = vector.broadcast %add3A_79 : i32 to vector<16xi32>
        %lt3A_80 = arith.cmpi slt, %get3A_71, %lt3A : vector<16xi32>
        %and3A = arith.andi %ge3A_77, %lt3A_80 : vector<16xi1>
        %convert_element_type3A_81 = arith.extui %and3A : vector<16xi1> to vector<16xi32>
        %broadcast_in_dim3A_82 = arith.constant true
        %broadcast_in_dim3A_83 = vector.broadcast %broadcast_in_dim3A_82 : i1 to vector<16xi1>
        %masked_cumsum3A = tpu.scan <sum>, %convert_element_type3A_81 masked %broadcast_in_dim3A_83 : vector<16xi32>, vector<16xi1> -> vector<16xi32>
        %add3A_84 = vector.broadcast %scan3A_68 : i32 to vector<16xi32>
        %add3A_85 = arith.addi %add3A_84, %masked_cumsum3A : vector<16xi32>
        %sub3A_86 = arith.constant 1 : i32
        %sub3A_87 = vector.broadcast %sub3A_86 : i32 to vector<16xi32>
        %sub3A_88 = arith.subi %add3A_85, %sub3A_87 : vector<16xi32>
        %rem3A_89 = arith.constant 4096 : i32
        %rem3A_90 = vector.broadcast %rem3A_89 : i32 to vector<16xi32>
        %rem3A_91 = arith.remsi %sub3A_88, %rem3A_90 : vector<16xi32>
        %sub3A_92 = vector.broadcast %multiple_of3A : i32 to vector<16xi32>
        %sub3A_93 = arith.subi %get3A_71, %sub3A_92 : vector<16xi32>
        tpu.vector_store_idx %arg10[%rem3A_91], %get3A_75 masked %and3A : memref<4096xi32, #tpu.memory_space<vmem>>[vector<16xi32>], vector<16xi32>, vector<16xi1>
        tpu.vector_store_idx %arg11[%rem3A_91], %sub3A_93 masked %and3A : memref<4096xi32, #tpu.memory_space<vmem>>[vector<16xi32>], vector<16xi32>, vector<16xi1>
        tpu.vector_store_idx %arg12[%iota3A, %sub3A_93], %broadcast_in_dim3A_6 masked %and3A {add = true} : memref<16x1568xf32, #tpu.memory_space<vmem>>[vector<16xi32>, vector<16xi32>], vector<16xf32>, vector<16xi1>
        %reduce_sum3A = arith.constant true
        %reduce_sum3A_94 = vector.broadcast %reduce_sum3A : i1 to vector<16xi1>
        %reduce_sum3A_95 = tpu.scan <sum>, %convert_element_type3A_81 masked %reduce_sum3A_94 : vector<16xi32>, vector<16xi1> -> vector<16xi32>
        %reduce_sum3A_96 = vector.extract %reduce_sum3A_95[15] : i32 from vector<16xi32>
        %add3A_97 = arith.addi %scan3A_68, %reduce_sum3A_96 : i32
        scf.yield %add3A_97 : i32
      }
      %scan3A_62 = arith.constant 125 : i32
      %sub3A_63 = arith.subi %scan3A_61, %scan3A_52 : i32
      %ge3A = arith.constant 2048 : i32
      %ge3A_64 = arith.cmpi sge, %sub3A_63, %ge3A : i32
      %convert_element_type3A = arith.extui %ge3A_64 : i1 to i32
      %cond3A = arith.constant 0 : i32
      %cond3A_65 = arith.cmpi ne, %convert_element_type3A, %cond3A : i32
      %cond3A_66 = scf.if %cond3A_65 -> (i32) {
        %rem3A_67 = arith.constant 4096 : i32
        %rem3A_68 = arith.remsi %scan3A_52, %rem3A_67 : i32
        %multiple_of3A_69 = tpu.assume_multiple %rem3A_68, 2048 : i32
        %add3A_70 = arith.addi %multiple_of3A_5, %scan3A_52 : i32
        %multiple_of3A_71 = tpu.assume_multiple %add3A_70, 2048 : i32
        "tpu.region"() ({
          %run_scoped3A = tpu.sem_alloc : memref<!tpu.dma_semaphore, #tpu.memory_space<semaphore_mem>>
          %dma_start3A = tpu.memref_slice %arg10[%multiple_of3A_69] : memref<4096xi32, #tpu.memory_space<vmem>> -> memref<2048xi32, #tpu.memory_space<vmem>>
          %dma_start3A_74 = tpu.memref_slice %arg4[%multiple_of3A_71] : memref<25690112xi32, #tpu.memory_space<hbm>> -> memref<2048xi32, #tpu.memory_space<hbm>>
          %dma_start3A_75 = tpu.memref_slice %arg4[%multiple_of3A_71] : memref<25690112xi32, #tpu.memory_space<hbm>> -> memref<2048xi32, #tpu.memory_space<hbm>>
          %dma_start3A_76 = tpu.memref_slice %arg10[%multiple_of3A_69] : memref<4096xi32, #tpu.memory_space<vmem>> -> memref<2048xi32, #tpu.memory_space<vmem>>
          tpu.enqueue_dma source(%dma_start3A_76 : memref<2048xi32, #tpu.memory_space<vmem>>) target(%dma_start3A_75 : memref<2048xi32, #tpu.memory_space<hbm>>) target_semaphore(%run_scoped3A : memref<!tpu.dma_semaphore, #tpu.memory_space<semaphore_mem>>)
          %dma_wait3A = tpu.memref_slice %arg10[%multiple_of3A_69] : memref<4096xi32, #tpu.memory_space<vmem>> -> memref<2048xi32, #tpu.memory_space<vmem>>
          %dma_wait3A_77 = tpu.memref_slice %arg4[%multiple_of3A_71] : memref<25690112xi32, #tpu.memory_space<hbm>> -> memref<2048xi32, #tpu.memory_space<hbm>>
          %dma_wait3A_78 = tpu.memref_slice %arg4[%multiple_of3A_71] : memref<25690112xi32, #tpu.memory_space<hbm>> -> memref<2048xi32, #tpu.memory_space<hbm>>
          %dma_wait3A_79 = tpu.memref_slice %arg10[%multiple_of3A_69] : memref<4096xi32, #tpu.memory_space<vmem>> -> memref<2048xi32, #tpu.memory_space<vmem>>
          tpu.wait_dma2 semaphore(%run_scoped3A : memref<!tpu.dma_semaphore, #tpu.memory_space<semaphore_mem>>) src(%dma_wait3A_79 : memref<2048xi32, #tpu.memory_space<vmem>>) dst(%dma_wait3A_78 : memref<2048xi32, #tpu.memory_space<hbm>>)
          tpu.yield
        }) : () -> ()
        "tpu.region"() ({
          %run_scoped3A = tpu.sem_alloc : memref<!tpu.dma_semaphore, #tpu.memory_space<semaphore_mem>>
          %dma_start3A = tpu.memref_slice %arg11[%multiple_of3A_69] : memref<4096xi32, #tpu.memory_space<vmem>> -> memref<2048xi32, #tpu.memory_space<vmem>>
          %dma_start3A_74 = tpu.memref_slice %arg5[%multiple_of3A_71] : memref<25690112xi32, #tpu.memory_space<hbm>> -> memref<2048xi32, #tpu.memory_space<hbm>>
          %dma_start3A_75 = tpu.memref_slice %arg5[%multiple_of3A_71] : memref<25690112xi32, #tpu.memory_space<hbm>> -> memref<2048xi32, #tpu.memory_space<hbm>>
          %dma_start3A_76 = tpu.memref_slice %arg11[%multiple_of3A_69] : memref<4096xi32, #tpu.memory_space<vmem>> -> memref<2048xi32, #tpu.memory_space<vmem>>
          tpu.enqueue_dma source(%dma_start3A_76 : memref<2048xi32, #tpu.memory_space<vmem>>) target(%dma_start3A_75 : memref<2048xi32, #tpu.memory_space<hbm>>) target_semaphore(%run_scoped3A : memref<!tpu.dma_semaphore, #tpu.memory_space<semaphore_mem>>)
          %dma_wait3A = tpu.memref_slice %arg11[%multiple_of3A_69] : memref<4096xi32, #tpu.memory_space<vmem>> -> memref<2048xi32, #tpu.memory_space<vmem>>
          %dma_wait3A_77 = tpu.memref_slice %arg5[%multiple_of3A_71] : memref<25690112xi32, #tpu.memory_space<hbm>> -> memref<2048xi32, #tpu.memory_space<hbm>>
          %dma_wait3A_78 = tpu.memref_slice %arg5[%multiple_of3A_71] : memref<25690112xi32, #tpu.memory_space<hbm>> -> memref<2048xi32, #tpu.memory_space<hbm>>
          %dma_wait3A_79 = tpu.memref_slice %arg11[%multiple_of3A_69] : memref<4096xi32, #tpu.memory_space<vmem>> -> memref<2048xi32, #tpu.memory_space<vmem>>
          tpu.wait_dma2 semaphore(%run_scoped3A : memref<!tpu.dma_semaphore, #tpu.memory_space<semaphore_mem>>) src(%dma_wait3A_79 : memref<2048xi32, #tpu.memory_space<vmem>>) dst(%dma_wait3A_78 : memref<2048xi32, #tpu.memory_space<hbm>>)
          tpu.yield
        }) : () -> ()
        %add3A_72 = arith.constant 2048 : i32
        %add3A_73 = arith.addi %scan3A_52, %add3A_72 : i32
        scf.yield %add3A_73 : i32
      } else {
        scf.yield %scan3A_52 : i32
      }
      scf.yield %scan3A_61, %cond3A_66 : i32, i32
    }
    %scan3A_29 = arith.constant 400 : i32
    %rem3A = arith.constant 4096 : i32
    %rem3A_30 = arith.remsi %scan3A_28#1, %rem3A : i32
    %multiple_of3A_31 = tpu.assume_multiple %rem3A_30, 2048 : i32
    %add3A_32 = arith.addi %multiple_of3A_5, %scan3A_28#1 : i32
    %multiple_of3A_33 = tpu.assume_multiple %add3A_32, 2048 : i32
    "tpu.region"() ({
      %run_scoped3A = tpu.sem_alloc : memref<!tpu.dma_semaphore, #tpu.memory_space<semaphore_mem>>
      %dma_start3A = tpu.memref_slice %arg10[%multiple_of3A_31] : memref<4096xi32, #tpu.memory_space<vmem>> -> memref<2048xi32, #tpu.memory_space<vmem>>
      %dma_start3A_50 = tpu.memref_slice %arg4[%multiple_of3A_33] : memref<25690112xi32, #tpu.memory_space<hbm>> -> memref<2048xi32, #tpu.memory_space<hbm>>
      %dma_start3A_51 = tpu.memref_slice %arg4[%multiple_of3A_33] : memref<25690112xi32, #tpu.memory_space<hbm>> -> memref<2048xi32, #tpu.memory_space<hbm>>
      %dma_start3A_52 = tpu.memref_slice %arg10[%multiple_of3A_31] : memref<4096xi32, #tpu.memory_space<vmem>> -> memref<2048xi32, #tpu.memory_space<vmem>>
      tpu.enqueue_dma source(%dma_start3A_52 : memref<2048xi32, #tpu.memory_space<vmem>>) target(%dma_start3A_51 : memref<2048xi32, #tpu.memory_space<hbm>>) target_semaphore(%run_scoped3A : memref<!tpu.dma_semaphore, #tpu.memory_space<semaphore_mem>>)
      %dma_wait3A = tpu.memref_slice %arg10[%multiple_of3A_31] : memref<4096xi32, #tpu.memory_space<vmem>> -> memref<2048xi32, #tpu.memory_space<vmem>>
      %dma_wait3A_53 = tpu.memref_slice %arg4[%multiple_of3A_33] : memref<25690112xi32, #tpu.memory_space<hbm>> -> memref<2048xi32, #tpu.memory_space<hbm>>
      %dma_wait3A_54 = tpu.memref_slice %arg4[%multiple_of3A_33] : memref<25690112xi32, #tpu.memory_space<hbm>> -> memref<2048xi32, #tpu.memory_space<hbm>>
      %dma_wait3A_55 = tpu.memref_slice %arg10[%multiple_of3A_31] : memref<4096xi32, #tpu.memory_space<vmem>> -> memref<2048xi32, #tpu.memory_space<vmem>>
      tpu.wait_dma2 semaphore(%run_scoped3A : memref<!tpu.dma_semaphore, #tpu.memory_space<semaphore_mem>>) src(%dma_wait3A_55 : memref<2048xi32, #tpu.memory_space<vmem>>) dst(%dma_wait3A_54 : memref<2048xi32, #tpu.memory_space<hbm>>)
      tpu.yield
    }) : () -> ()
    "tpu.region"() ({
      %run_scoped3A = tpu.sem_alloc : memref<!tpu.dma_semaphore, #tpu.memory_space<semaphore_mem>>
      %dma_start3A = tpu.memref_slice %arg11[%multiple_of3A_31] : memref<4096xi32, #tpu.memory_space<vmem>> -> memref<2048xi32, #tpu.memory_space<vmem>>
      %dma_start3A_50 = tpu.memref_slice %arg5[%multiple_of3A_33] : memref<25690112xi32, #tpu.memory_space<hbm>> -> memref<2048xi32, #tpu.memory_space<hbm>>
      %dma_start3A_51 = tpu.memref_slice %arg5[%multiple_of3A_33] : memref<25690112xi32, #tpu.memory_space<hbm>> -> memref<2048xi32, #tpu.memory_space<hbm>>
      %dma_start3A_52 = tpu.memref_slice %arg11[%multiple_of3A_31] : memref<4096xi32, #tpu.memory_space<vmem>> -> memref<2048xi32, #tpu.memory_space<vmem>>
      tpu.enqueue_dma source(%dma_start3A_52 : memref<2048xi32, #tpu.memory_space<vmem>>) target(%dma_start3A_51 : memref<2048xi32, #tpu.memory_space<hbm>>) target_semaphore(%run_scoped3A : memref<!tpu.dma_semaphore, #tpu.memory_space<semaphore_mem>>)
      %dma_wait3A = tpu.memref_slice %arg11[%multiple_of3A_31] : memref<4096xi32, #tpu.memory_space<vmem>> -> memref<2048xi32, #tpu.memory_space<vmem>>
      %dma_wait3A_53 = tpu.memref_slice %arg5[%multiple_of3A_33] : memref<25690112xi32, #tpu.memory_space<hbm>> -> memref<2048xi32, #tpu.memory_space<hbm>>
      %dma_wait3A_54 = tpu.memref_slice %arg5[%multiple_of3A_33] : memref<25690112xi32, #tpu.memory_space<hbm>> -> memref<2048xi32, #tpu.memory_space<hbm>>
      %dma_wait3A_55 = tpu.memref_slice %arg11[%multiple_of3A_31] : memref<4096xi32, #tpu.memory_space<vmem>> -> memref<2048xi32, #tpu.memory_space<vmem>>
      tpu.wait_dma2 semaphore(%run_scoped3A : memref<!tpu.dma_semaphore, #tpu.memory_space<semaphore_mem>>) src(%dma_wait3A_55 : memref<2048xi32, #tpu.memory_space<vmem>>) dst(%dma_wait3A_54 : memref<2048xi32, #tpu.memory_space<hbm>>)
      tpu.yield
    }) : () -> ()
    %sub3A = arith.constant 2048 : i32
    %sub3A_34 = arith.subi %sub3A, %multiple_of3A_31 : i32
    %multiple_of3A_35 = tpu.assume_multiple %sub3A_34, 2048 : i32
    %add3A_36 = arith.constant 2048 : i32
    %add3A_37 = arith.addi %multiple_of3A_33, %add3A_36 : i32
    %multiple_of3A_38 = tpu.assume_multiple %add3A_37, 2048 : i32
    "tpu.region"() ({
      %run_scoped3A = tpu.sem_alloc : memref<!tpu.dma_semaphore, #tpu.memory_space<semaphore_mem>>
      %dma_start3A = tpu.memref_slice %arg10[%multiple_of3A_35] : memref<4096xi32, #tpu.memory_space<vmem>> -> memref<2048xi32, #tpu.memory_space<vmem>>
      %dma_start3A_50 = tpu.memref_slice %arg4[%multiple_of3A_38] : memref<25690112xi32, #tpu.memory_space<hbm>> -> memref<2048xi32, #tpu.memory_space<hbm>>
      %dma_start3A_51 = tpu.memref_slice %arg4[%multiple_of3A_38] : memref<25690112xi32, #tpu.memory_space<hbm>> -> memref<2048xi32, #tpu.memory_space<hbm>>
      %dma_start3A_52 = tpu.memref_slice %arg10[%multiple_of3A_35] : memref<4096xi32, #tpu.memory_space<vmem>> -> memref<2048xi32, #tpu.memory_space<vmem>>
      tpu.enqueue_dma source(%dma_start3A_52 : memref<2048xi32, #tpu.memory_space<vmem>>) target(%dma_start3A_51 : memref<2048xi32, #tpu.memory_space<hbm>>) target_semaphore(%run_scoped3A : memref<!tpu.dma_semaphore, #tpu.memory_space<semaphore_mem>>)
      %dma_wait3A = tpu.memref_slice %arg10[%multiple_of3A_35] : memref<4096xi32, #tpu.memory_space<vmem>> -> memref<2048xi32, #tpu.memory_space<vmem>>
      %dma_wait3A_53 = tpu.memref_slice %arg4[%multiple_of3A_38] : memref<25690112xi32, #tpu.memory_space<hbm>> -> memref<2048xi32, #tpu.memory_space<hbm>>
      %dma_wait3A_54 = tpu.memref_slice %arg4[%multiple_of3A_38] : memref<25690112xi32, #tpu.memory_space<hbm>> -> memref<2048xi32, #tpu.memory_space<hbm>>
      %dma_wait3A_55 = tpu.memref_slice %arg10[%multiple_of3A_35] : memref<4096xi32, #tpu.memory_space<vmem>> -> memref<2048xi32, #tpu.memory_space<vmem>>
      tpu.wait_dma2 semaphore(%run_scoped3A : memref<!tpu.dma_semaphore, #tpu.memory_space<semaphore_mem>>) src(%dma_wait3A_55 : memref<2048xi32, #tpu.memory_space<vmem>>) dst(%dma_wait3A_54 : memref<2048xi32, #tpu.memory_space<hbm>>)
      tpu.yield
    }) : () -> ()
    "tpu.region"() ({
      %run_scoped3A = tpu.sem_alloc : memref<!tpu.dma_semaphore, #tpu.memory_space<semaphore_mem>>
      %dma_start3A = tpu.memref_slice %arg11[%multiple_of3A_35] : memref<4096xi32, #tpu.memory_space<vmem>> -> memref<2048xi32, #tpu.memory_space<vmem>>
      %dma_start3A_50 = tpu.memref_slice %arg5[%multiple_of3A_38] : memref<25690112xi32, #tpu.memory_space<hbm>> -> memref<2048xi32, #tpu.memory_space<hbm>>
      %dma_start3A_51 = tpu.memref_slice %arg5[%multiple_of3A_38] : memref<25690112xi32, #tpu.memory_space<hbm>> -> memref<2048xi32, #tpu.memory_space<hbm>>
      %dma_start3A_52 = tpu.memref_slice %arg11[%multiple_of3A_35] : memref<4096xi32, #tpu.memory_space<vmem>> -> memref<2048xi32, #tpu.memory_space<vmem>>
      tpu.enqueue_dma source(%dma_start3A_52 : memref<2048xi32, #tpu.memory_space<vmem>>) target(%dma_start3A_51 : memref<2048xi32, #tpu.memory_space<hbm>>) target_semaphore(%run_scoped3A : memref<!tpu.dma_semaphore, #tpu.memory_space<semaphore_mem>>)
      %dma_wait3A = tpu.memref_slice %arg11[%multiple_of3A_35] : memref<4096xi32, #tpu.memory_space<vmem>> -> memref<2048xi32, #tpu.memory_space<vmem>>
      %dma_wait3A_53 = tpu.memref_slice %arg5[%multiple_of3A_38] : memref<25690112xi32, #tpu.memory_space<hbm>> -> memref<2048xi32, #tpu.memory_space<hbm>>
      %dma_wait3A_54 = tpu.memref_slice %arg5[%multiple_of3A_38] : memref<25690112xi32, #tpu.memory_space<hbm>> -> memref<2048xi32, #tpu.memory_space<hbm>>
      %dma_wait3A_55 = tpu.memref_slice %arg11[%multiple_of3A_35] : memref<4096xi32, #tpu.memory_space<vmem>> -> memref<2048xi32, #tpu.memory_space<vmem>>
      tpu.wait_dma2 semaphore(%run_scoped3A : memref<!tpu.dma_semaphore, #tpu.memory_space<semaphore_mem>>) src(%dma_wait3A_55 : memref<2048xi32, #tpu.memory_space<vmem>>) dst(%dma_wait3A_54 : memref<2048xi32, #tpu.memory_space<hbm>>)
      tpu.yield
    }) : () -> ()
    %broadcast_in_dim3A_39 = vector.broadcast %scan3A_28#0 : i32 to vector<16xi32>
    %swap3A = arith.constant 0 : index
    %swap3A_40 = tpu.vector_load %arg14[%swap3A] {strides = array<i32>} : memref<16xi32, #tpu.memory_space<vmem>>, vector<16xi32>,
    tpu.vector_store %arg14[%swap3A], %broadcast_in_dim3A_39 {strides = array<i32>} : memref<16xi32, #tpu.memory_space<vmem>>, vector<16xi32>,
    %mul3A_41 = arith.constant 16 : i32
    %mul3A_42 = arith.muli %add3A, %mul3A_41 : i32
    %multiple_of3A_43 = tpu.assume_multiple %mul3A_42, 16 : i32
    "tpu.region"() ({
      %run_scoped3A = tpu.sem_alloc : memref<!tpu.dma_semaphore, #tpu.memory_space<semaphore_mem>>
      %dma_start3A = tpu.memref_slice %arg6[%multiple_of3A_43] : memref<512xi32, #tpu.memory_space<hbm>> -> memref<16xi32, #tpu.memory_space<hbm>>
      %dma_start3A_50 = tpu.memref_slice %arg6[%multiple_of3A_43] : memref<512xi32, #tpu.memory_space<hbm>> -> memref<16xi32, #tpu.memory_space<hbm>>
      tpu.enqueue_dma source(%arg14 : memref<16xi32, #tpu.memory_space<vmem>>) target(%dma_start3A_50 : memref<16xi32, #tpu.memory_space<hbm>>) target_semaphore(%run_scoped3A : memref<!tpu.dma_semaphore, #tpu.memory_space<semaphore_mem>>)
      %dma_wait3A = tpu.memref_slice %arg6[%multiple_of3A_43] : memref<512xi32, #tpu.memory_space<hbm>> -> memref<16xi32, #tpu.memory_space<hbm>>
      %dma_wait3A_51 = tpu.memref_slice %arg6[%multiple_of3A_43] : memref<512xi32, #tpu.memory_space<hbm>> -> memref<16xi32, #tpu.memory_space<hbm>>
      tpu.wait_dma2 semaphore(%run_scoped3A : memref<!tpu.dma_semaphore, #tpu.memory_space<semaphore_mem>>) src(%arg14 : memref<16xi32, #tpu.memory_space<vmem>>) dst(%dma_wait3A_51 : memref<16xi32, #tpu.memory_space<hbm>>)
      tpu.yield
    }) : () -> ()
    %scan3A_44 = arith.constant 0 : i32
    %scan3A_45 = arith.constant 0 : i32
    %scan3A_46 = arith.constant 98 : i32
    %scan3A_47 = arith.addi %scan3A_45, %scan3A_46 : i32
    %scan3A_48 = arith.constant 1 : i32
    scf.for %scan3A_50 = %scan3A_45 to %scan3A_47 step %scan3A_48  : i32 {
      %broadcast_in_dim3A_51 = arith.constant 0.000000e+00 : f32
      %broadcast_in_dim3A_52 = vector.broadcast %broadcast_in_dim3A_51 : f32 to vector<16xf32>
      %mul3A_53 = arith.constant 16 : i32
      %mul3A_54 = arith.muli %scan3A_50, %mul3A_53 : i32
      %get3A = arith.constant 0 : i32
      %get3A_55 = arith.index_cast %get3A : i32 to index
      %get3A_56 = arith.index_cast %mul3A_54 : i32 to index
      %get3A_57 = tpu.vector_load %arg12[%get3A_55, %get3A_56] {strides = array<i32>} : memref<16x1568xf32, #tpu.memory_space<vmem>>, vector<16xf32>,
      %add3A_58 = arith.addf %broadcast_in_dim3A_52, %get3A_57 : vector<16xf32>
      %mul3A_59 = arith.constant 16 : i32
      %mul3A_60 = arith.muli %scan3A_50, %mul3A_59 : i32
      %get3A_61 = arith.constant 1 : i32
      %get3A_62 = arith.index_cast %get3A_61 : i32 to index
      %get3A_63 = arith.index_cast %mul3A_60 : i32 to index
      %get3A_64 = tpu.vector_load %arg12[%get3A_62, %get3A_63] {strides = array<i32>} : memref<16x1568xf32, #tpu.memory_space<vmem>>, vector<16xf32>,
      %add3A_65 = arith.addf %add3A_58, %get3A_64 : vector<16xf32>
      %mul3A_66 = arith.constant 16 : i32
      %mul3A_67 = arith.muli %scan3A_50, %mul3A_66 : i32
      %get3A_68 = arith.constant 2 : i32
      %get3A_69 = arith.index_cast %get3A_68 : i32 to index
      %get3A_70 = arith.index_cast %mul3A_67 : i32 to index
      %get3A_71 = tpu.vector_load %arg12[%get3A_69, %get3A_70] {strides = array<i32>} : memref<16x1568xf32, #tpu.memory_space<vmem>>, vector<16xf32>,
      %add3A_72 = arith.addf %add3A_65, %get3A_71 : vector<16xf32>
      %mul3A_73 = arith.constant 16 : i32
      %mul3A_74 = arith.muli %scan3A_50, %mul3A_73 : i32
      %get3A_75 = arith.constant 3 : i32
      %get3A_76 = arith.index_cast %get3A_75 : i32 to index
      %get3A_77 = arith.index_cast %mul3A_74 : i32 to index
      %get3A_78 = tpu.vector_load %arg12[%get3A_76, %get3A_77] {strides = array<i32>} : memref<16x1568xf32, #tpu.memory_space<vmem>>, vector<16xf32>,
      %add3A_79 = arith.addf %add3A_72, %get3A_78 : vector<16xf32>
      %mul3A_80 = arith.constant 16 : i32
      %mul3A_81 = arith.muli %scan3A_50, %mul3A_80 : i32
      %get3A_82 = arith.constant 4 : i32
      %get3A_83 = arith.index_cast %get3A_82 : i32 to index
      %get3A_84 = arith.index_cast %mul3A_81 : i32 to index
      %get3A_85 = tpu.vector_load %arg12[%get3A_83, %get3A_84] {strides = array<i32>} : memref<16x1568xf32, #tpu.memory_space<vmem>>, vector<16xf32>,
      %add3A_86 = arith.addf %add3A_79, %get3A_85 : vector<16xf32>
      %mul3A_87 = arith.constant 16 : i32
      %mul3A_88 = arith.muli %scan3A_50, %mul3A_87 : i32
      %get3A_89 = arith.constant 5 : i32
      %get3A_90 = arith.index_cast %get3A_89 : i32 to index
      %get3A_91 = arith.index_cast %mul3A_88 : i32 to index
      %get3A_92 = tpu.vector_load %arg12[%get3A_90, %get3A_91] {strides = array<i32>} : memref<16x1568xf32, #tpu.memory_space<vmem>>, vector<16xf32>,
      %add3A_93 = arith.addf %add3A_86, %get3A_92 : vector<16xf32>
      %mul3A_94 = arith.constant 16 : i32
      %mul3A_95 = arith.muli %scan3A_50, %mul3A_94 : i32
      %get3A_96 = arith.constant 6 : i32
      %get3A_97 = arith.index_cast %get3A_96 : i32 to index
      %get3A_98 = arith.index_cast %mul3A_95 : i32 to index
      %get3A_99 = tpu.vector_load %arg12[%get3A_97, %get3A_98] {strides = array<i32>} : memref<16x1568xf32, #tpu.memory_space<vmem>>, vector<16xf32>,
      %add3A_100 = arith.addf %add3A_93, %get3A_99 : vector<16xf32>
      %mul3A_101 = arith.constant 16 : i32
      %mul3A_102 = arith.muli %scan3A_50, %mul3A_101 : i32
      %get3A_103 = arith.constant 7 : i32
      %get3A_104 = arith.index_cast %get3A_103 : i32 to index
      %get3A_105 = arith.index_cast %mul3A_102 : i32 to index
      %get3A_106 = tpu.vector_load %arg12[%get3A_104, %get3A_105] {strides = array<i32>} : memref<16x1568xf32, #tpu.memory_space<vmem>>, vector<16xf32>,
      %add3A_107 = arith.addf %add3A_100, %get3A_106 : vector<16xf32>
      %mul3A_108 = arith.constant 16 : i32
      %mul3A_109 = arith.muli %scan3A_50, %mul3A_108 : i32
      %get3A_110 = arith.constant 8 : i32
      %get3A_111 = arith.index_cast %get3A_110 : i32 to index
      %get3A_112 = arith.index_cast %mul3A_109 : i32 to index
      %get3A_113 = tpu.vector_load %arg12[%get3A_111, %get3A_112] {strides = array<i32>} : memref<16x1568xf32, #tpu.memory_space<vmem>>, vector<16xf32>,
      %add3A_114 = arith.addf %add3A_107, %get3A_113 : vector<16xf32>
      %mul3A_115 = arith.constant 16 : i32
      %mul3A_116 = arith.muli %scan3A_50, %mul3A_115 : i32
      %get3A_117 = arith.constant 9 : i32
      %get3A_118 = arith.index_cast %get3A_117 : i32 to index
      %get3A_119 = arith.index_cast %mul3A_116 : i32 to index
      %get3A_120 = tpu.vector_load %arg12[%get3A_118, %get3A_119] {strides = array<i32>} : memref<16x1568xf32, #tpu.memory_space<vmem>>, vector<16xf32>,
      %add3A_121 = arith.addf %add3A_114, %get3A_120 : vector<16xf32>
      %mul3A_122 = arith.constant 16 : i32
      %mul3A_123 = arith.muli %scan3A_50, %mul3A_122 : i32
      %get3A_124 = arith.constant 10 : i32
      %get3A_125 = arith.index_cast %get3A_124 : i32 to index
      %get3A_126 = arith.index_cast %mul3A_123 : i32 to index
      %get3A_127 = tpu.vector_load %arg12[%get3A_125, %get3A_126] {strides = array<i32>} : memref<16x1568xf32, #tpu.memory_space<vmem>>, vector<16xf32>,
      %add3A_128 = arith.addf %add3A_121, %get3A_127 : vector<16xf32>
      %mul3A_129 = arith.constant 16 : i32
      %mul3A_130 = arith.muli %scan3A_50, %mul3A_129 : i32
      %get3A_131 = arith.constant 11 : i32
      %get3A_132 = arith.index_cast %get3A_131 : i32 to index
      %get3A_133 = arith.index_cast %mul3A_130 : i32 to index
      %get3A_134 = tpu.vector_load %arg12[%get3A_132, %get3A_133] {strides = array<i32>} : memref<16x1568xf32, #tpu.memory_space<vmem>>, vector<16xf32>,
      %add3A_135 = arith.addf %add3A_128, %get3A_134 : vector<16xf32>
      %mul3A_136 = arith.constant 16 : i32
      %mul3A_137 = arith.muli %scan3A_50, %mul3A_136 : i32
      %get3A_138 = arith.constant 12 : i32
      %get3A_139 = arith.index_cast %get3A_138 : i32 to index
      %get3A_140 = arith.index_cast %mul3A_137 : i32 to index
      %get3A_141 = tpu.vector_load %arg12[%get3A_139, %get3A_140] {strides = array<i32>} : memref<16x1568xf32, #tpu.memory_space<vmem>>, vector<16xf32>,
      %add3A_142 = arith.addf %add3A_135, %get3A_141 : vector<16xf32>
      %mul3A_143 = arith.constant 16 : i32
      %mul3A_144 = arith.muli %scan3A_50, %mul3A_143 : i32
      %get3A_145 = arith.constant 13 : i32
      %get3A_146 = arith.index_cast %get3A_145 : i32 to index
      %get3A_147 = arith.index_cast %mul3A_144 : i32 to index
      %get3A_148 = tpu.vector_load %arg12[%get3A_146, %get3A_147] {strides = array<i32>} : memref<16x1568xf32, #tpu.memory_space<vmem>>, vector<16xf32>,
      %add3A_149 = arith.addf %add3A_142, %get3A_148 : vector<16xf32>
      %mul3A_150 = arith.constant 16 : i32
      %mul3A_151 = arith.muli %scan3A_50, %mul3A_150 : i32
      %get3A_152 = arith.constant 14 : i32
      %get3A_153 = arith.index_cast %get3A_152 : i32 to index
      %get3A_154 = arith.index_cast %mul3A_151 : i32 to index
      %get3A_155 = tpu.vector_load %arg12[%get3A_153, %get3A_154] {strides = array<i32>} : memref<16x1568xf32, #tpu.memory_space<vmem>>, vector<16xf32>,
      %add3A_156 = arith.addf %add3A_149, %get3A_155 : vector<16xf32>
      %mul3A_157 = arith.constant 16 : i32
      %mul3A_158 = arith.muli %scan3A_50, %mul3A_157 : i32
      %get3A_159 = arith.constant 15 : i32
      %get3A_160 = arith.index_cast %get3A_159 : i32 to index
      %get3A_161 = arith.index_cast %mul3A_158 : i32 to index
      %get3A_162 = tpu.vector_load %arg12[%get3A_160, %get3A_161] {strides = array<i32>} : memref<16x1568xf32, #tpu.memory_space<vmem>>, vector<16xf32>,
      %add3A_163 = arith.addf %add3A_156, %get3A_162 : vector<16xf32>
      %mul3A_164 = arith.constant 16 : i32
      %mul3A_165 = arith.muli %scan3A_50, %mul3A_164 : i32
      %swap3A_166 = arith.index_cast %mul3A_165 : i32 to index
      %swap3A_167 = tpu.vector_load %arg13[%swap3A_166] {strides = array<i32>} : memref<1568xf32, #tpu.memory_space<vmem>>, vector<16xf32>,
      tpu.vector_store %arg13[%swap3A_166], %add3A_163 {strides = array<i32>} : memref<1568xf32, #tpu.memory_space<vmem>>, vector<16xf32>,
    }
    %scan3A_49 = arith.constant 98 : i32
    "tpu.region"() ({
      %run_scoped3A = tpu.sem_alloc : memref<!tpu.dma_semaphore, #tpu.memory_space<semaphore_mem>>
      %dma_start3A = tpu.memref_slice %arg7[%multiple_of3A] : memref<50176xf32, #tpu.memory_space<hbm>> -> memref<1568xf32, #tpu.memory_space<hbm>>
      %dma_start3A_50 = tpu.memref_slice %arg7[%multiple_of3A] : memref<50176xf32, #tpu.memory_space<hbm>> -> memref<1568xf32, #tpu.memory_space<hbm>>
      tpu.enqueue_dma source(%arg13 : memref<1568xf32, #tpu.memory_space<vmem>>) target(%dma_start3A_50 : memref<1568xf32, #tpu.memory_space<hbm>>) target_semaphore(%run_scoped3A : memref<!tpu.dma_semaphore, #tpu.memory_space<semaphore_mem>>)
      %dma_wait3A = tpu.memref_slice %arg7[%multiple_of3A] : memref<50176xf32, #tpu.memory_space<hbm>> -> memref<1568xf32, #tpu.memory_space<hbm>>
      %dma_wait3A_51 = tpu.memref_slice %arg7[%multiple_of3A] : memref<50176xf32, #tpu.memory_space<hbm>> -> memref<1568xf32, #tpu.memory_space<hbm>>
      tpu.wait_dma2 semaphore(%run_scoped3A : memref<!tpu.dma_semaphore, #tpu.memory_space<semaphore_mem>>) src(%arg13 : memref<1568xf32, #tpu.memory_space<vmem>>) dst(%dma_wait3A_51 : memref<1568xf32, #tpu.memory_space<hbm>>)
      tpu.yield
    }) : () -> ()
    return
  }
}

#map = affine_map<(d0, d1) -> (0)>
module attributes {stable_mosaic.version = 14 : i64} {
  func.func @_k3_body(%arg0: i32, %arg1: i32, %arg2: memref<25690112xi32, #tpu.memory_space<hbm>>, %arg3: memref<25690112xi32, #tpu.memory_space<hbm>>, %arg4: memref<512xi32, #tpu.memory_space<hbm>>, %arg5: memref<50176xf32, #tpu.memory_space<hbm>>, %arg6: memref<25690112xf32, #tpu.memory_space<hbm>>, %arg7: memref<50176xf32, #tpu.memory_space<vmem>>, %arg8: memref<2048xi32, #tpu.memory_space<vmem>>, %arg9: memref<2048xi32, #tpu.memory_space<vmem>>, %arg10: memref<2048xf32, #tpu.memory_space<vmem>>, %arg11: memref<16xi32, #tpu.memory_space<vmem>>) attributes {dimension_semantics = [#tpu.dimension_semantics<core_parallel>, #tpu.dimension_semantics<subcore_parallel>], iteration_bounds = array<i64: 2, 16>, scalar_prefetch = 0 : i64, scratch_operands = 5 : i64, tpu.core_type = #tpu.core_type<sc_vector_subcore>, window_params = [{transform_indices = #map}, {transform_indices = #map}, {transform_indices = #map}, {transform_indices = #map}, {transform_indices = #map}]} {
    %mul3A = arith.constant 2 : i32
    %mul3A_0 = arith.muli %arg1, %mul3A : i32
    %add3A = arith.addi %mul3A_0, %arg0 : i32
    %mul3A_1 = arith.constant 1568 : i32
    %mul3A_2 = arith.muli %add3A, %mul3A_1 : i32
    %multiple_of3A = tpu.assume_multiple %mul3A_2, 1568 : i32
    %mul3A_3 = arith.constant 802816 : i32
    %mul3A_4 = arith.muli %add3A, %mul3A_3 : i32
    %multiple_of3A_5 = tpu.assume_multiple %mul3A_4, 2048 : i32
    "tpu.region"() ({
      %run_scoped3A = tpu.sem_alloc : memref<!tpu.dma_semaphore, #tpu.memory_space<semaphore_mem>>
      tpu.enqueue_dma source(%arg5 : memref<50176xf32, #tpu.memory_space<hbm>>) target(%arg7 : memref<50176xf32, #tpu.memory_space<vmem>>) target_semaphore(%run_scoped3A : memref<!tpu.dma_semaphore, #tpu.memory_space<semaphore_mem>>)
      tpu.wait_dma2 semaphore(%run_scoped3A : memref<!tpu.dma_semaphore, #tpu.memory_space<semaphore_mem>>) src(%arg5 : memref<50176xf32, #tpu.memory_space<hbm>>) dst(%arg7 : memref<50176xf32, #tpu.memory_space<vmem>>)
      tpu.yield
    }) : () -> ()
    %mul3A_6 = arith.constant 16 : i32
    %mul3A_7 = arith.muli %add3A, %mul3A_6 : i32
    %multiple_of3A_8 = tpu.assume_multiple %mul3A_7, 16 : i32
    "tpu.region"() ({
      %run_scoped3A = tpu.sem_alloc : memref<!tpu.dma_semaphore, #tpu.memory_space<semaphore_mem>>
      %dma_start3A = tpu.memref_slice %arg4[%multiple_of3A_8] : memref<512xi32, #tpu.memory_space<hbm>> -> memref<16xi32, #tpu.memory_space<hbm>>
      %dma_start3A_47 = tpu.memref_slice %arg4[%multiple_of3A_8] : memref<512xi32, #tpu.memory_space<hbm>> -> memref<16xi32, #tpu.memory_space<hbm>>
      tpu.enqueue_dma source(%dma_start3A_47 : memref<16xi32, #tpu.memory_space<hbm>>) target(%arg11 : memref<16xi32, #tpu.memory_space<vmem>>) target_semaphore(%run_scoped3A : memref<!tpu.dma_semaphore, #tpu.memory_space<semaphore_mem>>)
      %dma_wait3A = tpu.memref_slice %arg4[%multiple_of3A_8] : memref<512xi32, #tpu.memory_space<hbm>> -> memref<16xi32, #tpu.memory_space<hbm>>
      %dma_wait3A_48 = tpu.memref_slice %arg4[%multiple_of3A_8] : memref<512xi32, #tpu.memory_space<hbm>> -> memref<16xi32, #tpu.memory_space<hbm>>
      tpu.wait_dma2 semaphore(%run_scoped3A : memref<!tpu.dma_semaphore, #tpu.memory_space<semaphore_mem>>) src(%dma_wait3A_48 : memref<16xi32, #tpu.memory_space<hbm>>) dst(%arg11 : memref<16xi32, #tpu.memory_space<vmem>>)
      tpu.yield
    }) : () -> ()
    %get3A = arith.constant 0 : index
    %get3A_9 = tpu.vector_load %arg11[%get3A] {strides = array<i32>} : memref<16xi32, #tpu.memory_space<vmem>>, vector<16xi32>,
    %reduce_max3A = arith.constant true
    %reduce_max3A_10 = vector.broadcast %reduce_max3A : i1 to vector<16xi1>
    %reduce_max3A_11 = arith.constant -2147483648 : i32
    %reduce_max3A_12 = vector.broadcast %reduce_max3A_11 : i32 to vector<16xi32>
    %reduce_max3A_13 = arith.xori %get3A_9, %reduce_max3A_12 : vector<16xi32>
    %reduce_max3A_14 = tpu.scan <max>, %reduce_max3A_13 masked %reduce_max3A_10 : vector<16xi32>, vector<16xi1> -> vector<16xi32>
    %reduce_max3A_15 = arith.xori %reduce_max3A_14, %reduce_max3A_12 : vector<16xi32>
    %reduce_max3A_16 = vector.extract %reduce_max3A_15[15] : i32 from vector<16xi32>
    %add3A_17 = arith.constant 2048 : i32
    %add3A_18 = arith.addi %reduce_max3A_16, %add3A_17 : i32
    %sub3A = arith.constant 1 : i32
    %sub3A_19 = arith.subi %add3A_18, %sub3A : i32
    %jit3A = arith.constant 2048 : i32
    %div3A = arith.divsi %sub3A_19, %jit3A : i32
    %sign3A = arith.constant 0 : i32
    %sign3A_20 = arith.cmpi sgt, %sub3A_19, %sign3A : i32
    %sign3A_21 = arith.extui %sign3A_20 : i1 to i32
    %sign3A_22 = arith.constant 0 : i32
    %sign3A_23 = arith.cmpi slt, %sub3A_19, %sign3A_22 : i32
    %sign3A_24 = arith.extui %sign3A_23 : i1 to i32
    %sign3A_25 = arith.subi %sign3A_21, %sign3A_24 : i32
    %sign3A_26 = arith.constant 0 : i32
    %sign3A_27 = arith.cmpi sgt, %jit3A, %sign3A_26 : i32
    %sign3A_28 = arith.extui %sign3A_27 : i1 to i32
    %sign3A_29 = arith.constant 0 : i32
    %sign3A_30 = arith.cmpi slt, %jit3A, %sign3A_29 : i32
    %sign3A_31 = arith.extui %sign3A_30 : i1 to i32
    %sign3A_32 = arith.subi %sign3A_28, %sign3A_31 : i32
    %ne3A = arith.cmpi ne, %sign3A_25, %sign3A_32 : i32
    %rem3A = arith.remsi %sub3A_19, %jit3A : i32
    %ne3A_33 = arith.constant 0 : i32
    %ne3A_34 = arith.cmpi ne, %rem3A, %ne3A_33 : i32
    %and3A = arith.andi %ne3A, %ne3A_34 : i1
    %sub3A_35 = arith.constant 1 : i32
    %sub3A_36 = arith.subi %div3A, %sub3A_35 : i32
    %select_n3A = arith.select %and3A, %sub3A_36, %div3A : i32
    %iota3A = tpu.iota {dimensions = array<i32: 0>} : vector<16xi32>
    %while3A = arith.constant 0 : i32
    %while3A_37 = arith.constant 0.899999976 : f32
    %while3A_38 = arith.constant 0 : i32
    %while3A_39 = arith.subi %select_n3A, %while3A_38 : i32
    %while3A_40 = arith.addi %while3A_38, %while3A_39 : i32
    %while3A_41 = arith.constant 1 : i32
    %while3A_42 = arith.divsi %while3A_39, %while3A_41 : i32
    %while3A_43 = arith.muli %while3A_42, %while3A_41 : i32
    %while3A_44 = arith.addi %while3A_38, %while3A_43 : i32
    %while3A_45 = arith.constant 1 : i32
    scf.for %while3A_47 = %while3A_38 to %while3A_44 step %while3A_45  : i32 {
      %mul3A_48 = arith.constant 2048 : i32
      %mul3A_49 = arith.muli %while3A_47, %mul3A_48 : i32
      %multiple_of3A_50 = tpu.assume_multiple %mul3A_49, 2048 : i32
      %add3A_51 = arith.addi %multiple_of3A_5, %multiple_of3A_50 : i32
      "tpu.region"() ({
        %run_scoped3A = tpu.sem_alloc : memref<!tpu.dma_semaphore, #tpu.memory_space<semaphore_mem>>
        %dma_start3A = tpu.memref_slice %arg2[%add3A_51] : memref<25690112xi32, #tpu.memory_space<hbm>> -> memref<2048xi32, #tpu.memory_space<hbm>>
        %dma_start3A_59 = tpu.memref_slice %arg2[%add3A_51] : memref<25690112xi32, #tpu.memory_space<hbm>> -> memref<2048xi32, #tpu.memory_space<hbm>>
        tpu.enqueue_dma source(%dma_start3A_59 : memref<2048xi32, #tpu.memory_space<hbm>>) target(%arg8 : memref<2048xi32, #tpu.memory_space<vmem>>) target_semaphore(%run_scoped3A : memref<!tpu.dma_semaphore, #tpu.memory_space<semaphore_mem>>)
        %dma_wait3A = tpu.memref_slice %arg2[%add3A_51] : memref<25690112xi32, #tpu.memory_space<hbm>> -> memref<2048xi32, #tpu.memory_space<hbm>>
        %dma_wait3A_60 = tpu.memref_slice %arg2[%add3A_51] : memref<25690112xi32, #tpu.memory_space<hbm>> -> memref<2048xi32, #tpu.memory_space<hbm>>
        tpu.wait_dma2 semaphore(%run_scoped3A : memref<!tpu.dma_semaphore, #tpu.memory_space<semaphore_mem>>) src(%dma_wait3A_60 : memref<2048xi32, #tpu.memory_space<hbm>>) dst(%arg8 : memref<2048xi32, #tpu.memory_space<vmem>>)
        tpu.yield
      }) : () -> ()
      %add3A_52 = arith.addi %multiple_of3A_5, %multiple_of3A_50 : i32
      "tpu.region"() ({
        %run_scoped3A = tpu.sem_alloc : memref<!tpu.dma_semaphore, #tpu.memory_space<semaphore_mem>>
        %dma_start3A = tpu.memref_slice %arg3[%add3A_52] : memref<25690112xi32, #tpu.memory_space<hbm>> -> memref<2048xi32, #tpu.memory_space<hbm>>
        %dma_start3A_59 = tpu.memref_slice %arg3[%add3A_52] : memref<25690112xi32, #tpu.memory_space<hbm>> -> memref<2048xi32, #tpu.memory_space<hbm>>
        tpu.enqueue_dma source(%dma_start3A_59 : memref<2048xi32, #tpu.memory_space<hbm>>) target(%arg9 : memref<2048xi32, #tpu.memory_space<vmem>>) target_semaphore(%run_scoped3A : memref<!tpu.dma_semaphore, #tpu.memory_space<semaphore_mem>>)
        %dma_wait3A = tpu.memref_slice %arg3[%add3A_52] : memref<25690112xi32, #tpu.memory_space<hbm>> -> memref<2048xi32, #tpu.memory_space<hbm>>
        %dma_wait3A_60 = tpu.memref_slice %arg3[%add3A_52] : memref<25690112xi32, #tpu.memory_space<hbm>> -> memref<2048xi32, #tpu.memory_space<hbm>>
        tpu.wait_dma2 semaphore(%run_scoped3A : memref<!tpu.dma_semaphore, #tpu.memory_space<semaphore_mem>>) src(%dma_wait3A_60 : memref<2048xi32, #tpu.memory_space<hbm>>) dst(%arg9 : memref<2048xi32, #tpu.memory_space<vmem>>)
        tpu.yield
      }) : () -> ()
      %scan3A = arith.constant 0 : i32
      %scan3A_53 = arith.constant 0 : i32
      %scan3A_54 = arith.constant 128 : i32
      %scan3A_55 = arith.addi %scan3A_53, %scan3A_54 : i32
      %scan3A_56 = arith.constant 1 : i32
      scf.for %scan3A_59 = %scan3A_53 to %scan3A_55 step %scan3A_56  : i32 {
        %mul3A_60 = arith.constant 16 : i32
        %mul3A_61 = arith.muli %scan3A_59, %mul3A_60 : i32
        %get3A_62 = arith.index_cast %mul3A_61 : i32 to index
        %get3A_63 = tpu.vector_load %arg8[%get3A_62] {strides = array<i32>} : memref<2048xi32, #tpu.memory_space<vmem>>, vector<16xi32>,
        %mul3A_64 = arith.constant 16 : i32
        %mul3A_65 = arith.muli %scan3A_59, %mul3A_64 : i32
        %get3A_66 = arith.index_cast %mul3A_65 : i32 to index
        %get3A_67 = tpu.vector_load %arg9[%get3A_66] {strides = array<i32>} : memref<2048xi32, #tpu.memory_space<vmem>>, vector<16xi32>,
        %add3A_68 = vector.broadcast %multiple_of3A : i32 to vector<16xi32>
        %add3A_69 = arith.addi %get3A_67, %add3A_68 : vector<16xi32>
        %mul3A_70 = arith.constant 16 : i32
        %mul3A_71 = arith.muli %scan3A_59, %mul3A_70 : i32
        %add3A_72 = arith.addi %multiple_of3A_50, %mul3A_71 : i32
        %add3A_73 = vector.broadcast %add3A_72 : i32 to vector<16xi32>
        %add3A_74 = arith.addi %add3A_73, %iota3A : vector<16xi32>
        %lt3A = vector.broadcast %reduce_max3A_16 : i32 to vector<16xi32>
        %lt3A_75 = arith.cmpi slt, %add3A_74, %lt3A : vector<16xi32>
        %gather3A = tpu.vector_load_idx %arg7[%get3A_63] masked %lt3A_75 : memref<50176xf32, #tpu.memory_space<vmem>>[vector<16xi32>], vector<16xf32>, vector<16xi1>
        %gather3A_76 = tpu.vector_load_idx %arg7[%add3A_69] masked %lt3A_75 : memref<50176xf32, #tpu.memory_space<vmem>>[vector<16xi32>], vector<16xf32>, vector<16xi1>
        %mul3A_77 = arith.mulf %gather3A, %gather3A_76 : vector<16xf32>
        %mul3A_78 = vector.broadcast %while3A_37 : f32 to vector<16xf32>
        %mul3A_79 = arith.mulf %mul3A_77, %mul3A_78 : vector<16xf32>
        %mul3A_80 = arith.constant 16 : i32
        %mul3A_81 = arith.muli %scan3A_59, %mul3A_80 : i32
        %swap3A = arith.index_cast %mul3A_81 : i32 to index
        %swap3A_82 = tpu.vector_load %arg10[%swap3A] {strides = array<i32>} : memref<2048xf32, #tpu.memory_space<vmem>>, vector<16xf32>,
        tpu.vector_store %arg10[%swap3A], %mul3A_79 {strides = array<i32>} : memref<2048xf32, #tpu.memory_space<vmem>>, vector<16xf32>,
      }
      %scan3A_57 = arith.constant 128 : i32
      %add3A_58 = arith.addi %multiple_of3A_5, %multiple_of3A_50 : i32
      "tpu.region"() ({
        %run_scoped3A = tpu.sem_alloc : memref<!tpu.dma_semaphore, #tpu.memory_space<semaphore_mem>>
        %dma_start3A = tpu.memref_slice %arg6[%add3A_58] : memref<25690112xf32, #tpu.memory_space<hbm>> -> memref<2048xf32, #tpu.memory_space<hbm>>
        %dma_start3A_59 = tpu.memref_slice %arg6[%add3A_58] : memref<25690112xf32, #tpu.memory_space<hbm>> -> memref<2048xf32, #tpu.memory_space<hbm>>
        tpu.enqueue_dma source(%arg10 : memref<2048xf32, #tpu.memory_space<vmem>>) target(%dma_start3A_59 : memref<2048xf32, #tpu.memory_space<hbm>>) target_semaphore(%run_scoped3A : memref<!tpu.dma_semaphore, #tpu.memory_space<semaphore_mem>>)
        %dma_wait3A = tpu.memref_slice %arg6[%add3A_58] : memref<25690112xf32, #tpu.memory_space<hbm>> -> memref<2048xf32, #tpu.memory_space<hbm>>
        %dma_wait3A_60 = tpu.memref_slice %arg6[%add3A_58] : memref<25690112xf32, #tpu.memory_space<hbm>> -> memref<2048xf32, #tpu.memory_space<hbm>>
        tpu.wait_dma2 semaphore(%run_scoped3A : memref<!tpu.dma_semaphore, #tpu.memory_space<semaphore_mem>>) src(%arg10 : memref<2048xf32, #tpu.memory_space<vmem>>) dst(%dma_wait3A_60 : memref<2048xf32, #tpu.memory_space<hbm>>)
        tpu.yield
      }) : () -> ()
    }
    %while3A_46 = arith.constant 1 : i32
    scf.for %while3A_47 = %while3A_44 to %while3A_40 step %while3A_46  : i32 {
      %mul3A_48 = arith.constant 2048 : i32
      %mul3A_49 = arith.muli %while3A_47, %mul3A_48 : i32
      %multiple_of3A_50 = tpu.assume_multiple %mul3A_49, 2048 : i32
      %add3A_51 = arith.addi %multiple_of3A_5, %multiple_of3A_50 : i32
      "tpu.region"() ({
        %run_scoped3A = tpu.sem_alloc : memref<!tpu.dma_semaphore, #tpu.memory_space<semaphore_mem>>
        %dma_start3A = tpu.memref_slice %arg2[%add3A_51] : memref<25690112xi32, #tpu.memory_space<hbm>> -> memref<2048xi32, #tpu.memory_space<hbm>>
        %dma_start3A_59 = tpu.memref_slice %arg2[%add3A_51] : memref<25690112xi32, #tpu.memory_space<hbm>> -> memref<2048xi32, #tpu.memory_space<hbm>>
        tpu.enqueue_dma source(%dma_start3A_59 : memref<2048xi32, #tpu.memory_space<hbm>>) target(%arg8 : memref<2048xi32, #tpu.memory_space<vmem>>) target_semaphore(%run_scoped3A : memref<!tpu.dma_semaphore, #tpu.memory_space<semaphore_mem>>)
        %dma_wait3A = tpu.memref_slice %arg2[%add3A_51] : memref<25690112xi32, #tpu.memory_space<hbm>> -> memref<2048xi32, #tpu.memory_space<hbm>>
        %dma_wait3A_60 = tpu.memref_slice %arg2[%add3A_51] : memref<25690112xi32, #tpu.memory_space<hbm>> -> memref<2048xi32, #tpu.memory_space<hbm>>
        tpu.wait_dma2 semaphore(%run_scoped3A : memref<!tpu.dma_semaphore, #tpu.memory_space<semaphore_mem>>) src(%dma_wait3A_60 : memref<2048xi32, #tpu.memory_space<hbm>>) dst(%arg8 : memref<2048xi32, #tpu.memory_space<vmem>>)
        tpu.yield
      }) : () -> ()
      %add3A_52 = arith.addi %multiple_of3A_5, %multiple_of3A_50 : i32
      "tpu.region"() ({
        %run_scoped3A = tpu.sem_alloc : memref<!tpu.dma_semaphore, #tpu.memory_space<semaphore_mem>>
        %dma_start3A = tpu.memref_slice %arg3[%add3A_52] : memref<25690112xi32, #tpu.memory_space<hbm>> -> memref<2048xi32, #tpu.memory_space<hbm>>
        %dma_start3A_59 = tpu.memref_slice %arg3[%add3A_52] : memref<25690112xi32, #tpu.memory_space<hbm>> -> memref<2048xi32, #tpu.memory_space<hbm>>
        tpu.enqueue_dma source(%dma_start3A_59 : memref<2048xi32, #tpu.memory_space<hbm>>) target(%arg9 : memref<2048xi32, #tpu.memory_space<vmem>>) target_semaphore(%run_scoped3A : memref<!tpu.dma_semaphore, #tpu.memory_space<semaphore_mem>>)
        %dma_wait3A = tpu.memref_slice %arg3[%add3A_52] : memref<25690112xi32, #tpu.memory_space<hbm>> -> memref<2048xi32, #tpu.memory_space<hbm>>
        %dma_wait3A_60 = tpu.memref_slice %arg3[%add3A_52] : memref<25690112xi32, #tpu.memory_space<hbm>> -> memref<2048xi32, #tpu.memory_space<hbm>>
        tpu.wait_dma2 semaphore(%run_scoped3A : memref<!tpu.dma_semaphore, #tpu.memory_space<semaphore_mem>>) src(%dma_wait3A_60 : memref<2048xi32, #tpu.memory_space<hbm>>) dst(%arg9 : memref<2048xi32, #tpu.memory_space<vmem>>)
        tpu.yield
      }) : () -> ()
      %scan3A = arith.constant 0 : i32
      %scan3A_53 = arith.constant 0 : i32
      %scan3A_54 = arith.constant 128 : i32
      %scan3A_55 = arith.addi %scan3A_53, %scan3A_54 : i32
      %scan3A_56 = arith.constant 1 : i32
      scf.for %scan3A_59 = %scan3A_53 to %scan3A_55 step %scan3A_56  : i32 {
        %mul3A_60 = arith.constant 16 : i32
        %mul3A_61 = arith.muli %scan3A_59, %mul3A_60 : i32
        %get3A_62 = arith.index_cast %mul3A_61 : i32 to index
        %get3A_63 = tpu.vector_load %arg8[%get3A_62] {strides = array<i32>} : memref<2048xi32, #tpu.memory_space<vmem>>, vector<16xi32>,
        %mul3A_64 = arith.constant 16 : i32
        %mul3A_65 = arith.muli %scan3A_59, %mul3A_64 : i32
        %get3A_66 = arith.index_cast %mul3A_65 : i32 to index
        %get3A_67 = tpu.vector_load %arg9[%get3A_66] {strides = array<i32>} : memref<2048xi32, #tpu.memory_space<vmem>>, vector<16xi32>,
        %add3A_68 = vector.broadcast %multiple_of3A : i32 to vector<16xi32>
        %add3A_69 = arith.addi %get3A_67, %add3A_68 : vector<16xi32>
        %mul3A_70 = arith.constant 16 : i32
        %mul3A_71 = arith.muli %scan3A_59, %mul3A_70 : i32
        %add3A_72 = arith.addi %multiple_of3A_50, %mul3A_71 : i32
        %add3A_73 = vector.broadcast %add3A_72 : i32 to vector<16xi32>
        %add3A_74 = arith.addi %add3A_73, %iota3A : vector<16xi32>
        %lt3A = vector.broadcast %reduce_max3A_16 : i32 to vector<16xi32>
        %lt3A_75 = arith.cmpi slt, %add3A_74, %lt3A : vector<16xi32>
        %gather3A = tpu.vector_load_idx %arg7[%get3A_63] masked %lt3A_75 : memref<50176xf32, #tpu.memory_space<vmem>>[vector<16xi32>], vector<16xf32>, vector<16xi1>
        %gather3A_76 = tpu.vector_load_idx %arg7[%add3A_69] masked %lt3A_75 : memref<50176xf32, #tpu.memory_space<vmem>>[vector<16xi32>], vector<16xf32>, vector<16xi1>
        %mul3A_77 = arith.mulf %gather3A, %gather3A_76 : vector<16xf32>
        %mul3A_78 = vector.broadcast %while3A_37 : f32 to vector<16xf32>
        %mul3A_79 = arith.mulf %mul3A_77, %mul3A_78 : vector<16xf32>
        %mul3A_80 = arith.constant 16 : i32
        %mul3A_81 = arith.muli %scan3A_59, %mul3A_80 : i32
        %swap3A = arith.index_cast %mul3A_81 : i32 to index
        %swap3A_82 = tpu.vector_load %arg10[%swap3A] {strides = array<i32>} : memref<2048xf32, #tpu.memory_space<vmem>>, vector<16xf32>,
        tpu.vector_store %arg10[%swap3A], %mul3A_79 {strides = array<i32>} : memref<2048xf32, #tpu.memory_space<vmem>>, vector<16xf32>,
      }
      %scan3A_57 = arith.constant 128 : i32
      %add3A_58 = arith.addi %multiple_of3A_5, %multiple_of3A_50 : i32
      "tpu.region"() ({
        %run_scoped3A = tpu.sem_alloc : memref<!tpu.dma_semaphore, #tpu.memory_space<semaphore_mem>>
        %dma_start3A = tpu.memref_slice %arg6[%add3A_58] : memref<25690112xf32, #tpu.memory_space<hbm>> -> memref<2048xf32, #tpu.memory_space<hbm>>
        %dma_start3A_59 = tpu.memref_slice %arg6[%add3A_58] : memref<25690112xf32, #tpu.memory_space<hbm>> -> memref<2048xf32, #tpu.memory_space<hbm>>
        tpu.enqueue_dma source(%arg10 : memref<2048xf32, #tpu.memory_space<vmem>>) target(%dma_start3A_59 : memref<2048xf32, #tpu.memory_space<hbm>>) target_semaphore(%run_scoped3A : memref<!tpu.dma_semaphore, #tpu.memory_space<semaphore_mem>>)
        %dma_wait3A = tpu.memref_slice %arg6[%add3A_58] : memref<25690112xf32, #tpu.memory_space<hbm>> -> memref<2048xf32, #tpu.memory_space<hbm>>
        %dma_wait3A_60 = tpu.memref_slice %arg6[%add3A_58] : memref<25690112xf32, #tpu.memory_space<hbm>> -> memref<2048xf32, #tpu.memory_space<hbm>>
        tpu.wait_dma2 semaphore(%run_scoped3A : memref<!tpu.dma_semaphore, #tpu.memory_space<semaphore_mem>>) src(%arg10 : memref<2048xf32, #tpu.memory_space<vmem>>) dst(%dma_wait3A_60 : memref<2048xf32, #tpu.memory_space<hbm>>)
        tpu.yield
      }) : () -> ()
    }
    return
  }
}

#map = affine_map<(d0, d1) -> (0, 0)>
#map1 = affine_map<(d0, d1) -> (0)>
module attributes {stable_mosaic.version = 14 : i64} {
  func.func @_k4_body(%arg0: i32, %arg1: i32, %arg2: memref<50176x48xf32, #tpu.memory_space<hbm>>, %arg3: memref<50176x48xf32, #tpu.memory_space<hbm>>, %arg4: memref<25690112xi32, #tpu.memory_space<hbm>>, %arg5: memref<25690112xi32, #tpu.memory_space<hbm>>, %arg6: memref<25690112xf32, #tpu.memory_space<hbm>>, %arg7: memref<512xi32, #tpu.memory_space<hbm>>, %arg8: memref<50176x48xf32, #tpu.memory_space<hbm>>, %arg9: memref<1568x48xf32, #tpu.memory_space<vmem>>, %arg10: memref<3x128xi32, #tpu.memory_space<vmem>>, %arg11: memref<3x128xi32, #tpu.memory_space<vmem>>, %arg12: memref<3x128xi32, #tpu.memory_space<vmem>>, %arg13: memref<3x128xi32, #tpu.memory_space<vmem>>, %arg14: memref<384xf32, #tpu.memory_space<vmem>>, %arg15: memref<384xf32, #tpu.memory_space<vmem>>, %arg16: memref<3x128x48xf32, #tpu.memory_space<vmem>>, %arg17: memref<3x128x48xf32, #tpu.memory_space<vmem>>, %arg18: memref<16xi32, #tpu.memory_space<vmem>>, %arg19: memref<!tpu.dma_semaphore, #tpu.memory_space<semaphore_mem>>, %arg20: memref<!tpu.dma_semaphore, #tpu.memory_space<semaphore_mem>>, %arg21: memref<!tpu.dma_semaphore, #tpu.memory_space<semaphore_mem>>, %arg22: memref<!tpu.dma_semaphore, #tpu.memory_space<semaphore_mem>>) attributes {dimension_semantics = [#tpu.dimension_semantics<core_parallel>, #tpu.dimension_semantics<subcore_parallel>], iteration_bounds = array<i64: 2, 16>, scalar_prefetch = 0 : i64, scratch_operands = 14 : i64, tpu.core_type = #tpu.core_type<sc_vector_subcore>, window_params = [{transform_indices = #map}, {transform_indices = #map}, {transform_indices = #map1}, {transform_indices = #map1}, {transform_indices = #map1}, {transform_indices = #map1}, {transform_indices = #map}]} {
    %mul3A = arith.constant 2 : i32
    %mul3A_0 = arith.muli %arg1, %mul3A : i32
    %add3A = arith.addi %mul3A_0, %arg0 : i32
    %mul3A_1 = arith.constant 1568 : i32
    %mul3A_2 = arith.muli %add3A, %mul3A_1 : i32
    %multiple_of3A = tpu.assume_multiple %mul3A_2, 1568 : i32
    %mul3A_3 = arith.constant 802816 : i32
    %mul3A_4 = arith.muli %add3A, %mul3A_3 : i32
    %multiple_of3A_5 = tpu.assume_multiple %mul3A_4, 2048 : i32
    %iota3A = tpu.iota {dimensions = array<i32: 0>} : vector<16xi32>
    %add3A_6 = arith.constant 16 : i32
    %add3A_7 = vector.broadcast %add3A_6 : i32 to vector<16xi32>
    %add3A_8 = arith.addi %iota3A, %add3A_7 : vector<16xi32>
    %add3A_9 = arith.constant 32 : i32
    %add3A_10 = vector.broadcast %add3A_9 : i32 to vector<16xi32>
    %add3A_11 = arith.addi %iota3A, %add3A_10 : vector<16xi32>
    %broadcast_in_dim3A = arith.constant 0.000000e+00 : f32
    %broadcast_in_dim3A_12 = vector.broadcast %broadcast_in_dim3A : f32 to vector<16xf32>
    "tpu.region"() ({
      %run_scoped3A = tpu.sem_alloc : memref<!tpu.dma_semaphore, #tpu.memory_space<semaphore_mem>>
      %dma_start3A_453 = arith.constant 0 : i32
      %dma_start3A_454 = tpu.memref_slice %arg3[%multiple_of3A, %dma_start3A_453] : memref<50176x48xf32, #tpu.memory_space<hbm>> -> memref<1568x48xf32, #tpu.memory_space<hbm>>
      %dma_start3A_455 = arith.constant 0 : i32
      %dma_start3A_456 = tpu.memref_slice %arg3[%multiple_of3A, %dma_start3A_455] : memref<50176x48xf32, #tpu.memory_space<hbm>> -> memref<1568x48xf32, #tpu.memory_space<hbm>>
      tpu.enqueue_dma source(%dma_start3A_456 : memref<1568x48xf32, #tpu.memory_space<hbm>>) target(%arg9 : memref<1568x48xf32, #tpu.memory_space<vmem>>) target_semaphore(%run_scoped3A : memref<!tpu.dma_semaphore, #tpu.memory_space<semaphore_mem>>)
      %dma_wait3A_457 = arith.constant 0 : i32
      %dma_wait3A_458 = tpu.memref_slice %arg3[%multiple_of3A, %dma_wait3A_457] : memref<50176x48xf32, #tpu.memory_space<hbm>> -> memref<1568x48xf32, #tpu.memory_space<hbm>>
      %dma_wait3A_459 = arith.constant 0 : i32
      %dma_wait3A_460 = tpu.memref_slice %arg3[%multiple_of3A, %dma_wait3A_459] : memref<50176x48xf32, #tpu.memory_space<hbm>> -> memref<1568x48xf32, #tpu.memory_space<hbm>>
      tpu.wait_dma2 semaphore(%run_scoped3A : memref<!tpu.dma_semaphore, #tpu.memory_space<semaphore_mem>>) src(%dma_wait3A_460 : memref<1568x48xf32, #tpu.memory_space<hbm>>) dst(%arg9 : memref<1568x48xf32, #tpu.memory_space<vmem>>)
      tpu.yield
    }) : () -> ()
    %mul3A_13 = arith.constant 16 : i32
    %mul3A_14 = arith.muli %add3A, %mul3A_13 : i32
    %multiple_of3A_15 = tpu.assume_multiple %mul3A_14, 16 : i32
    "tpu.region"() ({
      %run_scoped3A = tpu.sem_alloc : memref<!tpu.dma_semaphore, #tpu.memory_space<semaphore_mem>>
      %dma_start3A_453 = tpu.memref_slice %arg7[%multiple_of3A_15] : memref<512xi32, #tpu.memory_space<hbm>> -> memref<16xi32, #tpu.memory_space<hbm>>
      %dma_start3A_454 = tpu.memref_slice %arg7[%multiple_of3A_15] : memref<512xi32, #tpu.memory_space<hbm>> -> memref<16xi32, #tpu.memory_space<hbm>>
      tpu.enqueue_dma source(%dma_start3A_454 : memref<16xi32, #tpu.memory_space<hbm>>) target(%arg18 : memref<16xi32, #tpu.memory_space<vmem>>) target_semaphore(%run_scoped3A : memref<!tpu.dma_semaphore, #tpu.memory_space<semaphore_mem>>)
      %dma_wait3A_455 = tpu.memref_slice %arg7[%multiple_of3A_15] : memref<512xi32, #tpu.memory_space<hbm>> -> memref<16xi32, #tpu.memory_space<hbm>>
      %dma_wait3A_456 = tpu.memref_slice %arg7[%multiple_of3A_15] : memref<512xi32, #tpu.memory_space<hbm>> -> memref<16xi32, #tpu.memory_space<hbm>>
      tpu.wait_dma2 semaphore(%run_scoped3A : memref<!tpu.dma_semaphore, #tpu.memory_space<semaphore_mem>>) src(%dma_wait3A_456 : memref<16xi32, #tpu.memory_space<hbm>>) dst(%arg18 : memref<16xi32, #tpu.memory_space<vmem>>)
      tpu.yield
    }) : () -> ()
    %get3A = arith.constant 0 : index
    %get3A_16 = tpu.vector_load %arg18[%get3A] {strides = array<i32>} : memref<16xi32, #tpu.memory_space<vmem>>, vector<16xi32>,
    %reduce_max3A = arith.constant true
    %reduce_max3A_17 = vector.broadcast %reduce_max3A : i1 to vector<16xi1>
    %reduce_max3A_18 = arith.constant -2147483648 : i32
    %reduce_max3A_19 = vector.broadcast %reduce_max3A_18 : i32 to vector<16xi32>
    %reduce_max3A_20 = arith.xori %get3A_16, %reduce_max3A_19 : vector<16xi32>
    %reduce_max3A_21 = tpu.scan <max>, %reduce_max3A_20 masked %reduce_max3A_17 : vector<16xi32>, vector<16xi1> -> vector<16xi32>
    %reduce_max3A_22 = arith.xori %reduce_max3A_21, %reduce_max3A_19 : vector<16xi32>
    %reduce_max3A_23 = vector.extract %reduce_max3A_22[15] : i32 from vector<16xi32>
    %add3A_24 = arith.constant 384 : i32
    %add3A_25 = arith.addi %reduce_max3A_23, %add3A_24 : i32
    %sub3A = arith.constant 1 : i32
    %sub3A_26 = arith.subi %add3A_25, %sub3A : i32
    %jit3A = arith.constant 384 : i32
    %div3A = arith.divsi %sub3A_26, %jit3A : i32
    %sign3A = arith.constant 0 : i32
    %sign3A_27 = arith.cmpi sgt, %sub3A_26, %sign3A : i32
    %sign3A_28 = arith.extui %sign3A_27 : i1 to i32
    %sign3A_29 = arith.constant 0 : i32
    %sign3A_30 = arith.cmpi slt, %sub3A_26, %sign3A_29 : i32
    %sign3A_31 = arith.extui %sign3A_30 : i1 to i32
    %sign3A_32 = arith.subi %sign3A_28, %sign3A_31 : i32
    %sign3A_33 = arith.constant 0 : i32
    %sign3A_34 = arith.cmpi sgt, %jit3A, %sign3A_33 : i32
    %sign3A_35 = arith.extui %sign3A_34 : i1 to i32
    %sign3A_36 = arith.constant 0 : i32
    %sign3A_37 = arith.cmpi slt, %jit3A, %sign3A_36 : i32
    %sign3A_38 = arith.extui %sign3A_37 : i1 to i32
    %sign3A_39 = arith.subi %sign3A_35, %sign3A_38 : i32
    %ne3A = arith.cmpi ne, %sign3A_32, %sign3A_39 : i32
    %rem3A = arith.remsi %sub3A_26, %jit3A : i32
    %ne3A_40 = arith.constant 0 : i32
    %ne3A_41 = arith.cmpi ne, %rem3A, %ne3A_40 : i32
    %and3A = arith.andi %ne3A, %ne3A_41 : i1
    %sub3A_42 = arith.constant 1 : i32
    %sub3A_43 = arith.subi %div3A, %sub3A_42 : i32
    %select_n3A = arith.select %and3A, %sub3A_43, %div3A : i32
    %sub3A_44 = arith.constant 1 : i32
    %sub3A_45 = arith.subi %select_n3A, %sub3A_44 : i32
    %max3A = arith.constant 0 : i32
    %max3A_46 = arith.maxsi %sub3A_45, %max3A : i32
    %mul3A_47 = arith.constant 384 : i32
    %mul3A_48 = arith.muli %max3A_46, %mul3A_47 : i32
    %min3A = arith.constant 0 : i32
    %min3A_49 = arith.minsi %min3A, %mul3A_48 : i32
    %multiple_of3A_50 = tpu.assume_multiple %min3A_49, 128 : i32
    %add3A_51 = arith.addi %multiple_of3A_5, %multiple_of3A_50 : i32
    %dma_start3A = tpu.memref_slice %arg6[%add3A_51] : memref<25690112xf32, #tpu.memory_space<hbm>> -> memref<384xf32, #tpu.memory_space<hbm>>
    %dma_start3A_52 = tpu.memref_slice %arg6[%add3A_51] : memref<25690112xf32, #tpu.memory_space<hbm>> -> memref<384xf32, #tpu.memory_space<hbm>>
    tpu.enqueue_dma source(%dma_start3A_52 : memref<384xf32, #tpu.memory_space<hbm>>) target(%arg14 : memref<384xf32, #tpu.memory_space<vmem>>) target_semaphore(%arg19 : memref<!tpu.dma_semaphore, #tpu.memory_space<semaphore_mem>>)
    %add3A_53 = arith.constant 0 : i32
    %add3A_54 = arith.addi %add3A_51, %add3A_53 : i32
    %dma_start3A_55 = arith.constant 0 : i32
    %dma_start3A_56 = arith.constant 0 : i32
    %dma_start3A_57 = tpu.memref_slice %arg10[%dma_start3A_55, %dma_start3A_56] : memref<3x128xi32, #tpu.memory_space<vmem>> -> memref<1x128xi32, #tpu.memory_space<vmem>>
    %dma_start3A_58 = tpu.memref_squeeze %dma_start3A_57 : memref<1x128xi32, #tpu.memory_space<vmem>> -> memref<128xi32, #tpu.memory_space<vmem>>
    %dma_start3A_59 = tpu.memref_slice %arg4[%add3A_54] : memref<25690112xi32, #tpu.memory_space<hbm>> -> memref<128xi32, #tpu.memory_space<hbm>>
    %dma_start3A_60 = arith.constant 0 : i32
    %dma_start3A_61 = tpu.memref_slice %arg10[%dma_start3A_55, %dma_start3A_60] : memref<3x128xi32, #tpu.memory_space<vmem>> -> memref<1x128xi32, #tpu.memory_space<vmem>>
    %dma_start3A_62 = tpu.memref_squeeze %dma_start3A_61 : memref<1x128xi32, #tpu.memory_space<vmem>> -> memref<128xi32, #tpu.memory_space<vmem>>
    %dma_start3A_63 = tpu.memref_slice %arg4[%add3A_54] : memref<25690112xi32, #tpu.memory_space<hbm>> -> memref<128xi32, #tpu.memory_space<hbm>>
    tpu.enqueue_dma source(%dma_start3A_63 : memref<128xi32, #tpu.memory_space<hbm>>) target(%dma_start3A_62 : memref<128xi32, #tpu.memory_space<vmem>>) target_semaphore(%arg19 : memref<!tpu.dma_semaphore, #tpu.memory_space<semaphore_mem>>)
    %add3A_64 = arith.constant 0 : i32
    %add3A_65 = arith.addi %add3A_51, %add3A_64 : i32
    %dma_start3A_66 = arith.constant 0 : i32
    %dma_start3A_67 = arith.constant 0 : i32
    %dma_start3A_68 = tpu.memref_slice %arg12[%dma_start3A_66, %dma_start3A_67] : memref<3x128xi32, #tpu.memory_space<vmem>> -> memref<1x128xi32, #tpu.memory_space<vmem>>
    %dma_start3A_69 = tpu.memref_squeeze %dma_start3A_68 : memref<1x128xi32, #tpu.memory_space<vmem>> -> memref<128xi32, #tpu.memory_space<vmem>>
    %dma_start3A_70 = tpu.memref_slice %arg5[%add3A_65] : memref<25690112xi32, #tpu.memory_space<hbm>> -> memref<128xi32, #tpu.memory_space<hbm>>
    %dma_start3A_71 = arith.constant 0 : i32
    %dma_start3A_72 = tpu.memref_slice %arg12[%dma_start3A_66, %dma_start3A_71] : memref<3x128xi32, #tpu.memory_space<vmem>> -> memref<1x128xi32, #tpu.memory_space<vmem>>
    %dma_start3A_73 = tpu.memref_squeeze %dma_start3A_72 : memref<1x128xi32, #tpu.memory_space<vmem>> -> memref<128xi32, #tpu.memory_space<vmem>>
    %dma_start3A_74 = tpu.memref_slice %arg5[%add3A_65] : memref<25690112xi32, #tpu.memory_space<hbm>> -> memref<128xi32, #tpu.memory_space<hbm>>
    tpu.enqueue_dma source(%dma_start3A_74 : memref<128xi32, #tpu.memory_space<hbm>>) target(%dma_start3A_73 : memref<128xi32, #tpu.memory_space<vmem>>) target_semaphore(%arg19 : memref<!tpu.dma_semaphore, #tpu.memory_space<semaphore_mem>>)
    %add3A_75 = arith.constant 128 : i32
    %add3A_76 = arith.addi %add3A_51, %add3A_75 : i32
    %dma_start3A_77 = arith.constant 1 : i32
    %dma_start3A_78 = arith.constant 0 : i32
    %dma_start3A_79 = tpu.memref_slice %arg10[%dma_start3A_77, %dma_start3A_78] : memref<3x128xi32, #tpu.memory_space<vmem>> -> memref<1x128xi32, #tpu.memory_space<vmem>>
    %dma_start3A_80 = tpu.memref_squeeze %dma_start3A_79 : memref<1x128xi32, #tpu.memory_space<vmem>> -> memref<128xi32, #tpu.memory_space<vmem>>
    %dma_start3A_81 = tpu.memref_slice %arg4[%add3A_76] : memref<25690112xi32, #tpu.memory_space<hbm>> -> memref<128xi32, #tpu.memory_space<hbm>>
    %dma_start3A_82 = arith.constant 0 : i32
    %dma_start3A_83 = tpu.memref_slice %arg10[%dma_start3A_77, %dma_start3A_82] : memref<3x128xi32, #tpu.memory_space<vmem>> -> memref<1x128xi32, #tpu.memory_space<vmem>>
    %dma_start3A_84 = tpu.memref_squeeze %dma_start3A_83 : memref<1x128xi32, #tpu.memory_space<vmem>> -> memref<128xi32, #tpu.memory_space<vmem>>
    %dma_start3A_85 = tpu.memref_slice %arg4[%add3A_76] : memref<25690112xi32, #tpu.memory_space<hbm>> -> memref<128xi32, #tpu.memory_space<hbm>>
    tpu.enqueue_dma source(%dma_start3A_85 : memref<128xi32, #tpu.memory_space<hbm>>) target(%dma_start3A_84 : memref<128xi32, #tpu.memory_space<vmem>>) target_semaphore(%arg19 : memref<!tpu.dma_semaphore, #tpu.memory_space<semaphore_mem>>)
    %add3A_86 = arith.constant 128 : i32
    %add3A_87 = arith.addi %add3A_51, %add3A_86 : i32
    %dma_start3A_88 = arith.constant 1 : i32
    %dma_start3A_89 = arith.constant 0 : i32
    %dma_start3A_90 = tpu.memref_slice %arg12[%dma_start3A_88, %dma_start3A_89] : memref<3x128xi32, #tpu.memory_space<vmem>> -> memref<1x128xi32, #tpu.memory_space<vmem>>
    %dma_start3A_91 = tpu.memref_squeeze %dma_start3A_90 : memref<1x128xi32, #tpu.memory_space<vmem>> -> memref<128xi32, #tpu.memory_space<vmem>>
    %dma_start3A_92 = tpu.memref_slice %arg5[%add3A_87] : memref<25690112xi32, #tpu.memory_space<hbm>> -> memref<128xi32, #tpu.memory_space<hbm>>
    %dma_start3A_93 = arith.constant 0 : i32
    %dma_start3A_94 = tpu.memref_slice %arg12[%dma_start3A_88, %dma_start3A_93] : memref<3x128xi32, #tpu.memory_space<vmem>> -> memref<1x128xi32, #tpu.memory_space<vmem>>
    %dma_start3A_95 = tpu.memref_squeeze %dma_start3A_94 : memref<1x128xi32, #tpu.memory_space<vmem>> -> memref<128xi32, #tpu.memory_space<vmem>>
    %dma_start3A_96 = tpu.memref_slice %arg5[%add3A_87] : memref<25690112xi32, #tpu.memory_space<hbm>> -> memref<128xi32, #tpu.memory_space<hbm>>
    tpu.enqueue_dma source(%dma_start3A_96 : memref<128xi32, #tpu.memory_space<hbm>>) target(%dma_start3A_95 : memref<128xi32, #tpu.memory_space<vmem>>) target_semaphore(%arg19 : memref<!tpu.dma_semaphore, #tpu.memory_space<semaphore_mem>>)
    %add3A_97 = arith.constant 256 : i32
    %add3A_98 = arith.addi %add3A_51, %add3A_97 : i32
    %dma_start3A_99 = arith.constant 2 : i32
    %dma_start3A_100 = arith.constant 0 : i32
    %dma_start3A_101 = tpu.memref_slice %arg10[%dma_start3A_99, %dma_start3A_100] : memref<3x128xi32, #tpu.memory_space<vmem>> -> memref<1x128xi32, #tpu.memory_space<vmem>>
    %dma_start3A_102 = tpu.memref_squeeze %dma_start3A_101 : memref<1x128xi32, #tpu.memory_space<vmem>> -> memref<128xi32, #tpu.memory_space<vmem>>
    %dma_start3A_103 = tpu.memref_slice %arg4[%add3A_98] : memref<25690112xi32, #tpu.memory_space<hbm>> -> memref<128xi32, #tpu.memory_space<hbm>>
    %dma_start3A_104 = arith.constant 0 : i32
    %dma_start3A_105 = tpu.memref_slice %arg10[%dma_start3A_99, %dma_start3A_104] : memref<3x128xi32, #tpu.memory_space<vmem>> -> memref<1x128xi32, #tpu.memory_space<vmem>>
    %dma_start3A_106 = tpu.memref_squeeze %dma_start3A_105 : memref<1x128xi32, #tpu.memory_space<vmem>> -> memref<128xi32, #tpu.memory_space<vmem>>
    %dma_start3A_107 = tpu.memref_slice %arg4[%add3A_98] : memref<25690112xi32, #tpu.memory_space<hbm>> -> memref<128xi32, #tpu.memory_space<hbm>>
    tpu.enqueue_dma source(%dma_start3A_107 : memref<128xi32, #tpu.memory_space<hbm>>) target(%dma_start3A_106 : memref<128xi32, #tpu.memory_space<vmem>>) target_semaphore(%arg19 : memref<!tpu.dma_semaphore, #tpu.memory_space<semaphore_mem>>)
    %add3A_108 = arith.constant 256 : i32
    %add3A_109 = arith.addi %add3A_51, %add3A_108 : i32
    %dma_start3A_110 = arith.constant 2 : i32
    %dma_start3A_111 = arith.constant 0 : i32
    %dma_start3A_112 = tpu.memref_slice %arg12[%dma_start3A_110, %dma_start3A_111] : memref<3x128xi32, #tpu.memory_space<vmem>> -> memref<1x128xi32, #tpu.memory_space<vmem>>
    %dma_start3A_113 = tpu.memref_squeeze %dma_start3A_112 : memref<1x128xi32, #tpu.memory_space<vmem>> -> memref<128xi32, #tpu.memory_space<vmem>>
    %dma_start3A_114 = tpu.memref_slice %arg5[%add3A_109] : memref<25690112xi32, #tpu.memory_space<hbm>> -> memref<128xi32, #tpu.memory_space<hbm>>
    %dma_start3A_115 = arith.constant 0 : i32
    %dma_start3A_116 = tpu.memref_slice %arg12[%dma_start3A_110, %dma_start3A_115] : memref<3x128xi32, #tpu.memory_space<vmem>> -> memref<1x128xi32, #tpu.memory_space<vmem>>
    %dma_start3A_117 = tpu.memref_squeeze %dma_start3A_116 : memref<1x128xi32, #tpu.memory_space<vmem>> -> memref<128xi32, #tpu.memory_space<vmem>>
    %dma_start3A_118 = tpu.memref_slice %arg5[%add3A_109] : memref<25690112xi32, #tpu.memory_space<hbm>> -> memref<128xi32, #tpu.memory_space<hbm>>
    tpu.enqueue_dma source(%dma_start3A_118 : memref<128xi32, #tpu.memory_space<hbm>>) target(%dma_start3A_117 : memref<128xi32, #tpu.memory_space<vmem>>) target_semaphore(%arg19 : memref<!tpu.dma_semaphore, #tpu.memory_space<semaphore_mem>>)
    %min3A_119 = arith.constant 0 : i32
    %min3A_120 = arith.minsi %min3A_119, %mul3A_48 : i32
    %multiple_of3A_121 = tpu.assume_multiple %min3A_120, 128 : i32
    %add3A_122 = arith.addi %multiple_of3A_5, %multiple_of3A_121 : i32
    %dma_wait3A = tpu.memref_slice %arg6[%add3A_122] : memref<25690112xf32, #tpu.memory_space<hbm>> -> memref<384xf32, #tpu.memory_space<hbm>>
    %dma_wait3A_123 = tpu.memref_slice %arg6[%add3A_122] : memref<25690112xf32, #tpu.memory_space<hbm>> -> memref<384xf32, #tpu.memory_space<hbm>>
    tpu.wait_dma2 semaphore(%arg19 : memref<!tpu.dma_semaphore, #tpu.memory_space<semaphore_mem>>) src(%dma_wait3A_123 : memref<384xf32, #tpu.memory_space<hbm>>) dst(%arg14 : memref<384xf32, #tpu.memory_space<vmem>>)
    %add3A_124 = arith.constant 0 : i32
    %add3A_125 = arith.addi %add3A_122, %add3A_124 : i32
    %dma_wait3A_126 = arith.constant 0 : i32
    %dma_wait3A_127 = arith.constant 0 : i32
    %dma_wait3A_128 = tpu.memref_slice %arg10[%dma_wait3A_126, %dma_wait3A_127] : memref<3x128xi32, #tpu.memory_space<vmem>> -> memref<1x128xi32, #tpu.memory_space<vmem>>
    %dma_wait3A_129 = tpu.memref_squeeze %dma_wait3A_128 : memref<1x128xi32, #tpu.memory_space<vmem>> -> memref<128xi32, #tpu.memory_space<vmem>>
    %dma_wait3A_130 = tpu.memref_slice %arg4[%add3A_125] : memref<25690112xi32, #tpu.memory_space<hbm>> -> memref<128xi32, #tpu.memory_space<hbm>>
    %dma_wait3A_131 = arith.constant 0 : i32
    %dma_wait3A_132 = tpu.memref_slice %arg10[%dma_wait3A_126, %dma_wait3A_131] : memref<3x128xi32, #tpu.memory_space<vmem>> -> memref<1x128xi32, #tpu.memory_space<vmem>>
    %dma_wait3A_133 = tpu.memref_squeeze %dma_wait3A_132 : memref<1x128xi32, #tpu.memory_space<vmem>> -> memref<128xi32, #tpu.memory_space<vmem>>
    %dma_wait3A_134 = tpu.memref_slice %arg4[%add3A_125] : memref<25690112xi32, #tpu.memory_space<hbm>> -> memref<128xi32, #tpu.memory_space<hbm>>
    tpu.wait_dma2 semaphore(%arg19 : memref<!tpu.dma_semaphore, #tpu.memory_space<semaphore_mem>>) src(%dma_wait3A_134 : memref<128xi32, #tpu.memory_space<hbm>>) dst(%dma_wait3A_133 : memref<128xi32, #tpu.memory_space<vmem>>)
    %add3A_135 = arith.constant 0 : i32
    %add3A_136 = arith.addi %add3A_122, %add3A_135 : i32
    %dma_wait3A_137 = arith.constant 0 : i32
    %dma_wait3A_138 = arith.constant 0 : i32
    %dma_wait3A_139 = tpu.memref_slice %arg12[%dma_wait3A_137, %dma_wait3A_138] : memref<3x128xi32, #tpu.memory_space<vmem>> -> memref<1x128xi32, #tpu.memory_space<vmem>>
    %dma_wait3A_140 = tpu.memref_squeeze %dma_wait3A_139 : memref<1x128xi32, #tpu.memory_space<vmem>> -> memref<128xi32, #tpu.memory_space<vmem>>
    %dma_wait3A_141 = tpu.memref_slice %arg5[%add3A_136] : memref<25690112xi32, #tpu.memory_space<hbm>> -> memref<128xi32, #tpu.memory_space<hbm>>
    %dma_wait3A_142 = arith.constant 0 : i32
    %dma_wait3A_143 = tpu.memref_slice %arg12[%dma_wait3A_137, %dma_wait3A_142] : memref<3x128xi32, #tpu.memory_space<vmem>> -> memref<1x128xi32, #tpu.memory_space<vmem>>
    %dma_wait3A_144 = tpu.memref_squeeze %dma_wait3A_143 : memref<1x128xi32, #tpu.memory_space<vmem>> -> memref<128xi32, #tpu.memory_space<vmem>>
    %dma_wait3A_145 = tpu.memref_slice %arg5[%add3A_136] : memref<25690112xi32, #tpu.memory_space<hbm>> -> memref<128xi32, #tpu.memory_space<hbm>>
    tpu.wait_dma2 semaphore(%arg19 : memref<!tpu.dma_semaphore, #tpu.memory_space<semaphore_mem>>) src(%dma_wait3A_145 : memref<128xi32, #tpu.memory_space<hbm>>) dst(%dma_wait3A_144 : memref<128xi32, #tpu.memory_space<vmem>>)
    %add3A_146 = arith.constant 128 : i32
    %add3A_147 = arith.addi %add3A_122, %add3A_146 : i32
    %dma_wait3A_148 = arith.constant 1 : i32
    %dma_wait3A_149 = arith.constant 0 : i32
    %dma_wait3A_150 = tpu.memref_slice %arg10[%dma_wait3A_148, %dma_wait3A_149] : memref<3x128xi32, #tpu.memory_space<vmem>> -> memref<1x128xi32, #tpu.memory_space<vmem>>
    %dma_wait3A_151 = tpu.memref_squeeze %dma_wait3A_150 : memref<1x128xi32, #tpu.memory_space<vmem>> -> memref<128xi32, #tpu.memory_space<vmem>>
    %dma_wait3A_152 = tpu.memref_slice %arg4[%add3A_147] : memref<25690112xi32, #tpu.memory_space<hbm>> -> memref<128xi32, #tpu.memory_space<hbm>>
    %dma_wait3A_153 = arith.constant 0 : i32
    %dma_wait3A_154 = tpu.memref_slice %arg10[%dma_wait3A_148, %dma_wait3A_153] : memref<3x128xi32, #tpu.memory_space<vmem>> -> memref<1x128xi32, #tpu.memory_space<vmem>>
    %dma_wait3A_155 = tpu.memref_squeeze %dma_wait3A_154 : memref<1x128xi32, #tpu.memory_space<vmem>> -> memref<128xi32, #tpu.memory_space<vmem>>
    %dma_wait3A_156 = tpu.memref_slice %arg4[%add3A_147] : memref<25690112xi32, #tpu.memory_space<hbm>> -> memref<128xi32, #tpu.memory_space<hbm>>
    tpu.wait_dma2 semaphore(%arg19 : memref<!tpu.dma_semaphore, #tpu.memory_space<semaphore_mem>>) src(%dma_wait3A_156 : memref<128xi32, #tpu.memory_space<hbm>>) dst(%dma_wait3A_155 : memref<128xi32, #tpu.memory_space<vmem>>)
    %add3A_157 = arith.constant 128 : i32
    %add3A_158 = arith.addi %add3A_122, %add3A_157 : i32
    %dma_wait3A_159 = arith.constant 1 : i32
    %dma_wait3A_160 = arith.constant 0 : i32
    %dma_wait3A_161 = tpu.memref_slice %arg12[%dma_wait3A_159, %dma_wait3A_160] : memref<3x128xi32, #tpu.memory_space<vmem>> -> memref<1x128xi32, #tpu.memory_space<vmem>>
    %dma_wait3A_162 = tpu.memref_squeeze %dma_wait3A_161 : memref<1x128xi32, #tpu.memory_space<vmem>> -> memref<128xi32, #tpu.memory_space<vmem>>
    %dma_wait3A_163 = tpu.memref_slice %arg5[%add3A_158] : memref<25690112xi32, #tpu.memory_space<hbm>> -> memref<128xi32, #tpu.memory_space<hbm>>
    %dma_wait3A_164 = arith.constant 0 : i32
    %dma_wait3A_165 = tpu.memref_slice %arg12[%dma_wait3A_159, %dma_wait3A_164] : memref<3x128xi32, #tpu.memory_space<vmem>> -> memref<1x128xi32, #tpu.memory_space<vmem>>
    %dma_wait3A_166 = tpu.memref_squeeze %dma_wait3A_165 : memref<1x128xi32, #tpu.memory_space<vmem>> -> memref<128xi32, #tpu.memory_space<vmem>>
    %dma_wait3A_167 = tpu.memref_slice %arg5[%add3A_158] : memref<25690112xi32, #tpu.memory_space<hbm>> -> memref<128xi32, #tpu.memory_space<hbm>>
    tpu.wait_dma2 semaphore(%arg19 : memref<!tpu.dma_semaphore, #tpu.memory_space<semaphore_mem>>) src(%dma_wait3A_167 : memref<128xi32, #tpu.memory_space<hbm>>) dst(%dma_wait3A_166 : memref<128xi32, #tpu.memory_space<vmem>>)
    %add3A_168 = arith.constant 256 : i32
    %add3A_169 = arith.addi %add3A_122, %add3A_168 : i32
    %dma_wait3A_170 = arith.constant 2 : i32
    %dma_wait3A_171 = arith.constant 0 : i32
    %dma_wait3A_172 = tpu.memref_slice %arg10[%dma_wait3A_170, %dma_wait3A_171] : memref<3x128xi32, #tpu.memory_space<vmem>> -> memref<1x128xi32, #tpu.memory_space<vmem>>
    %dma_wait3A_173 = tpu.memref_squeeze %dma_wait3A_172 : memref<1x128xi32, #tpu.memory_space<vmem>> -> memref<128xi32, #tpu.memory_space<vmem>>
    %dma_wait3A_174 = tpu.memref_slice %arg4[%add3A_169] : memref<25690112xi32, #tpu.memory_space<hbm>> -> memref<128xi32, #tpu.memory_space<hbm>>
    %dma_wait3A_175 = arith.constant 0 : i32
    %dma_wait3A_176 = tpu.memref_slice %arg10[%dma_wait3A_170, %dma_wait3A_175] : memref<3x128xi32, #tpu.memory_space<vmem>> -> memref<1x128xi32, #tpu.memory_space<vmem>>
    %dma_wait3A_177 = tpu.memref_squeeze %dma_wait3A_176 : memref<1x128xi32, #tpu.memory_space<vmem>> -> memref<128xi32, #tpu.memory_space<vmem>>
    %dma_wait3A_178 = tpu.memref_slice %arg4[%add3A_169] : memref<25690112xi32, #tpu.memory_space<hbm>> -> memref<128xi32, #tpu.memory_space<hbm>>
    tpu.wait_dma2 semaphore(%arg19 : memref<!tpu.dma_semaphore, #tpu.memory_space<semaphore_mem>>) src(%dma_wait3A_178 : memref<128xi32, #tpu.memory_space<hbm>>) dst(%dma_wait3A_177 : memref<128xi32, #tpu.memory_space<vmem>>)
    %add3A_179 = arith.constant 256 : i32
    %add3A_180 = arith.addi %add3A_122, %add3A_179 : i32
    %dma_wait3A_181 = arith.constant 2 : i32
    %dma_wait3A_182 = arith.constant 0 : i32
    %dma_wait3A_183 = tpu.memref_slice %arg12[%dma_wait3A_181, %dma_wait3A_182] : memref<3x128xi32, #tpu.memory_space<vmem>> -> memref<1x128xi32, #tpu.memory_space<vmem>>
    %dma_wait3A_184 = tpu.memref_squeeze %dma_wait3A_183 : memref<1x128xi32, #tpu.memory_space<vmem>> -> memref<128xi32, #tpu.memory_space<vmem>>
    %dma_wait3A_185 = tpu.memref_slice %arg5[%add3A_180] : memref<25690112xi32, #tpu.memory_space<hbm>> -> memref<128xi32, #tpu.memory_space<hbm>>
    %dma_wait3A_186 = arith.constant 0 : i32
    %dma_wait3A_187 = tpu.memref_slice %arg12[%dma_wait3A_181, %dma_wait3A_186] : memref<3x128xi32, #tpu.memory_space<vmem>> -> memref<1x128xi32, #tpu.memory_space<vmem>>
    %dma_wait3A_188 = tpu.memref_squeeze %dma_wait3A_187 : memref<1x128xi32, #tpu.memory_space<vmem>> -> memref<128xi32, #tpu.memory_space<vmem>>
    %dma_wait3A_189 = tpu.memref_slice %arg5[%add3A_180] : memref<25690112xi32, #tpu.memory_space<hbm>> -> memref<128xi32, #tpu.memory_space<hbm>>
    tpu.wait_dma2 semaphore(%arg19 : memref<!tpu.dma_semaphore, #tpu.memory_space<semaphore_mem>>) src(%dma_wait3A_189 : memref<128xi32, #tpu.memory_space<hbm>>) dst(%dma_wait3A_188 : memref<128xi32, #tpu.memory_space<vmem>>)
    %dma_start3A_190 = arith.constant 0 : i32
    %dma_start3A_191 = arith.constant 0 : i32
    %dma_start3A_192 = arith.constant 0 : i32
    %dma_start3A_193 = arith.constant 0 : i32
    %dma_start3A_194 = tpu.memref_slice %arg16[%dma_start3A_191, %dma_start3A_192, %dma_start3A_193] : memref<3x128x48xf32, #tpu.memory_space<vmem>> -> memref<1x128x48xf32, #tpu.memory_space<vmem>>
    %dma_start3A_195 = tpu.memref_squeeze %dma_start3A_194 : memref<1x128x48xf32, #tpu.memory_space<vmem>> -> memref<128x48xf32, #tpu.memory_space<vmem>>
    %dma_start3A_196 = arith.constant 0 : i32
    %dma_start3A_197 = tpu.memref_slice %arg10[%dma_start3A_190, %dma_start3A_196] : memref<3x128xi32, #tpu.memory_space<vmem>> -> memref<1x128xi32, #tpu.memory_space<vmem>>
    %dma_start3A_198 = tpu.memref_squeeze %dma_start3A_197 : memref<1x128xi32, #tpu.memory_space<vmem>> -> memref<128xi32, #tpu.memory_space<vmem>>
    %dma_start3A_199 = arith.constant 0 : i32
    %dma_start3A_200 = arith.constant 0 : i32
    %dma_start3A_201 = tpu.memref_slice %arg2[%dma_start3A_199, %dma_start3A_200] : memref<50176x48xf32, #tpu.memory_space<hbm>> -> memref<50176x48xf32, #tpu.memory_space<hbm>>
    tpu.enqueue_indirect_dma source(%dma_start3A_201 : memref<50176x48xf32, #tpu.memory_space<hbm>>) target(%dma_start3A_195 : memref<128x48xf32, #tpu.memory_space<vmem>>) offsets(%dma_start3A_198 : memref<128xi32, #tpu.memory_space<vmem>>) semaphore(%arg21 : memref<!tpu.dma_semaphore, #tpu.memory_space<semaphore_mem>>)
    %dma_start3A_202 = arith.constant 1 : i32
    %dma_start3A_203 = arith.constant 1 : i32
    %dma_start3A_204 = arith.constant 0 : i32
    %dma_start3A_205 = arith.constant 0 : i32
    %dma_start3A_206 = tpu.memref_slice %arg16[%dma_start3A_203, %dma_start3A_204, %dma_start3A_205] : memref<3x128x48xf32, #tpu.memory_space<vmem>> -> memref<1x128x48xf32, #tpu.memory_space<vmem>>
    %dma_start3A_207 = tpu.memref_squeeze %dma_start3A_206 : memref<1x128x48xf32, #tpu.memory_space<vmem>> -> memref<128x48xf32, #tpu.memory_space<vmem>>
    %dma_start3A_208 = arith.constant 0 : i32
    %dma_start3A_209 = tpu.memref_slice %arg10[%dma_start3A_202, %dma_start3A_208] : memref<3x128xi32, #tpu.memory_space<vmem>> -> memref<1x128xi32, #tpu.memory_space<vmem>>
    %dma_start3A_210 = tpu.memref_squeeze %dma_start3A_209 : memref<1x128xi32, #tpu.memory_space<vmem>> -> memref<128xi32, #tpu.memory_space<vmem>>
    %dma_start3A_211 = arith.constant 0 : i32
    %dma_start3A_212 = arith.constant 0 : i32
    %dma_start3A_213 = tpu.memref_slice %arg2[%dma_start3A_211, %dma_start3A_212] : memref<50176x48xf32, #tpu.memory_space<hbm>> -> memref<50176x48xf32, #tpu.memory_space<hbm>>
    tpu.enqueue_indirect_dma source(%dma_start3A_213 : memref<50176x48xf32, #tpu.memory_space<hbm>>) target(%dma_start3A_207 : memref<128x48xf32, #tpu.memory_space<vmem>>) offsets(%dma_start3A_210 : memref<128xi32, #tpu.memory_space<vmem>>) semaphore(%arg21 : memref<!tpu.dma_semaphore, #tpu.memory_space<semaphore_mem>>)
    %dma_start3A_214 = arith.constant 2 : i32
    %dma_start3A_215 = arith.constant 2 : i32
    %dma_start3A_216 = arith.constant 0 : i32
    %dma_start3A_217 = arith.constant 0 : i32
    %dma_start3A_218 = tpu.memref_slice %arg16[%dma_start3A_215, %dma_start3A_216, %dma_start3A_217] : memref<3x128x48xf32, #tpu.memory_space<vmem>> -> memref<1x128x48xf32, #tpu.memory_space<vmem>>
    %dma_start3A_219 = tpu.memref_squeeze %dma_start3A_218 : memref<1x128x48xf32, #tpu.memory_space<vmem>> -> memref<128x48xf32, #tpu.memory_space<vmem>>
    %dma_start3A_220 = arith.constant 0 : i32
    %dma_start3A_221 = tpu.memref_slice %arg10[%dma_start3A_214, %dma_start3A_220] : memref<3x128xi32, #tpu.memory_space<vmem>> -> memref<1x128xi32, #tpu.memory_space<vmem>>
    %dma_start3A_222 = tpu.memref_squeeze %dma_start3A_221 : memref<1x128xi32, #tpu.memory_space<vmem>> -> memref<128xi32, #tpu.memory_space<vmem>>
    %dma_start3A_223 = arith.constant 0 : i32
    %dma_start3A_224 = arith.constant 0 : i32
    %dma_start3A_225 = tpu.memref_slice %arg2[%dma_start3A_223, %dma_start3A_224] : memref<50176x48xf32, #tpu.memory_space<hbm>> -> memref<50176x48xf32, #tpu.memory_space<hbm>>
    tpu.enqueue_indirect_dma source(%dma_start3A_225 : memref<50176x48xf32, #tpu.memory_space<hbm>>) target(%dma_start3A_219 : memref<128x48xf32, #tpu.memory_space<vmem>>) offsets(%dma_start3A_222 : memref<128xi32, #tpu.memory_space<vmem>>) semaphore(%arg21 : memref<!tpu.dma_semaphore, #tpu.memory_space<semaphore_mem>>)
    %min3A_226 = arith.constant 384 : i32
    %min3A_227 = arith.minsi %min3A_226, %mul3A_48 : i32
    %multiple_of3A_228 = tpu.assume_multiple %min3A_227, 128 : i32
    %add3A_229 = arith.addi %multiple_of3A_5, %multiple_of3A_228 : i32
    %dma_start3A_230 = tpu.memref_slice %arg6[%add3A_229] : memref<25690112xf32, #tpu.memory_space<hbm>> -> memref<384xf32, #tpu.memory_space<hbm>>
    %dma_start3A_231 = tpu.memref_slice %arg6[%add3A_229] : memref<25690112xf32, #tpu.memory_space<hbm>> -> memref<384xf32, #tpu.memory_space<hbm>>
    tpu.enqueue_dma source(%dma_start3A_231 : memref<384xf32, #tpu.memory_space<hbm>>) target(%arg15 : memref<384xf32, #tpu.memory_space<vmem>>) target_semaphore(%arg20 : memref<!tpu.dma_semaphore, #tpu.memory_space<semaphore_mem>>)
    %add3A_232 = arith.constant 0 : i32
    %add3A_233 = arith.addi %add3A_229, %add3A_232 : i32
    %dma_start3A_234 = arith.constant 0 : i32
    %dma_start3A_235 = arith.constant 0 : i32
    %dma_start3A_236 = tpu.memref_slice %arg11[%dma_start3A_234, %dma_start3A_235] : memref<3x128xi32, #tpu.memory_space<vmem>> -> memref<1x128xi32, #tpu.memory_space<vmem>>
    %dma_start3A_237 = tpu.memref_squeeze %dma_start3A_236 : memref<1x128xi32, #tpu.memory_space<vmem>> -> memref<128xi32, #tpu.memory_space<vmem>>
    %dma_start3A_238 = tpu.memref_slice %arg4[%add3A_233] : memref<25690112xi32, #tpu.memory_space<hbm>> -> memref<128xi32, #tpu.memory_space<hbm>>
    %dma_start3A_239 = arith.constant 0 : i32
    %dma_start3A_240 = tpu.memref_slice %arg11[%dma_start3A_234, %dma_start3A_239] : memref<3x128xi32, #tpu.memory_space<vmem>> -> memref<1x128xi32, #tpu.memory_space<vmem>>
    %dma_start3A_241 = tpu.memref_squeeze %dma_start3A_240 : memref<1x128xi32, #tpu.memory_space<vmem>> -> memref<128xi32, #tpu.memory_space<vmem>>
    %dma_start3A_242 = tpu.memref_slice %arg4[%add3A_233] : memref<25690112xi32, #tpu.memory_space<hbm>> -> memref<128xi32, #tpu.memory_space<hbm>>
    tpu.enqueue_dma source(%dma_start3A_242 : memref<128xi32, #tpu.memory_space<hbm>>) target(%dma_start3A_241 : memref<128xi32, #tpu.memory_space<vmem>>) target_semaphore(%arg20 : memref<!tpu.dma_semaphore, #tpu.memory_space<semaphore_mem>>)
    %add3A_243 = arith.constant 0 : i32
    %add3A_244 = arith.addi %add3A_229, %add3A_243 : i32
    %dma_start3A_245 = arith.constant 0 : i32
    %dma_start3A_246 = arith.constant 0 : i32
    %dma_start3A_247 = tpu.memref_slice %arg13[%dma_start3A_245, %dma_start3A_246] : memref<3x128xi32, #tpu.memory_space<vmem>> -> memref<1x128xi32, #tpu.memory_space<vmem>>
    %dma_start3A_248 = tpu.memref_squeeze %dma_start3A_247 : memref<1x128xi32, #tpu.memory_space<vmem>> -> memref<128xi32, #tpu.memory_space<vmem>>
    %dma_start3A_249 = tpu.memref_slice %arg5[%add3A_244] : memref<25690112xi32, #tpu.memory_space<hbm>> -> memref<128xi32, #tpu.memory_space<hbm>>
    %dma_start3A_250 = arith.constant 0 : i32
    %dma_start3A_251 = tpu.memref_slice %arg13[%dma_start3A_245, %dma_start3A_250] : memref<3x128xi32, #tpu.memory_space<vmem>> -> memref<1x128xi32, #tpu.memory_space<vmem>>
    %dma_start3A_252 = tpu.memref_squeeze %dma_start3A_251 : memref<1x128xi32, #tpu.memory_space<vmem>> -> memref<128xi32, #tpu.memory_space<vmem>>
    %dma_start3A_253 = tpu.memref_slice %arg5[%add3A_244] : memref<25690112xi32, #tpu.memory_space<hbm>> -> memref<128xi32, #tpu.memory_space<hbm>>
    tpu.enqueue_dma source(%dma_start3A_253 : memref<128xi32, #tpu.memory_space<hbm>>) target(%dma_start3A_252 : memref<128xi32, #tpu.memory_space<vmem>>) target_semaphore(%arg20 : memref<!tpu.dma_semaphore, #tpu.memory_space<semaphore_mem>>)
    %add3A_254 = arith.constant 128 : i32
    %add3A_255 = arith.addi %add3A_229, %add3A_254 : i32
    %dma_start3A_256 = arith.constant 1 : i32
    %dma_start3A_257 = arith.constant 0 : i32
    %dma_start3A_258 = tpu.memref_slice %arg11[%dma_start3A_256, %dma_start3A_257] : memref<3x128xi32, #tpu.memory_space<vmem>> -> memref<1x128xi32, #tpu.memory_space<vmem>>
    %dma_start3A_259 = tpu.memref_squeeze %dma_start3A_258 : memref<1x128xi32, #tpu.memory_space<vmem>> -> memref<128xi32, #tpu.memory_space<vmem>>
    %dma_start3A_260 = tpu.memref_slice %arg4[%add3A_255] : memref<25690112xi32, #tpu.memory_space<hbm>> -> memref<128xi32, #tpu.memory_space<hbm>>
    %dma_start3A_261 = arith.constant 0 : i32
    %dma_start3A_262 = tpu.memref_slice %arg11[%dma_start3A_256, %dma_start3A_261] : memref<3x128xi32, #tpu.memory_space<vmem>> -> memref<1x128xi32, #tpu.memory_space<vmem>>
    %dma_start3A_263 = tpu.memref_squeeze %dma_start3A_262 : memref<1x128xi32, #tpu.memory_space<vmem>> -> memref<128xi32, #tpu.memory_space<vmem>>
    %dma_start3A_264 = tpu.memref_slice %arg4[%add3A_255] : memref<25690112xi32, #tpu.memory_space<hbm>> -> memref<128xi32, #tpu.memory_space<hbm>>
    tpu.enqueue_dma source(%dma_start3A_264 : memref<128xi32, #tpu.memory_space<hbm>>) target(%dma_start3A_263 : memref<128xi32, #tpu.memory_space<vmem>>) target_semaphore(%arg20 : memref<!tpu.dma_semaphore, #tpu.memory_space<semaphore_mem>>)
    %add3A_265 = arith.constant 128 : i32
    %add3A_266 = arith.addi %add3A_229, %add3A_265 : i32
    %dma_start3A_267 = arith.constant 1 : i32
    %dma_start3A_268 = arith.constant 0 : i32
    %dma_start3A_269 = tpu.memref_slice %arg13[%dma_start3A_267, %dma_start3A_268] : memref<3x128xi32, #tpu.memory_space<vmem>> -> memref<1x128xi32, #tpu.memory_space<vmem>>
    %dma_start3A_270 = tpu.memref_squeeze %dma_start3A_269 : memref<1x128xi32, #tpu.memory_space<vmem>> -> memref<128xi32, #tpu.memory_space<vmem>>
    %dma_start3A_271 = tpu.memref_slice %arg5[%add3A_266] : memref<25690112xi32, #tpu.memory_space<hbm>> -> memref<128xi32, #tpu.memory_space<hbm>>
    %dma_start3A_272 = arith.constant 0 : i32
    %dma_start3A_273 = tpu.memref_slice %arg13[%dma_start3A_267, %dma_start3A_272] : memref<3x128xi32, #tpu.memory_space<vmem>> -> memref<1x128xi32, #tpu.memory_space<vmem>>
    %dma_start3A_274 = tpu.memref_squeeze %dma_start3A_273 : memref<1x128xi32, #tpu.memory_space<vmem>> -> memref<128xi32, #tpu.memory_space<vmem>>
    %dma_start3A_275 = tpu.memref_slice %arg5[%add3A_266] : memref<25690112xi32, #tpu.memory_space<hbm>> -> memref<128xi32, #tpu.memory_space<hbm>>
    tpu.enqueue_dma source(%dma_start3A_275 : memref<128xi32, #tpu.memory_space<hbm>>) target(%dma_start3A_274 : memref<128xi32, #tpu.memory_space<vmem>>) target_semaphore(%arg20 : memref<!tpu.dma_semaphore, #tpu.memory_space<semaphore_mem>>)
    %add3A_276 = arith.constant 256 : i32
    %add3A_277 = arith.addi %add3A_229, %add3A_276 : i32
    %dma_start3A_278 = arith.constant 2 : i32
    %dma_start3A_279 = arith.constant 0 : i32
    %dma_start3A_280 = tpu.memref_slice %arg11[%dma_start3A_278, %dma_start3A_279] : memref<3x128xi32, #tpu.memory_space<vmem>> -> memref<1x128xi32, #tpu.memory_space<vmem>>
    %dma_start3A_281 = tpu.memref_squeeze %dma_start3A_280 : memref<1x128xi32, #tpu.memory_space<vmem>> -> memref<128xi32, #tpu.memory_space<vmem>>
    %dma_start3A_282 = tpu.memref_slice %arg4[%add3A_277] : memref<25690112xi32, #tpu.memory_space<hbm>> -> memref<128xi32, #tpu.memory_space<hbm>>
    %dma_start3A_283 = arith.constant 0 : i32
    %dma_start3A_284 = tpu.memref_slice %arg11[%dma_start3A_278, %dma_start3A_283] : memref<3x128xi32, #tpu.memory_space<vmem>> -> memref<1x128xi32, #tpu.memory_space<vmem>>
    %dma_start3A_285 = tpu.memref_squeeze %dma_start3A_284 : memref<1x128xi32, #tpu.memory_space<vmem>> -> memref<128xi32, #tpu.memory_space<vmem>>
    %dma_start3A_286 = tpu.memref_slice %arg4[%add3A_277] : memref<25690112xi32, #tpu.memory_space<hbm>> -> memref<128xi32, #tpu.memory_space<hbm>>
    tpu.enqueue_dma source(%dma_start3A_286 : memref<128xi32, #tpu.memory_space<hbm>>) target(%dma_start3A_285 : memref<128xi32, #tpu.memory_space<vmem>>) target_semaphore(%arg20 : memref<!tpu.dma_semaphore, #tpu.memory_space<semaphore_mem>>)
    %add3A_287 = arith.constant 256 : i32
    %add3A_288 = arith.addi %add3A_229, %add3A_287 : i32
    %dma_start3A_289 = arith.constant 2 : i32
    %dma_start3A_290 = arith.constant 0 : i32
    %dma_start3A_291 = tpu.memref_slice %arg13[%dma_start3A_289, %dma_start3A_290] : memref<3x128xi32, #tpu.memory_space<vmem>> -> memref<1x128xi32, #tpu.memory_space<vmem>>
    %dma_start3A_292 = tpu.memref_squeeze %dma_start3A_291 : memref<1x128xi32, #tpu.memory_space<vmem>> -> memref<128xi32, #tpu.memory_space<vmem>>
    %dma_start3A_293 = tpu.memref_slice %arg5[%add3A_288] : memref<25690112xi32, #tpu.memory_space<hbm>> -> memref<128xi32, #tpu.memory_space<hbm>>
    %dma_start3A_294 = arith.constant 0 : i32
    %dma_start3A_295 = tpu.memref_slice %arg13[%dma_start3A_289, %dma_start3A_294] : memref<3x128xi32, #tpu.memory_space<vmem>> -> memref<1x128xi32, #tpu.memory_space<vmem>>
    %dma_start3A_296 = tpu.memref_squeeze %dma_start3A_295 : memref<1x128xi32, #tpu.memory_space<vmem>> -> memref<128xi32, #tpu.memory_space<vmem>>
    %dma_start3A_297 = tpu.memref_slice %arg5[%add3A_288] : memref<25690112xi32, #tpu.memory_space<hbm>> -> memref<128xi32, #tpu.memory_space<hbm>>
    tpu.enqueue_dma source(%dma_start3A_297 : memref<128xi32, #tpu.memory_space<hbm>>) target(%dma_start3A_296 : memref<128xi32, #tpu.memory_space<vmem>>) target_semaphore(%arg20 : memref<!tpu.dma_semaphore, #tpu.memory_space<semaphore_mem>>)
    %max3A_298 = arith.constant 2 : i32
    %max3A_299 = arith.maxsi %select_n3A, %max3A_298 : i32
    %add3A_300 = arith.constant 1 : i32
    %add3A_301 = arith.addi %max3A_299, %add3A_300 : i32
    %jit3A_302 = arith.constant 2 : i32
    %div3A_303 = arith.divsi %add3A_301, %jit3A_302 : i32
    %sign3A_304 = arith.constant 0 : i32
    %sign3A_305 = arith.cmpi sgt, %add3A_301, %sign3A_304 : i32
    %sign3A_306 = arith.extui %sign3A_305 : i1 to i32
    %sign3A_307 = arith.constant 0 : i32
    %sign3A_308 = arith.cmpi slt, %add3A_301, %sign3A_307 : i32
    %sign3A_309 = arith.extui %sign3A_308 : i1 to i32
    %sign3A_310 = arith.subi %sign3A_306, %sign3A_309 : i32
    %sign3A_311 = arith.constant 0 : i32
    %sign3A_312 = arith.cmpi sgt, %jit3A_302, %sign3A_311 : i32
    %sign3A_313 = arith.extui %sign3A_312 : i1 to i32
    %sign3A_314 = arith.constant 0 : i32
    %sign3A_315 = arith.cmpi slt, %jit3A_302, %sign3A_314 : i32
    %sign3A_316 = arith.extui %sign3A_315 : i1 to i32
    %sign3A_317 = arith.subi %sign3A_313, %sign3A_316 : i32
    %ne3A_318 = arith.cmpi ne, %sign3A_310, %sign3A_317 : i32
    %rem3A_319 = arith.remsi %add3A_301, %jit3A_302 : i32
    %ne3A_320 = arith.constant 0 : i32
    %ne3A_321 = arith.cmpi ne, %rem3A_319, %ne3A_320 : i32
    %and3A_322 = arith.andi %ne3A_318, %ne3A_321 : i1
    %sub3A_323 = arith.constant 1 : i32
    %sub3A_324 = arith.subi %div3A_303, %sub3A_323 : i32
    %select_n3A_325 = arith.select %and3A_322, %sub3A_324, %div3A_303 : i32
    %while3A = arith.constant 0 : i32
    %while3A_326 = arith.constant 0 : i32
    %while3A_327 = arith.subi %select_n3A_325, %while3A_326 : i32
    %while3A_328 = arith.addi %while3A_326, %while3A_327 : i32
    %while3A_329 = arith.constant 1 : i32
    %while3A_330 = arith.divsi %while3A_327, %while3A_329 : i32
    %while3A_331 = arith.muli %while3A_330, %while3A_329 : i32
    %while3A_332 = arith.addi %while3A_326, %while3A_331 : i32
    %while3A_333 = arith.constant 1 : i32
    scf.for %while3A_453 = %while3A_326 to %while3A_332 step %while3A_333  : i32 {
      %mul3A_454 = arith.constant 2 : i32
      %mul3A_455 = arith.muli %mul3A_454, %while3A_453 : i32
      %dma_wait3A_456 = arith.constant 0 : i32
      %dma_wait3A_457 = arith.constant 0 : i32
      %dma_wait3A_458 = arith.constant 0 : i32
      %dma_wait3A_459 = arith.constant 0 : i32
      %dma_wait3A_460 = tpu.memref_slice %arg16[%dma_wait3A_457, %dma_wait3A_458, %dma_wait3A_459] : memref<3x128x48xf32, #tpu.memory_space<vmem>> -> memref<1x128x48xf32, #tpu.memory_space<vmem>>
      %dma_wait3A_461 = tpu.memref_squeeze %dma_wait3A_460 : memref<1x128x48xf32, #tpu.memory_space<vmem>> -> memref<128x48xf32, #tpu.memory_space<vmem>>
      %dma_wait3A_462 = arith.constant 0 : i32
      %dma_wait3A_463 = tpu.memref_slice %arg10[%dma_wait3A_456, %dma_wait3A_462] : memref<3x128xi32, #tpu.memory_space<vmem>> -> memref<1x128xi32, #tpu.memory_space<vmem>>
      %dma_wait3A_464 = tpu.memref_squeeze %dma_wait3A_463 : memref<1x128xi32, #tpu.memory_space<vmem>> -> memref<128xi32, #tpu.memory_space<vmem>>
      %dma_wait3A_465 = arith.constant 0 : i32
      %dma_wait3A_466 = arith.constant 0 : i32
      %dma_wait3A_467 = tpu.memref_slice %arg2[%dma_wait3A_465, %dma_wait3A_466] : memref<50176x48xf32, #tpu.memory_space<hbm>> -> memref<50176x48xf32, #tpu.memory_space<hbm>>
      tpu.wait_indirect_dma semaphore(%arg21 : memref<!tpu.dma_semaphore, #tpu.memory_space<semaphore_mem>>) src(%dma_wait3A_467 : memref<50176x48xf32, #tpu.memory_space<hbm>>) dst(%dma_wait3A_461 : memref<128x48xf32, #tpu.memory_space<vmem>>)
      %dma_wait3A_468 = arith.constant 1 : i32
      %dma_wait3A_469 = arith.constant 1 : i32
      %dma_wait3A_470 = arith.constant 0 : i32
      %dma_wait3A_471 = arith.constant 0 : i32
      %dma_wait3A_472 = tpu.memref_slice %arg16[%dma_wait3A_469, %dma_wait3A_470, %dma_wait3A_471] : memref<3x128x48xf32, #tpu.memory_space<vmem>> -> memref<1x128x48xf32, #tpu.memory_space<vmem>>
      %dma_wait3A_473 = tpu.memref_squeeze %dma_wait3A_472 : memref<1x128x48xf32, #tpu.memory_space<vmem>> -> memref<128x48xf32, #tpu.memory_space<vmem>>
      %dma_wait3A_474 = arith.constant 0 : i32
      %dma_wait3A_475 = tpu.memref_slice %arg10[%dma_wait3A_468, %dma_wait3A_474] : memref<3x128xi32, #tpu.memory_space<vmem>> -> memref<1x128xi32, #tpu.memory_space<vmem>>
      %dma_wait3A_476 = tpu.memref_squeeze %dma_wait3A_475 : memref<1x128xi32, #tpu.memory_space<vmem>> -> memref<128xi32, #tpu.memory_space<vmem>>
      %dma_wait3A_477 = arith.constant 0 : i32
      %dma_wait3A_478 = arith.constant 0 : i32
      %dma_wait3A_479 = tpu.memref_slice %arg2[%dma_wait3A_477, %dma_wait3A_478] : memref<50176x48xf32, #tpu.memory_space<hbm>> -> memref<50176x48xf32, #tpu.memory_space<hbm>>
      tpu.wait_indirect_dma semaphore(%arg21 : memref<!tpu.dma_semaphore, #tpu.memory_space<semaphore_mem>>) src(%dma_wait3A_479 : memref<50176x48xf32, #tpu.memory_space<hbm>>) dst(%dma_wait3A_473 : memref<128x48xf32, #tpu.memory_space<vmem>>)
      %dma_wait3A_480 = arith.constant 2 : i32
      %dma_wait3A_481 = arith.constant 2 : i32
      %dma_wait3A_482 = arith.constant 0 : i32
      %dma_wait3A_483 = arith.constant 0 : i32
      %dma_wait3A_484 = tpu.memref_slice %arg16[%dma_wait3A_481, %dma_wait3A_482, %dma_wait3A_483] : memref<3x128x48xf32, #tpu.memory_space<vmem>> -> memref<1x128x48xf32, #tpu.memory_space<vmem>>
      %dma_wait3A_485 = tpu.memref_squeeze %dma_wait3A_484 : memref<1x128x48xf32, #tpu.memory_space<vmem>> -> memref<128x48xf32, #tpu.memory_space<vmem>>
      %dma_wait3A_486 = arith.constant 0 : i32
      %dma_wait3A_487 = tpu.memref_slice %arg10[%dma_wait3A_480, %dma_wait3A_486] : memref<3x128xi32, #tpu.memory_space<vmem>> -> memref<1x128xi32, #tpu.memory_space<vmem>>
      %dma_wait3A_488 = tpu.memref_squeeze %dma_wait3A_487 : memref<1x128xi32, #tpu.memory_space<vmem>> -> memref<128xi32, #tpu.memory_space<vmem>>
      %dma_wait3A_489 = arith.constant 0 : i32
      %dma_wait3A_490 = arith.constant 0 : i32
      %dma_wait3A_491 = tpu.memref_slice %arg2[%dma_wait3A_489, %dma_wait3A_490] : memref<50176x48xf32, #tpu.memory_space<hbm>> -> memref<50176x48xf32, #tpu.memory_space<hbm>>
      tpu.wait_indirect_dma semaphore(%arg21 : memref<!tpu.dma_semaphore, #tpu.memory_space<semaphore_mem>>) src(%dma_wait3A_491 : memref<50176x48xf32, #tpu.memory_space<hbm>>) dst(%dma_wait3A_485 : memref<128x48xf32, #tpu.memory_space<vmem>>)
      %add3A_492 = arith.constant 1 : i32
      %add3A_493 = arith.addi %mul3A_455, %add3A_492 : i32
      %mul3A_494 = arith.constant 384 : i32
      %mul3A_495 = arith.muli %add3A_493, %mul3A_494 : i32
      %min3A_496 = arith.minsi %mul3A_495, %mul3A_48 : i32
      %multiple_of3A_497 = tpu.assume_multiple %min3A_496, 128 : i32
      %add3A_498 = arith.addi %multiple_of3A_5, %multiple_of3A_497 : i32
      %dma_wait3A_499 = tpu.memref_slice %arg6[%add3A_498] : memref<25690112xf32, #tpu.memory_space<hbm>> -> memref<384xf32, #tpu.memory_space<hbm>>
      %dma_wait3A_500 = tpu.memref_slice %arg6[%add3A_498] : memref<25690112xf32, #tpu.memory_space<hbm>> -> memref<384xf32, #tpu.memory_space<hbm>>
      tpu.wait_dma2 semaphore(%arg20 : memref<!tpu.dma_semaphore, #tpu.memory_space<semaphore_mem>>) src(%dma_wait3A_500 : memref<384xf32, #tpu.memory_space<hbm>>) dst(%arg15 : memref<384xf32, #tpu.memory_space<vmem>>)
      %add3A_501 = arith.constant 0 : i32
      %add3A_502 = arith.addi %add3A_498, %add3A_501 : i32
      %dma_wait3A_503 = arith.constant 0 : i32
      %dma_wait3A_504 = arith.constant 0 : i32
      %dma_wait3A_505 = tpu.memref_slice %arg11[%dma_wait3A_503, %dma_wait3A_504] : memref<3x128xi32, #tpu.memory_space<vmem>> -> memref<1x128xi32, #tpu.memory_space<vmem>>
      %dma_wait3A_506 = tpu.memref_squeeze %dma_wait3A_505 : memref<1x128xi32, #tpu.memory_space<vmem>> -> memref<128xi32, #tpu.memory_space<vmem>>
      %dma_wait3A_507 = tpu.memref_slice %arg4[%add3A_502] : memref<25690112xi32, #tpu.memory_space<hbm>> -> memref<128xi32, #tpu.memory_space<hbm>>
      %dma_wait3A_508 = arith.constant 0 : i32
      %dma_wait3A_509 = tpu.memref_slice %arg11[%dma_wait3A_503, %dma_wait3A_508] : memref<3x128xi32, #tpu.memory_space<vmem>> -> memref<1x128xi32, #tpu.memory_space<vmem>>
      %dma_wait3A_510 = tpu.memref_squeeze %dma_wait3A_509 : memref<1x128xi32, #tpu.memory_space<vmem>> -> memref<128xi32, #tpu.memory_space<vmem>>
      %dma_wait3A_511 = tpu.memref_slice %arg4[%add3A_502] : memref<25690112xi32, #tpu.memory_space<hbm>> -> memref<128xi32, #tpu.memory_space<hbm>>
      tpu.wait_dma2 semaphore(%arg20 : memref<!tpu.dma_semaphore, #tpu.memory_space<semaphore_mem>>) src(%dma_wait3A_511 : memref<128xi32, #tpu.memory_space<hbm>>) dst(%dma_wait3A_510 : memref<128xi32, #tpu.memory_space<vmem>>)
      %add3A_512 = arith.constant 0 : i32
      %add3A_513 = arith.addi %add3A_498, %add3A_512 : i32
      %dma_wait3A_514 = arith.constant 0 : i32
      %dma_wait3A_515 = arith.constant 0 : i32
      %dma_wait3A_516 = tpu.memref_slice %arg13[%dma_wait3A_514, %dma_wait3A_515] : memref<3x128xi32, #tpu.memory_space<vmem>> -> memref<1x128xi32, #tpu.memory_space<vmem>>
      %dma_wait3A_517 = tpu.memref_squeeze %dma_wait3A_516 : memref<1x128xi32, #tpu.memory_space<vmem>> -> memref<128xi32, #tpu.memory_space<vmem>>
      %dma_wait3A_518 = tpu.memref_slice %arg5[%add3A_513] : memref<25690112xi32, #tpu.memory_space<hbm>> -> memref<128xi32, #tpu.memory_space<hbm>>
      %dma_wait3A_519 = arith.constant 0 : i32
      %dma_wait3A_520 = tpu.memref_slice %arg13[%dma_wait3A_514, %dma_wait3A_519] : memref<3x128xi32, #tpu.memory_space<vmem>> -> memref<1x128xi32, #tpu.memory_space<vmem>>
      %dma_wait3A_521 = tpu.memref_squeeze %dma_wait3A_520 : memref<1x128xi32, #tpu.memory_space<vmem>> -> memref<128xi32, #tpu.memory_space<vmem>>
      %dma_wait3A_522 = tpu.memref_slice %arg5[%add3A_513] : memref<25690112xi32, #tpu.memory_space<hbm>> -> memref<128xi32, #tpu.memory_space<hbm>>
      tpu.wait_dma2 semaphore(%arg20 : memref<!tpu.dma_semaphore, #tpu.memory_space<semaphore_mem>>) src(%dma_wait3A_522 : memref<128xi32, #tpu.memory_space<hbm>>) dst(%dma_wait3A_521 : memref<128xi32, #tpu.memory_space<vmem>>)
      %add3A_523 = arith.constant 128 : i32
      %add3A_524 = arith.addi %add3A_498, %add3A_523 : i32
      %dma_wait3A_525 = arith.constant 1 : i32
      %dma_wait3A_526 = arith.constant 0 : i32
      %dma_wait3A_527 = tpu.memref_slice %arg11[%dma_wait3A_525, %dma_wait3A_526] : memref<3x128xi32, #tpu.memory_space<vmem>> -> memref<1x128xi32, #tpu.memory_space<vmem>>
      %dma_wait3A_528 = tpu.memref_squeeze %dma_wait3A_527 : memref<1x128xi32, #tpu.memory_space<vmem>> -> memref<128xi32, #tpu.memory_space<vmem>>
      %dma_wait3A_529 = tpu.memref_slice %arg4[%add3A_524] : memref<25690112xi32, #tpu.memory_space<hbm>> -> memref<128xi32, #tpu.memory_space<hbm>>
      %dma_wait3A_530 = arith.constant 0 : i32
      %dma_wait3A_531 = tpu.memref_slice %arg11[%dma_wait3A_525, %dma_wait3A_530] : memref<3x128xi32, #tpu.memory_space<vmem>> -> memref<1x128xi32, #tpu.memory_space<vmem>>
      %dma_wait3A_532 = tpu.memref_squeeze %dma_wait3A_531 : memref<1x128xi32, #tpu.memory_space<vmem>> -> memref<128xi32, #tpu.memory_space<vmem>>
      %dma_wait3A_533 = tpu.memref_slice %arg4[%add3A_524] : memref<25690112xi32, #tpu.memory_space<hbm>> -> memref<128xi32, #tpu.memory_space<hbm>>
      tpu.wait_dma2 semaphore(%arg20 : memref<!tpu.dma_semaphore, #tpu.memory_space<semaphore_mem>>) src(%dma_wait3A_533 : memref<128xi32, #tpu.memory_space<hbm>>) dst(%dma_wait3A_532 : memref<128xi32, #tpu.memory_space<vmem>>)
      %add3A_534 = arith.constant 128 : i32
      %add3A_535 = arith.addi %add3A_498, %add3A_534 : i32
      %dma_wait3A_536 = arith.constant 1 : i32
      %dma_wait3A_537 = arith.constant 0 : i32
      %dma_wait3A_538 = tpu.memref_slice %arg13[%dma_wait3A_536, %dma_wait3A_537] : memref<3x128xi32, #tpu.memory_space<vmem>> -> memref<1x128xi32, #tpu.memory_space<vmem>>
      %dma_wait3A_539 = tpu.memref_squeeze %dma_wait3A_538 : memref<1x128xi32, #tpu.memory_space<vmem>> -> memref<128xi32, #tpu.memory_space<vmem>>
      %dma_wait3A_540 = tpu.memref_slice %arg5[%add3A_535] : memref<25690112xi32, #tpu.memory_space<hbm>> -> memref<128xi32, #tpu.memory_space<hbm>>
      %dma_wait3A_541 = arith.constant 0 : i32
      %dma_wait3A_542 = tpu.memref_slice %arg13[%dma_wait3A_536, %dma_wait3A_541] : memref<3x128xi32, #tpu.memory_space<vmem>> -> memref<1x128xi32, #tpu.memory_space<vmem>>
      %dma_wait3A_543 = tpu.memref_squeeze %dma_wait3A_542 : memref<1x128xi32, #tpu.memory_space<vmem>> -> memref<128xi32, #tpu.memory_space<vmem>>
      %dma_wait3A_544 = tpu.memref_slice %arg5[%add3A_535] : memref<25690112xi32, #tpu.memory_space<hbm>> -> memref<128xi32, #tpu.memory_space<hbm>>
      tpu.wait_dma2 semaphore(%arg20 : memref<!tpu.dma_semaphore, #tpu.memory_space<semaphore_mem>>) src(%dma_wait3A_544 : memref<128xi32, #tpu.memory_space<hbm>>) dst(%dma_wait3A_543 : memref<128xi32, #tpu.memory_space<vmem>>)
      %add3A_545 = arith.constant 256 : i32
      %add3A_546 = arith.addi %add3A_498, %add3A_545 : i32
      %dma_wait3A_547 = arith.constant 2 : i32
      %dma_wait3A_548 = arith.constant 0 : i32
      %dma_wait3A_549 = tpu.memref_slice %arg11[%dma_wait3A_547, %dma_wait3A_548] : memref<3x128xi32, #tpu.memory_space<vmem>> -> memref<1x128xi32, #tpu.memory_space<vmem>>
      %dma_wait3A_550 = tpu.memref_squeeze %dma_wait3A_549 : memref<1x128xi32, #tpu.memory_space<vmem>> -> memref<128xi32, #tpu.memory_space<vmem>>
      %dma_wait3A_551 = tpu.memref_slice %arg4[%add3A_546] : memref<25690112xi32, #tpu.memory_space<hbm>> -> memref<128xi32, #tpu.memory_space<hbm>>
      %dma_wait3A_552 = arith.constant 0 : i32
      %dma_wait3A_553 = tpu.memref_slice %arg11[%dma_wait3A_547, %dma_wait3A_552] : memref<3x128xi32, #tpu.memory_space<vmem>> -> memref<1x128xi32, #tpu.memory_space<vmem>>
      %dma_wait3A_554 = tpu.memref_squeeze %dma_wait3A_553 : memref<1x128xi32, #tpu.memory_space<vmem>> -> memref<128xi32, #tpu.memory_space<vmem>>
      %dma_wait3A_555 = tpu.memref_slice %arg4[%add3A_546] : memref<25690112xi32, #tpu.memory_space<hbm>> -> memref<128xi32, #tpu.memory_space<hbm>>
      tpu.wait_dma2 semaphore(%arg20 : memref<!tpu.dma_semaphore, #tpu.memory_space<semaphore_mem>>) src(%dma_wait3A_555 : memref<128xi32, #tpu.memory_space<hbm>>) dst(%dma_wait3A_554 : memref<128xi32, #tpu.memory_space<vmem>>)
      %add3A_556 = arith.constant 256 : i32
      %add3A_557 = arith.addi %add3A_498, %add3A_556 : i32
      %dma_wait3A_558 = arith.constant 2 : i32
      %dma_wait3A_559 = arith.constant 0 : i32
      %dma_wait3A_560 = tpu.memref_slice %arg13[%dma_wait3A_558, %dma_wait3A_559] : memref<3x128xi32, #tpu.memory_space<vmem>> -> memref<1x128xi32, #tpu.memory_space<vmem>>
      %dma_wait3A_561 = tpu.memref_squeeze %dma_wait3A_560 : memref<1x128xi32, #tpu.memory_space<vmem>> -> memref<128xi32, #tpu.memory_space<vmem>>
      %dma_wait3A_562 = tpu.memref_slice %arg5[%add3A_557] : memref<25690112xi32, #tpu.memory_space<hbm>> -> memref<128xi32, #tpu.memory_space<hbm>>
      %dma_wait3A_563 = arith.constant 0 : i32
      %dma_wait3A_564 = tpu.memref_slice %arg13[%dma_wait3A_558, %dma_wait3A_563] : memref<3x128xi32, #tpu.memory_space<vmem>> -> memref<1x128xi32, #tpu.memory_space<vmem>>
      %dma_wait3A_565 = tpu.memref_squeeze %dma_wait3A_564 : memref<1x128xi32, #tpu.memory_space<vmem>> -> memref<128xi32, #tpu.memory_space<vmem>>
      %dma_wait3A_566 = tpu.memref_slice %arg5[%add3A_557] : memref<25690112xi32, #tpu.memory_space<hbm>> -> memref<128xi32, #tpu.memory_space<hbm>>
      tpu.wait_dma2 semaphore(%arg20 : memref<!tpu.dma_semaphore, #tpu.memory_space<semaphore_mem>>) src(%dma_wait3A_566 : memref<128xi32, #tpu.memory_space<hbm>>) dst(%dma_wait3A_565 : memref<128xi32, #tpu.memory_space<vmem>>)
      %dma_start3A_567 = arith.constant 0 : i32
      %dma_start3A_568 = arith.constant 0 : i32
      %dma_start3A_569 = arith.constant 0 : i32
      %dma_start3A_570 = arith.constant 0 : i32
      %dma_start3A_571 = tpu.memref_slice %arg17[%dma_start3A_568, %dma_start3A_569, %dma_start3A_570] : memref<3x128x48xf32, #tpu.memory_space<vmem>> -> memref<1x128x48xf32, #tpu.memory_space<vmem>>
      %dma_start3A_572 = tpu.memref_squeeze %dma_start3A_571 : memref<1x128x48xf32, #tpu.memory_space<vmem>> -> memref<128x48xf32, #tpu.memory_space<vmem>>
      %dma_start3A_573 = arith.constant 0 : i32
      %dma_start3A_574 = tpu.memref_slice %arg11[%dma_start3A_567, %dma_start3A_573] : memref<3x128xi32, #tpu.memory_space<vmem>> -> memref<1x128xi32, #tpu.memory_space<vmem>>
      %dma_start3A_575 = tpu.memref_squeeze %dma_start3A_574 : memref<1x128xi32, #tpu.memory_space<vmem>> -> memref<128xi32, #tpu.memory_space<vmem>>
      %dma_start3A_576 = arith.constant 0 : i32
      %dma_start3A_577 = arith.constant 0 : i32
      %dma_start3A_578 = tpu.memref_slice %arg2[%dma_start3A_576, %dma_start3A_577] : memref<50176x48xf32, #tpu.memory_space<hbm>> -> memref<50176x48xf32, #tpu.memory_space<hbm>>
      tpu.enqueue_indirect_dma source(%dma_start3A_578 : memref<50176x48xf32, #tpu.memory_space<hbm>>) target(%dma_start3A_572 : memref<128x48xf32, #tpu.memory_space<vmem>>) offsets(%dma_start3A_575 : memref<128xi32, #tpu.memory_space<vmem>>) semaphore(%arg22 : memref<!tpu.dma_semaphore, #tpu.memory_space<semaphore_mem>>)
      %dma_start3A_579 = arith.constant 1 : i32
      %dma_start3A_580 = arith.constant 1 : i32
      %dma_start3A_581 = arith.constant 0 : i32
      %dma_start3A_582 = arith.constant 0 : i32
      %dma_start3A_583 = tpu.memref_slice %arg17[%dma_start3A_580, %dma_start3A_581, %dma_start3A_582] : memref<3x128x48xf32, #tpu.memory_space<vmem>> -> memref<1x128x48xf32, #tpu.memory_space<vmem>>
      %dma_start3A_584 = tpu.memref_squeeze %dma_start3A_583 : memref<1x128x48xf32, #tpu.memory_space<vmem>> -> memref<128x48xf32, #tpu.memory_space<vmem>>
      %dma_start3A_585 = arith.constant 0 : i32
      %dma_start3A_586 = tpu.memref_slice %arg11[%dma_start3A_579, %dma_start3A_585] : memref<3x128xi32, #tpu.memory_space<vmem>> -> memref<1x128xi32, #tpu.memory_space<vmem>>
      %dma_start3A_587 = tpu.memref_squeeze %dma_start3A_586 : memref<1x128xi32, #tpu.memory_space<vmem>> -> memref<128xi32, #tpu.memory_space<vmem>>
      %dma_start3A_588 = arith.constant 0 : i32
      %dma_start3A_589 = arith.constant 0 : i32
      %dma_start3A_590 = tpu.memref_slice %arg2[%dma_start3A_588, %dma_start3A_589] : memref<50176x48xf32, #tpu.memory_space<hbm>> -> memref<50176x48xf32, #tpu.memory_space<hbm>>
      tpu.enqueue_indirect_dma source(%dma_start3A_590 : memref<50176x48xf32, #tpu.memory_space<hbm>>) target(%dma_start3A_584 : memref<128x48xf32, #tpu.memory_space<vmem>>) offsets(%dma_start3A_587 : memref<128xi32, #tpu.memory_space<vmem>>) semaphore(%arg22 : memref<!tpu.dma_semaphore, #tpu.memory_space<semaphore_mem>>)
      %dma_start3A_591 = arith.constant 2 : i32
      %dma_start3A_592 = arith.constant 2 : i32
      %dma_start3A_593 = arith.constant 0 : i32
      %dma_start3A_594 = arith.constant 0 : i32
      %dma_start3A_595 = tpu.memref_slice %arg17[%dma_start3A_592, %dma_start3A_593, %dma_start3A_594] : memref<3x128x48xf32, #tpu.memory_space<vmem>> -> memref<1x128x48xf32, #tpu.memory_space<vmem>>
      %dma_start3A_596 = tpu.memref_squeeze %dma_start3A_595 : memref<1x128x48xf32, #tpu.memory_space<vmem>> -> memref<128x48xf32, #tpu.memory_space<vmem>>
      %dma_start3A_597 = arith.constant 0 : i32
      %dma_start3A_598 = tpu.memref_slice %arg11[%dma_start3A_591, %dma_start3A_597] : memref<3x128xi32, #tpu.memory_space<vmem>> -> memref<1x128xi32, #tpu.memory_space<vmem>>
      %dma_start3A_599 = tpu.memref_squeeze %dma_start3A_598 : memref<1x128xi32, #tpu.memory_space<vmem>> -> memref<128xi32, #tpu.memory_space<vmem>>
      %dma_start3A_600 = arith.constant 0 : i32
      %dma_start3A_601 = arith.constant 0 : i32
      %dma_start3A_602 = tpu.memref_slice %arg2[%dma_start3A_600, %dma_start3A_601] : memref<50176x48xf32, #tpu.memory_space<hbm>> -> memref<50176x48xf32, #tpu.memory_space<hbm>>
      tpu.enqueue_indirect_dma source(%dma_start3A_602 : memref<50176x48xf32, #tpu.memory_space<hbm>>) target(%dma_start3A_596 : memref<128x48xf32, #tpu.memory_space<vmem>>) offsets(%dma_start3A_599 : memref<128xi32, #tpu.memory_space<vmem>>) semaphore(%arg22 : memref<!tpu.dma_semaphore, #tpu.memory_space<semaphore_mem>>)
      %mul3A_603 = arith.constant 384 : i32
      %mul3A_604 = arith.muli %mul3A_455, %mul3A_603 : i32
      %sub3A_605 = arith.subi %reduce_max3A_23, %mul3A_604 : i32
      %sub3A_606 = arith.constant 0 : i32
      %sub3A_607 = arith.subi %sub3A_605, %sub3A_606 : i32
      %broadcast_in_dim3A_608 = vector.broadcast %sub3A_607 : i32 to vector<16xi32>
      %broadcast_in_dim3A_609 = arith.constant 0 : i32
      %broadcast_in_dim3A_610 = vector.broadcast %broadcast_in_dim3A_609 : i32 to vector<16xi32>
      %scan3A_611 = arith.constant 0 : i32
      %scan3A_612 = arith.constant 0 : i32
      %scan3A_613 = arith.constant 32 : i32
      %scan3A_614 = arith.addi %scan3A_612, %scan3A_613 : i32
      %scan3A_615 = arith.constant 1 : i32
      scf.for %scan3A_974 = %scan3A_612 to %scan3A_614 step %scan3A_615  : i32 {
        %mul3A_975 = arith.constant 4 : i32
        %mul3A_976 = arith.muli %scan3A_974, %mul3A_975 : i32
        %add3A_977 = arith.constant 0 : i32
        %add3A_978 = arith.addi %mul3A_976, %add3A_977 : i32
        %broadcast_in_dim3A_979 = vector.broadcast %add3A_978 : i32 to vector<16xi32>
        %add3A_980 = arith.constant 0 : i32
        %add3A_981 = vector.broadcast %add3A_980 : i32 to vector<16xi32>
        %add3A_982 = arith.addi %broadcast_in_dim3A_979, %add3A_981 : vector<16xi32>
        %gather3A = tpu.vector_load_idx %arg14[%add3A_982] : memref<384xf32, #tpu.memory_space<vmem>>[vector<16xi32>], vector<16xf32>,
        %lt3A = arith.cmpi slt, %broadcast_in_dim3A_979, %broadcast_in_dim3A_608 : vector<16xi32>
        %select_n3A_983 = arith.select %lt3A, %gather3A, %broadcast_in_dim3A_12 : vector<16xi1>, vector<16xf32>
        %gather3A_984 = tpu.vector_load_idx %arg12[%broadcast_in_dim3A_610, %broadcast_in_dim3A_979] : memref<3x128xi32, #tpu.memory_space<vmem>>[vector<16xi32>, vector<16xi32>], vector<16xi32>,
        %get3A_985 = arith.constant 0 : i32
        %get3A_986 = arith.index_cast %get3A_985 : i32 to index
        %get3A_987 = arith.index_cast %add3A_978 : i32 to index
        %get3A_988 = arith.constant 0 : index
        %get3A_989 = tpu.vector_load %arg16[%get3A_986, %get3A_987, %get3A_988] {strides = array<i32>} : memref<3x128x48xf32, #tpu.memory_space<vmem>>, vector<16xf32>,
        %mul3A_990 = arith.mulf %get3A_989, %select_n3A_983 : vector<16xf32>
        tpu.vector_store_idx %arg9[%gather3A_984, %iota3A], %mul3A_990 {add = true} : memref<1568x48xf32, #tpu.memory_space<vmem>>[vector<16xi32>, vector<16xi32>], vector<16xf32>,
        %get3A_991 = arith.constant 0 : i32
        %get3A_992 = arith.index_cast %get3A_991 : i32 to index
        %get3A_993 = arith.index_cast %add3A_978 : i32 to index
        %get3A_994 = arith.constant 16 : index
        %get3A_995 = tpu.vector_load %arg16[%get3A_992, %get3A_993, %get3A_994] {strides = array<i32>} : memref<3x128x48xf32, #tpu.memory_space<vmem>>, vector<16xf32>,
        %mul3A_996 = arith.mulf %get3A_995, %select_n3A_983 : vector<16xf32>
        tpu.vector_store_idx %arg9[%gather3A_984, %add3A_8], %mul3A_996 {add = true} : memref<1568x48xf32, #tpu.memory_space<vmem>>[vector<16xi32>, vector<16xi32>], vector<16xf32>,
        %get3A_997 = arith.constant 0 : i32
        %get3A_998 = arith.index_cast %get3A_997 : i32 to index
        %get3A_999 = arith.index_cast %add3A_978 : i32 to index
        %get3A_1000 = arith.constant 32 : index
        %get3A_1001 = tpu.vector_load %arg16[%get3A_998, %get3A_999, %get3A_1000] {strides = array<i32>} : memref<3x128x48xf32, #tpu.memory_space<vmem>>, vector<16xf32>,
        %mul3A_1002 = arith.mulf %get3A_1001, %select_n3A_983 : vector<16xf32>
        tpu.vector_store_idx %arg9[%gather3A_984, %add3A_11], %mul3A_1002 {add = true} : memref<1568x48xf32, #tpu.memory_space<vmem>>[vector<16xi32>, vector<16xi32>], vector<16xf32>,
        %mul3A_1003 = arith.constant 4 : i32
        %mul3A_1004 = arith.muli %scan3A_974, %mul3A_1003 : i32
        %add3A_1005 = arith.constant 1 : i32
        %add3A_1006 = arith.addi %mul3A_1004, %add3A_1005 : i32
        %broadcast_in_dim3A_1007 = vector.broadcast %add3A_1006 : i32 to vector<16xi32>
        %add3A_1008 = arith.constant 0 : i32
        %add3A_1009 = vector.broadcast %add3A_1008 : i32 to vector<16xi32>
        %add3A_1010 = arith.addi %broadcast_in_dim3A_1007, %add3A_1009 : vector<16xi32>
        %gather3A_1011 = tpu.vector_load_idx %arg14[%add3A_1010] : memref<384xf32, #tpu.memory_space<vmem>>[vector<16xi32>], vector<16xf32>,
        %lt3A_1012 = arith.cmpi slt, %broadcast_in_dim3A_1007, %broadcast_in_dim3A_608 : vector<16xi32>
        %select_n3A_1013 = arith.select %lt3A_1012, %gather3A_1011, %broadcast_in_dim3A_12 : vector<16xi1>, vector<16xf32>
        %gather3A_1014 = tpu.vector_load_idx %arg12[%broadcast_in_dim3A_610, %broadcast_in_dim3A_1007] : memref<3x128xi32, #tpu.memory_space<vmem>>[vector<16xi32>, vector<16xi32>], vector<16xi32>,
        %get3A_1015 = arith.constant 0 : i32
        %get3A_1016 = arith.index_cast %get3A_1015 : i32 to index
        %get3A_1017 = arith.index_cast %add3A_1006 : i32 to index
        %get3A_1018 = arith.constant 0 : index
        %get3A_1019 = tpu.vector_load %arg16[%get3A_1016, %get3A_1017, %get3A_1018] {strides = array<i32>} : memref<3x128x48xf32, #tpu.memory_space<vmem>>, vector<16xf32>,
        %mul3A_1020 = arith.mulf %get3A_1019, %select_n3A_1013 : vector<16xf32>
        tpu.vector_store_idx %arg9[%gather3A_1014, %iota3A], %mul3A_1020 {add = true} : memref<1568x48xf32, #tpu.memory_space<vmem>>[vector<16xi32>, vector<16xi32>], vector<16xf32>,
        %get3A_1021 = arith.constant 0 : i32
        %get3A_1022 = arith.index_cast %get3A_1021 : i32 to index
        %get3A_1023 = arith.index_cast %add3A_1006 : i32 to index
        %get3A_1024 = arith.constant 16 : index
        %get3A_1025 = tpu.vector_load %arg16[%get3A_1022, %get3A_1023, %get3A_1024] {strides = array<i32>} : memref<3x128x48xf32, #tpu.memory_space<vmem>>, vector<16xf32>,
        %mul3A_1026 = arith.mulf %get3A_1025, %select_n3A_1013 : vector<16xf32>
        tpu.vector_store_idx %arg9[%gather3A_1014, %add3A_8], %mul3A_1026 {add = true} : memref<1568x48xf32, #tpu.memory_space<vmem>>[vector<16xi32>, vector<16xi32>], vector<16xf32>,
        %get3A_1027 = arith.constant 0 : i32
        %get3A_1028 = arith.index_cast %get3A_1027 : i32 to index
        %get3A_1029 = arith.index_cast %add3A_1006 : i32 to index
        %get3A_1030 = arith.constant 32 : index
        %get3A_1031 = tpu.vector_load %arg16[%get3A_1028, %get3A_1029, %get3A_1030] {strides = array<i32>} : memref<3x128x48xf32, #tpu.memory_space<vmem>>, vector<16xf32>,
        %mul3A_1032 = arith.mulf %get3A_1031, %select_n3A_1013 : vector<16xf32>
        tpu.vector_store_idx %arg9[%gather3A_1014, %add3A_11], %mul3A_1032 {add = true} : memref<1568x48xf32, #tpu.memory_space<vmem>>[vector<16xi32>, vector<16xi32>], vector<16xf32>,
        %mul3A_1033 = arith.constant 4 : i32
        %mul3A_1034 = arith.muli %scan3A_974, %mul3A_1033 : i32
        %add3A_1035 = arith.constant 2 : i32
        %add3A_1036 = arith.addi %mul3A_1034, %add3A_1035 : i32
        %broadcast_in_dim3A_1037 = vector.broadcast %add3A_1036 : i32 to vector<16xi32>
        %add3A_1038 = arith.constant 0 : i32
        %add3A_1039 = vector.broadcast %add3A_1038 : i32 to vector<16xi32>
        %add3A_1040 = arith.addi %broadcast_in_dim3A_1037, %add3A_1039 : vector<16xi32>
        %gather3A_1041 = tpu.vector_load_idx %arg14[%add3A_1040] : memref<384xf32, #tpu.memory_space<vmem>>[vector<16xi32>], vector<16xf32>,
        %lt3A_1042 = arith.cmpi slt, %broadcast_in_dim3A_1037, %broadcast_in_dim3A_608 : vector<16xi32>
        %select_n3A_1043 = arith.select %lt3A_1042, %gather3A_1041, %broadcast_in_dim3A_12 : vector<16xi1>, vector<16xf32>
        %gather3A_1044 = tpu.vector_load_idx %arg12[%broadcast_in_dim3A_610, %broadcast_in_dim3A_1037] : memref<3x128xi32, #tpu.memory_space<vmem>>[vector<16xi32>, vector<16xi32>], vector<16xi32>,
        %get3A_1045 = arith.constant 0 : i32
        %get3A_1046 = arith.index_cast %get3A_1045 : i32 to index
        %get3A_1047 = arith.index_cast %add3A_1036 : i32 to index
        %get3A_1048 = arith.constant 0 : index
        %get3A_1049 = tpu.vector_load %arg16[%get3A_1046, %get3A_1047, %get3A_1048] {strides = array<i32>} : memref<3x128x48xf32, #tpu.memory_space<vmem>>, vector<16xf32>,
        %mul3A_1050 = arith.mulf %get3A_1049, %select_n3A_1043 : vector<16xf32>
        tpu.vector_store_idx %arg9[%gather3A_1044, %iota3A], %mul3A_1050 {add = true} : memref<1568x48xf32, #tpu.memory_space<vmem>>[vector<16xi32>, vector<16xi32>], vector<16xf32>,
        %get3A_1051 = arith.constant 0 : i32
        %get3A_1052 = arith.index_cast %get3A_1051 : i32 to index
        %get3A_1053 = arith.index_cast %add3A_1036 : i32 to index
        %get3A_1054 = arith.constant 16 : index
        %get3A_1055 = tpu.vector_load %arg16[%get3A_1052, %get3A_1053, %get3A_1054] {strides = array<i32>} : memref<3x128x48xf32, #tpu.memory_space<vmem>>, vector<16xf32>,
        %mul3A_1056 = arith.mulf %get3A_1055, %select_n3A_1043 : vector<16xf32>
        tpu.vector_store_idx %arg9[%gather3A_1044, %add3A_8], %mul3A_1056 {add = true} : memref<1568x48xf32, #tpu.memory_space<vmem>>[vector<16xi32>, vector<16xi32>], vector<16xf32>,
        %get3A_1057 = arith.constant 0 : i32
        %get3A_1058 = arith.index_cast %get3A_1057 : i32 to index
        %get3A_1059 = arith.index_cast %add3A_1036 : i32 to index
        %get3A_1060 = arith.constant 32 : index
        %get3A_1061 = tpu.vector_load %arg16[%get3A_1058, %get3A_1059, %get3A_1060] {strides = array<i32>} : memref<3x128x48xf32, #tpu.memory_space<vmem>>, vector<16xf32>,
        %mul3A_1062 = arith.mulf %get3A_1061, %select_n3A_1043 : vector<16xf32>
        tpu.vector_store_idx %arg9[%gather3A_1044, %add3A_11], %mul3A_1062 {add = true} : memref<1568x48xf32, #tpu.memory_space<vmem>>[vector<16xi32>, vector<16xi32>], vector<16xf32>,
        %mul3A_1063 = arith.constant 4 : i32
        %mul3A_1064 = arith.muli %scan3A_974, %mul3A_1063 : i32
        %add3A_1065 = arith.constant 3 : i32
        %add3A_1066 = arith.addi %mul3A_1064, %add3A_1065 : i32
        %broadcast_in_dim3A_1067 = vector.broadcast %add3A_1066 : i32 to vector<16xi32>
        %add3A_1068 = arith.constant 0 : i32
        %add3A_1069 = vector.broadcast %add3A_1068 : i32 to vector<16xi32>
        %add3A_1070 = arith.addi %broadcast_in_dim3A_1067, %add3A_1069 : vector<16xi32>
        %gather3A_1071 = tpu.vector_load_idx %arg14[%add3A_1070] : memref<384xf32, #tpu.memory_space<vmem>>[vector<16xi32>], vector<16xf32>,
        %lt3A_1072 = arith.cmpi slt, %broadcast_in_dim3A_1067, %broadcast_in_dim3A_608 : vector<16xi32>
        %select_n3A_1073 = arith.select %lt3A_1072, %gather3A_1071, %broadcast_in_dim3A_12 : vector<16xi1>, vector<16xf32>
        %gather3A_1074 = tpu.vector_load_idx %arg12[%broadcast_in_dim3A_610, %broadcast_in_dim3A_1067] : memref<3x128xi32, #tpu.memory_space<vmem>>[vector<16xi32>, vector<16xi32>], vector<16xi32>,
        %get3A_1075 = arith.constant 0 : i32
        %get3A_1076 = arith.index_cast %get3A_1075 : i32 to index
        %get3A_1077 = arith.index_cast %add3A_1066 : i32 to index
        %get3A_1078 = arith.constant 0 : index
        %get3A_1079 = tpu.vector_load %arg16[%get3A_1076, %get3A_1077, %get3A_1078] {strides = array<i32>} : memref<3x128x48xf32, #tpu.memory_space<vmem>>, vector<16xf32>,
        %mul3A_1080 = arith.mulf %get3A_1079, %select_n3A_1073 : vector<16xf32>
        tpu.vector_store_idx %arg9[%gather3A_1074, %iota3A], %mul3A_1080 {add = true} : memref<1568x48xf32, #tpu.memory_space<vmem>>[vector<16xi32>, vector<16xi32>], vector<16xf32>,
        %get3A_1081 = arith.constant 0 : i32
        %get3A_1082 = arith.index_cast %get3A_1081 : i32 to index
        %get3A_1083 = arith.index_cast %add3A_1066 : i32 to index
        %get3A_1084 = arith.constant 16 : index
        %get3A_1085 = tpu.vector_load %arg16[%get3A_1082, %get3A_1083, %get3A_1084] {strides = array<i32>} : memref<3x128x48xf32, #tpu.memory_space<vmem>>, vector<16xf32>,
        %mul3A_1086 = arith.mulf %get3A_1085, %select_n3A_1073 : vector<16xf32>
        tpu.vector_store_idx %arg9[%gather3A_1074, %add3A_8], %mul3A_1086 {add = true} : memref<1568x48xf32, #tpu.memory_space<vmem>>[vector<16xi32>, vector<16xi32>], vector<16xf32>,
        %get3A_1087 = arith.constant 0 : i32
        %get3A_1088 = arith.index_cast %get3A_1087 : i32 to index
        %get3A_1089 = arith.index_cast %add3A_1066 : i32 to index
        %get3A_1090 = arith.constant 32 : index
        %get3A_1091 = tpu.vector_load %arg16[%get3A_1088, %get3A_1089, %get3A_1090] {strides = array<i32>} : memref<3x128x48xf32, #tpu.memory_space<vmem>>, vector<16xf32>,
        %mul3A_1092 = arith.mulf %get3A_1091, %select_n3A_1073 : vector<16xf32>
        tpu.vector_store_idx %arg9[%gather3A_1074, %add3A_11], %mul3A_1092 {add = true} : memref<1568x48xf32, #tpu.memory_space<vmem>>[vector<16xi32>, vector<16xi32>], vector<16xf32>,
      }
      %scan3A_616 = arith.constant 32 : i32
      %sub3A_617 = arith.constant 128 : i32
      %sub3A_618 = arith.subi %sub3A_605, %sub3A_617 : i32
      %broadcast_in_dim3A_619 = vector.broadcast %sub3A_618 : i32 to vector<16xi32>
      %broadcast_in_dim3A_620 = arith.constant 1 : i32
      %broadcast_in_dim3A_621 = vector.broadcast %broadcast_in_dim3A_620 : i32 to vector<16xi32>
      %scan3A_622 = arith.constant 0 : i32
      %scan3A_623 = arith.constant 0 : i32
      %scan3A_624 = arith.constant 32 : i32
      %scan3A_625 = arith.addi %scan3A_623, %scan3A_624 : i32
      %scan3A_626 = arith.constant 1 : i32
      scf.for %scan3A_974 = %scan3A_623 to %scan3A_625 step %scan3A_626  : i32 {
        %mul3A_975 = arith.constant 4 : i32
        %mul3A_976 = arith.muli %scan3A_974, %mul3A_975 : i32
        %add3A_977 = arith.constant 0 : i32
        %add3A_978 = arith.addi %mul3A_976, %add3A_977 : i32
        %broadcast_in_dim3A_979 = vector.broadcast %add3A_978 : i32 to vector<16xi32>
        %add3A_980 = arith.constant 128 : i32
        %add3A_981 = vector.broadcast %add3A_980 : i32 to vector<16xi32>
        %add3A_982 = arith.addi %broadcast_in_dim3A_979, %add3A_981 : vector<16xi32>
        %gather3A = tpu.vector_load_idx %arg14[%add3A_982] : memref<384xf32, #tpu.memory_space<vmem>>[vector<16xi32>], vector<16xf32>,
        %lt3A = arith.cmpi slt, %broadcast_in_dim3A_979, %broadcast_in_dim3A_619 : vector<16xi32>
        %select_n3A_983 = arith.select %lt3A, %gather3A, %broadcast_in_dim3A_12 : vector<16xi1>, vector<16xf32>
        %gather3A_984 = tpu.vector_load_idx %arg12[%broadcast_in_dim3A_621, %broadcast_in_dim3A_979] : memref<3x128xi32, #tpu.memory_space<vmem>>[vector<16xi32>, vector<16xi32>], vector<16xi32>,
        %get3A_985 = arith.constant 1 : i32
        %get3A_986 = arith.index_cast %get3A_985 : i32 to index
        %get3A_987 = arith.index_cast %add3A_978 : i32 to index
        %get3A_988 = arith.constant 0 : index
        %get3A_989 = tpu.vector_load %arg16[%get3A_986, %get3A_987, %get3A_988] {strides = array<i32>} : memref<3x128x48xf32, #tpu.memory_space<vmem>>, vector<16xf32>,
        %mul3A_990 = arith.mulf %get3A_989, %select_n3A_983 : vector<16xf32>
        tpu.vector_store_idx %arg9[%gather3A_984, %iota3A], %mul3A_990 {add = true} : memref<1568x48xf32, #tpu.memory_space<vmem>>[vector<16xi32>, vector<16xi32>], vector<16xf32>,
        %get3A_991 = arith.constant 1 : i32
        %get3A_992 = arith.index_cast %get3A_991 : i32 to index
        %get3A_993 = arith.index_cast %add3A_978 : i32 to index
        %get3A_994 = arith.constant 16 : index
        %get3A_995 = tpu.vector_load %arg16[%get3A_992, %get3A_993, %get3A_994] {strides = array<i32>} : memref<3x128x48xf32, #tpu.memory_space<vmem>>, vector<16xf32>,
        %mul3A_996 = arith.mulf %get3A_995, %select_n3A_983 : vector<16xf32>
        tpu.vector_store_idx %arg9[%gather3A_984, %add3A_8], %mul3A_996 {add = true} : memref<1568x48xf32, #tpu.memory_space<vmem>>[vector<16xi32>, vector<16xi32>], vector<16xf32>,
        %get3A_997 = arith.constant 1 : i32
        %get3A_998 = arith.index_cast %get3A_997 : i32 to index
        %get3A_999 = arith.index_cast %add3A_978 : i32 to index
        %get3A_1000 = arith.constant 32 : index
        %get3A_1001 = tpu.vector_load %arg16[%get3A_998, %get3A_999, %get3A_1000] {strides = array<i32>} : memref<3x128x48xf32, #tpu.memory_space<vmem>>, vector<16xf32>,
        %mul3A_1002 = arith.mulf %get3A_1001, %select_n3A_983 : vector<16xf32>
        tpu.vector_store_idx %arg9[%gather3A_984, %add3A_11], %mul3A_1002 {add = true} : memref<1568x48xf32, #tpu.memory_space<vmem>>[vector<16xi32>, vector<16xi32>], vector<16xf32>,
        %mul3A_1003 = arith.constant 4 : i32
        %mul3A_1004 = arith.muli %scan3A_974, %mul3A_1003 : i32
        %add3A_1005 = arith.constant 1 : i32
        %add3A_1006 = arith.addi %mul3A_1004, %add3A_1005 : i32
        %broadcast_in_dim3A_1007 = vector.broadcast %add3A_1006 : i32 to vector<16xi32>
        %add3A_1008 = arith.constant 128 : i32
        %add3A_1009 = vector.broadcast %add3A_1008 : i32 to vector<16xi32>
        %add3A_1010 = arith.addi %broadcast_in_dim3A_1007, %add3A_1009 : vector<16xi32>
        %gather3A_1011 = tpu.vector_load_idx %arg14[%add3A_1010] : memref<384xf32, #tpu.memory_space<vmem>>[vector<16xi32>], vector<16xf32>,
        %lt3A_1012 = arith.cmpi slt, %broadcast_in_dim3A_1007, %broadcast_in_dim3A_619 : vector<16xi32>
        %select_n3A_1013 = arith.select %lt3A_1012, %gather3A_1011, %broadcast_in_dim3A_12 : vector<16xi1>, vector<16xf32>
        %gather3A_1014 = tpu.vector_load_idx %arg12[%broadcast_in_dim3A_621, %broadcast_in_dim3A_1007] : memref<3x128xi32, #tpu.memory_space<vmem>>[vector<16xi32>, vector<16xi32>], vector<16xi32>,
        %get3A_1015 = arith.constant 1 : i32
        %get3A_1016 = arith.index_cast %get3A_1015 : i32 to index
        %get3A_1017 = arith.index_cast %add3A_1006 : i32 to index
        %get3A_1018 = arith.constant 0 : index
        %get3A_1019 = tpu.vector_load %arg16[%get3A_1016, %get3A_1017, %get3A_1018] {strides = array<i32>} : memref<3x128x48xf32, #tpu.memory_space<vmem>>, vector<16xf32>,
        %mul3A_1020 = arith.mulf %get3A_1019, %select_n3A_1013 : vector<16xf32>
        tpu.vector_store_idx %arg9[%gather3A_1014, %iota3A], %mul3A_1020 {add = true} : memref<1568x48xf32, #tpu.memory_space<vmem>>[vector<16xi32>, vector<16xi32>], vector<16xf32>,
        %get3A_1021 = arith.constant 1 : i32
        %get3A_1022 = arith.index_cast %get3A_1021 : i32 to index
        %get3A_1023 = arith.index_cast %add3A_1006 : i32 to index
        %get3A_1024 = arith.constant 16 : index
        %get3A_1025 = tpu.vector_load %arg16[%get3A_1022, %get3A_1023, %get3A_1024] {strides = array<i32>} : memref<3x128x48xf32, #tpu.memory_space<vmem>>, vector<16xf32>,
        %mul3A_1026 = arith.mulf %get3A_1025, %select_n3A_1013 : vector<16xf32>
        tpu.vector_store_idx %arg9[%gather3A_1014, %add3A_8], %mul3A_1026 {add = true} : memref<1568x48xf32, #tpu.memory_space<vmem>>[vector<16xi32>, vector<16xi32>], vector<16xf32>,
        %get3A_1027 = arith.constant 1 : i32
        %get3A_1028 = arith.index_cast %get3A_1027 : i32 to index
        %get3A_1029 = arith.index_cast %add3A_1006 : i32 to index
        %get3A_1030 = arith.constant 32 : index
        %get3A_1031 = tpu.vector_load %arg16[%get3A_1028, %get3A_1029, %get3A_1030] {strides = array<i32>} : memref<3x128x48xf32, #tpu.memory_space<vmem>>, vector<16xf32>,
        %mul3A_1032 = arith.mulf %get3A_1031, %select_n3A_1013 : vector<16xf32>
        tpu.vector_store_idx %arg9[%gather3A_1014, %add3A_11], %mul3A_1032 {add = true} : memref<1568x48xf32, #tpu.memory_space<vmem>>[vector<16xi32>, vector<16xi32>], vector<16xf32>,
        %mul3A_1033 = arith.constant 4 : i32
        %mul3A_1034 = arith.muli %scan3A_974, %mul3A_1033 : i32
        %add3A_1035 = arith.constant 2 : i32
        %add3A_1036 = arith.addi %mul3A_1034, %add3A_1035 : i32
        %broadcast_in_dim3A_1037 = vector.broadcast %add3A_1036 : i32 to vector<16xi32>
        %add3A_1038 = arith.constant 128 : i32
        %add3A_1039 = vector.broadcast %add3A_1038 : i32 to vector<16xi32>
        %add3A_1040 = arith.addi %broadcast_in_dim3A_1037, %add3A_1039 : vector<16xi32>
        %gather3A_1041 = tpu.vector_load_idx %arg14[%add3A_1040] : memref<384xf32, #tpu.memory_space<vmem>>[vector<16xi32>], vector<16xf32>,
        %lt3A_1042 = arith.cmpi slt, %broadcast_in_dim3A_1037, %broadcast_in_dim3A_619 : vector<16xi32>
        %select_n3A_1043 = arith.select %lt3A_1042, %gather3A_1041, %broadcast_in_dim3A_12 : vector<16xi1>, vector<16xf32>
        %gather3A_1044 = tpu.vector_load_idx %arg12[%broadcast_in_dim3A_621, %broadcast_in_dim3A_1037] : memref<3x128xi32, #tpu.memory_space<vmem>>[vector<16xi32>, vector<16xi32>], vector<16xi32>,
        %get3A_1045 = arith.constant 1 : i32
        %get3A_1046 = arith.index_cast %get3A_1045 : i32 to index
        %get3A_1047 = arith.index_cast %add3A_1036 : i32 to index
        %get3A_1048 = arith.constant 0 : index
        %get3A_1049 = tpu.vector_load %arg16[%get3A_1046, %get3A_1047, %get3A_1048] {strides = array<i32>} : memref<3x128x48xf32, #tpu.memory_space<vmem>>, vector<16xf32>,
        %mul3A_1050 = arith.mulf %get3A_1049, %select_n3A_1043 : vector<16xf32>
        tpu.vector_store_idx %arg9[%gather3A_1044, %iota3A], %mul3A_1050 {add = true} : memref<1568x48xf32, #tpu.memory_space<vmem>>[vector<16xi32>, vector<16xi32>], vector<16xf32>,
        %get3A_1051 = arith.constant 1 : i32
        %get3A_1052 = arith.index_cast %get3A_1051 : i32 to index
        %get3A_1053 = arith.index_cast %add3A_1036 : i32 to index
        %get3A_1054 = arith.constant 16 : index
        %get3A_1055 = tpu.vector_load %arg16[%get3A_1052, %get3A_1053, %get3A_1054] {strides = array<i32>} : memref<3x128x48xf32, #tpu.memory_space<vmem>>, vector<16xf32>,
        %mul3A_1056 = arith.mulf %get3A_1055, %select_n3A_1043 : vector<16xf32>
        tpu.vector_store_idx %arg9[%gather3A_1044, %add3A_8], %mul3A_1056 {add = true} : memref<1568x48xf32, #tpu.memory_space<vmem>>[vector<16xi32>, vector<16xi32>], vector<16xf32>,
        %get3A_1057 = arith.constant 1 : i32
        %get3A_1058 = arith.index_cast %get3A_1057 : i32 to index
        %get3A_1059 = arith.index_cast %add3A_1036 : i32 to index
        %get3A_1060 = arith.constant 32 : index
        %get3A_1061 = tpu.vector_load %arg16[%get3A_1058, %get3A_1059, %get3A_1060] {strides = array<i32>} : memref<3x128x48xf32, #tpu.memory_space<vmem>>, vector<16xf32>,
        %mul3A_1062 = arith.mulf %get3A_1061, %select_n3A_1043 : vector<16xf32>
        tpu.vector_store_idx %arg9[%gather3A_1044, %add3A_11], %mul3A_1062 {add = true} : memref<1568x48xf32, #tpu.memory_space<vmem>>[vector<16xi32>, vector<16xi32>], vector<16xf32>,
        %mul3A_1063 = arith.constant 4 : i32
        %mul3A_1064 = arith.muli %scan3A_974, %mul3A_1063 : i32
        %add3A_1065 = arith.constant 3 : i32
        %add3A_1066 = arith.addi %mul3A_1064, %add3A_1065 : i32
        %broadcast_in_dim3A_1067 = vector.broadcast %add3A_1066 : i32 to vector<16xi32>
        %add3A_1068 = arith.constant 128 : i32
        %add3A_1069 = vector.broadcast %add3A_1068 : i32 to vector<16xi32>
        %add3A_1070 = arith.addi %broadcast_in_dim3A_1067, %add3A_1069 : vector<16xi32>
        %gather3A_1071 = tpu.vector_load_idx %arg14[%add3A_1070] : memref<384xf32, #tpu.memory_space<vmem>>[vector<16xi32>], vector<16xf32>,
        %lt3A_1072 = arith.cmpi slt, %broadcast_in_dim3A_1067, %broadcast_in_dim3A_619 : vector<16xi32>
        %select_n3A_1073 = arith.select %lt3A_1072, %gather3A_1071, %broadcast_in_dim3A_12 : vector<16xi1>, vector<16xf32>
        %gather3A_1074 = tpu.vector_load_idx %arg12[%broadcast_in_dim3A_621, %broadcast_in_dim3A_1067] : memref<3x128xi32, #tpu.memory_space<vmem>>[vector<16xi32>, vector<16xi32>], vector<16xi32>,
        %get3A_1075 = arith.constant 1 : i32
        %get3A_1076 = arith.index_cast %get3A_1075 : i32 to index
        %get3A_1077 = arith.index_cast %add3A_1066 : i32 to index
        %get3A_1078 = arith.constant 0 : index
        %get3A_1079 = tpu.vector_load %arg16[%get3A_1076, %get3A_1077, %get3A_1078] {strides = array<i32>} : memref<3x128x48xf32, #tpu.memory_space<vmem>>, vector<16xf32>,
        %mul3A_1080 = arith.mulf %get3A_1079, %select_n3A_1073 : vector<16xf32>
        tpu.vector_store_idx %arg9[%gather3A_1074, %iota3A], %mul3A_1080 {add = true} : memref<1568x48xf32, #tpu.memory_space<vmem>>[vector<16xi32>, vector<16xi32>], vector<16xf32>,
        %get3A_1081 = arith.constant 1 : i32
        %get3A_1082 = arith.index_cast %get3A_1081 : i32 to index
        %get3A_1083 = arith.index_cast %add3A_1066 : i32 to index
        %get3A_1084 = arith.constant 16 : index
        %get3A_1085 = tpu.vector_load %arg16[%get3A_1082, %get3A_1083, %get3A_1084] {strides = array<i32>} : memref<3x128x48xf32, #tpu.memory_space<vmem>>, vector<16xf32>,
        %mul3A_1086 = arith.mulf %get3A_1085, %select_n3A_1073 : vector<16xf32>
        tpu.vector_store_idx %arg9[%gather3A_1074, %add3A_8], %mul3A_1086 {add = true} : memref<1568x48xf32, #tpu.memory_space<vmem>>[vector<16xi32>, vector<16xi32>], vector<16xf32>,
        %get3A_1087 = arith.constant 1 : i32
        %get3A_1088 = arith.index_cast %get3A_1087 : i32 to index
        %get3A_1089 = arith.index_cast %add3A_1066 : i32 to index
        %get3A_1090 = arith.constant 32 : index
        %get3A_1091 = tpu.vector_load %arg16[%get3A_1088, %get3A_1089, %get3A_1090] {strides = array<i32>} : memref<3x128x48xf32, #tpu.memory_space<vmem>>, vector<16xf32>,
        %mul3A_1092 = arith.mulf %get3A_1091, %select_n3A_1073 : vector<16xf32>
        tpu.vector_store_idx %arg9[%gather3A_1074, %add3A_11], %mul3A_1092 {add = true} : memref<1568x48xf32, #tpu.memory_space<vmem>>[vector<16xi32>, vector<16xi32>], vector<16xf32>,
      }
      %scan3A_627 = arith.constant 32 : i32
      %sub3A_628 = arith.constant 256 : i32
      %sub3A_629 = arith.subi %sub3A_605, %sub3A_628 : i32
      %broadcast_in_dim3A_630 = vector.broadcast %sub3A_629 : i32 to vector<16xi32>
      %broadcast_in_dim3A_631 = arith.constant 2 : i32
      %broadcast_in_dim3A_632 = vector.broadcast %broadcast_in_dim3A_631 : i32 to vector<16xi32>
      %scan3A_633 = arith.constant 0 : i32
      %scan3A_634 = arith.constant 0 : i32
      %scan3A_635 = arith.constant 32 : i32
      %scan3A_636 = arith.addi %scan3A_634, %scan3A_635 : i32
      %scan3A_637 = arith.constant 1 : i32
      scf.for %scan3A_974 = %scan3A_634 to %scan3A_636 step %scan3A_637  : i32 {
        %mul3A_975 = arith.constant 4 : i32
        %mul3A_976 = arith.muli %scan3A_974, %mul3A_975 : i32
        %add3A_977 = arith.constant 0 : i32
        %add3A_978 = arith.addi %mul3A_976, %add3A_977 : i32
        %broadcast_in_dim3A_979 = vector.broadcast %add3A_978 : i32 to vector<16xi32>
        %add3A_980 = arith.constant 256 : i32
        %add3A_981 = vector.broadcast %add3A_980 : i32 to vector<16xi32>
        %add3A_982 = arith.addi %broadcast_in_dim3A_979, %add3A_981 : vector<16xi32>
        %gather3A = tpu.vector_load_idx %arg14[%add3A_982] : memref<384xf32, #tpu.memory_space<vmem>>[vector<16xi32>], vector<16xf32>,
        %lt3A = arith.cmpi slt, %broadcast_in_dim3A_979, %broadcast_in_dim3A_630 : vector<16xi32>
        %select_n3A_983 = arith.select %lt3A, %gather3A, %broadcast_in_dim3A_12 : vector<16xi1>, vector<16xf32>
        %gather3A_984 = tpu.vector_load_idx %arg12[%broadcast_in_dim3A_632, %broadcast_in_dim3A_979] : memref<3x128xi32, #tpu.memory_space<vmem>>[vector<16xi32>, vector<16xi32>], vector<16xi32>,
        %get3A_985 = arith.constant 2 : i32
        %get3A_986 = arith.index_cast %get3A_985 : i32 to index
        %get3A_987 = arith.index_cast %add3A_978 : i32 to index
        %get3A_988 = arith.constant 0 : index
        %get3A_989 = tpu.vector_load %arg16[%get3A_986, %get3A_987, %get3A_988] {strides = array<i32>} : memref<3x128x48xf32, #tpu.memory_space<vmem>>, vector<16xf32>,
        %mul3A_990 = arith.mulf %get3A_989, %select_n3A_983 : vector<16xf32>
        tpu.vector_store_idx %arg9[%gather3A_984, %iota3A], %mul3A_990 {add = true} : memref<1568x48xf32, #tpu.memory_space<vmem>>[vector<16xi32>, vector<16xi32>], vector<16xf32>,
        %get3A_991 = arith.constant 2 : i32
        %get3A_992 = arith.index_cast %get3A_991 : i32 to index
        %get3A_993 = arith.index_cast %add3A_978 : i32 to index
        %get3A_994 = arith.constant 16 : index
        %get3A_995 = tpu.vector_load %arg16[%get3A_992, %get3A_993, %get3A_994] {strides = array<i32>} : memref<3x128x48xf32, #tpu.memory_space<vmem>>, vector<16xf32>,
        %mul3A_996 = arith.mulf %get3A_995, %select_n3A_983 : vector<16xf32>
        tpu.vector_store_idx %arg9[%gather3A_984, %add3A_8], %mul3A_996 {add = true} : memref<1568x48xf32, #tpu.memory_space<vmem>>[vector<16xi32>, vector<16xi32>], vector<16xf32>,
        %get3A_997 = arith.constant 2 : i32
        %get3A_998 = arith.index_cast %get3A_997 : i32 to index
        %get3A_999 = arith.index_cast %add3A_978 : i32 to index
        %get3A_1000 = arith.constant 32 : index
        %get3A_1001 = tpu.vector_load %arg16[%get3A_998, %get3A_999, %get3A_1000] {strides = array<i32>} : memref<3x128x48xf32, #tpu.memory_space<vmem>>, vector<16xf32>,
        %mul3A_1002 = arith.mulf %get3A_1001, %select_n3A_983 : vector<16xf32>
        tpu.vector_store_idx %arg9[%gather3A_984, %add3A_11], %mul3A_1002 {add = true} : memref<1568x48xf32, #tpu.memory_space<vmem>>[vector<16xi32>, vector<16xi32>], vector<16xf32>,
        %mul3A_1003 = arith.constant 4 : i32
        %mul3A_1004 = arith.muli %scan3A_974, %mul3A_1003 : i32
        %add3A_1005 = arith.constant 1 : i32
        %add3A_1006 = arith.addi %mul3A_1004, %add3A_1005 : i32
        %broadcast_in_dim3A_1007 = vector.broadcast %add3A_1006 : i32 to vector<16xi32>
        %add3A_1008 = arith.constant 256 : i32
        %add3A_1009 = vector.broadcast %add3A_1008 : i32 to vector<16xi32>
        %add3A_1010 = arith.addi %broadcast_in_dim3A_1007, %add3A_1009 : vector<16xi32>
        %gather3A_1011 = tpu.vector_load_idx %arg14[%add3A_1010] : memref<384xf32, #tpu.memory_space<vmem>>[vector<16xi32>], vector<16xf32>,
        %lt3A_1012 = arith.cmpi slt, %broadcast_in_dim3A_1007, %broadcast_in_dim3A_630 : vector<16xi32>
        %select_n3A_1013 = arith.select %lt3A_1012, %gather3A_1011, %broadcast_in_dim3A_12 : vector<16xi1>, vector<16xf32>
        %gather3A_1014 = tpu.vector_load_idx %arg12[%broadcast_in_dim3A_632, %broadcast_in_dim3A_1007] : memref<3x128xi32, #tpu.memory_space<vmem>>[vector<16xi32>, vector<16xi32>], vector<16xi32>,
        %get3A_1015 = arith.constant 2 : i32
        %get3A_1016 = arith.index_cast %get3A_1015 : i32 to index
        %get3A_1017 = arith.index_cast %add3A_1006 : i32 to index
        %get3A_1018 = arith.constant 0 : index
        %get3A_1019 = tpu.vector_load %arg16[%get3A_1016, %get3A_1017, %get3A_1018] {strides = array<i32>} : memref<3x128x48xf32, #tpu.memory_space<vmem>>, vector<16xf32>,
        %mul3A_1020 = arith.mulf %get3A_1019, %select_n3A_1013 : vector<16xf32>
        tpu.vector_store_idx %arg9[%gather3A_1014, %iota3A], %mul3A_1020 {add = true} : memref<1568x48xf32, #tpu.memory_space<vmem>>[vector<16xi32>, vector<16xi32>], vector<16xf32>,
        %get3A_1021 = arith.constant 2 : i32
        %get3A_1022 = arith.index_cast %get3A_1021 : i32 to index
        %get3A_1023 = arith.index_cast %add3A_1006 : i32 to index
        %get3A_1024 = arith.constant 16 : index
        %get3A_1025 = tpu.vector_load %arg16[%get3A_1022, %get3A_1023, %get3A_1024] {strides = array<i32>} : memref<3x128x48xf32, #tpu.memory_space<vmem>>, vector<16xf32>,
        %mul3A_1026 = arith.mulf %get3A_1025, %select_n3A_1013 : vector<16xf32>
        tpu.vector_store_idx %arg9[%gather3A_1014, %add3A_8], %mul3A_1026 {add = true} : memref<1568x48xf32, #tpu.memory_space<vmem>>[vector<16xi32>, vector<16xi32>], vector<16xf32>,
        %get3A_1027 = arith.constant 2 : i32
        %get3A_1028 = arith.index_cast %get3A_1027 : i32 to index
        %get3A_1029 = arith.index_cast %add3A_1006 : i32 to index
        %get3A_1030 = arith.constant 32 : index
        %get3A_1031 = tpu.vector_load %arg16[%get3A_1028, %get3A_1029, %get3A_1030] {strides = array<i32>} : memref<3x128x48xf32, #tpu.memory_space<vmem>>, vector<16xf32>,
        %mul3A_1032 = arith.mulf %get3A_1031, %select_n3A_1013 : vector<16xf32>
        tpu.vector_store_idx %arg9[%gather3A_1014, %add3A_11], %mul3A_1032 {add = true} : memref<1568x48xf32, #tpu.memory_space<vmem>>[vector<16xi32>, vector<16xi32>], vector<16xf32>,
        %mul3A_1033 = arith.constant 4 : i32
        %mul3A_1034 = arith.muli %scan3A_974, %mul3A_1033 : i32
        %add3A_1035 = arith.constant 2 : i32
        %add3A_1036 = arith.addi %mul3A_1034, %add3A_1035 : i32
        %broadcast_in_dim3A_1037 = vector.broadcast %add3A_1036 : i32 to vector<16xi32>
        %add3A_1038 = arith.constant 256 : i32
        %add3A_1039 = vector.broadcast %add3A_1038 : i32 to vector<16xi32>
        %add3A_1040 = arith.addi %broadcast_in_dim3A_1037, %add3A_1039 : vector<16xi32>
        %gather3A_1041 = tpu.vector_load_idx %arg14[%add3A_1040] : memref<384xf32, #tpu.memory_space<vmem>>[vector<16xi32>], vector<16xf32>,
        %lt3A_1042 = arith.cmpi slt, %broadcast_in_dim3A_1037, %broadcast_in_dim3A_630 : vector<16xi32>
        %select_n3A_1043 = arith.select %lt3A_1042, %gather3A_1041, %broadcast_in_dim3A_12 : vector<16xi1>, vector<16xf32>
        %gather3A_1044 = tpu.vector_load_idx %arg12[%broadcast_in_dim3A_632, %broadcast_in_dim3A_1037] : memref<3x128xi32, #tpu.memory_space<vmem>>[vector<16xi32>, vector<16xi32>], vector<16xi32>,
        %get3A_1045 = arith.constant 2 : i32
        %get3A_1046 = arith.index_cast %get3A_1045 : i32 to index
        %get3A_1047 = arith.index_cast %add3A_1036 : i32 to index
        %get3A_1048 = arith.constant 0 : index
        %get3A_1049 = tpu.vector_load %arg16[%get3A_1046, %get3A_1047, %get3A_1048] {strides = array<i32>} : memref<3x128x48xf32, #tpu.memory_space<vmem>>, vector<16xf32>,
        %mul3A_1050 = arith.mulf %get3A_1049, %select_n3A_1043 : vector<16xf32>
        tpu.vector_store_idx %arg9[%gather3A_1044, %iota3A], %mul3A_1050 {add = true} : memref<1568x48xf32, #tpu.memory_space<vmem>>[vector<16xi32>, vector<16xi32>], vector<16xf32>,
        %get3A_1051 = arith.constant 2 : i32
        %get3A_1052 = arith.index_cast %get3A_1051 : i32 to index
        %get3A_1053 = arith.index_cast %add3A_1036 : i32 to index
        %get3A_1054 = arith.constant 16 : index
        %get3A_1055 = tpu.vector_load %arg16[%get3A_1052, %get3A_1053, %get3A_1054] {strides = array<i32>} : memref<3x128x48xf32, #tpu.memory_space<vmem>>, vector<16xf32>,
        %mul3A_1056 = arith.mulf %get3A_1055, %select_n3A_1043 : vector<16xf32>
        tpu.vector_store_idx %arg9[%gather3A_1044, %add3A_8], %mul3A_1056 {add = true} : memref<1568x48xf32, #tpu.memory_space<vmem>>[vector<16xi32>, vector<16xi32>], vector<16xf32>,
        %get3A_1057 = arith.constant 2 : i32
        %get3A_1058 = arith.index_cast %get3A_1057 : i32 to index
        %get3A_1059 = arith.index_cast %add3A_1036 : i32 to index
        %get3A_1060 = arith.constant 32 : index
        %get3A_1061 = tpu.vector_load %arg16[%get3A_1058, %get3A_1059, %get3A_1060] {strides = array<i32>} : memref<3x128x48xf32, #tpu.memory_space<vmem>>, vector<16xf32>,
        %mul3A_1062 = arith.mulf %get3A_1061, %select_n3A_1043 : vector<16xf32>
        tpu.vector_store_idx %arg9[%gather3A_1044, %add3A_11], %mul3A_1062 {add = true} : memref<1568x48xf32, #tpu.memory_space<vmem>>[vector<16xi32>, vector<16xi32>], vector<16xf32>,
        %mul3A_1063 = arith.constant 4 : i32
        %mul3A_1064 = arith.muli %scan3A_974, %mul3A_1063 : i32
        %add3A_1065 = arith.constant 3 : i32
        %add3A_1066 = arith.addi %mul3A_1064, %add3A_1065 : i32
        %broadcast_in_dim3A_1067 = vector.broadcast %add3A_1066 : i32 to vector<16xi32>
        %add3A_1068 = arith.constant 256 : i32
        %add3A_1069 = vector.broadcast %add3A_1068 : i32 to vector<16xi32>
        %add3A_1070 = arith.addi %broadcast_in_dim3A_1067, %add3A_1069 : vector<16xi32>
        %gather3A_1071 = tpu.vector_load_idx %arg14[%add3A_1070] : memref<384xf32, #tpu.memory_space<vmem>>[vector<16xi32>], vector<16xf32>,
        %lt3A_1072 = arith.cmpi slt, %broadcast_in_dim3A_1067, %broadcast_in_dim3A_630 : vector<16xi32>
        %select_n3A_1073 = arith.select %lt3A_1072, %gather3A_1071, %broadcast_in_dim3A_12 : vector<16xi1>, vector<16xf32>
        %gather3A_1074 = tpu.vector_load_idx %arg12[%broadcast_in_dim3A_632, %broadcast_in_dim3A_1067] : memref<3x128xi32, #tpu.memory_space<vmem>>[vector<16xi32>, vector<16xi32>], vector<16xi32>,
        %get3A_1075 = arith.constant 2 : i32
        %get3A_1076 = arith.index_cast %get3A_1075 : i32 to index
        %get3A_1077 = arith.index_cast %add3A_1066 : i32 to index
        %get3A_1078 = arith.constant 0 : index
        %get3A_1079 = tpu.vector_load %arg16[%get3A_1076, %get3A_1077, %get3A_1078] {strides = array<i32>} : memref<3x128x48xf32, #tpu.memory_space<vmem>>, vector<16xf32>,
        %mul3A_1080 = arith.mulf %get3A_1079, %select_n3A_1073 : vector<16xf32>
        tpu.vector_store_idx %arg9[%gather3A_1074, %iota3A], %mul3A_1080 {add = true} : memref<1568x48xf32, #tpu.memory_space<vmem>>[vector<16xi32>, vector<16xi32>], vector<16xf32>,
        %get3A_1081 = arith.constant 2 : i32
        %get3A_1082 = arith.index_cast %get3A_1081 : i32 to index
        %get3A_1083 = arith.index_cast %add3A_1066 : i32 to index
        %get3A_1084 = arith.constant 16 : index
        %get3A_1085 = tpu.vector_load %arg16[%get3A_1082, %get3A_1083, %get3A_1084] {strides = array<i32>} : memref<3x128x48xf32, #tpu.memory_space<vmem>>, vector<16xf32>,
        %mul3A_1086 = arith.mulf %get3A_1085, %select_n3A_1073 : vector<16xf32>
        tpu.vector_store_idx %arg9[%gather3A_1074, %add3A_8], %mul3A_1086 {add = true} : memref<1568x48xf32, #tpu.memory_space<vmem>>[vector<16xi32>, vector<16xi32>], vector<16xf32>,
        %get3A_1087 = arith.constant 2 : i32
        %get3A_1088 = arith.index_cast %get3A_1087 : i32 to index
        %get3A_1089 = arith.index_cast %add3A_1066 : i32 to index
        %get3A_1090 = arith.constant 32 : index
        %get3A_1091 = tpu.vector_load %arg16[%get3A_1088, %get3A_1089, %get3A_1090] {strides = array<i32>} : memref<3x128x48xf32, #tpu.memory_space<vmem>>, vector<16xf32>,
        %mul3A_1092 = arith.mulf %get3A_1091, %select_n3A_1073 : vector<16xf32>
        tpu.vector_store_idx %arg9[%gather3A_1074, %add3A_11], %mul3A_1092 {add = true} : memref<1568x48xf32, #tpu.memory_space<vmem>>[vector<16xi32>, vector<16xi32>], vector<16xf32>,
      }
      %scan3A_638 = arith.constant 32 : i32
      %add3A_639 = arith.constant 2 : i32
      %add3A_640 = arith.addi %mul3A_455, %add3A_639 : i32
      %mul3A_641 = arith.constant 384 : i32
      %mul3A_642 = arith.muli %add3A_640, %mul3A_641 : i32
      %min3A_643 = arith.minsi %mul3A_642, %mul3A_48 : i32
      %multiple_of3A_644 = tpu.assume_multiple %min3A_643, 128 : i32
      %add3A_645 = arith.addi %multiple_of3A_5, %multiple_of3A_644 : i32
      %dma_start3A_646 = tpu.memref_slice %arg6[%add3A_645] : memref<25690112xf32, #tpu.memory_space<hbm>> -> memref<384xf32, #tpu.memory_space<hbm>>
      %dma_start3A_647 = tpu.memref_slice %arg6[%add3A_645] : memref<25690112xf32, #tpu.memory_space<hbm>> -> memref<384xf32, #tpu.memory_space<hbm>>
      tpu.enqueue_dma source(%dma_start3A_647 : memref<384xf32, #tpu.memory_space<hbm>>) target(%arg14 : memref<384xf32, #tpu.memory_space<vmem>>) target_semaphore(%arg19 : memref<!tpu.dma_semaphore, #tpu.memory_space<semaphore_mem>>)
      %add3A_648 = arith.constant 0 : i32
      %add3A_649 = arith.addi %add3A_645, %add3A_648 : i32
      %dma_start3A_650 = arith.constant 0 : i32
      %dma_start3A_651 = arith.constant 0 : i32
      %dma_start3A_652 = tpu.memref_slice %arg10[%dma_start3A_650, %dma_start3A_651] : memref<3x128xi32, #tpu.memory_space<vmem>> -> memref<1x128xi32, #tpu.memory_space<vmem>>
      %dma_start3A_653 = tpu.memref_squeeze %dma_start3A_652 : memref<1x128xi32, #tpu.memory_space<vmem>> -> memref<128xi32, #tpu.memory_space<vmem>>
      %dma_start3A_654 = tpu.memref_slice %arg4[%add3A_649] : memref<25690112xi32, #tpu.memory_space<hbm>> -> memref<128xi32, #tpu.memory_space<hbm>>
      %dma_start3A_655 = arith.constant 0 : i32
      %dma_start3A_656 = tpu.memref_slice %arg10[%dma_start3A_650, %dma_start3A_655] : memref<3x128xi32, #tpu.memory_space<vmem>> -> memref<1x128xi32, #tpu.memory_space<vmem>>
      %dma_start3A_657 = tpu.memref_squeeze %dma_start3A_656 : memref<1x128xi32, #tpu.memory_space<vmem>> -> memref<128xi32, #tpu.memory_space<vmem>>
      %dma_start3A_658 = tpu.memref_slice %arg4[%add3A_649] : memref<25690112xi32, #tpu.memory_space<hbm>> -> memref<128xi32, #tpu.memory_space<hbm>>
      tpu.enqueue_dma source(%dma_start3A_658 : memref<128xi32, #tpu.memory_space<hbm>>) target(%dma_start3A_657 : memref<128xi32, #tpu.memory_space<vmem>>) target_semaphore(%arg19 : memref<!tpu.dma_semaphore, #tpu.memory_space<semaphore_mem>>)
      %add3A_659 = arith.constant 0 : i32
      %add3A_660 = arith.addi %add3A_645, %add3A_659 : i32
      %dma_start3A_661 = arith.constant 0 : i32
      %dma_start3A_662 = arith.constant 0 : i32
      %dma_start3A_663 = tpu.memref_slice %arg12[%dma_start3A_661, %dma_start3A_662] : memref<3x128xi32, #tpu.memory_space<vmem>> -> memref<1x128xi32, #tpu.memory_space<vmem>>
      %dma_start3A_664 = tpu.memref_squeeze %dma_start3A_663 : memref<1x128xi32, #tpu.memory_space<vmem>> -> memref<128xi32, #tpu.memory_space<vmem>>
      %dma_start3A_665 = tpu.memref_slice %arg5[%add3A_660] : memref<25690112xi32, #tpu.memory_space<hbm>> -> memref<128xi32, #tpu.memory_space<hbm>>
      %dma_start3A_666 = arith.constant 0 : i32
      %dma_start3A_667 = tpu.memref_slice %arg12[%dma_start3A_661, %dma_start3A_666] : memref<3x128xi32, #tpu.memory_space<vmem>> -> memref<1x128xi32, #tpu.memory_space<vmem>>
      %dma_start3A_668 = tpu.memref_squeeze %dma_start3A_667 : memref<1x128xi32, #tpu.memory_space<vmem>> -> memref<128xi32, #tpu.memory_space<vmem>>
      %dma_start3A_669 = tpu.memref_slice %arg5[%add3A_660] : memref<25690112xi32, #tpu.memory_space<hbm>> -> memref<128xi32, #tpu.memory_space<hbm>>
      tpu.enqueue_dma source(%dma_start3A_669 : memref<128xi32, #tpu.memory_space<hbm>>) target(%dma_start3A_668 : memref<128xi32, #tpu.memory_space<vmem>>) target_semaphore(%arg19 : memref<!tpu.dma_semaphore, #tpu.memory_space<semaphore_mem>>)
      %add3A_670 = arith.constant 128 : i32
      %add3A_671 = arith.addi %add3A_645, %add3A_670 : i32
      %dma_start3A_672 = arith.constant 1 : i32
      %dma_start3A_673 = arith.constant 0 : i32
      %dma_start3A_674 = tpu.memref_slice %arg10[%dma_start3A_672, %dma_start3A_673] : memref<3x128xi32, #tpu.memory_space<vmem>> -> memref<1x128xi32, #tpu.memory_space<vmem>>
      %dma_start3A_675 = tpu.memref_squeeze %dma_start3A_674 : memref<1x128xi32, #tpu.memory_space<vmem>> -> memref<128xi32, #tpu.memory_space<vmem>>
      %dma_start3A_676 = tpu.memref_slice %arg4[%add3A_671] : memref<25690112xi32, #tpu.memory_space<hbm>> -> memref<128xi32, #tpu.memory_space<hbm>>
      %dma_start3A_677 = arith.constant 0 : i32
      %dma_start3A_678 = tpu.memref_slice %arg10[%dma_start3A_672, %dma_start3A_677] : memref<3x128xi32, #tpu.memory_space<vmem>> -> memref<1x128xi32, #tpu.memory_space<vmem>>
      %dma_start3A_679 = tpu.memref_squeeze %dma_start3A_678 : memref<1x128xi32, #tpu.memory_space<vmem>> -> memref<128xi32, #tpu.memory_space<vmem>>
      %dma_start3A_680 = tpu.memref_slice %arg4[%add3A_671] : memref<25690112xi32, #tpu.memory_space<hbm>> -> memref<128xi32, #tpu.memory_space<hbm>>
      tpu.enqueue_dma source(%dma_start3A_680 : memref<128xi32, #tpu.memory_space<hbm>>) target(%dma_start3A_679 : memref<128xi32, #tpu.memory_space<vmem>>) target_semaphore(%arg19 : memref<!tpu.dma_semaphore, #tpu.memory_space<semaphore_mem>>)
      %add3A_681 = arith.constant 128 : i32
      %add3A_682 = arith.addi %add3A_645, %add3A_681 : i32
      %dma_start3A_683 = arith.constant 1 : i32
      %dma_start3A_684 = arith.constant 0 : i32
      %dma_start3A_685 = tpu.memref_slice %arg12[%dma_start3A_683, %dma_start3A_684] : memref<3x128xi32, #tpu.memory_space<vmem>> -> memref<1x128xi32, #tpu.memory_space<vmem>>
      %dma_start3A_686 = tpu.memref_squeeze %dma_start3A_685 : memref<1x128xi32, #tpu.memory_space<vmem>> -> memref<128xi32, #tpu.memory_space<vmem>>
      %dma_start3A_687 = tpu.memref_slice %arg5[%add3A_682] : memref<25690112xi32, #tpu.memory_space<hbm>> -> memref<128xi32, #tpu.memory_space<hbm>>
      %dma_start3A_688 = arith.constant 0 : i32
      %dma_start3A_689 = tpu.memref_slice %arg12[%dma_start3A_683, %dma_start3A_688] : memref<3x128xi32, #tpu.memory_space<vmem>> -> memref<1x128xi32, #tpu.memory_space<vmem>>
      %dma_start3A_690 = tpu.memref_squeeze %dma_start3A_689 : memref<1x128xi32, #tpu.memory_space<vmem>> -> memref<128xi32, #tpu.memory_space<vmem>>
      %dma_start3A_691 = tpu.memref_slice %arg5[%add3A_682] : memref<25690112xi32, #tpu.memory_space<hbm>> -> memref<128xi32, #tpu.memory_space<hbm>>
      tpu.enqueue_dma source(%dma_start3A_691 : memref<128xi32, #tpu.memory_space<hbm>>) target(%dma_start3A_690 : memref<128xi32, #tpu.memory_space<vmem>>) target_semaphore(%arg19 : memref<!tpu.dma_semaphore, #tpu.memory_space<semaphore_mem>>)
      %add3A_692 = arith.constant 256 : i32
      %add3A_693 = arith.addi %add3A_645, %add3A_692 : i32
      %dma_start3A_694 = arith.constant 2 : i32
      %dma_start3A_695 = arith.constant 0 : i32
      %dma_start3A_696 = tpu.memref_slice %arg10[%dma_start3A_694, %dma_start3A_695] : memref<3x128xi32, #tpu.memory_space<vmem>> -> memref<1x128xi32, #tpu.memory_space<vmem>>
      %dma_start3A_697 = tpu.memref_squeeze %dma_start3A_696 : memref<1x128xi32, #tpu.memory_space<vmem>> -> memref<128xi32, #tpu.memory_space<vmem>>
      %dma_start3A_698 = tpu.memref_slice %arg4[%add3A_693] : memref<25690112xi32, #tpu.memory_space<hbm>> -> memref<128xi32, #tpu.memory_space<hbm>>
      %dma_start3A_699 = arith.constant 0 : i32
      %dma_start3A_700 = tpu.memref_slice %arg10[%dma_start3A_694, %dma_start3A_699] : memref<3x128xi32, #tpu.memory_space<vmem>> -> memref<1x128xi32, #tpu.memory_space<vmem>>
      %dma_start3A_701 = tpu.memref_squeeze %dma_start3A_700 : memref<1x128xi32, #tpu.memory_space<vmem>> -> memref<128xi32, #tpu.memory_space<vmem>>
      %dma_start3A_702 = tpu.memref_slice %arg4[%add3A_693] : memref<25690112xi32, #tpu.memory_space<hbm>> -> memref<128xi32, #tpu.memory_space<hbm>>
      tpu.enqueue_dma source(%dma_start3A_702 : memref<128xi32, #tpu.memory_space<hbm>>) target(%dma_start3A_701 : memref<128xi32, #tpu.memory_space<vmem>>) target_semaphore(%arg19 : memref<!tpu.dma_semaphore, #tpu.memory_space<semaphore_mem>>)
      %add3A_703 = arith.constant 256 : i32
      %add3A_704 = arith.addi %add3A_645, %add3A_703 : i32
      %dma_start3A_705 = arith.constant 2 : i32
      %dma_start3A_706 = arith.constant 0 : i32
      %dma_start3A_707 = tpu.memref_slice %arg12[%dma_start3A_705, %dma_start3A_706] : memref<3x128xi32, #tpu.memory_space<vmem>> -> memref<1x128xi32, #tpu.memory_space<vmem>>
      %dma_start3A_708 = tpu.memref_squeeze %dma_start3A_707 : memref<1x128xi32, #tpu.memory_space<vmem>> -> memref<128xi32, #tpu.memory_space<vmem>>
      %dma_start3A_709 = tpu.memref_slice %arg5[%add3A_704] : memref<25690112xi32, #tpu.memory_space<hbm>> -> memref<128xi32, #tpu.memory_space<hbm>>
      %dma_start3A_710 = arith.constant 0 : i32
      %dma_start3A_711 = tpu.memref_slice %arg12[%dma_start3A_705, %dma_start3A_710] : memref<3x128xi32, #tpu.memory_space<vmem>> -> memref<1x128xi32, #tpu.memory_space<vmem>>
      %dma_start3A_712 = tpu.memref_squeeze %dma_start3A_711 : memref<1x128xi32, #tpu.memory_space<vmem>> -> memref<128xi32, #tpu.memory_space<vmem>>
      %dma_start3A_713 = tpu.memref_slice %arg5[%add3A_704] : memref<25690112xi32, #tpu.memory_space<hbm>> -> memref<128xi32, #tpu.memory_space<hbm>>
      tpu.enqueue_dma source(%dma_start3A_713 : memref<128xi32, #tpu.memory_space<hbm>>) target(%dma_start3A_712 : memref<128xi32, #tpu.memory_space<vmem>>) target_semaphore(%arg19 : memref<!tpu.dma_semaphore, #tpu.memory_space<semaphore_mem>>)
      %dma_wait3A_714 = arith.constant 0 : i32
      %dma_wait3A_715 = arith.constant 0 : i32
      %dma_wait3A_716 = arith.constant 0 : i32
      %dma_wait3A_717 = arith.constant 0 : i32
      %dma_wait3A_718 = tpu.memref_slice %arg17[%dma_wait3A_715, %dma_wait3A_716, %dma_wait3A_717] : memref<3x128x48xf32, #tpu.memory_space<vmem>> -> memref<1x128x48xf32, #tpu.memory_space<vmem>>
      %dma_wait3A_719 = tpu.memref_squeeze %dma_wait3A_718 : memref<1x128x48xf32, #tpu.memory_space<vmem>> -> memref<128x48xf32, #tpu.memory_space<vmem>>
      %dma_wait3A_720 = arith.constant 0 : i32
      %dma_wait3A_721 = tpu.memref_slice %arg11[%dma_wait3A_714, %dma_wait3A_720] : memref<3x128xi32, #tpu.memory_space<vmem>> -> memref<1x128xi32, #tpu.memory_space<vmem>>
      %dma_wait3A_722 = tpu.memref_squeeze %dma_wait3A_721 : memref<1x128xi32, #tpu.memory_space<vmem>> -> memref<128xi32, #tpu.memory_space<vmem>>
      %dma_wait3A_723 = arith.constant 0 : i32
      %dma_wait3A_724 = arith.constant 0 : i32
      %dma_wait3A_725 = tpu.memref_slice %arg2[%dma_wait3A_723, %dma_wait3A_724] : memref<50176x48xf32, #tpu.memory_space<hbm>> -> memref<50176x48xf32, #tpu.memory_space<hbm>>
      tpu.wait_indirect_dma semaphore(%arg22 : memref<!tpu.dma_semaphore, #tpu.memory_space<semaphore_mem>>) src(%dma_wait3A_725 : memref<50176x48xf32, #tpu.memory_space<hbm>>) dst(%dma_wait3A_719 : memref<128x48xf32, #tpu.memory_space<vmem>>)
      %dma_wait3A_726 = arith.constant 1 : i32
      %dma_wait3A_727 = arith.constant 1 : i32
      %dma_wait3A_728 = arith.constant 0 : i32
      %dma_wait3A_729 = arith.constant 0 : i32
      %dma_wait3A_730 = tpu.memref_slice %arg17[%dma_wait3A_727, %dma_wait3A_728, %dma_wait3A_729] : memref<3x128x48xf32, #tpu.memory_space<vmem>> -> memref<1x128x48xf32, #tpu.memory_space<vmem>>
      %dma_wait3A_731 = tpu.memref_squeeze %dma_wait3A_730 : memref<1x128x48xf32, #tpu.memory_space<vmem>> -> memref<128x48xf32, #tpu.memory_space<vmem>>
      %dma_wait3A_732 = arith.constant 0 : i32
      %dma_wait3A_733 = tpu.memref_slice %arg11[%dma_wait3A_726, %dma_wait3A_732] : memref<3x128xi32, #tpu.memory_space<vmem>> -> memref<1x128xi32, #tpu.memory_space<vmem>>
      %dma_wait3A_734 = tpu.memref_squeeze %dma_wait3A_733 : memref<1x128xi32, #tpu.memory_space<vmem>> -> memref<128xi32, #tpu.memory_space<vmem>>
      %dma_wait3A_735 = arith.constant 0 : i32
      %dma_wait3A_736 = arith.constant 0 : i32
      %dma_wait3A_737 = tpu.memref_slice %arg2[%dma_wait3A_735, %dma_wait3A_736] : memref<50176x48xf32, #tpu.memory_space<hbm>> -> memref<50176x48xf32, #tpu.memory_space<hbm>>
      tpu.wait_indirect_dma semaphore(%arg22 : memref<!tpu.dma_semaphore, #tpu.memory_space<semaphore_mem>>) src(%dma_wait3A_737 : memref<50176x48xf32, #tpu.memory_space<hbm>>) dst(%dma_wait3A_731 : memref<128x48xf32, #tpu.memory_space<vmem>>)
      %dma_wait3A_738 = arith.constant 2 : i32
      %dma_wait3A_739 = arith.constant 2 : i32
      %dma_wait3A_740 = arith.constant 0 : i32
      %dma_wait3A_741 = arith.constant 0 : i32
      %dma_wait3A_742 = tpu.memref_slice %arg17[%dma_wait3A_739, %dma_wait3A_740, %dma_wait3A_741] : memref<3x128x48xf32, #tpu.memory_space<vmem>> -> memref<1x128x48xf32, #tpu.memory_space<vmem>>
      %dma_wait3A_743 = tpu.memref_squeeze %dma_wait3A_742 : memref<1x128x48xf32, #tpu.memory_space<vmem>> -> memref<128x48xf32, #tpu.memory_space<vmem>>
      %dma_wait3A_744 = arith.constant 0 : i32
      %dma_wait3A_745 = tpu.memref_slice %arg11[%dma_wait3A_738, %dma_wait3A_744] : memref<3x128xi32, #tpu.memory_space<vmem>> -> memref<1x128xi32, #tpu.memory_space<vmem>>
      %dma_wait3A_746 = tpu.memref_squeeze %dma_wait3A_745 : memref<1x128xi32, #tpu.memory_space<vmem>> -> memref<128xi32, #tpu.memory_space<vmem>>
      %dma_wait3A_747 = arith.constant 0 : i32
      %dma_wait3A_748 = arith.constant 0 : i32
      %dma_wait3A_749 = tpu.memref_slice %arg2[%dma_wait3A_747, %dma_wait3A_748] : memref<50176x48xf32, #tpu.memory_space<hbm>> -> memref<50176x48xf32, #tpu.memory_space<hbm>>
      tpu.wait_indirect_dma semaphore(%arg22 : memref<!tpu.dma_semaphore, #tpu.memory_space<semaphore_mem>>) src(%dma_wait3A_749 : memref<50176x48xf32, #tpu.memory_space<hbm>>) dst(%dma_wait3A_743 : memref<128x48xf32, #tpu.memory_space<vmem>>)
      %add3A_750 = arith.constant 2 : i32
      %add3A_751 = arith.addi %mul3A_455, %add3A_750 : i32
      %mul3A_752 = arith.constant 384 : i32
      %mul3A_753 = arith.muli %add3A_751, %mul3A_752 : i32
      %min3A_754 = arith.minsi %mul3A_753, %mul3A_48 : i32
      %multiple_of3A_755 = tpu.assume_multiple %min3A_754, 128 : i32
      %add3A_756 = arith.addi %multiple_of3A_5, %multiple_of3A_755 : i32
      %dma_wait3A_757 = tpu.memref_slice %arg6[%add3A_756] : memref<25690112xf32, #tpu.memory_space<hbm>> -> memref<384xf32, #tpu.memory_space<hbm>>
      %dma_wait3A_758 = tpu.memref_slice %arg6[%add3A_756] : memref<25690112xf32, #tpu.memory_space<hbm>> -> memref<384xf32, #tpu.memory_space<hbm>>
      tpu.wait_dma2 semaphore(%arg19 : memref<!tpu.dma_semaphore, #tpu.memory_space<semaphore_mem>>) src(%dma_wait3A_758 : memref<384xf32, #tpu.memory_space<hbm>>) dst(%arg14 : memref<384xf32, #tpu.memory_space<vmem>>)
      %add3A_759 = arith.constant 0 : i32
      %add3A_760 = arith.addi %add3A_756, %add3A_759 : i32
      %dma_wait3A_761 = arith.constant 0 : i32
      %dma_wait3A_762 = arith.constant 0 : i32
      %dma_wait3A_763 = tpu.memref_slice %arg10[%dma_wait3A_761, %dma_wait3A_762] : memref<3x128xi32, #tpu.memory_space<vmem>> -> memref<1x128xi32, #tpu.memory_space<vmem>>
      %dma_wait3A_764 = tpu.memref_squeeze %dma_wait3A_763 : memref<1x128xi32, #tpu.memory_space<vmem>> -> memref<128xi32, #tpu.memory_space<vmem>>
      %dma_wait3A_765 = tpu.memref_slice %arg4[%add3A_760] : memref<25690112xi32, #tpu.memory_space<hbm>> -> memref<128xi32, #tpu.memory_space<hbm>>
      %dma_wait3A_766 = arith.constant 0 : i32
      %dma_wait3A_767 = tpu.memref_slice %arg10[%dma_wait3A_761, %dma_wait3A_766] : memref<3x128xi32, #tpu.memory_space<vmem>> -> memref<1x128xi32, #tpu.memory_space<vmem>>
      %dma_wait3A_768 = tpu.memref_squeeze %dma_wait3A_767 : memref<1x128xi32, #tpu.memory_space<vmem>> -> memref<128xi32, #tpu.memory_space<vmem>>
      %dma_wait3A_769 = tpu.memref_slice %arg4[%add3A_760] : memref<25690112xi32, #tpu.memory_space<hbm>> -> memref<128xi32, #tpu.memory_space<hbm>>
      tpu.wait_dma2 semaphore(%arg19 : memref<!tpu.dma_semaphore, #tpu.memory_space<semaphore_mem>>) src(%dma_wait3A_769 : memref<128xi32, #tpu.memory_space<hbm>>) dst(%dma_wait3A_768 : memref<128xi32, #tpu.memory_space<vmem>>)
      %add3A_770 = arith.constant 0 : i32
      %add3A_771 = arith.addi %add3A_756, %add3A_770 : i32
      %dma_wait3A_772 = arith.constant 0 : i32
      %dma_wait3A_773 = arith.constant 0 : i32
      %dma_wait3A_774 = tpu.memref_slice %arg12[%dma_wait3A_772, %dma_wait3A_773] : memref<3x128xi32, #tpu.memory_space<vmem>> -> memref<1x128xi32, #tpu.memory_space<vmem>>
      %dma_wait3A_775 = tpu.memref_squeeze %dma_wait3A_774 : memref<1x128xi32, #tpu.memory_space<vmem>> -> memref<128xi32, #tpu.memory_space<vmem>>
      %dma_wait3A_776 = tpu.memref_slice %arg5[%add3A_771] : memref<25690112xi32, #tpu.memory_space<hbm>> -> memref<128xi32, #tpu.memory_space<hbm>>
      %dma_wait3A_777 = arith.constant 0 : i32
      %dma_wait3A_778 = tpu.memref_slice %arg12[%dma_wait3A_772, %dma_wait3A_777] : memref<3x128xi32, #tpu.memory_space<vmem>> -> memref<1x128xi32, #tpu.memory_space<vmem>>
      %dma_wait3A_779 = tpu.memref_squeeze %dma_wait3A_778 : memref<1x128xi32, #tpu.memory_space<vmem>> -> memref<128xi32, #tpu.memory_space<vmem>>
      %dma_wait3A_780 = tpu.memref_slice %arg5[%add3A_771] : memref<25690112xi32, #tpu.memory_space<hbm>> -> memref<128xi32, #tpu.memory_space<hbm>>
      tpu.wait_dma2 semaphore(%arg19 : memref<!tpu.dma_semaphore, #tpu.memory_space<semaphore_mem>>) src(%dma_wait3A_780 : memref<128xi32, #tpu.memory_space<hbm>>) dst(%dma_wait3A_779 : memref<128xi32, #tpu.memory_space<vmem>>)
      %add3A_781 = arith.constant 128 : i32
      %add3A_782 = arith.addi %add3A_756, %add3A_781 : i32
      %dma_wait3A_783 = arith.constant 1 : i32
      %dma_wait3A_784 = arith.constant 0 : i32
      %dma_wait3A_785 = tpu.memref_slice %arg10[%dma_wait3A_783, %dma_wait3A_784] : memref<3x128xi32, #tpu.memory_space<vmem>> -> memref<1x128xi32, #tpu.memory_space<vmem>>
      %dma_wait3A_786 = tpu.memref_squeeze %dma_wait3A_785 : memref<1x128xi32, #tpu.memory_space<vmem>> -> memref<128xi32, #tpu.memory_space<vmem>>
      %dma_wait3A_787 = tpu.memref_slice %arg4[%add3A_782] : memref<25690112xi32, #tpu.memory_space<hbm>> -> memref<128xi32, #tpu.memory_space<hbm>>
      %dma_wait3A_788 = arith.constant 0 : i32
      %dma_wait3A_789 = tpu.memref_slice %arg10[%dma_wait3A_783, %dma_wait3A_788] : memref<3x128xi32, #tpu.memory_space<vmem>> -> memref<1x128xi32, #tpu.memory_space<vmem>>
      %dma_wait3A_790 = tpu.memref_squeeze %dma_wait3A_789 : memref<1x128xi32, #tpu.memory_space<vmem>> -> memref<128xi32, #tpu.memory_space<vmem>>
      %dma_wait3A_791 = tpu.memref_slice %arg4[%add3A_782] : memref<25690112xi32, #tpu.memory_space<hbm>> -> memref<128xi32, #tpu.memory_space<hbm>>
      tpu.wait_dma2 semaphore(%arg19 : memref<!tpu.dma_semaphore, #tpu.memory_space<semaphore_mem>>) src(%dma_wait3A_791 : memref<128xi32, #tpu.memory_space<hbm>>) dst(%dma_wait3A_790 : memref<128xi32, #tpu.memory_space<vmem>>)
      %add3A_792 = arith.constant 128 : i32
      %add3A_793 = arith.addi %add3A_756, %add3A_792 : i32
      %dma_wait3A_794 = arith.constant 1 : i32
      %dma_wait3A_795 = arith.constant 0 : i32
      %dma_wait3A_796 = tpu.memref_slice %arg12[%dma_wait3A_794, %dma_wait3A_795] : memref<3x128xi32, #tpu.memory_space<vmem>> -> memref<1x128xi32, #tpu.memory_space<vmem>>
      %dma_wait3A_797 = tpu.memref_squeeze %dma_wait3A_796 : memref<1x128xi32, #tpu.memory_space<vmem>> -> memref<128xi32, #tpu.memory_space<vmem>>
      %dma_wait3A_798 = tpu.memref_slice %arg5[%add3A_793] : memref<25690112xi32, #tpu.memory_space<hbm>> -> memref<128xi32, #tpu.memory_space<hbm>>
      %dma_wait3A_799 = arith.constant 0 : i32
      %dma_wait3A_800 = tpu.memref_slice %arg12[%dma_wait3A_794, %dma_wait3A_799] : memref<3x128xi32, #tpu.memory_space<vmem>> -> memref<1x128xi32, #tpu.memory_space<vmem>>
      %dma_wait3A_801 = tpu.memref_squeeze %dma_wait3A_800 : memref<1x128xi32, #tpu.memory_space<vmem>> -> memref<128xi32, #tpu.memory_space<vmem>>
      %dma_wait3A_802 = tpu.memref_slice %arg5[%add3A_793] : memref<25690112xi32, #tpu.memory_space<hbm>> -> memref<128xi32, #tpu.memory_space<hbm>>
      tpu.wait_dma2 semaphore(%arg19 : memref<!tpu.dma_semaphore, #tpu.memory_space<semaphore_mem>>) src(%dma_wait3A_802 : memref<128xi32, #tpu.memory_space<hbm>>) dst(%dma_wait3A_801 : memref<128xi32, #tpu.memory_space<vmem>>)
      %add3A_803 = arith.constant 256 : i32
      %add3A_804 = arith.addi %add3A_756, %add3A_803 : i32
      %dma_wait3A_805 = arith.constant 2 : i32
      %dma_wait3A_806 = arith.constant 0 : i32
      %dma_wait3A_807 = tpu.memref_slice %arg10[%dma_wait3A_805, %dma_wait3A_806] : memref<3x128xi32, #tpu.memory_space<vmem>> -> memref<1x128xi32, #tpu.memory_space<vmem>>
      %dma_wait3A_808 = tpu.memref_squeeze %dma_wait3A_807 : memref<1x128xi32, #tpu.memory_space<vmem>> -> memref<128xi32, #tpu.memory_space<vmem>>
      %dma_wait3A_809 = tpu.memref_slice %arg4[%add3A_804] : memref<25690112xi32, #tpu.memory_space<hbm>> -> memref<128xi32, #tpu.memory_space<hbm>>
      %dma_wait3A_810 = arith.constant 0 : i32
      %dma_wait3A_811 = tpu.memref_slice %arg10[%dma_wait3A_805, %dma_wait3A_810] : memref<3x128xi32, #tpu.memory_space<vmem>> -> memref<1x128xi32, #tpu.memory_space<vmem>>
      %dma_wait3A_812 = tpu.memref_squeeze %dma_wait3A_811 : memref<1x128xi32, #tpu.memory_space<vmem>> -> memref<128xi32, #tpu.memory_space<vmem>>
      %dma_wait3A_813 = tpu.memref_slice %arg4[%add3A_804] : memref<25690112xi32, #tpu.memory_space<hbm>> -> memref<128xi32, #tpu.memory_space<hbm>>
      tpu.wait_dma2 semaphore(%arg19 : memref<!tpu.dma_semaphore, #tpu.memory_space<semaphore_mem>>) src(%dma_wait3A_813 : memref<128xi32, #tpu.memory_space<hbm>>) dst(%dma_wait3A_812 : memref<128xi32, #tpu.memory_space<vmem>>)
      %add3A_814 = arith.constant 256 : i32
      %add3A_815 = arith.addi %add3A_756, %add3A_814 : i32
      %dma_wait3A_816 = arith.constant 2 : i32
      %dma_wait3A_817 = arith.constant 0 : i32
      %dma_wait3A_818 = tpu.memref_slice %arg12[%dma_wait3A_816, %dma_wait3A_817] : memref<3x128xi32, #tpu.memory_space<vmem>> -> memref<1x128xi32, #tpu.memory_space<vmem>>
      %dma_wait3A_819 = tpu.memref_squeeze %dma_wait3A_818 : memref<1x128xi32, #tpu.memory_space<vmem>> -> memref<128xi32, #tpu.memory_space<vmem>>
      %dma_wait3A_820 = tpu.memref_slice %arg5[%add3A_815] : memref<25690112xi32, #tpu.memory_space<hbm>> -> memref<128xi32, #tpu.memory_space<hbm>>
      %dma_wait3A_821 = arith.constant 0 : i32
      %dma_wait3A_822 = tpu.memref_slice %arg12[%dma_wait3A_816, %dma_wait3A_821] : memref<3x128xi32, #tpu.memory_space<vmem>> -> memref<1x128xi32, #tpu.memory_space<vmem>>
      %dma_wait3A_823 = tpu.memref_squeeze %dma_wait3A_822 : memref<1x128xi32, #tpu.memory_space<vmem>> -> memref<128xi32, #tpu.memory_space<vmem>>
      %dma_wait3A_824 = tpu.memref_slice %arg5[%add3A_815] : memref<25690112xi32, #tpu.memory_space<hbm>> -> memref<128xi32, #tpu.memory_space<hbm>>
      tpu.wait_dma2 semaphore(%arg19 : memref<!tpu.dma_semaphore, #tpu.memory_space<semaphore_mem>>) src(%dma_wait3A_824 : memref<128xi32, #tpu.memory_space<hbm>>) dst(%dma_wait3A_823 : memref<128xi32, #tpu.memory_space<vmem>>)
      %dma_start3A_825 = arith.constant 0 : i32
      %dma_start3A_826 = arith.constant 0 : i32
      %dma_start3A_827 = arith.constant 0 : i32
      %dma_start3A_828 = arith.constant 0 : i32
      %dma_start3A_829 = tpu.memref_slice %arg16[%dma_start3A_826, %dma_start3A_827, %dma_start3A_828] : memref<3x128x48xf32, #tpu.memory_space<vmem>> -> memref<1x128x48xf32, #tpu.memory_space<vmem>>
      %dma_start3A_830 = tpu.memref_squeeze %dma_start3A_829 : memref<1x128x48xf32, #tpu.memory_space<vmem>> -> memref<128x48xf32, #tpu.memory_space<vmem>>
      %dma_start3A_831 = arith.constant 0 : i32
      %dma_start3A_832 = tpu.memref_slice %arg10[%dma_start3A_825, %dma_start3A_831] : memref<3x128xi32, #tpu.memory_space<vmem>> -> memref<1x128xi32, #tpu.memory_space<vmem>>
      %dma_start3A_833 = tpu.memref_squeeze %dma_start3A_832 : memref<1x128xi32, #tpu.memory_space<vmem>> -> memref<128xi32, #tpu.memory_space<vmem>>
      %dma_start3A_834 = arith.constant 0 : i32
      %dma_start3A_835 = arith.constant 0 : i32
      %dma_start3A_836 = tpu.memref_slice %arg2[%dma_start3A_834, %dma_start3A_835] : memref<50176x48xf32, #tpu.memory_space<hbm>> -> memref<50176x48xf32, #tpu.memory_space<hbm>>
      tpu.enqueue_indirect_dma source(%dma_start3A_836 : memref<50176x48xf32, #tpu.memory_space<hbm>>) target(%dma_start3A_830 : memref<128x48xf32, #tpu.memory_space<vmem>>) offsets(%dma_start3A_833 : memref<128xi32, #tpu.memory_space<vmem>>) semaphore(%arg21 : memref<!tpu.dma_semaphore, #tpu.memory_space<semaphore_mem>>)
      %dma_start3A_837 = arith.constant 1 : i32
      %dma_start3A_838 = arith.constant 1 : i32
      %dma_start3A_839 = arith.constant 0 : i32
      %dma_start3A_840 = arith.constant 0 : i32
      %dma_start3A_841 = tpu.memref_slice %arg16[%dma_start3A_838, %dma_start3A_839, %dma_start3A_840] : memref<3x128x48xf32, #tpu.memory_space<vmem>> -> memref<1x128x48xf32, #tpu.memory_space<vmem>>
      %dma_start3A_842 = tpu.memref_squeeze %dma_start3A_841 : memref<1x128x48xf32, #tpu.memory_space<vmem>> -> memref<128x48xf32, #tpu.memory_space<vmem>>
      %dma_start3A_843 = arith.constant 0 : i32
      %dma_start3A_844 = tpu.memref_slice %arg10[%dma_start3A_837, %dma_start3A_843] : memref<3x128xi32, #tpu.memory_space<vmem>> -> memref<1x128xi32, #tpu.memory_space<vmem>>
      %dma_start3A_845 = tpu.memref_squeeze %dma_start3A_844 : memref<1x128xi32, #tpu.memory_space<vmem>> -> memref<128xi32, #tpu.memory_space<vmem>>
      %dma_start3A_846 = arith.constant 0 : i32
      %dma_start3A_847 = arith.constant 0 : i32
      %dma_start3A_848 = tpu.memref_slice %arg2[%dma_start3A_846, %dma_start3A_847] : memref<50176x48xf32, #tpu.memory_space<hbm>> -> memref<50176x48xf32, #tpu.memory_space<hbm>>
      tpu.enqueue_indirect_dma source(%dma_start3A_848 : memref<50176x48xf32, #tpu.memory_space<hbm>>) target(%dma_start3A_842 : memref<128x48xf32, #tpu.memory_space<vmem>>) offsets(%dma_start3A_845 : memref<128xi32, #tpu.memory_space<vmem>>) semaphore(%arg21 : memref<!tpu.dma_semaphore, #tpu.memory_space<semaphore_mem>>)
      %dma_start3A_849 = arith.constant 2 : i32
      %dma_start3A_850 = arith.constant 2 : i32
      %dma_start3A_851 = arith.constant 0 : i32
      %dma_start3A_852 = arith.constant 0 : i32
      %dma_start3A_853 = tpu.memref_slice %arg16[%dma_start3A_850, %dma_start3A_851, %dma_start3A_852] : memref<3x128x48xf32, #tpu.memory_space<vmem>> -> memref<1x128x48xf32, #tpu.memory_space<vmem>>
      %dma_start3A_854 = tpu.memref_squeeze %dma_start3A_853 : memref<1x128x48xf32, #tpu.memory_space<vmem>> -> memref<128x48xf32, #tpu.memory_space<vmem>>
      %dma_start3A_855 = arith.constant 0 : i32
      %dma_start3A_856 = tpu.memref_slice %arg10[%dma_start3A_849, %dma_start3A_855] : memref<3x128xi32, #tpu.memory_space<vmem>> -> memref<1x128xi32, #tpu.memory_space<vmem>>
      %dma_start3A_857 = tpu.memref_squeeze %dma_start3A_856 : memref<1x128xi32, #tpu.memory_space<vmem>> -> memref<128xi32, #tpu.memory_space<vmem>>
      %dma_start3A_858 = arith.constant 0 : i32
      %dma_start3A_859 = arith.constant 0 : i32
      %dma_start3A_860 = tpu.memref_slice %arg2[%dma_start3A_858, %dma_start3A_859] : memref<50176x48xf32, #tpu.memory_space<hbm>> -> memref<50176x48xf32, #tpu.memory_space<hbm>>
      tpu.enqueue_indirect_dma source(%dma_start3A_860 : memref<50176x48xf32, #tpu.memory_space<hbm>>) target(%dma_start3A_854 : memref<128x48xf32, #tpu.memory_space<vmem>>) offsets(%dma_start3A_857 : memref<128xi32, #tpu.memory_space<vmem>>) semaphore(%arg21 : memref<!tpu.dma_semaphore, #tpu.memory_space<semaphore_mem>>)
      %add3A_861 = arith.constant 1 : i32
      %add3A_862 = arith.addi %mul3A_455, %add3A_861 : i32
      %mul3A_863 = arith.constant 384 : i32
      %mul3A_864 = arith.muli %add3A_862, %mul3A_863 : i32
      %sub3A_865 = arith.subi %reduce_max3A_23, %mul3A_864 : i32
      %sub3A_866 = arith.constant 0 : i32
      %sub3A_867 = arith.subi %sub3A_865, %sub3A_866 : i32
      %broadcast_in_dim3A_868 = vector.broadcast %sub3A_867 : i32 to vector<16xi32>
      %broadcast_in_dim3A_869 = arith.constant 0 : i32
      %broadcast_in_dim3A_870 = vector.broadcast %broadcast_in_dim3A_869 : i32 to vector<16xi32>
      %scan3A_871 = arith.constant 0 : i32
      %scan3A_872 = arith.constant 0 : i32
      %scan3A_873 = arith.constant 32 : i32
      %scan3A_874 = arith.addi %scan3A_872, %scan3A_873 : i32
      %scan3A_875 = arith.constant 1 : i32
      scf.for %scan3A_974 = %scan3A_872 to %scan3A_874 step %scan3A_875  : i32 {
        %mul3A_975 = arith.constant 4 : i32
        %mul3A_976 = arith.muli %scan3A_974, %mul3A_975 : i32
        %add3A_977 = arith.constant 0 : i32
        %add3A_978 = arith.addi %mul3A_976, %add3A_977 : i32
        %broadcast_in_dim3A_979 = vector.broadcast %add3A_978 : i32 to vector<16xi32>
        %add3A_980 = arith.constant 0 : i32
        %add3A_981 = vector.broadcast %add3A_980 : i32 to vector<16xi32>
        %add3A_982 = arith.addi %broadcast_in_dim3A_979, %add3A_981 : vector<16xi32>
        %gather3A = tpu.vector_load_idx %arg15[%add3A_982] : memref<384xf32, #tpu.memory_space<vmem>>[vector<16xi32>], vector<16xf32>,
        %lt3A = arith.cmpi slt, %broadcast_in_dim3A_979, %broadcast_in_dim3A_868 : vector<16xi32>
        %select_n3A_983 = arith.select %lt3A, %gather3A, %broadcast_in_dim3A_12 : vector<16xi1>, vector<16xf32>
        %gather3A_984 = tpu.vector_load_idx %arg13[%broadcast_in_dim3A_870, %broadcast_in_dim3A_979] : memref<3x128xi32, #tpu.memory_space<vmem>>[vector<16xi32>, vector<16xi32>], vector<16xi32>,
        %get3A_985 = arith.constant 0 : i32
        %get3A_986 = arith.index_cast %get3A_985 : i32 to index
        %get3A_987 = arith.index_cast %add3A_978 : i32 to index
        %get3A_988 = arith.constant 0 : index
        %get3A_989 = tpu.vector_load %arg17[%get3A_986, %get3A_987, %get3A_988] {strides = array<i32>} : memref<3x128x48xf32, #tpu.memory_space<vmem>>, vector<16xf32>,
        %mul3A_990 = arith.mulf %get3A_989, %select_n3A_983 : vector<16xf32>
        tpu.vector_store_idx %arg9[%gather3A_984, %iota3A], %mul3A_990 {add = true} : memref<1568x48xf32, #tpu.memory_space<vmem>>[vector<16xi32>, vector<16xi32>], vector<16xf32>,
        %get3A_991 = arith.constant 0 : i32
        %get3A_992 = arith.index_cast %get3A_991 : i32 to index
        %get3A_993 = arith.index_cast %add3A_978 : i32 to index
        %get3A_994 = arith.constant 16 : index
        %get3A_995 = tpu.vector_load %arg17[%get3A_992, %get3A_993, %get3A_994] {strides = array<i32>} : memref<3x128x48xf32, #tpu.memory_space<vmem>>, vector<16xf32>,
        %mul3A_996 = arith.mulf %get3A_995, %select_n3A_983 : vector<16xf32>
        tpu.vector_store_idx %arg9[%gather3A_984, %add3A_8], %mul3A_996 {add = true} : memref<1568x48xf32, #tpu.memory_space<vmem>>[vector<16xi32>, vector<16xi32>], vector<16xf32>,
        %get3A_997 = arith.constant 0 : i32
        %get3A_998 = arith.index_cast %get3A_997 : i32 to index
        %get3A_999 = arith.index_cast %add3A_978 : i32 to index
        %get3A_1000 = arith.constant 32 : index
        %get3A_1001 = tpu.vector_load %arg17[%get3A_998, %get3A_999, %get3A_1000] {strides = array<i32>} : memref<3x128x48xf32, #tpu.memory_space<vmem>>, vector<16xf32>,
        %mul3A_1002 = arith.mulf %get3A_1001, %select_n3A_983 : vector<16xf32>
        tpu.vector_store_idx %arg9[%gather3A_984, %add3A_11], %mul3A_1002 {add = true} : memref<1568x48xf32, #tpu.memory_space<vmem>>[vector<16xi32>, vector<16xi32>], vector<16xf32>,
        %mul3A_1003 = arith.constant 4 : i32
        %mul3A_1004 = arith.muli %scan3A_974, %mul3A_1003 : i32
        %add3A_1005 = arith.constant 1 : i32
        %add3A_1006 = arith.addi %mul3A_1004, %add3A_1005 : i32
        %broadcast_in_dim3A_1007 = vector.broadcast %add3A_1006 : i32 to vector<16xi32>
        %add3A_1008 = arith.constant 0 : i32
        %add3A_1009 = vector.broadcast %add3A_1008 : i32 to vector<16xi32>
        %add3A_1010 = arith.addi %broadcast_in_dim3A_1007, %add3A_1009 : vector<16xi32>
        %gather3A_1011 = tpu.vector_load_idx %arg15[%add3A_1010] : memref<384xf32, #tpu.memory_space<vmem>>[vector<16xi32>], vector<16xf32>,
        %lt3A_1012 = arith.cmpi slt, %broadcast_in_dim3A_1007, %broadcast_in_dim3A_868 : vector<16xi32>
        %select_n3A_1013 = arith.select %lt3A_1012, %gather3A_1011, %broadcast_in_dim3A_12 : vector<16xi1>, vector<16xf32>
        %gather3A_1014 = tpu.vector_load_idx %arg13[%broadcast_in_dim3A_870, %broadcast_in_dim3A_1007] : memref<3x128xi32, #tpu.memory_space<vmem>>[vector<16xi32>, vector<16xi32>], vector<16xi32>,
        %get3A_1015 = arith.constant 0 : i32
        %get3A_1016 = arith.index_cast %get3A_1015 : i32 to index
        %get3A_1017 = arith.index_cast %add3A_1006 : i32 to index
        %get3A_1018 = arith.constant 0 : index
        %get3A_1019 = tpu.vector_load %arg17[%get3A_1016, %get3A_1017, %get3A_1018] {strides = array<i32>} : memref<3x128x48xf32, #tpu.memory_space<vmem>>, vector<16xf32>,
        %mul3A_1020 = arith.mulf %get3A_1019, %select_n3A_1013 : vector<16xf32>
        tpu.vector_store_idx %arg9[%gather3A_1014, %iota3A], %mul3A_1020 {add = true} : memref<1568x48xf32, #tpu.memory_space<vmem>>[vector<16xi32>, vector<16xi32>], vector<16xf32>,
        %get3A_1021 = arith.constant 0 : i32
        %get3A_1022 = arith.index_cast %get3A_1021 : i32 to index
        %get3A_1023 = arith.index_cast %add3A_1006 : i32 to index
        %get3A_1024 = arith.constant 16 : index
        %get3A_1025 = tpu.vector_load %arg17[%get3A_1022, %get3A_1023, %get3A_1024] {strides = array<i32>} : memref<3x128x48xf32, #tpu.memory_space<vmem>>, vector<16xf32>,
        %mul3A_1026 = arith.mulf %get3A_1025, %select_n3A_1013 : vector<16xf32>
        tpu.vector_store_idx %arg9[%gather3A_1014, %add3A_8], %mul3A_1026 {add = true} : memref<1568x48xf32, #tpu.memory_space<vmem>>[vector<16xi32>, vector<16xi32>], vector<16xf32>,
        %get3A_1027 = arith.constant 0 : i32
        %get3A_1028 = arith.index_cast %get3A_1027 : i32 to index
        %get3A_1029 = arith.index_cast %add3A_1006 : i32 to index
        %get3A_1030 = arith.constant 32 : index
        %get3A_1031 = tpu.vector_load %arg17[%get3A_1028, %get3A_1029, %get3A_1030] {strides = array<i32>} : memref<3x128x48xf32, #tpu.memory_space<vmem>>, vector<16xf32>,
        %mul3A_1032 = arith.mulf %get3A_1031, %select_n3A_1013 : vector<16xf32>
        tpu.vector_store_idx %arg9[%gather3A_1014, %add3A_11], %mul3A_1032 {add = true} : memref<1568x48xf32, #tpu.memory_space<vmem>>[vector<16xi32>, vector<16xi32>], vector<16xf32>,
        %mul3A_1033 = arith.constant 4 : i32
        %mul3A_1034 = arith.muli %scan3A_974, %mul3A_1033 : i32
        %add3A_1035 = arith.constant 2 : i32
        %add3A_1036 = arith.addi %mul3A_1034, %add3A_1035 : i32
        %broadcast_in_dim3A_1037 = vector.broadcast %add3A_1036 : i32 to vector<16xi32>
        %add3A_1038 = arith.constant 0 : i32
        %add3A_1039 = vector.broadcast %add3A_1038 : i32 to vector<16xi32>
        %add3A_1040 = arith.addi %broadcast_in_dim3A_1037, %add3A_1039 : vector<16xi32>
        %gather3A_1041 = tpu.vector_load_idx %arg15[%add3A_1040] : memref<384xf32, #tpu.memory_space<vmem>>[vector<16xi32>], vector<16xf32>,
        %lt3A_1042 = arith.cmpi slt, %broadcast_in_dim3A_1037, %broadcast_in_dim3A_868 : vector<16xi32>
        %select_n3A_1043 = arith.select %lt3A_1042, %gather3A_1041, %broadcast_in_dim3A_12 : vector<16xi1>, vector<16xf32>
        %gather3A_1044 = tpu.vector_load_idx %arg13[%broadcast_in_dim3A_870, %broadcast_in_dim3A_1037] : memref<3x128xi32, #tpu.memory_space<vmem>>[vector<16xi32>, vector<16xi32>], vector<16xi32>,
        %get3A_1045 = arith.constant 0 : i32
        %get3A_1046 = arith.index_cast %get3A_1045 : i32 to index
        %get3A_1047 = arith.index_cast %add3A_1036 : i32 to index
        %get3A_1048 = arith.constant 0 : index
        %get3A_1049 = tpu.vector_load %arg17[%get3A_1046, %get3A_1047, %get3A_1048] {strides = array<i32>} : memref<3x128x48xf32, #tpu.memory_space<vmem>>, vector<16xf32>,
        %mul3A_1050 = arith.mulf %get3A_1049, %select_n3A_1043 : vector<16xf32>
        tpu.vector_store_idx %arg9[%gather3A_1044, %iota3A], %mul3A_1050 {add = true} : memref<1568x48xf32, #tpu.memory_space<vmem>>[vector<16xi32>, vector<16xi32>], vector<16xf32>,
        %get3A_1051 = arith.constant 0 : i32
        %get3A_1052 = arith.index_cast %get3A_1051 : i32 to index
        %get3A_1053 = arith.index_cast %add3A_1036 : i32 to index
        %get3A_1054 = arith.constant 16 : index
        %get3A_1055 = tpu.vector_load %arg17[%get3A_1052, %get3A_1053, %get3A_1054] {strides = array<i32>} : memref<3x128x48xf32, #tpu.memory_space<vmem>>, vector<16xf32>,
        %mul3A_1056 = arith.mulf %get3A_1055, %select_n3A_1043 : vector<16xf32>
        tpu.vector_store_idx %arg9[%gather3A_1044, %add3A_8], %mul3A_1056 {add = true} : memref<1568x48xf32, #tpu.memory_space<vmem>>[vector<16xi32>, vector<16xi32>], vector<16xf32>,
        %get3A_1057 = arith.constant 0 : i32
        %get3A_1058 = arith.index_cast %get3A_1057 : i32 to index
        %get3A_1059 = arith.index_cast %add3A_1036 : i32 to index
        %get3A_1060 = arith.constant 32 : index
        %get3A_1061 = tpu.vector_load %arg17[%get3A_1058, %get3A_1059, %get3A_1060] {strides = array<i32>} : memref<3x128x48xf32, #tpu.memory_space<vmem>>, vector<16xf32>,
        %mul3A_1062 = arith.mulf %get3A_1061, %select_n3A_1043 : vector<16xf32>
        tpu.vector_store_idx %arg9[%gather3A_1044, %add3A_11], %mul3A_1062 {add = true} : memref<1568x48xf32, #tpu.memory_space<vmem>>[vector<16xi32>, vector<16xi32>], vector<16xf32>,
        %mul3A_1063 = arith.constant 4 : i32
        %mul3A_1064 = arith.muli %scan3A_974, %mul3A_1063 : i32
        %add3A_1065 = arith.constant 3 : i32
        %add3A_1066 = arith.addi %mul3A_1064, %add3A_1065 : i32
        %broadcast_in_dim3A_1067 = vector.broadcast %add3A_1066 : i32 to vector<16xi32>
        %add3A_1068 = arith.constant 0 : i32
        %add3A_1069 = vector.broadcast %add3A_1068 : i32 to vector<16xi32>
        %add3A_1070 = arith.addi %broadcast_in_dim3A_1067, %add3A_1069 : vector<16xi32>
        %gather3A_1071 = tpu.vector_load_idx %arg15[%add3A_1070] : memref<384xf32, #tpu.memory_space<vmem>>[vector<16xi32>], vector<16xf32>,
        %lt3A_1072 = arith.cmpi slt, %broadcast_in_dim3A_1067, %broadcast_in_dim3A_868 : vector<16xi32>
        %select_n3A_1073 = arith.select %lt3A_1072, %gather3A_1071, %broadcast_in_dim3A_12 : vector<16xi1>, vector<16xf32>
        %gather3A_1074 = tpu.vector_load_idx %arg13[%broadcast_in_dim3A_870, %broadcast_in_dim3A_1067] : memref<3x128xi32, #tpu.memory_space<vmem>>[vector<16xi32>, vector<16xi32>], vector<16xi32>,
        %get3A_1075 = arith.constant 0 : i32
        %get3A_1076 = arith.index_cast %get3A_1075 : i32 to index
        %get3A_1077 = arith.index_cast %add3A_1066 : i32 to index
        %get3A_1078 = arith.constant 0 : index
        %get3A_1079 = tpu.vector_load %arg17[%get3A_1076, %get3A_1077, %get3A_1078] {strides = array<i32>} : memref<3x128x48xf32, #tpu.memory_space<vmem>>, vector<16xf32>,
        %mul3A_1080 = arith.mulf %get3A_1079, %select_n3A_1073 : vector<16xf32>
        tpu.vector_store_idx %arg9[%gather3A_1074, %iota3A], %mul3A_1080 {add = true} : memref<1568x48xf32, #tpu.memory_space<vmem>>[vector<16xi32>, vector<16xi32>], vector<16xf32>,
        %get3A_1081 = arith.constant 0 : i32
        %get3A_1082 = arith.index_cast %get3A_1081 : i32 to index
        %get3A_1083 = arith.index_cast %add3A_1066 : i32 to index
        %get3A_1084 = arith.constant 16 : index
        %get3A_1085 = tpu.vector_load %arg17[%get3A_1082, %get3A_1083, %get3A_1084] {strides = array<i32>} : memref<3x128x48xf32, #tpu.memory_space<vmem>>, vector<16xf32>,
        %mul3A_1086 = arith.mulf %get3A_1085, %select_n3A_1073 : vector<16xf32>
        tpu.vector_store_idx %arg9[%gather3A_1074, %add3A_8], %mul3A_1086 {add = true} : memref<1568x48xf32, #tpu.memory_space<vmem>>[vector<16xi32>, vector<16xi32>], vector<16xf32>,
        %get3A_1087 = arith.constant 0 : i32
        %get3A_1088 = arith.index_cast %get3A_1087 : i32 to index
        %get3A_1089 = arith.index_cast %add3A_1066 : i32 to index
        %get3A_1090 = arith.constant 32 : index
        %get3A_1091 = tpu.vector_load %arg17[%get3A_1088, %get3A_1089, %get3A_1090] {strides = array<i32>} : memref<3x128x48xf32, #tpu.memory_space<vmem>>, vector<16xf32>,
        %mul3A_1092 = arith.mulf %get3A_1091, %select_n3A_1073 : vector<16xf32>
        tpu.vector_store_idx %arg9[%gather3A_1074, %add3A_11], %mul3A_1092 {add = true} : memref<1568x48xf32, #tpu.memory_space<vmem>>[vector<16xi32>, vector<16xi32>], vector<16xf32>,
      }
      %scan3A_876 = arith.constant 32 : i32
      %sub3A_877 = arith.constant 128 : i32
      %sub3A_878 = arith.subi %sub3A_865, %sub3A_877 : i32
      %broadcast_in_dim3A_879 = vector.broadcast %sub3A_878 : i32 to vector<16xi32>
      %broadcast_in_dim3A_880 = arith.constant 1 : i32
      %broadcast_in_dim3A_881 = vector.broadcast %broadcast_in_dim3A_880 : i32 to vector<16xi32>
      %scan3A_882 = arith.constant 0 : i32
      %scan3A_883 = arith.constant 0 : i32
      %scan3A_884 = arith.constant 32 : i32
      %scan3A_885 = arith.addi %scan3A_883, %scan3A_884 : i32
      %scan3A_886 = arith.constant 1 : i32
      scf.for %scan3A_974 = %scan3A_883 to %scan3A_885 step %scan3A_886  : i32 {
        %mul3A_975 = arith.constant 4 : i32
        %mul3A_976 = arith.muli %scan3A_974, %mul3A_975 : i32
        %add3A_977 = arith.constant 0 : i32
        %add3A_978 = arith.addi %mul3A_976, %add3A_977 : i32
        %broadcast_in_dim3A_979 = vector.broadcast %add3A_978 : i32 to vector<16xi32>
        %add3A_980 = arith.constant 128 : i32
        %add3A_981 = vector.broadcast %add3A_980 : i32 to vector<16xi32>
        %add3A_982 = arith.addi %broadcast_in_dim3A_979, %add3A_981 : vector<16xi32>
        %gather3A = tpu.vector_load_idx %arg15[%add3A_982] : memref<384xf32, #tpu.memory_space<vmem>>[vector<16xi32>], vector<16xf32>,
        %lt3A = arith.cmpi slt, %broadcast_in_dim3A_979, %broadcast_in_dim3A_879 : vector<16xi32>
        %select_n3A_983 = arith.select %lt3A, %gather3A, %broadcast_in_dim3A_12 : vector<16xi1>, vector<16xf32>
        %gather3A_984 = tpu.vector_load_idx %arg13[%broadcast_in_dim3A_881, %broadcast_in_dim3A_979] : memref<3x128xi32, #tpu.memory_space<vmem>>[vector<16xi32>, vector<16xi32>], vector<16xi32>,
        %get3A_985 = arith.constant 1 : i32
        %get3A_986 = arith.index_cast %get3A_985 : i32 to index
        %get3A_987 = arith.index_cast %add3A_978 : i32 to index
        %get3A_988 = arith.constant 0 : index
        %get3A_989 = tpu.vector_load %arg17[%get3A_986, %get3A_987, %get3A_988] {strides = array<i32>} : memref<3x128x48xf32, #tpu.memory_space<vmem>>, vector<16xf32>,
        %mul3A_990 = arith.mulf %get3A_989, %select_n3A_983 : vector<16xf32>
        tpu.vector_store_idx %arg9[%gather3A_984, %iota3A], %mul3A_990 {add = true} : memref<1568x48xf32, #tpu.memory_space<vmem>>[vector<16xi32>, vector<16xi32>], vector<16xf32>,
        %get3A_991 = arith.constant 1 : i32
        %get3A_992 = arith.index_cast %get3A_991 : i32 to index
        %get3A_993 = arith.index_cast %add3A_978 : i32 to index
        %get3A_994 = arith.constant 16 : index
        %get3A_995 = tpu.vector_load %arg17[%get3A_992, %get3A_993, %get3A_994] {strides = array<i32>} : memref<3x128x48xf32, #tpu.memory_space<vmem>>, vector<16xf32>,
        %mul3A_996 = arith.mulf %get3A_995, %select_n3A_983 : vector<16xf32>
        tpu.vector_store_idx %arg9[%gather3A_984, %add3A_8], %mul3A_996 {add = true} : memref<1568x48xf32, #tpu.memory_space<vmem>>[vector<16xi32>, vector<16xi32>], vector<16xf32>,
        %get3A_997 = arith.constant 1 : i32
        %get3A_998 = arith.index_cast %get3A_997 : i32 to index
        %get3A_999 = arith.index_cast %add3A_978 : i32 to index
        %get3A_1000 = arith.constant 32 : index
        %get3A_1001 = tpu.vector_load %arg17[%get3A_998, %get3A_999, %get3A_1000] {strides = array<i32>} : memref<3x128x48xf32, #tpu.memory_space<vmem>>, vector<16xf32>,
        %mul3A_1002 = arith.mulf %get3A_1001, %select_n3A_983 : vector<16xf32>
        tpu.vector_store_idx %arg9[%gather3A_984, %add3A_11], %mul3A_1002 {add = true} : memref<1568x48xf32, #tpu.memory_space<vmem>>[vector<16xi32>, vector<16xi32>], vector<16xf32>,
        %mul3A_1003 = arith.constant 4 : i32
        %mul3A_1004 = arith.muli %scan3A_974, %mul3A_1003 : i32
        %add3A_1005 = arith.constant 1 : i32
        %add3A_1006 = arith.addi %mul3A_1004, %add3A_1005 : i32
        %broadcast_in_dim3A_1007 = vector.broadcast %add3A_1006 : i32 to vector<16xi32>
        %add3A_1008 = arith.constant 128 : i32
        %add3A_1009 = vector.broadcast %add3A_1008 : i32 to vector<16xi32>
        %add3A_1010 = arith.addi %broadcast_in_dim3A_1007, %add3A_1009 : vector<16xi32>
        %gather3A_1011 = tpu.vector_load_idx %arg15[%add3A_1010] : memref<384xf32, #tpu.memory_space<vmem>>[vector<16xi32>], vector<16xf32>,
        %lt3A_1012 = arith.cmpi slt, %broadcast_in_dim3A_1007, %broadcast_in_dim3A_879 : vector<16xi32>
        %select_n3A_1013 = arith.select %lt3A_1012, %gather3A_1011, %broadcast_in_dim3A_12 : vector<16xi1>, vector<16xf32>
        %gather3A_1014 = tpu.vector_load_idx %arg13[%broadcast_in_dim3A_881, %broadcast_in_dim3A_1007] : memref<3x128xi32, #tpu.memory_space<vmem>>[vector<16xi32>, vector<16xi32>], vector<16xi32>,
        %get3A_1015 = arith.constant 1 : i32
        %get3A_1016 = arith.index_cast %get3A_1015 : i32 to index
        %get3A_1017 = arith.index_cast %add3A_1006 : i32 to index
        %get3A_1018 = arith.constant 0 : index
        %get3A_1019 = tpu.vector_load %arg17[%get3A_1016, %get3A_1017, %get3A_1018] {strides = array<i32>} : memref<3x128x48xf32, #tpu.memory_space<vmem>>, vector<16xf32>,
        %mul3A_1020 = arith.mulf %get3A_1019, %select_n3A_1013 : vector<16xf32>
        tpu.vector_store_idx %arg9[%gather3A_1014, %iota3A], %mul3A_1020 {add = true} : memref<1568x48xf32, #tpu.memory_space<vmem>>[vector<16xi32>, vector<16xi32>], vector<16xf32>,
        %get3A_1021 = arith.constant 1 : i32
        %get3A_1022 = arith.index_cast %get3A_1021 : i32 to index
        %get3A_1023 = arith.index_cast %add3A_1006 : i32 to index
        %get3A_1024 = arith.constant 16 : index
        %get3A_1025 = tpu.vector_load %arg17[%get3A_1022, %get3A_1023, %get3A_1024] {strides = array<i32>} : memref<3x128x48xf32, #tpu.memory_space<vmem>>, vector<16xf32>,
        %mul3A_1026 = arith.mulf %get3A_1025, %select_n3A_1013 : vector<16xf32>
        tpu.vector_store_idx %arg9[%gather3A_1014, %add3A_8], %mul3A_1026 {add = true} : memref<1568x48xf32, #tpu.memory_space<vmem>>[vector<16xi32>, vector<16xi32>], vector<16xf32>,
        %get3A_1027 = arith.constant 1 : i32
        %get3A_1028 = arith.index_cast %get3A_1027 : i32 to index
        %get3A_1029 = arith.index_cast %add3A_1006 : i32 to index
        %get3A_1030 = arith.constant 32 : index
        %get3A_1031 = tpu.vector_load %arg17[%get3A_1028, %get3A_1029, %get3A_1030] {strides = array<i32>} : memref<3x128x48xf32, #tpu.memory_space<vmem>>, vector<16xf32>,
        %mul3A_1032 = arith.mulf %get3A_1031, %select_n3A_1013 : vector<16xf32>
        tpu.vector_store_idx %arg9[%gather3A_1014, %add3A_11], %mul3A_1032 {add = true} : memref<1568x48xf32, #tpu.memory_space<vmem>>[vector<16xi32>, vector<16xi32>], vector<16xf32>,
        %mul3A_1033 = arith.constant 4 : i32
        %mul3A_1034 = arith.muli %scan3A_974, %mul3A_1033 : i32
        %add3A_1035 = arith.constant 2 : i32
        %add3A_1036 = arith.addi %mul3A_1034, %add3A_1035 : i32
        %broadcast_in_dim3A_1037 = vector.broadcast %add3A_1036 : i32 to vector<16xi32>
        %add3A_1038 = arith.constant 128 : i32
        %add3A_1039 = vector.broadcast %add3A_1038 : i32 to vector<16xi32>
        %add3A_1040 = arith.addi %broadcast_in_dim3A_1037, %add3A_1039 : vector<16xi32>
        %gather3A_1041 = tpu.vector_load_idx %arg15[%add3A_1040] : memref<384xf32, #tpu.memory_space<vmem>>[vector<16xi32>], vector<16xf32>,
        %lt3A_1042 = arith.cmpi slt, %broadcast_in_dim3A_1037, %broadcast_in_dim3A_879 : vector<16xi32>
        %select_n3A_1043 = arith.select %lt3A_1042, %gather3A_1041, %broadcast_in_dim3A_12 : vector<16xi1>, vector<16xf32>
        %gather3A_1044 = tpu.vector_load_idx %arg13[%broadcast_in_dim3A_881, %broadcast_in_dim3A_1037] : memref<3x128xi32, #tpu.memory_space<vmem>>[vector<16xi32>, vector<16xi32>], vector<16xi32>,
        %get3A_1045 = arith.constant 1 : i32
        %get3A_1046 = arith.index_cast %get3A_1045 : i32 to index
        %get3A_1047 = arith.index_cast %add3A_1036 : i32 to index
        %get3A_1048 = arith.constant 0 : index
        %get3A_1049 = tpu.vector_load %arg17[%get3A_1046, %get3A_1047, %get3A_1048] {strides = array<i32>} : memref<3x128x48xf32, #tpu.memory_space<vmem>>, vector<16xf32>,
        %mul3A_1050 = arith.mulf %get3A_1049, %select_n3A_1043 : vector<16xf32>
        tpu.vector_store_idx %arg9[%gather3A_1044, %iota3A], %mul3A_1050 {add = true} : memref<1568x48xf32, #tpu.memory_space<vmem>>[vector<16xi32>, vector<16xi32>], vector<16xf32>,
        %get3A_1051 = arith.constant 1 : i32
        %get3A_1052 = arith.index_cast %get3A_1051 : i32 to index
        %get3A_1053 = arith.index_cast %add3A_1036 : i32 to index
        %get3A_1054 = arith.constant 16 : index
        %get3A_1055 = tpu.vector_load %arg17[%get3A_1052, %get3A_1053, %get3A_1054] {strides = array<i32>} : memref<3x128x48xf32, #tpu.memory_space<vmem>>, vector<16xf32>,
        %mul3A_1056 = arith.mulf %get3A_1055, %select_n3A_1043 : vector<16xf32>
        tpu.vector_store_idx %arg9[%gather3A_1044, %add3A_8], %mul3A_1056 {add = true} : memref<1568x48xf32, #tpu.memory_space<vmem>>[vector<16xi32>, vector<16xi32>], vector<16xf32>,
        %get3A_1057 = arith.constant 1 : i32
        %get3A_1058 = arith.index_cast %get3A_1057 : i32 to index
        %get3A_1059 = arith.index_cast %add3A_1036 : i32 to index
        %get3A_1060 = arith.constant 32 : index
        %get3A_1061 = tpu.vector_load %arg17[%get3A_1058, %get3A_1059, %get3A_1060] {strides = array<i32>} : memref<3x128x48xf32, #tpu.memory_space<vmem>>, vector<16xf32>,
        %mul3A_1062 = arith.mulf %get3A_1061, %select_n3A_1043 : vector<16xf32>
        tpu.vector_store_idx %arg9[%gather3A_1044, %add3A_11], %mul3A_1062 {add = true} : memref<1568x48xf32, #tpu.memory_space<vmem>>[vector<16xi32>, vector<16xi32>], vector<16xf32>,
        %mul3A_1063 = arith.constant 4 : i32
        %mul3A_1064 = arith.muli %scan3A_974, %mul3A_1063 : i32
        %add3A_1065 = arith.constant 3 : i32
        %add3A_1066 = arith.addi %mul3A_1064, %add3A_1065 : i32
        %broadcast_in_dim3A_1067 = vector.broadcast %add3A_1066 : i32 to vector<16xi32>
        %add3A_1068 = arith.constant 128 : i32
        %add3A_1069 = vector.broadcast %add3A_1068 : i32 to vector<16xi32>
        %add3A_1070 = arith.addi %broadcast_in_dim3A_1067, %add3A_1069 : vector<16xi32>
        %gather3A_1071 = tpu.vector_load_idx %arg15[%add3A_1070] : memref<384xf32, #tpu.memory_space<vmem>>[vector<16xi32>], vector<16xf32>,
        %lt3A_1072 = arith.cmpi slt, %broadcast_in_dim3A_1067, %broadcast_in_dim3A_879 : vector<16xi32>
        %select_n3A_1073 = arith.select %lt3A_1072, %gather3A_1071, %broadcast_in_dim3A_12 : vector<16xi1>, vector<16xf32>
        %gather3A_1074 = tpu.vector_load_idx %arg13[%broadcast_in_dim3A_881, %broadcast_in_dim3A_1067] : memref<3x128xi32, #tpu.memory_space<vmem>>[vector<16xi32>, vector<16xi32>], vector<16xi32>,
        %get3A_1075 = arith.constant 1 : i32
        %get3A_1076 = arith.index_cast %get3A_1075 : i32 to index
        %get3A_1077 = arith.index_cast %add3A_1066 : i32 to index
        %get3A_1078 = arith.constant 0 : index
        %get3A_1079 = tpu.vector_load %arg17[%get3A_1076, %get3A_1077, %get3A_1078] {strides = array<i32>} : memref<3x128x48xf32, #tpu.memory_space<vmem>>, vector<16xf32>,
        %mul3A_1080 = arith.mulf %get3A_1079, %select_n3A_1073 : vector<16xf32>
        tpu.vector_store_idx %arg9[%gather3A_1074, %iota3A], %mul3A_1080 {add = true} : memref<1568x48xf32, #tpu.memory_space<vmem>>[vector<16xi32>, vector<16xi32>], vector<16xf32>,
        %get3A_1081 = arith.constant 1 : i32
        %get3A_1082 = arith.index_cast %get3A_1081 : i32 to index
        %get3A_1083 = arith.index_cast %add3A_1066 : i32 to index
        %get3A_1084 = arith.constant 16 : index
        %get3A_1085 = tpu.vector_load %arg17[%get3A_1082, %get3A_1083, %get3A_1084] {strides = array<i32>} : memref<3x128x48xf32, #tpu.memory_space<vmem>>, vector<16xf32>,
        %mul3A_1086 = arith.mulf %get3A_1085, %select_n3A_1073 : vector<16xf32>
        tpu.vector_store_idx %arg9[%gather3A_1074, %add3A_8], %mul3A_1086 {add = true} : memref<1568x48xf32, #tpu.memory_space<vmem>>[vector<16xi32>, vector<16xi32>], vector<16xf32>,
        %get3A_1087 = arith.constant 1 : i32
        %get3A_1088 = arith.index_cast %get3A_1087 : i32 to index
        %get3A_1089 = arith.index_cast %add3A_1066 : i32 to index
        %get3A_1090 = arith.constant 32 : index
        %get3A_1091 = tpu.vector_load %arg17[%get3A_1088, %get3A_1089, %get3A_1090] {strides = array<i32>} : memref<3x128x48xf32, #tpu.memory_space<vmem>>, vector<16xf32>,
        %mul3A_1092 = arith.mulf %get3A_1091, %select_n3A_1073 : vector<16xf32>
        tpu.vector_store_idx %arg9[%gather3A_1074, %add3A_11], %mul3A_1092 {add = true} : memref<1568x48xf32, #tpu.memory_space<vmem>>[vector<16xi32>, vector<16xi32>], vector<16xf32>,
      }
      %scan3A_887 = arith.constant 32 : i32
      %sub3A_888 = arith.constant 256 : i32
      %sub3A_889 = arith.subi %sub3A_865, %sub3A_888 : i32
      %broadcast_in_dim3A_890 = vector.broadcast %sub3A_889 : i32 to vector<16xi32>
      %broadcast_in_dim3A_891 = arith.constant 2 : i32
      %broadcast_in_dim3A_892 = vector.broadcast %broadcast_in_dim3A_891 : i32 to vector<16xi32>
      %scan3A_893 = arith.constant 0 : i32
      %scan3A_894 = arith.constant 0 : i32
      %scan3A_895 = arith.constant 32 : i32
      %scan3A_896 = arith.addi %scan3A_894, %scan3A_895 : i32
      %scan3A_897 = arith.constant 1 : i32
      scf.for %scan3A_974 = %scan3A_894 to %scan3A_896 step %scan3A_897  : i32 {
        %mul3A_975 = arith.constant 4 : i32
        %mul3A_976 = arith.muli %scan3A_974, %mul3A_975 : i32
        %add3A_977 = arith.constant 0 : i32
        %add3A_978 = arith.addi %mul3A_976, %add3A_977 : i32
        %broadcast_in_dim3A_979 = vector.broadcast %add3A_978 : i32 to vector<16xi32>
        %add3A_980 = arith.constant 256 : i32
        %add3A_981 = vector.broadcast %add3A_980 : i32 to vector<16xi32>
        %add3A_982 = arith.addi %broadcast_in_dim3A_979, %add3A_981 : vector<16xi32>
        %gather3A = tpu.vector_load_idx %arg15[%add3A_982] : memref<384xf32, #tpu.memory_space<vmem>>[vector<16xi32>], vector<16xf32>,
        %lt3A = arith.cmpi slt, %broadcast_in_dim3A_979, %broadcast_in_dim3A_890 : vector<16xi32>
        %select_n3A_983 = arith.select %lt3A, %gather3A, %broadcast_in_dim3A_12 : vector<16xi1>, vector<16xf32>
        %gather3A_984 = tpu.vector_load_idx %arg13[%broadcast_in_dim3A_892, %broadcast_in_dim3A_979] : memref<3x128xi32, #tpu.memory_space<vmem>>[vector<16xi32>, vector<16xi32>], vector<16xi32>,
        %get3A_985 = arith.constant 2 : i32
        %get3A_986 = arith.index_cast %get3A_985 : i32 to index
        %get3A_987 = arith.index_cast %add3A_978 : i32 to index
        %get3A_988 = arith.constant 0 : index
        %get3A_989 = tpu.vector_load %arg17[%get3A_986, %get3A_987, %get3A_988] {strides = array<i32>} : memref<3x128x48xf32, #tpu.memory_space<vmem>>, vector<16xf32>,
        %mul3A_990 = arith.mulf %get3A_989, %select_n3A_983 : vector<16xf32>
        tpu.vector_store_idx %arg9[%gather3A_984, %iota3A], %mul3A_990 {add = true} : memref<1568x48xf32, #tpu.memory_space<vmem>>[vector<16xi32>, vector<16xi32>], vector<16xf32>,
        %get3A_991 = arith.constant 2 : i32
        %get3A_992 = arith.index_cast %get3A_991 : i32 to index
        %get3A_993 = arith.index_cast %add3A_978 : i32 to index
        %get3A_994 = arith.constant 16 : index
        %get3A_995 = tpu.vector_load %arg17[%get3A_992, %get3A_993, %get3A_994] {strides = array<i32>} : memref<3x128x48xf32, #tpu.memory_space<vmem>>, vector<16xf32>,
        %mul3A_996 = arith.mulf %get3A_995, %select_n3A_983 : vector<16xf32>
        tpu.vector_store_idx %arg9[%gather3A_984, %add3A_8], %mul3A_996 {add = true} : memref<1568x48xf32, #tpu.memory_space<vmem>>[vector<16xi32>, vector<16xi32>], vector<16xf32>,
        %get3A_997 = arith.constant 2 : i32
        %get3A_998 = arith.index_cast %get3A_997 : i32 to index
        %get3A_999 = arith.index_cast %add3A_978 : i32 to index
        %get3A_1000 = arith.constant 32 : index
        %get3A_1001 = tpu.vector_load %arg17[%get3A_998, %get3A_999, %get3A_1000] {strides = array<i32>} : memref<3x128x48xf32, #tpu.memory_space<vmem>>, vector<16xf32>,
        %mul3A_1002 = arith.mulf %get3A_1001, %select_n3A_983 : vector<16xf32>
        tpu.vector_store_idx %arg9[%gather3A_984, %add3A_11], %mul3A_1002 {add = true} : memref<1568x48xf32, #tpu.memory_space<vmem>>[vector<16xi32>, vector<16xi32>], vector<16xf32>,
        %mul3A_1003 = arith.constant 4 : i32
        %mul3A_1004 = arith.muli %scan3A_974, %mul3A_1003 : i32
        %add3A_1005 = arith.constant 1 : i32
        %add3A_1006 = arith.addi %mul3A_1004, %add3A_1005 : i32
        %broadcast_in_dim3A_1007 = vector.broadcast %add3A_1006 : i32 to vector<16xi32>
        %add3A_1008 = arith.constant 256 : i32
        %add3A_1009 = vector.broadcast %add3A_1008 : i32 to vector<16xi32>
        %add3A_1010 = arith.addi %broadcast_in_dim3A_1007, %add3A_1009 : vector<16xi32>
        %gather3A_1011 = tpu.vector_load_idx %arg15[%add3A_1010] : memref<384xf32, #tpu.memory_space<vmem>>[vector<16xi32>], vector<16xf32>,
        %lt3A_1012 = arith.cmpi slt, %broadcast_in_dim3A_1007, %broadcast_in_dim3A_890 : vector<16xi32>
        %select_n3A_1013 = arith.select %lt3A_1012, %gather3A_1011, %broadcast_in_dim3A_12 : vector<16xi1>, vector<16xf32>
        %gather3A_1014 = tpu.vector_load_idx %arg13[%broadcast_in_dim3A_892, %broadcast_in_dim3A_1007] : memref<3x128xi32, #tpu.memory_space<vmem>>[vector<16xi32>, vector<16xi32>], vector<16xi32>,
        %get3A_1015 = arith.constant 2 : i32
        %get3A_1016 = arith.index_cast %get3A_1015 : i32 to index
        %get3A_1017 = arith.index_cast %add3A_1006 : i32 to index
        %get3A_1018 = arith.constant 0 : index
        %get3A_1019 = tpu.vector_load %arg17[%get3A_1016, %get3A_1017, %get3A_1018] {strides = array<i32>} : memref<3x128x48xf32, #tpu.memory_space<vmem>>, vector<16xf32>,
        %mul3A_1020 = arith.mulf %get3A_1019, %select_n3A_1013 : vector<16xf32>
        tpu.vector_store_idx %arg9[%gather3A_1014, %iota3A], %mul3A_1020 {add = true} : memref<1568x48xf32, #tpu.memory_space<vmem>>[vector<16xi32>, vector<16xi32>], vector<16xf32>,
        %get3A_1021 = arith.constant 2 : i32
        %get3A_1022 = arith.index_cast %get3A_1021 : i32 to index
        %get3A_1023 = arith.index_cast %add3A_1006 : i32 to index
        %get3A_1024 = arith.constant 16 : index
        %get3A_1025 = tpu.vector_load %arg17[%get3A_1022, %get3A_1023, %get3A_1024] {strides = array<i32>} : memref<3x128x48xf32, #tpu.memory_space<vmem>>, vector<16xf32>,
        %mul3A_1026 = arith.mulf %get3A_1025, %select_n3A_1013 : vector<16xf32>
        tpu.vector_store_idx %arg9[%gather3A_1014, %add3A_8], %mul3A_1026 {add = true} : memref<1568x48xf32, #tpu.memory_space<vmem>>[vector<16xi32>, vector<16xi32>], vector<16xf32>,
        %get3A_1027 = arith.constant 2 : i32
        %get3A_1028 = arith.index_cast %get3A_1027 : i32 to index
        %get3A_1029 = arith.index_cast %add3A_1006 : i32 to index
        %get3A_1030 = arith.constant 32 : index
        %get3A_1031 = tpu.vector_load %arg17[%get3A_1028, %get3A_1029, %get3A_1030] {strides = array<i32>} : memref<3x128x48xf32, #tpu.memory_space<vmem>>, vector<16xf32>,
        %mul3A_1032 = arith.mulf %get3A_1031, %select_n3A_1013 : vector<16xf32>
        tpu.vector_store_idx %arg9[%gather3A_1014, %add3A_11], %mul3A_1032 {add = true} : memref<1568x48xf32, #tpu.memory_space<vmem>>[vector<16xi32>, vector<16xi32>], vector<16xf32>,
        %mul3A_1033 = arith.constant 4 : i32
        %mul3A_1034 = arith.muli %scan3A_974, %mul3A_1033 : i32
        %add3A_1035 = arith.constant 2 : i32
        %add3A_1036 = arith.addi %mul3A_1034, %add3A_1035 : i32
        %broadcast_in_dim3A_1037 = vector.broadcast %add3A_1036 : i32 to vector<16xi32>
        %add3A_1038 = arith.constant 256 : i32
        %add3A_1039 = vector.broadcast %add3A_1038 : i32 to vector<16xi32>
        %add3A_1040 = arith.addi %broadcast_in_dim3A_1037, %add3A_1039 : vector<16xi32>
        %gather3A_1041 = tpu.vector_load_idx %arg15[%add3A_1040] : memref<384xf32, #tpu.memory_space<vmem>>[vector<16xi32>], vector<16xf32>,
        %lt3A_1042 = arith.cmpi slt, %broadcast_in_dim3A_1037, %broadcast_in_dim3A_890 : vector<16xi32>
        %select_n3A_1043 = arith.select %lt3A_1042, %gather3A_1041, %broadcast_in_dim3A_12 : vector<16xi1>, vector<16xf32>
        %gather3A_1044 = tpu.vector_load_idx %arg13[%broadcast_in_dim3A_892, %broadcast_in_dim3A_1037] : memref<3x128xi32, #tpu.memory_space<vmem>>[vector<16xi32>, vector<16xi32>], vector<16xi32>,
        %get3A_1045 = arith.constant 2 : i32
        %get3A_1046 = arith.index_cast %get3A_1045 : i32 to index
        %get3A_1047 = arith.index_cast %add3A_1036 : i32 to index
        %get3A_1048 = arith.constant 0 : index
        %get3A_1049 = tpu.vector_load %arg17[%get3A_1046, %get3A_1047, %get3A_1048] {strides = array<i32>} : memref<3x128x48xf32, #tpu.memory_space<vmem>>, vector<16xf32>,
        %mul3A_1050 = arith.mulf %get3A_1049, %select_n3A_1043 : vector<16xf32>
        tpu.vector_store_idx %arg9[%gather3A_1044, %iota3A], %mul3A_1050 {add = true} : memref<1568x48xf32, #tpu.memory_space<vmem>>[vector<16xi32>, vector<16xi32>], vector<16xf32>,
        %get3A_1051 = arith.constant 2 : i32
        %get3A_1052 = arith.index_cast %get3A_1051 : i32 to index
        %get3A_1053 = arith.index_cast %add3A_1036 : i32 to index
        %get3A_1054 = arith.constant 16 : index
        %get3A_1055 = tpu.vector_load %arg17[%get3A_1052, %get3A_1053, %get3A_1054] {strides = array<i32>} : memref<3x128x48xf32, #tpu.memory_space<vmem>>, vector<16xf32>,
        %mul3A_1056 = arith.mulf %get3A_1055, %select_n3A_1043 : vector<16xf32>
        tpu.vector_store_idx %arg9[%gather3A_1044, %add3A_8], %mul3A_1056 {add = true} : memref<1568x48xf32, #tpu.memory_space<vmem>>[vector<16xi32>, vector<16xi32>], vector<16xf32>,
        %get3A_1057 = arith.constant 2 : i32
        %get3A_1058 = arith.index_cast %get3A_1057 : i32 to index
        %get3A_1059 = arith.index_cast %add3A_1036 : i32 to index
        %get3A_1060 = arith.constant 32 : index
        %get3A_1061 = tpu.vector_load %arg17[%get3A_1058, %get3A_1059, %get3A_1060] {strides = array<i32>} : memref<3x128x48xf32, #tpu.memory_space<vmem>>, vector<16xf32>,
        %mul3A_1062 = arith.mulf %get3A_1061, %select_n3A_1043 : vector<16xf32>
        tpu.vector_store_idx %arg9[%gather3A_1044, %add3A_11], %mul3A_1062 {add = true} : memref<1568x48xf32, #tpu.memory_space<vmem>>[vector<16xi32>, vector<16xi32>], vector<16xf32>,
        %mul3A_1063 = arith.constant 4 : i32
        %mul3A_1064 = arith.muli %scan3A_974, %mul3A_1063 : i32
        %add3A_1065 = arith.constant 3 : i32
        %add3A_1066 = arith.addi %mul3A_1064, %add3A_1065 : i32
        %broadcast_in_dim3A_1067 = vector.broadcast %add3A_1066 : i32 to vector<16xi32>
        %add3A_1068 = arith.constant 256 : i32
        %add3A_1069 = vector.broadcast %add3A_1068 : i32 to vector<16xi32>
        %add3A_1070 = arith.addi %broadcast_in_dim3A_1067, %add3A_1069 : vector<16xi32>
        %gather3A_1071 = tpu.vector_load_idx %arg15[%add3A_1070] : memref<384xf32, #tpu.memory_space<vmem>>[vector<16xi32>], vector<16xf32>,
        %lt3A_1072 = arith.cmpi slt, %broadcast_in_dim3A_1067, %broadcast_in_dim3A_890 : vector<16xi32>
        %select_n3A_1073 = arith.select %lt3A_1072, %gather3A_1071, %broadcast_in_dim3A_12 : vector<16xi1>, vector<16xf32>
        %gather3A_1074 = tpu.vector_load_idx %arg13[%broadcast_in_dim3A_892, %broadcast_in_dim3A_1067] : memref<3x128xi32, #tpu.memory_space<vmem>>[vector<16xi32>, vector<16xi32>], vector<16xi32>,
        %get3A_1075 = arith.constant 2 : i32
        %get3A_1076 = arith.index_cast %get3A_1075 : i32 to index
        %get3A_1077 = arith.index_cast %add3A_1066 : i32 to index
        %get3A_1078 = arith.constant 0 : index
        %get3A_1079 = tpu.vector_load %arg17[%get3A_1076, %get3A_1077, %get3A_1078] {strides = array<i32>} : memref<3x128x48xf32, #tpu.memory_space<vmem>>, vector<16xf32>,
        %mul3A_1080 = arith.mulf %get3A_1079, %select_n3A_1073 : vector<16xf32>
        tpu.vector_store_idx %arg9[%gather3A_1074, %iota3A], %mul3A_1080 {add = true} : memref<1568x48xf32, #tpu.memory_space<vmem>>[vector<16xi32>, vector<16xi32>], vector<16xf32>,
        %get3A_1081 = arith.constant 2 : i32
        %get3A_1082 = arith.index_cast %get3A_1081 : i32 to index
        %get3A_1083 = arith.index_cast %add3A_1066 : i32 to index
        %get3A_1084 = arith.constant 16 : index
        %get3A_1085 = tpu.vector_load %arg17[%get3A_1082, %get3A_1083, %get3A_1084] {strides = array<i32>} : memref<3x128x48xf32, #tpu.memory_space<vmem>>, vector<16xf32>,
        %mul3A_1086 = arith.mulf %get3A_1085, %select_n3A_1073 : vector<16xf32>
        tpu.vector_store_idx %arg9[%gather3A_1074, %add3A_8], %mul3A_1086 {add = true} : memref<1568x48xf32, #tpu.memory_space<vmem>>[vector<16xi32>, vector<16xi32>], vector<16xf32>,
        %get3A_1087 = arith.constant 2 : i32
        %get3A_1088 = arith.index_cast %get3A_1087 : i32 to index
        %get3A_1089 = arith.index_cast %add3A_1066 : i32 to index
        %get3A_1090 = arith.constant 32 : index
        %get3A_1091 = tpu.vector_load %arg17[%get3A_1088, %get3A_1089, %get3A_1090] {strides = array<i32>} : memref<3x128x48xf32, #tpu.memory_space<vmem>>, vector<16xf32>,
        %mul3A_1092 = arith.mulf %get3A_1091, %select_n3A_1073 : vector<16xf32>
        tpu.vector_store_idx %arg9[%gather3A_1074, %add3A_11], %mul3A_1092 {add = true} : memref<1568x48xf32, #tpu.memory_space<vmem>>[vector<16xi32>, vector<16xi32>], vector<16xf32>,
      }
      %scan3A_898 = arith.constant 32 : i32
      %add3A_899 = arith.constant 3 : i32
      %add3A_900 = arith.addi %mul3A_455, %add3A_899 : i32
      %mul3A_901 = arith.constant 384 : i32
      %mul3A_902 = arith.muli %add3A_900, %mul3A_901 : i32
      %min3A_903 = arith.minsi %mul3A_902, %mul3A_48 : i32
      %multiple_of3A_904 = tpu.assume_multiple %min3A_903, 128 : i32
      %add3A_905 = arith.addi %multiple_of3A_5, %multiple_of3A_904 : i32
      %dma_start3A_906 = tpu.memref_slice %arg6[%add3A_905] : memref<25690112xf32, #tpu.memory_space<hbm>> -> memref<384xf32, #tpu.memory_space<hbm>>
      %dma_start3A_907 = tpu.memref_slice %arg6[%add3A_905] : memref<25690112xf32, #tpu.memory_space<hbm>> -> memref<384xf32, #tpu.memory_space<hbm>>
      tpu.enqueue_dma source(%dma_start3A_907 : memref<384xf32, #tpu.memory_space<hbm>>) target(%arg15 : memref<384xf32, #tpu.memory_space<vmem>>) target_semaphore(%arg20 : memref<!tpu.dma_semaphore, #tpu.memory_space<semaphore_mem>>)
      %add3A_908 = arith.constant 0 : i32
      %add3A_909 = arith.addi %add3A_905, %add3A_908 : i32
      %dma_start3A_910 = arith.constant 0 : i32
      %dma_start3A_911 = arith.constant 0 : i32
      %dma_start3A_912 = tpu.memref_slice %arg11[%dma_start3A_910, %dma_start3A_911] : memref<3x128xi32, #tpu.memory_space<vmem>> -> memref<1x128xi32, #tpu.memory_space<vmem>>
      %dma_start3A_913 = tpu.memref_squeeze %dma_start3A_912 : memref<1x128xi32, #tpu.memory_space<vmem>> -> memref<128xi32, #tpu.memory_space<vmem>>
      %dma_start3A_914 = tpu.memref_slice %arg4[%add3A_909] : memref<25690112xi32, #tpu.memory_space<hbm>> -> memref<128xi32, #tpu.memory_space<hbm>>
      %dma_start3A_915 = arith.constant 0 : i32
      %dma_start3A_916 = tpu.memref_slice %arg11[%dma_start3A_910, %dma_start3A_915] : memref<3x128xi32, #tpu.memory_space<vmem>> -> memref<1x128xi32, #tpu.memory_space<vmem>>
      %dma_start3A_917 = tpu.memref_squeeze %dma_start3A_916 : memref<1x128xi32, #tpu.memory_space<vmem>> -> memref<128xi32, #tpu.memory_space<vmem>>
      %dma_start3A_918 = tpu.memref_slice %arg4[%add3A_909] : memref<25690112xi32, #tpu.memory_space<hbm>> -> memref<128xi32, #tpu.memory_space<hbm>>
      tpu.enqueue_dma source(%dma_start3A_918 : memref<128xi32, #tpu.memory_space<hbm>>) target(%dma_start3A_917 : memref<128xi32, #tpu.memory_space<vmem>>) target_semaphore(%arg20 : memref<!tpu.dma_semaphore, #tpu.memory_space<semaphore_mem>>)
      %add3A_919 = arith.constant 0 : i32
      %add3A_920 = arith.addi %add3A_905, %add3A_919 : i32
      %dma_start3A_921 = arith.constant 0 : i32
      %dma_start3A_922 = arith.constant 0 : i32
      %dma_start3A_923 = tpu.memref_slice %arg13[%dma_start3A_921, %dma_start3A_922] : memref<3x128xi32, #tpu.memory_space<vmem>> -> memref<1x128xi32, #tpu.memory_space<vmem>>
      %dma_start3A_924 = tpu.memref_squeeze %dma_start3A_923 : memref<1x128xi32, #tpu.memory_space<vmem>> -> memref<128xi32, #tpu.memory_space<vmem>>
      %dma_start3A_925 = tpu.memref_slice %arg5[%add3A_920] : memref<25690112xi32, #tpu.memory_space<hbm>> -> memref<128xi32, #tpu.memory_space<hbm>>
      %dma_start3A_926 = arith.constant 0 : i32
      %dma_start3A_927 = tpu.memref_slice %arg13[%dma_start3A_921, %dma_start3A_926] : memref<3x128xi32, #tpu.memory_space<vmem>> -> memref<1x128xi32, #tpu.memory_space<vmem>>
      %dma_start3A_928 = tpu.memref_squeeze %dma_start3A_927 : memref<1x128xi32, #tpu.memory_space<vmem>> -> memref<128xi32, #tpu.memory_space<vmem>>
      %dma_start3A_929 = tpu.memref_slice %arg5[%add3A_920] : memref<25690112xi32, #tpu.memory_space<hbm>> -> memref<128xi32, #tpu.memory_space<hbm>>
      tpu.enqueue_dma source(%dma_start3A_929 : memref<128xi32, #tpu.memory_space<hbm>>) target(%dma_start3A_928 : memref<128xi32, #tpu.memory_space<vmem>>) target_semaphore(%arg20 : memref<!tpu.dma_semaphore, #tpu.memory_space<semaphore_mem>>)
      %add3A_930 = arith.constant 128 : i32
      %add3A_931 = arith.addi %add3A_905, %add3A_930 : i32
      %dma_start3A_932 = arith.constant 1 : i32
      %dma_start3A_933 = arith.constant 0 : i32
      %dma_start3A_934 = tpu.memref_slice %arg11[%dma_start3A_932, %dma_start3A_933] : memref<3x128xi32, #tpu.memory_space<vmem>> -> memref<1x128xi32, #tpu.memory_space<vmem>>
      %dma_start3A_935 = tpu.memref_squeeze %dma_start3A_934 : memref<1x128xi32, #tpu.memory_space<vmem>> -> memref<128xi32, #tpu.memory_space<vmem>>
      %dma_start3A_936 = tpu.memref_slice %arg4[%add3A_931] : memref<25690112xi32, #tpu.memory_space<hbm>> -> memref<128xi32, #tpu.memory_space<hbm>>
      %dma_start3A_937 = arith.constant 0 : i32
      %dma_start3A_938 = tpu.memref_slice %arg11[%dma_start3A_932, %dma_start3A_937] : memref<3x128xi32, #tpu.memory_space<vmem>> -> memref<1x128xi32, #tpu.memory_space<vmem>>
      %dma_start3A_939 = tpu.memref_squeeze %dma_start3A_938 : memref<1x128xi32, #tpu.memory_space<vmem>> -> memref<128xi32, #tpu.memory_space<vmem>>
      %dma_start3A_940 = tpu.memref_slice %arg4[%add3A_931] : memref<25690112xi32, #tpu.memory_space<hbm>> -> memref<128xi32, #tpu.memory_space<hbm>>
      tpu.enqueue_dma source(%dma_start3A_940 : memref<128xi32, #tpu.memory_space<hbm>>) target(%dma_start3A_939 : memref<128xi32, #tpu.memory_space<vmem>>) target_semaphore(%arg20 : memref<!tpu.dma_semaphore, #tpu.memory_space<semaphore_mem>>)
      %add3A_941 = arith.constant 128 : i32
      %add3A_942 = arith.addi %add3A_905, %add3A_941 : i32
      %dma_start3A_943 = arith.constant 1 : i32
      %dma_start3A_944 = arith.constant 0 : i32
      %dma_start3A_945 = tpu.memref_slice %arg13[%dma_start3A_943, %dma_start3A_944] : memref<3x128xi32, #tpu.memory_space<vmem>> -> memref<1x128xi32, #tpu.memory_space<vmem>>
      %dma_start3A_946 = tpu.memref_squeeze %dma_start3A_945 : memref<1x128xi32, #tpu.memory_space<vmem>> -> memref<128xi32, #tpu.memory_space<vmem>>
      %dma_start3A_947 = tpu.memref_slice %arg5[%add3A_942] : memref<25690112xi32, #tpu.memory_space<hbm>> -> memref<128xi32, #tpu.memory_space<hbm>>
      %dma_start3A_948 = arith.constant 0 : i32
      %dma_start3A_949 = tpu.memref_slice %arg13[%dma_start3A_943, %dma_start3A_948] : memref<3x128xi32, #tpu.memory_space<vmem>> -> memref<1x128xi32, #tpu.memory_space<vmem>>
      %dma_start3A_950 = tpu.memref_squeeze %dma_start3A_949 : memref<1x128xi32, #tpu.memory_space<vmem>> -> memref<128xi32, #tpu.memory_space<vmem>>
      %dma_start3A_951 = tpu.memref_slice %arg5[%add3A_942] : memref<25690112xi32, #tpu.memory_space<hbm>> -> memref<128xi32, #tpu.memory_space<hbm>>
      tpu.enqueue_dma source(%dma_start3A_951 : memref<128xi32, #tpu.memory_space<hbm>>) target(%dma_start3A_950 : memref<128xi32, #tpu.memory_space<vmem>>) target_semaphore(%arg20 : memref<!tpu.dma_semaphore, #tpu.memory_space<semaphore_mem>>)
      %add3A_952 = arith.constant 256 : i32
      %add3A_953 = arith.addi %add3A_905, %add3A_952 : i32
      %dma_start3A_954 = arith.constant 2 : i32
      %dma_start3A_955 = arith.constant 0 : i32
      %dma_start3A_956 = tpu.memref_slice %arg11[%dma_start3A_954, %dma_start3A_955] : memref<3x128xi32, #tpu.memory_space<vmem>> -> memref<1x128xi32, #tpu.memory_space<vmem>>
      %dma_start3A_957 = tpu.memref_squeeze %dma_start3A_956 : memref<1x128xi32, #tpu.memory_space<vmem>> -> memref<128xi32, #tpu.memory_space<vmem>>
      %dma_start3A_958 = tpu.memref_slice %arg4[%add3A_953] : memref<25690112xi32, #tpu.memory_space<hbm>> -> memref<128xi32, #tpu.memory_space<hbm>>
      %dma_start3A_959 = arith.constant 0 : i32
      %dma_start3A_960 = tpu.memref_slice %arg11[%dma_start3A_954, %dma_start3A_959] : memref<3x128xi32, #tpu.memory_space<vmem>> -> memref<1x128xi32, #tpu.memory_space<vmem>>
      %dma_start3A_961 = tpu.memref_squeeze %dma_start3A_960 : memref<1x128xi32, #tpu.memory_space<vmem>> -> memref<128xi32, #tpu.memory_space<vmem>>
      %dma_start3A_962 = tpu.memref_slice %arg4[%add3A_953] : memref<25690112xi32, #tpu.memory_space<hbm>> -> memref<128xi32, #tpu.memory_space<hbm>>
      tpu.enqueue_dma source(%dma_start3A_962 : memref<128xi32, #tpu.memory_space<hbm>>) target(%dma_start3A_961 : memref<128xi32, #tpu.memory_space<vmem>>) target_semaphore(%arg20 : memref<!tpu.dma_semaphore, #tpu.memory_space<semaphore_mem>>)
      %add3A_963 = arith.constant 256 : i32
      %add3A_964 = arith.addi %add3A_905, %add3A_963 : i32
      %dma_start3A_965 = arith.constant 2 : i32
      %dma_start3A_966 = arith.constant 0 : i32
      %dma_start3A_967 = tpu.memref_slice %arg13[%dma_start3A_965, %dma_start3A_966] : memref<3x128xi32, #tpu.memory_space<vmem>> -> memref<1x128xi32, #tpu.memory_space<vmem>>
      %dma_start3A_968 = tpu.memref_squeeze %dma_start3A_967 : memref<1x128xi32, #tpu.memory_space<vmem>> -> memref<128xi32, #tpu.memory_space<vmem>>
      %dma_start3A_969 = tpu.memref_slice %arg5[%add3A_964] : memref<25690112xi32, #tpu.memory_space<hbm>> -> memref<128xi32, #tpu.memory_space<hbm>>
      %dma_start3A_970 = arith.constant 0 : i32
      %dma_start3A_971 = tpu.memref_slice %arg13[%dma_start3A_965, %dma_start3A_970] : memref<3x128xi32, #tpu.memory_space<vmem>> -> memref<1x128xi32, #tpu.memory_space<vmem>>
      %dma_start3A_972 = tpu.memref_squeeze %dma_start3A_971 : memref<1x128xi32, #tpu.memory_space<vmem>> -> memref<128xi32, #tpu.memory_space<vmem>>
      %dma_start3A_973 = tpu.memref_slice %arg5[%add3A_964] : memref<25690112xi32, #tpu.memory_space<hbm>> -> memref<128xi32, #tpu.memory_space<hbm>>
      tpu.enqueue_dma source(%dma_start3A_973 : memref<128xi32, #tpu.memory_space<hbm>>) target(%dma_start3A_972 : memref<128xi32, #tpu.memory_space<vmem>>) target_semaphore(%arg20 : memref<!tpu.dma_semaphore, #tpu.memory_space<semaphore_mem>>)
    }
    %while3A_334 = arith.constant 1 : i32
    scf.for %while3A_453 = %while3A_332 to %while3A_328 step %while3A_334  : i32 {
      %mul3A_454 = arith.constant 2 : i32
      %mul3A_455 = arith.muli %mul3A_454, %while3A_453 : i32
      %dma_wait3A_456 = arith.constant 0 : i32
      %dma_wait3A_457 = arith.constant 0 : i32
      %dma_wait3A_458 = arith.constant 0 : i32
      %dma_wait3A_459 = arith.constant 0 : i32
      %dma_wait3A_460 = tpu.memref_slice %arg16[%dma_wait3A_457, %dma_wait3A_458, %dma_wait3A_459] : memref<3x128x48xf32, #tpu.memory_space<vmem>> -> memref<1x128x48xf32, #tpu.memory_space<vmem>>
      %dma_wait3A_461 = tpu.memref_squeeze %dma_wait3A_460 : memref<1x128x48xf32, #tpu.memory_space<vmem>> -> memref<128x48xf32, #tpu.memory_space<vmem>>
      %dma_wait3A_462 = arith.constant 0 : i32
      %dma_wait3A_463 = tpu.memref_slice %arg10[%dma_wait3A_456, %dma_wait3A_462] : memref<3x128xi32, #tpu.memory_space<vmem>> -> memref<1x128xi32, #tpu.memory_space<vmem>>
      %dma_wait3A_464 = tpu.memref_squeeze %dma_wait3A_463 : memref<1x128xi32, #tpu.memory_space<vmem>> -> memref<128xi32, #tpu.memory_space<vmem>>
      %dma_wait3A_465 = arith.constant 0 : i32
      %dma_wait3A_466 = arith.constant 0 : i32
      %dma_wait3A_467 = tpu.memref_slice %arg2[%dma_wait3A_465, %dma_wait3A_466] : memref<50176x48xf32, #tpu.memory_space<hbm>> -> memref<50176x48xf32, #tpu.memory_space<hbm>>
      tpu.wait_indirect_dma semaphore(%arg21 : memref<!tpu.dma_semaphore, #tpu.memory_space<semaphore_mem>>) src(%dma_wait3A_467 : memref<50176x48xf32, #tpu.memory_space<hbm>>) dst(%dma_wait3A_461 : memref<128x48xf32, #tpu.memory_space<vmem>>)
      %dma_wait3A_468 = arith.constant 1 : i32
      %dma_wait3A_469 = arith.constant 1 : i32
      %dma_wait3A_470 = arith.constant 0 : i32
      %dma_wait3A_471 = arith.constant 0 : i32
      %dma_wait3A_472 = tpu.memref_slice %arg16[%dma_wait3A_469, %dma_wait3A_470, %dma_wait3A_471] : memref<3x128x48xf32, #tpu.memory_space<vmem>> -> memref<1x128x48xf32, #tpu.memory_space<vmem>>
      %dma_wait3A_473 = tpu.memref_squeeze %dma_wait3A_472 : memref<1x128x48xf32, #tpu.memory_space<vmem>> -> memref<128x48xf32, #tpu.memory_space<vmem>>
      %dma_wait3A_474 = arith.constant 0 : i32
      %dma_wait3A_475 = tpu.memref_slice %arg10[%dma_wait3A_468, %dma_wait3A_474] : memref<3x128xi32, #tpu.memory_space<vmem>> -> memref<1x128xi32, #tpu.memory_space<vmem>>
      %dma_wait3A_476 = tpu.memref_squeeze %dma_wait3A_475 : memref<1x128xi32, #tpu.memory_space<vmem>> -> memref<128xi32, #tpu.memory_space<vmem>>
      %dma_wait3A_477 = arith.constant 0 : i32
      %dma_wait3A_478 = arith.constant 0 : i32
      %dma_wait3A_479 = tpu.memref_slice %arg2[%dma_wait3A_477, %dma_wait3A_478] : memref<50176x48xf32, #tpu.memory_space<hbm>> -> memref<50176x48xf32, #tpu.memory_space<hbm>>
      tpu.wait_indirect_dma semaphore(%arg21 : memref<!tpu.dma_semaphore, #tpu.memory_space<semaphore_mem>>) src(%dma_wait3A_479 : memref<50176x48xf32, #tpu.memory_space<hbm>>) dst(%dma_wait3A_473 : memref<128x48xf32, #tpu.memory_space<vmem>>)
      %dma_wait3A_480 = arith.constant 2 : i32
      %dma_wait3A_481 = arith.constant 2 : i32
      %dma_wait3A_482 = arith.constant 0 : i32
      %dma_wait3A_483 = arith.constant 0 : i32
      %dma_wait3A_484 = tpu.memref_slice %arg16[%dma_wait3A_481, %dma_wait3A_482, %dma_wait3A_483] : memref<3x128x48xf32, #tpu.memory_space<vmem>> -> memref<1x128x48xf32, #tpu.memory_space<vmem>>
      %dma_wait3A_485 = tpu.memref_squeeze %dma_wait3A_484 : memref<1x128x48xf32, #tpu.memory_space<vmem>> -> memref<128x48xf32, #tpu.memory_space<vmem>>
      %dma_wait3A_486 = arith.constant 0 : i32
      %dma_wait3A_487 = tpu.memref_slice %arg10[%dma_wait3A_480, %dma_wait3A_486] : memref<3x128xi32, #tpu.memory_space<vmem>> -> memref<1x128xi32, #tpu.memory_space<vmem>>
      %dma_wait3A_488 = tpu.memref_squeeze %dma_wait3A_487 : memref<1x128xi32, #tpu.memory_space<vmem>> -> memref<128xi32, #tpu.memory_space<vmem>>
      %dma_wait3A_489 = arith.constant 0 : i32
      %dma_wait3A_490 = arith.constant 0 : i32
      %dma_wait3A_491 = tpu.memref_slice %arg2[%dma_wait3A_489, %dma_wait3A_490] : memref<50176x48xf32, #tpu.memory_space<hbm>> -> memref<50176x48xf32, #tpu.memory_space<hbm>>
      tpu.wait_indirect_dma semaphore(%arg21 : memref<!tpu.dma_semaphore, #tpu.memory_space<semaphore_mem>>) src(%dma_wait3A_491 : memref<50176x48xf32, #tpu.memory_space<hbm>>) dst(%dma_wait3A_485 : memref<128x48xf32, #tpu.memory_space<vmem>>)
      %add3A_492 = arith.constant 1 : i32
      %add3A_493 = arith.addi %mul3A_455, %add3A_492 : i32
      %mul3A_494 = arith.constant 384 : i32
      %mul3A_495 = arith.muli %add3A_493, %mul3A_494 : i32
      %min3A_496 = arith.minsi %mul3A_495, %mul3A_48 : i32
      %multiple_of3A_497 = tpu.assume_multiple %min3A_496, 128 : i32
      %add3A_498 = arith.addi %multiple_of3A_5, %multiple_of3A_497 : i32
      %dma_wait3A_499 = tpu.memref_slice %arg6[%add3A_498] : memref<25690112xf32, #tpu.memory_space<hbm>> -> memref<384xf32, #tpu.memory_space<hbm>>
      %dma_wait3A_500 = tpu.memref_slice %arg6[%add3A_498] : memref<25690112xf32, #tpu.memory_space<hbm>> -> memref<384xf32, #tpu.memory_space<hbm>>
      tpu.wait_dma2 semaphore(%arg20 : memref<!tpu.dma_semaphore, #tpu.memory_space<semaphore_mem>>) src(%dma_wait3A_500 : memref<384xf32, #tpu.memory_space<hbm>>) dst(%arg15 : memref<384xf32, #tpu.memory_space<vmem>>)
      %add3A_501 = arith.constant 0 : i32
      %add3A_502 = arith.addi %add3A_498, %add3A_501 : i32
      %dma_wait3A_503 = arith.constant 0 : i32
      %dma_wait3A_504 = arith.constant 0 : i32
      %dma_wait3A_505 = tpu.memref_slice %arg11[%dma_wait3A_503, %dma_wait3A_504] : memref<3x128xi32, #tpu.memory_space<vmem>> -> memref<1x128xi32, #tpu.memory_space<vmem>>
      %dma_wait3A_506 = tpu.memref_squeeze %dma_wait3A_505 : memref<1x128xi32, #tpu.memory_space<vmem>> -> memref<128xi32, #tpu.memory_space<vmem>>
      %dma_wait3A_507 = tpu.memref_slice %arg4[%add3A_502] : memref<25690112xi32, #tpu.memory_space<hbm>> -> memref<128xi32, #tpu.memory_space<hbm>>
      %dma_wait3A_508 = arith.constant 0 : i32
      %dma_wait3A_509 = tpu.memref_slice %arg11[%dma_wait3A_503, %dma_wait3A_508] : memref<3x128xi32, #tpu.memory_space<vmem>> -> memref<1x128xi32, #tpu.memory_space<vmem>>
      %dma_wait3A_510 = tpu.memref_squeeze %dma_wait3A_509 : memref<1x128xi32, #tpu.memory_space<vmem>> -> memref<128xi32, #tpu.memory_space<vmem>>
      %dma_wait3A_511 = tpu.memref_slice %arg4[%add3A_502] : memref<25690112xi32, #tpu.memory_space<hbm>> -> memref<128xi32, #tpu.memory_space<hbm>>
      tpu.wait_dma2 semaphore(%arg20 : memref<!tpu.dma_semaphore, #tpu.memory_space<semaphore_mem>>) src(%dma_wait3A_511 : memref<128xi32, #tpu.memory_space<hbm>>) dst(%dma_wait3A_510 : memref<128xi32, #tpu.memory_space<vmem>>)
      %add3A_512 = arith.constant 0 : i32
      %add3A_513 = arith.addi %add3A_498, %add3A_512 : i32
      %dma_wait3A_514 = arith.constant 0 : i32
      %dma_wait3A_515 = arith.constant 0 : i32
      %dma_wait3A_516 = tpu.memref_slice %arg13[%dma_wait3A_514, %dma_wait3A_515] : memref<3x128xi32, #tpu.memory_space<vmem>> -> memref<1x128xi32, #tpu.memory_space<vmem>>
      %dma_wait3A_517 = tpu.memref_squeeze %dma_wait3A_516 : memref<1x128xi32, #tpu.memory_space<vmem>> -> memref<128xi32, #tpu.memory_space<vmem>>
      %dma_wait3A_518 = tpu.memref_slice %arg5[%add3A_513] : memref<25690112xi32, #tpu.memory_space<hbm>> -> memref<128xi32, #tpu.memory_space<hbm>>
      %dma_wait3A_519 = arith.constant 0 : i32
      %dma_wait3A_520 = tpu.memref_slice %arg13[%dma_wait3A_514, %dma_wait3A_519] : memref<3x128xi32, #tpu.memory_space<vmem>> -> memref<1x128xi32, #tpu.memory_space<vmem>>
      %dma_wait3A_521 = tpu.memref_squeeze %dma_wait3A_520 : memref<1x128xi32, #tpu.memory_space<vmem>> -> memref<128xi32, #tpu.memory_space<vmem>>
      %dma_wait3A_522 = tpu.memref_slice %arg5[%add3A_513] : memref<25690112xi32, #tpu.memory_space<hbm>> -> memref<128xi32, #tpu.memory_space<hbm>>
      tpu.wait_dma2 semaphore(%arg20 : memref<!tpu.dma_semaphore, #tpu.memory_space<semaphore_mem>>) src(%dma_wait3A_522 : memref<128xi32, #tpu.memory_space<hbm>>) dst(%dma_wait3A_521 : memref<128xi32, #tpu.memory_space<vmem>>)
      %add3A_523 = arith.constant 128 : i32
      %add3A_524 = arith.addi %add3A_498, %add3A_523 : i32
      %dma_wait3A_525 = arith.constant 1 : i32
      %dma_wait3A_526 = arith.constant 0 : i32
      %dma_wait3A_527 = tpu.memref_slice %arg11[%dma_wait3A_525, %dma_wait3A_526] : memref<3x128xi32, #tpu.memory_space<vmem>> -> memref<1x128xi32, #tpu.memory_space<vmem>>
      %dma_wait3A_528 = tpu.memref_squeeze %dma_wait3A_527 : memref<1x128xi32, #tpu.memory_space<vmem>> -> memref<128xi32, #tpu.memory_space<vmem>>
      %dma_wait3A_529 = tpu.memref_slice %arg4[%add3A_524] : memref<25690112xi32, #tpu.memory_space<hbm>> -> memref<128xi32, #tpu.memory_space<hbm>>
      %dma_wait3A_530 = arith.constant 0 : i32
      %dma_wait3A_531 = tpu.memref_slice %arg11[%dma_wait3A_525, %dma_wait3A_530] : memref<3x128xi32, #tpu.memory_space<vmem>> -> memref<1x128xi32, #tpu.memory_space<vmem>>
      %dma_wait3A_532 = tpu.memref_squeeze %dma_wait3A_531 : memref<1x128xi32, #tpu.memory_space<vmem>> -> memref<128xi32, #tpu.memory_space<vmem>>
      %dma_wait3A_533 = tpu.memref_slice %arg4[%add3A_524] : memref<25690112xi32, #tpu.memory_space<hbm>> -> memref<128xi32, #tpu.memory_space<hbm>>
      tpu.wait_dma2 semaphore(%arg20 : memref<!tpu.dma_semaphore, #tpu.memory_space<semaphore_mem>>) src(%dma_wait3A_533 : memref<128xi32, #tpu.memory_space<hbm>>) dst(%dma_wait3A_532 : memref<128xi32, #tpu.memory_space<vmem>>)
      %add3A_534 = arith.constant 128 : i32
      %add3A_535 = arith.addi %add3A_498, %add3A_534 : i32
      %dma_wait3A_536 = arith.constant 1 : i32
      %dma_wait3A_537 = arith.constant 0 : i32
      %dma_wait3A_538 = tpu.memref_slice %arg13[%dma_wait3A_536, %dma_wait3A_537] : memref<3x128xi32, #tpu.memory_space<vmem>> -> memref<1x128xi32, #tpu.memory_space<vmem>>
      %dma_wait3A_539 = tpu.memref_squeeze %dma_wait3A_538 : memref<1x128xi32, #tpu.memory_space<vmem>> -> memref<128xi32, #tpu.memory_space<vmem>>
      %dma_wait3A_540 = tpu.memref_slice %arg5[%add3A_535] : memref<25690112xi32, #tpu.memory_space<hbm>> -> memref<128xi32, #tpu.memory_space<hbm>>
      %dma_wait3A_541 = arith.constant 0 : i32
      %dma_wait3A_542 = tpu.memref_slice %arg13[%dma_wait3A_536, %dma_wait3A_541] : memref<3x128xi32, #tpu.memory_space<vmem>> -> memref<1x128xi32, #tpu.memory_space<vmem>>
      %dma_wait3A_543 = tpu.memref_squeeze %dma_wait3A_542 : memref<1x128xi32, #tpu.memory_space<vmem>> -> memref<128xi32, #tpu.memory_space<vmem>>
      %dma_wait3A_544 = tpu.memref_slice %arg5[%add3A_535] : memref<25690112xi32, #tpu.memory_space<hbm>> -> memref<128xi32, #tpu.memory_space<hbm>>
      tpu.wait_dma2 semaphore(%arg20 : memref<!tpu.dma_semaphore, #tpu.memory_space<semaphore_mem>>) src(%dma_wait3A_544 : memref<128xi32, #tpu.memory_space<hbm>>) dst(%dma_wait3A_543 : memref<128xi32, #tpu.memory_space<vmem>>)
      %add3A_545 = arith.constant 256 : i32
      %add3A_546 = arith.addi %add3A_498, %add3A_545 : i32
      %dma_wait3A_547 = arith.constant 2 : i32
      %dma_wait3A_548 = arith.constant 0 : i32
      %dma_wait3A_549 = tpu.memref_slice %arg11[%dma_wait3A_547, %dma_wait3A_548] : memref<3x128xi32, #tpu.memory_space<vmem>> -> memref<1x128xi32, #tpu.memory_space<vmem>>
      %dma_wait3A_550 = tpu.memref_squeeze %dma_wait3A_549 : memref<1x128xi32, #tpu.memory_space<vmem>> -> memref<128xi32, #tpu.memory_space<vmem>>
      %dma_wait3A_551 = tpu.memref_slice %arg4[%add3A_546] : memref<25690112xi32, #tpu.memory_space<hbm>> -> memref<128xi32, #tpu.memory_space<hbm>>
      %dma_wait3A_552 = arith.constant 0 : i32
      %dma_wait3A_553 = tpu.memref_slice %arg11[%dma_wait3A_547, %dma_wait3A_552] : memref<3x128xi32, #tpu.memory_space<vmem>> -> memref<1x128xi32, #tpu.memory_space<vmem>>
      %dma_wait3A_554 = tpu.memref_squeeze %dma_wait3A_553 : memref<1x128xi32, #tpu.memory_space<vmem>> -> memref<128xi32, #tpu.memory_space<vmem>>
      %dma_wait3A_555 = tpu.memref_slice %arg4[%add3A_546] : memref<25690112xi32, #tpu.memory_space<hbm>> -> memref<128xi32, #tpu.memory_space<hbm>>
      tpu.wait_dma2 semaphore(%arg20 : memref<!tpu.dma_semaphore, #tpu.memory_space<semaphore_mem>>) src(%dma_wait3A_555 : memref<128xi32, #tpu.memory_space<hbm>>) dst(%dma_wait3A_554 : memref<128xi32, #tpu.memory_space<vmem>>)
      %add3A_556 = arith.constant 256 : i32
      %add3A_557 = arith.addi %add3A_498, %add3A_556 : i32
      %dma_wait3A_558 = arith.constant 2 : i32
      %dma_wait3A_559 = arith.constant 0 : i32
      %dma_wait3A_560 = tpu.memref_slice %arg13[%dma_wait3A_558, %dma_wait3A_559] : memref<3x128xi32, #tpu.memory_space<vmem>> -> memref<1x128xi32, #tpu.memory_space<vmem>>
      %dma_wait3A_561 = tpu.memref_squeeze %dma_wait3A_560 : memref<1x128xi32, #tpu.memory_space<vmem>> -> memref<128xi32, #tpu.memory_space<vmem>>
      %dma_wait3A_562 = tpu.memref_slice %arg5[%add3A_557] : memref<25690112xi32, #tpu.memory_space<hbm>> -> memref<128xi32, #tpu.memory_space<hbm>>
      %dma_wait3A_563 = arith.constant 0 : i32
      %dma_wait3A_564 = tpu.memref_slice %arg13[%dma_wait3A_558, %dma_wait3A_563] : memref<3x128xi32, #tpu.memory_space<vmem>> -> memref<1x128xi32, #tpu.memory_space<vmem>>
      %dma_wait3A_565 = tpu.memref_squeeze %dma_wait3A_564 : memref<1x128xi32, #tpu.memory_space<vmem>> -> memref<128xi32, #tpu.memory_space<vmem>>
      %dma_wait3A_566 = tpu.memref_slice %arg5[%add3A_557] : memref<25690112xi32, #tpu.memory_space<hbm>> -> memref<128xi32, #tpu.memory_space<hbm>>
      tpu.wait_dma2 semaphore(%arg20 : memref<!tpu.dma_semaphore, #tpu.memory_space<semaphore_mem>>) src(%dma_wait3A_566 : memref<128xi32, #tpu.memory_space<hbm>>) dst(%dma_wait3A_565 : memref<128xi32, #tpu.memory_space<vmem>>)
      %dma_start3A_567 = arith.constant 0 : i32
      %dma_start3A_568 = arith.constant 0 : i32
      %dma_start3A_569 = arith.constant 0 : i32
      %dma_start3A_570 = arith.constant 0 : i32
      %dma_start3A_571 = tpu.memref_slice %arg17[%dma_start3A_568, %dma_start3A_569, %dma_start3A_570] : memref<3x128x48xf32, #tpu.memory_space<vmem>> -> memref<1x128x48xf32, #tpu.memory_space<vmem>>
      %dma_start3A_572 = tpu.memref_squeeze %dma_start3A_571 : memref<1x128x48xf32, #tpu.memory_space<vmem>> -> memref<128x48xf32, #tpu.memory_space<vmem>>
      %dma_start3A_573 = arith.constant 0 : i32
      %dma_start3A_574 = tpu.memref_slice %arg11[%dma_start3A_567, %dma_start3A_573] : memref<3x128xi32, #tpu.memory_space<vmem>> -> memref<1x128xi32, #tpu.memory_space<vmem>>
      %dma_start3A_575 = tpu.memref_squeeze %dma_start3A_574 : memref<1x128xi32, #tpu.memory_space<vmem>> -> memref<128xi32, #tpu.memory_space<vmem>>
      %dma_start3A_576 = arith.constant 0 : i32
      %dma_start3A_577 = arith.constant 0 : i32
      %dma_start3A_578 = tpu.memref_slice %arg2[%dma_start3A_576, %dma_start3A_577] : memref<50176x48xf32, #tpu.memory_space<hbm>> -> memref<50176x48xf32, #tpu.memory_space<hbm>>
      tpu.enqueue_indirect_dma source(%dma_start3A_578 : memref<50176x48xf32, #tpu.memory_space<hbm>>) target(%dma_start3A_572 : memref<128x48xf32, #tpu.memory_space<vmem>>) offsets(%dma_start3A_575 : memref<128xi32, #tpu.memory_space<vmem>>) semaphore(%arg22 : memref<!tpu.dma_semaphore, #tpu.memory_space<semaphore_mem>>)
      %dma_start3A_579 = arith.constant 1 : i32
      %dma_start3A_580 = arith.constant 1 : i32
      %dma_start3A_581 = arith.constant 0 : i32
      %dma_start3A_582 = arith.constant 0 : i32
      %dma_start3A_583 = tpu.memref_slice %arg17[%dma_start3A_580, %dma_start3A_581, %dma_start3A_582] : memref<3x128x48xf32, #tpu.memory_space<vmem>> -> memref<1x128x48xf32, #tpu.memory_space<vmem>>
      %dma_start3A_584 = tpu.memref_squeeze %dma_start3A_583 : memref<1x128x48xf32, #tpu.memory_space<vmem>> -> memref<128x48xf32, #tpu.memory_space<vmem>>
      %dma_start3A_585 = arith.constant 0 : i32
      %dma_start3A_586 = tpu.memref_slice %arg11[%dma_start3A_579, %dma_start3A_585] : memref<3x128xi32, #tpu.memory_space<vmem>> -> memref<1x128xi32, #tpu.memory_space<vmem>>
      %dma_start3A_587 = tpu.memref_squeeze %dma_start3A_586 : memref<1x128xi32, #tpu.memory_space<vmem>> -> memref<128xi32, #tpu.memory_space<vmem>>
      %dma_start3A_588 = arith.constant 0 : i32
      %dma_start3A_589 = arith.constant 0 : i32
      %dma_start3A_590 = tpu.memref_slice %arg2[%dma_start3A_588, %dma_start3A_589] : memref<50176x48xf32, #tpu.memory_space<hbm>> -> memref<50176x48xf32, #tpu.memory_space<hbm>>
      tpu.enqueue_indirect_dma source(%dma_start3A_590 : memref<50176x48xf32, #tpu.memory_space<hbm>>) target(%dma_start3A_584 : memref<128x48xf32, #tpu.memory_space<vmem>>) offsets(%dma_start3A_587 : memref<128xi32, #tpu.memory_space<vmem>>) semaphore(%arg22 : memref<!tpu.dma_semaphore, #tpu.memory_space<semaphore_mem>>)
      %dma_start3A_591 = arith.constant 2 : i32
      %dma_start3A_592 = arith.constant 2 : i32
      %dma_start3A_593 = arith.constant 0 : i32
      %dma_start3A_594 = arith.constant 0 : i32
      %dma_start3A_595 = tpu.memref_slice %arg17[%dma_start3A_592, %dma_start3A_593, %dma_start3A_594] : memref<3x128x48xf32, #tpu.memory_space<vmem>> -> memref<1x128x48xf32, #tpu.memory_space<vmem>>
      %dma_start3A_596 = tpu.memref_squeeze %dma_start3A_595 : memref<1x128x48xf32, #tpu.memory_space<vmem>> -> memref<128x48xf32, #tpu.memory_space<vmem>>
      %dma_start3A_597 = arith.constant 0 : i32
      %dma_start3A_598 = tpu.memref_slice %arg11[%dma_start3A_591, %dma_start3A_597] : memref<3x128xi32, #tpu.memory_space<vmem>> -> memref<1x128xi32, #tpu.memory_space<vmem>>
      %dma_start3A_599 = tpu.memref_squeeze %dma_start3A_598 : memref<1x128xi32, #tpu.memory_space<vmem>> -> memref<128xi32, #tpu.memory_space<vmem>>
      %dma_start3A_600 = arith.constant 0 : i32
      %dma_start3A_601 = arith.constant 0 : i32
      %dma_start3A_602 = tpu.memref_slice %arg2[%dma_start3A_600, %dma_start3A_601] : memref<50176x48xf32, #tpu.memory_space<hbm>> -> memref<50176x48xf32, #tpu.memory_space<hbm>>
      tpu.enqueue_indirect_dma source(%dma_start3A_602 : memref<50176x48xf32, #tpu.memory_space<hbm>>) target(%dma_start3A_596 : memref<128x48xf32, #tpu.memory_space<vmem>>) offsets(%dma_start3A_599 : memref<128xi32, #tpu.memory_space<vmem>>) semaphore(%arg22 : memref<!tpu.dma_semaphore, #tpu.memory_space<semaphore_mem>>)
      %mul3A_603 = arith.constant 384 : i32
      %mul3A_604 = arith.muli %mul3A_455, %mul3A_603 : i32
      %sub3A_605 = arith.subi %reduce_max3A_23, %mul3A_604 : i32
      %sub3A_606 = arith.constant 0 : i32
      %sub3A_607 = arith.subi %sub3A_605, %sub3A_606 : i32
      %broadcast_in_dim3A_608 = vector.broadcast %sub3A_607 : i32 to vector<16xi32>
      %broadcast_in_dim3A_609 = arith.constant 0 : i32
      %broadcast_in_dim3A_610 = vector.broadcast %broadcast_in_dim3A_609 : i32 to vector<16xi32>
      %scan3A_611 = arith.constant 0 : i32
      %scan3A_612 = arith.constant 0 : i32
      %scan3A_613 = arith.constant 32 : i32
      %scan3A_614 = arith.addi %scan3A_612, %scan3A_613 : i32
      %scan3A_615 = arith.constant 1 : i32
      scf.for %scan3A_974 = %scan3A_612 to %scan3A_614 step %scan3A_615  : i32 {
        %mul3A_975 = arith.constant 4 : i32
        %mul3A_976 = arith.muli %scan3A_974, %mul3A_975 : i32
        %add3A_977 = arith.constant 0 : i32
        %add3A_978 = arith.addi %mul3A_976, %add3A_977 : i32
        %broadcast_in_dim3A_979 = vector.broadcast %add3A_978 : i32 to vector<16xi32>
        %add3A_980 = arith.constant 0 : i32
        %add3A_981 = vector.broadcast %add3A_980 : i32 to vector<16xi32>
        %add3A_982 = arith.addi %broadcast_in_dim3A_979, %add3A_981 : vector<16xi32>
        %gather3A = tpu.vector_load_idx %arg14[%add3A_982] : memref<384xf32, #tpu.memory_space<vmem>>[vector<16xi32>], vector<16xf32>,
        %lt3A = arith.cmpi slt, %broadcast_in_dim3A_979, %broadcast_in_dim3A_608 : vector<16xi32>
        %select_n3A_983 = arith.select %lt3A, %gather3A, %broadcast_in_dim3A_12 : vector<16xi1>, vector<16xf32>
        %gather3A_984 = tpu.vector_load_idx %arg12[%broadcast_in_dim3A_610, %broadcast_in_dim3A_979] : memref<3x128xi32, #tpu.memory_space<vmem>>[vector<16xi32>, vector<16xi32>], vector<16xi32>,
        %get3A_985 = arith.constant 0 : i32
        %get3A_986 = arith.index_cast %get3A_985 : i32 to index
        %get3A_987 = arith.index_cast %add3A_978 : i32 to index
        %get3A_988 = arith.constant 0 : index
        %get3A_989 = tpu.vector_load %arg16[%get3A_986, %get3A_987, %get3A_988] {strides = array<i32>} : memref<3x128x48xf32, #tpu.memory_space<vmem>>, vector<16xf32>,
        %mul3A_990 = arith.mulf %get3A_989, %select_n3A_983 : vector<16xf32>
        tpu.vector_store_idx %arg9[%gather3A_984, %iota3A], %mul3A_990 {add = true} : memref<1568x48xf32, #tpu.memory_space<vmem>>[vector<16xi32>, vector<16xi32>], vector<16xf32>,
        %get3A_991 = arith.constant 0 : i32
        %get3A_992 = arith.index_cast %get3A_991 : i32 to index
        %get3A_993 = arith.index_cast %add3A_978 : i32 to index
        %get3A_994 = arith.constant 16 : index
        %get3A_995 = tpu.vector_load %arg16[%get3A_992, %get3A_993, %get3A_994] {strides = array<i32>} : memref<3x128x48xf32, #tpu.memory_space<vmem>>, vector<16xf32>,
        %mul3A_996 = arith.mulf %get3A_995, %select_n3A_983 : vector<16xf32>
        tpu.vector_store_idx %arg9[%gather3A_984, %add3A_8], %mul3A_996 {add = true} : memref<1568x48xf32, #tpu.memory_space<vmem>>[vector<16xi32>, vector<16xi32>], vector<16xf32>,
        %get3A_997 = arith.constant 0 : i32
        %get3A_998 = arith.index_cast %get3A_997 : i32 to index
        %get3A_999 = arith.index_cast %add3A_978 : i32 to index
        %get3A_1000 = arith.constant 32 : index
        %get3A_1001 = tpu.vector_load %arg16[%get3A_998, %get3A_999, %get3A_1000] {strides = array<i32>} : memref<3x128x48xf32, #tpu.memory_space<vmem>>, vector<16xf32>,
        %mul3A_1002 = arith.mulf %get3A_1001, %select_n3A_983 : vector<16xf32>
        tpu.vector_store_idx %arg9[%gather3A_984, %add3A_11], %mul3A_1002 {add = true} : memref<1568x48xf32, #tpu.memory_space<vmem>>[vector<16xi32>, vector<16xi32>], vector<16xf32>,
        %mul3A_1003 = arith.constant 4 : i32
        %mul3A_1004 = arith.muli %scan3A_974, %mul3A_1003 : i32
        %add3A_1005 = arith.constant 1 : i32
        %add3A_1006 = arith.addi %mul3A_1004, %add3A_1005 : i32
        %broadcast_in_dim3A_1007 = vector.broadcast %add3A_1006 : i32 to vector<16xi32>
        %add3A_1008 = arith.constant 0 : i32
        %add3A_1009 = vector.broadcast %add3A_1008 : i32 to vector<16xi32>
        %add3A_1010 = arith.addi %broadcast_in_dim3A_1007, %add3A_1009 : vector<16xi32>
        %gather3A_1011 = tpu.vector_load_idx %arg14[%add3A_1010] : memref<384xf32, #tpu.memory_space<vmem>>[vector<16xi32>], vector<16xf32>,
        %lt3A_1012 = arith.cmpi slt, %broadcast_in_dim3A_1007, %broadcast_in_dim3A_608 : vector<16xi32>
        %select_n3A_1013 = arith.select %lt3A_1012, %gather3A_1011, %broadcast_in_dim3A_12 : vector<16xi1>, vector<16xf32>
        %gather3A_1014 = tpu.vector_load_idx %arg12[%broadcast_in_dim3A_610, %broadcast_in_dim3A_1007] : memref<3x128xi32, #tpu.memory_space<vmem>>[vector<16xi32>, vector<16xi32>], vector<16xi32>,
        %get3A_1015 = arith.constant 0 : i32
        %get3A_1016 = arith.index_cast %get3A_1015 : i32 to index
        %get3A_1017 = arith.index_cast %add3A_1006 : i32 to index
        %get3A_1018 = arith.constant 0 : index
        %get3A_1019 = tpu.vector_load %arg16[%get3A_1016, %get3A_1017, %get3A_1018] {strides = array<i32>} : memref<3x128x48xf32, #tpu.memory_space<vmem>>, vector<16xf32>,
        %mul3A_1020 = arith.mulf %get3A_1019, %select_n3A_1013 : vector<16xf32>
        tpu.vector_store_idx %arg9[%gather3A_1014, %iota3A], %mul3A_1020 {add = true} : memref<1568x48xf32, #tpu.memory_space<vmem>>[vector<16xi32>, vector<16xi32>], vector<16xf32>,
        %get3A_1021 = arith.constant 0 : i32
        %get3A_1022 = arith.index_cast %get3A_1021 : i32 to index
        %get3A_1023 = arith.index_cast %add3A_1006 : i32 to index
        %get3A_1024 = arith.constant 16 : index
        %get3A_1025 = tpu.vector_load %arg16[%get3A_1022, %get3A_1023, %get3A_1024] {strides = array<i32>} : memref<3x128x48xf32, #tpu.memory_space<vmem>>, vector<16xf32>,
        %mul3A_1026 = arith.mulf %get3A_1025, %select_n3A_1013 : vector<16xf32>
        tpu.vector_store_idx %arg9[%gather3A_1014, %add3A_8], %mul3A_1026 {add = true} : memref<1568x48xf32, #tpu.memory_space<vmem>>[vector<16xi32>, vector<16xi32>], vector<16xf32>,
        %get3A_1027 = arith.constant 0 : i32
        %get3A_1028 = arith.index_cast %get3A_1027 : i32 to index
        %get3A_1029 = arith.index_cast %add3A_1006 : i32 to index
        %get3A_1030 = arith.constant 32 : index
        %get3A_1031 = tpu.vector_load %arg16[%get3A_1028, %get3A_1029, %get3A_1030] {strides = array<i32>} : memref<3x128x48xf32, #tpu.memory_space<vmem>>, vector<16xf32>,
        %mul3A_1032 = arith.mulf %get3A_1031, %select_n3A_1013 : vector<16xf32>
        tpu.vector_store_idx %arg9[%gather3A_1014, %add3A_11], %mul3A_1032 {add = true} : memref<1568x48xf32, #tpu.memory_space<vmem>>[vector<16xi32>, vector<16xi32>], vector<16xf32>,
        %mul3A_1033 = arith.constant 4 : i32
        %mul3A_1034 = arith.muli %scan3A_974, %mul3A_1033 : i32
        %add3A_1035 = arith.constant 2 : i32
        %add3A_1036 = arith.addi %mul3A_1034, %add3A_1035 : i32
        %broadcast_in_dim3A_1037 = vector.broadcast %add3A_1036 : i32 to vector<16xi32>
        %add3A_1038 = arith.constant 0 : i32
        %add3A_1039 = vector.broadcast %add3A_1038 : i32 to vector<16xi32>
        %add3A_1040 = arith.addi %broadcast_in_dim3A_1037, %add3A_1039 : vector<16xi32>
        %gather3A_1041 = tpu.vector_load_idx %arg14[%add3A_1040] : memref<384xf32, #tpu.memory_space<vmem>>[vector<16xi32>], vector<16xf32>,
        %lt3A_1042 = arith.cmpi slt, %broadcast_in_dim3A_1037, %broadcast_in_dim3A_608 : vector<16xi32>
        %select_n3A_1043 = arith.select %lt3A_1042, %gather3A_1041, %broadcast_in_dim3A_12 : vector<16xi1>, vector<16xf32>
        %gather3A_1044 = tpu.vector_load_idx %arg12[%broadcast_in_dim3A_610, %broadcast_in_dim3A_1037] : memref<3x128xi32, #tpu.memory_space<vmem>>[vector<16xi32>, vector<16xi32>], vector<16xi32>,
        %get3A_1045 = arith.constant 0 : i32
        %get3A_1046 = arith.index_cast %get3A_1045 : i32 to index
        %get3A_1047 = arith.index_cast %add3A_1036 : i32 to index
        %get3A_1048 = arith.constant 0 : index
        %get3A_1049 = tpu.vector_load %arg16[%get3A_1046, %get3A_1047, %get3A_1048] {strides = array<i32>} : memref<3x128x48xf32, #tpu.memory_space<vmem>>, vector<16xf32>,
        %mul3A_1050 = arith.mulf %get3A_1049, %select_n3A_1043 : vector<16xf32>
        tpu.vector_store_idx %arg9[%gather3A_1044, %iota3A], %mul3A_1050 {add = true} : memref<1568x48xf32, #tpu.memory_space<vmem>>[vector<16xi32>, vector<16xi32>], vector<16xf32>,
        %get3A_1051 = arith.constant 0 : i32
        %get3A_1052 = arith.index_cast %get3A_1051 : i32 to index
        %get3A_1053 = arith.index_cast %add3A_1036 : i32 to index
        %get3A_1054 = arith.constant 16 : index
        %get3A_1055 = tpu.vector_load %arg16[%get3A_1052, %get3A_1053, %get3A_1054] {strides = array<i32>} : memref<3x128x48xf32, #tpu.memory_space<vmem>>, vector<16xf32>,
        %mul3A_1056 = arith.mulf %get3A_1055, %select_n3A_1043 : vector<16xf32>
        tpu.vector_store_idx %arg9[%gather3A_1044, %add3A_8], %mul3A_1056 {add = true} : memref<1568x48xf32, #tpu.memory_space<vmem>>[vector<16xi32>, vector<16xi32>], vector<16xf32>,
        %get3A_1057 = arith.constant 0 : i32
        %get3A_1058 = arith.index_cast %get3A_1057 : i32 to index
        %get3A_1059 = arith.index_cast %add3A_1036 : i32 to index
        %get3A_1060 = arith.constant 32 : index
        %get3A_1061 = tpu.vector_load %arg16[%get3A_1058, %get3A_1059, %get3A_1060] {strides = array<i32>} : memref<3x128x48xf32, #tpu.memory_space<vmem>>, vector<16xf32>,
        %mul3A_1062 = arith.mulf %get3A_1061, %select_n3A_1043 : vector<16xf32>
        tpu.vector_store_idx %arg9[%gather3A_1044, %add3A_11], %mul3A_1062 {add = true} : memref<1568x48xf32, #tpu.memory_space<vmem>>[vector<16xi32>, vector<16xi32>], vector<16xf32>,
        %mul3A_1063 = arith.constant 4 : i32
        %mul3A_1064 = arith.muli %scan3A_974, %mul3A_1063 : i32
        %add3A_1065 = arith.constant 3 : i32
        %add3A_1066 = arith.addi %mul3A_1064, %add3A_1065 : i32
        %broadcast_in_dim3A_1067 = vector.broadcast %add3A_1066 : i32 to vector<16xi32>
        %add3A_1068 = arith.constant 0 : i32
        %add3A_1069 = vector.broadcast %add3A_1068 : i32 to vector<16xi32>
        %add3A_1070 = arith.addi %broadcast_in_dim3A_1067, %add3A_1069 : vector<16xi32>
        %gather3A_1071 = tpu.vector_load_idx %arg14[%add3A_1070] : memref<384xf32, #tpu.memory_space<vmem>>[vector<16xi32>], vector<16xf32>,
        %lt3A_1072 = arith.cmpi slt, %broadcast_in_dim3A_1067, %broadcast_in_dim3A_608 : vector<16xi32>
        %select_n3A_1073 = arith.select %lt3A_1072, %gather3A_1071, %broadcast_in_dim3A_12 : vector<16xi1>, vector<16xf32>
        %gather3A_1074 = tpu.vector_load_idx %arg12[%broadcast_in_dim3A_610, %broadcast_in_dim3A_1067] : memref<3x128xi32, #tpu.memory_space<vmem>>[vector<16xi32>, vector<16xi32>], vector<16xi32>,
        %get3A_1075 = arith.constant 0 : i32
        %get3A_1076 = arith.index_cast %get3A_1075 : i32 to index
        %get3A_1077 = arith.index_cast %add3A_1066 : i32 to index
        %get3A_1078 = arith.constant 0 : index
        %get3A_1079 = tpu.vector_load %arg16[%get3A_1076, %get3A_1077, %get3A_1078] {strides = array<i32>} : memref<3x128x48xf32, #tpu.memory_space<vmem>>, vector<16xf32>,
        %mul3A_1080 = arith.mulf %get3A_1079, %select_n3A_1073 : vector<16xf32>
        tpu.vector_store_idx %arg9[%gather3A_1074, %iota3A], %mul3A_1080 {add = true} : memref<1568x48xf32, #tpu.memory_space<vmem>>[vector<16xi32>, vector<16xi32>], vector<16xf32>,
        %get3A_1081 = arith.constant 0 : i32
        %get3A_1082 = arith.index_cast %get3A_1081 : i32 to index
        %get3A_1083 = arith.index_cast %add3A_1066 : i32 to index
        %get3A_1084 = arith.constant 16 : index
        %get3A_1085 = tpu.vector_load %arg16[%get3A_1082, %get3A_1083, %get3A_1084] {strides = array<i32>} : memref<3x128x48xf32, #tpu.memory_space<vmem>>, vector<16xf32>,
        %mul3A_1086 = arith.mulf %get3A_1085, %select_n3A_1073 : vector<16xf32>
        tpu.vector_store_idx %arg9[%gather3A_1074, %add3A_8], %mul3A_1086 {add = true} : memref<1568x48xf32, #tpu.memory_space<vmem>>[vector<16xi32>, vector<16xi32>], vector<16xf32>,
        %get3A_1087 = arith.constant 0 : i32
        %get3A_1088 = arith.index_cast %get3A_1087 : i32 to index
        %get3A_1089 = arith.index_cast %add3A_1066 : i32 to index
        %get3A_1090 = arith.constant 32 : index
        %get3A_1091 = tpu.vector_load %arg16[%get3A_1088, %get3A_1089, %get3A_1090] {strides = array<i32>} : memref<3x128x48xf32, #tpu.memory_space<vmem>>, vector<16xf32>,
        %mul3A_1092 = arith.mulf %get3A_1091, %select_n3A_1073 : vector<16xf32>
        tpu.vector_store_idx %arg9[%gather3A_1074, %add3A_11], %mul3A_1092 {add = true} : memref<1568x48xf32, #tpu.memory_space<vmem>>[vector<16xi32>, vector<16xi32>], vector<16xf32>,
      }
      %scan3A_616 = arith.constant 32 : i32
      %sub3A_617 = arith.constant 128 : i32
      %sub3A_618 = arith.subi %sub3A_605, %sub3A_617 : i32
      %broadcast_in_dim3A_619 = vector.broadcast %sub3A_618 : i32 to vector<16xi32>
      %broadcast_in_dim3A_620 = arith.constant 1 : i32
      %broadcast_in_dim3A_621 = vector.broadcast %broadcast_in_dim3A_620 : i32 to vector<16xi32>
      %scan3A_622 = arith.constant 0 : i32
      %scan3A_623 = arith.constant 0 : i32
      %scan3A_624 = arith.constant 32 : i32
      %scan3A_625 = arith.addi %scan3A_623, %scan3A_624 : i32
      %scan3A_626 = arith.constant 1 : i32
      scf.for %scan3A_974 = %scan3A_623 to %scan3A_625 step %scan3A_626  : i32 {
        %mul3A_975 = arith.constant 4 : i32
        %mul3A_976 = arith.muli %scan3A_974, %mul3A_975 : i32
        %add3A_977 = arith.constant 0 : i32
        %add3A_978 = arith.addi %mul3A_976, %add3A_977 : i32
        %broadcast_in_dim3A_979 = vector.broadcast %add3A_978 : i32 to vector<16xi32>
        %add3A_980 = arith.constant 128 : i32
        %add3A_981 = vector.broadcast %add3A_980 : i32 to vector<16xi32>
        %add3A_982 = arith.addi %broadcast_in_dim3A_979, %add3A_981 : vector<16xi32>
        %gather3A = tpu.vector_load_idx %arg14[%add3A_982] : memref<384xf32, #tpu.memory_space<vmem>>[vector<16xi32>], vector<16xf32>,
        %lt3A = arith.cmpi slt, %broadcast_in_dim3A_979, %broadcast_in_dim3A_619 : vector<16xi32>
        %select_n3A_983 = arith.select %lt3A, %gather3A, %broadcast_in_dim3A_12 : vector<16xi1>, vector<16xf32>
        %gather3A_984 = tpu.vector_load_idx %arg12[%broadcast_in_dim3A_621, %broadcast_in_dim3A_979] : memref<3x128xi32, #tpu.memory_space<vmem>>[vector<16xi32>, vector<16xi32>], vector<16xi32>,
        %get3A_985 = arith.constant 1 : i32
        %get3A_986 = arith.index_cast %get3A_985 : i32 to index
        %get3A_987 = arith.index_cast %add3A_978 : i32 to index
        %get3A_988 = arith.constant 0 : index
        %get3A_989 = tpu.vector_load %arg16[%get3A_986, %get3A_987, %get3A_988] {strides = array<i32>} : memref<3x128x48xf32, #tpu.memory_space<vmem>>, vector<16xf32>,
        %mul3A_990 = arith.mulf %get3A_989, %select_n3A_983 : vector<16xf32>
        tpu.vector_store_idx %arg9[%gather3A_984, %iota3A], %mul3A_990 {add = true} : memref<1568x48xf32, #tpu.memory_space<vmem>>[vector<16xi32>, vector<16xi32>], vector<16xf32>,
        %get3A_991 = arith.constant 1 : i32
        %get3A_992 = arith.index_cast %get3A_991 : i32 to index
        %get3A_993 = arith.index_cast %add3A_978 : i32 to index
        %get3A_994 = arith.constant 16 : index
        %get3A_995 = tpu.vector_load %arg16[%get3A_992, %get3A_993, %get3A_994] {strides = array<i32>} : memref<3x128x48xf32, #tpu.memory_space<vmem>>, vector<16xf32>,
        %mul3A_996 = arith.mulf %get3A_995, %select_n3A_983 : vector<16xf32>
        tpu.vector_store_idx %arg9[%gather3A_984, %add3A_8], %mul3A_996 {add = true} : memref<1568x48xf32, #tpu.memory_space<vmem>>[vector<16xi32>, vector<16xi32>], vector<16xf32>,
        %get3A_997 = arith.constant 1 : i32
        %get3A_998 = arith.index_cast %get3A_997 : i32 to index
        %get3A_999 = arith.index_cast %add3A_978 : i32 to index
        %get3A_1000 = arith.constant 32 : index
        %get3A_1001 = tpu.vector_load %arg16[%get3A_998, %get3A_999, %get3A_1000] {strides = array<i32>} : memref<3x128x48xf32, #tpu.memory_space<vmem>>, vector<16xf32>,
        %mul3A_1002 = arith.mulf %get3A_1001, %select_n3A_983 : vector<16xf32>
        tpu.vector_store_idx %arg9[%gather3A_984, %add3A_11], %mul3A_1002 {add = true} : memref<1568x48xf32, #tpu.memory_space<vmem>>[vector<16xi32>, vector<16xi32>], vector<16xf32>,
        %mul3A_1003 = arith.constant 4 : i32
        %mul3A_1004 = arith.muli %scan3A_974, %mul3A_1003 : i32
        %add3A_1005 = arith.constant 1 : i32
        %add3A_1006 = arith.addi %mul3A_1004, %add3A_1005 : i32
        %broadcast_in_dim3A_1007 = vector.broadcast %add3A_1006 : i32 to vector<16xi32>
        %add3A_1008 = arith.constant 128 : i32
        %add3A_1009 = vector.broadcast %add3A_1008 : i32 to vector<16xi32>
        %add3A_1010 = arith.addi %broadcast_in_dim3A_1007, %add3A_1009 : vector<16xi32>
        %gather3A_1011 = tpu.vector_load_idx %arg14[%add3A_1010] : memref<384xf32, #tpu.memory_space<vmem>>[vector<16xi32>], vector<16xf32>,
        %lt3A_1012 = arith.cmpi slt, %broadcast_in_dim3A_1007, %broadcast_in_dim3A_619 : vector<16xi32>
        %select_n3A_1013 = arith.select %lt3A_1012, %gather3A_1011, %broadcast_in_dim3A_12 : vector<16xi1>, vector<16xf32>
        %gather3A_1014 = tpu.vector_load_idx %arg12[%broadcast_in_dim3A_621, %broadcast_in_dim3A_1007] : memref<3x128xi32, #tpu.memory_space<vmem>>[vector<16xi32>, vector<16xi32>], vector<16xi32>,
        %get3A_1015 = arith.constant 1 : i32
        %get3A_1016 = arith.index_cast %get3A_1015 : i32 to index
        %get3A_1017 = arith.index_cast %add3A_1006 : i32 to index
        %get3A_1018 = arith.constant 0 : index
        %get3A_1019 = tpu.vector_load %arg16[%get3A_1016, %get3A_1017, %get3A_1018] {strides = array<i32>} : memref<3x128x48xf32, #tpu.memory_space<vmem>>, vector<16xf32>,
        %mul3A_1020 = arith.mulf %get3A_1019, %select_n3A_1013 : vector<16xf32>
        tpu.vector_store_idx %arg9[%gather3A_1014, %iota3A], %mul3A_1020 {add = true} : memref<1568x48xf32, #tpu.memory_space<vmem>>[vector<16xi32>, vector<16xi32>], vector<16xf32>,
        %get3A_1021 = arith.constant 1 : i32
        %get3A_1022 = arith.index_cast %get3A_1021 : i32 to index
        %get3A_1023 = arith.index_cast %add3A_1006 : i32 to index
        %get3A_1024 = arith.constant 16 : index
        %get3A_1025 = tpu.vector_load %arg16[%get3A_1022, %get3A_1023, %get3A_1024] {strides = array<i32>} : memref<3x128x48xf32, #tpu.memory_space<vmem>>, vector<16xf32>,
        %mul3A_1026 = arith.mulf %get3A_1025, %select_n3A_1013 : vector<16xf32>
        tpu.vector_store_idx %arg9[%gather3A_1014, %add3A_8], %mul3A_1026 {add = true} : memref<1568x48xf32, #tpu.memory_space<vmem>>[vector<16xi32>, vector<16xi32>], vector<16xf32>,
        %get3A_1027 = arith.constant 1 : i32
        %get3A_1028 = arith.index_cast %get3A_1027 : i32 to index
        %get3A_1029 = arith.index_cast %add3A_1006 : i32 to index
        %get3A_1030 = arith.constant 32 : index
        %get3A_1031 = tpu.vector_load %arg16[%get3A_1028, %get3A_1029, %get3A_1030] {strides = array<i32>} : memref<3x128x48xf32, #tpu.memory_space<vmem>>, vector<16xf32>,
        %mul3A_1032 = arith.mulf %get3A_1031, %select_n3A_1013 : vector<16xf32>
        tpu.vector_store_idx %arg9[%gather3A_1014, %add3A_11], %mul3A_1032 {add = true} : memref<1568x48xf32, #tpu.memory_space<vmem>>[vector<16xi32>, vector<16xi32>], vector<16xf32>,
        %mul3A_1033 = arith.constant 4 : i32
        %mul3A_1034 = arith.muli %scan3A_974, %mul3A_1033 : i32
        %add3A_1035 = arith.constant 2 : i32
        %add3A_1036 = arith.addi %mul3A_1034, %add3A_1035 : i32
        %broadcast_in_dim3A_1037 = vector.broadcast %add3A_1036 : i32 to vector<16xi32>
        %add3A_1038 = arith.constant 128 : i32
        %add3A_1039 = vector.broadcast %add3A_1038 : i32 to vector<16xi32>
        %add3A_1040 = arith.addi %broadcast_in_dim3A_1037, %add3A_1039 : vector<16xi32>
        %gather3A_1041 = tpu.vector_load_idx %arg14[%add3A_1040] : memref<384xf32, #tpu.memory_space<vmem>>[vector<16xi32>], vector<16xf32>,
        %lt3A_1042 = arith.cmpi slt, %broadcast_in_dim3A_1037, %broadcast_in_dim3A_619 : vector<16xi32>
        %select_n3A_1043 = arith.select %lt3A_1042, %gather3A_1041, %broadcast_in_dim3A_12 : vector<16xi1>, vector<16xf32>
        %gather3A_1044 = tpu.vector_load_idx %arg12[%broadcast_in_dim3A_621, %broadcast_in_dim3A_1037] : memref<3x128xi32, #tpu.memory_space<vmem>>[vector<16xi32>, vector<16xi32>], vector<16xi32>,
        %get3A_1045 = arith.constant 1 : i32
        %get3A_1046 = arith.index_cast %get3A_1045 : i32 to index
        %get3A_1047 = arith.index_cast %add3A_1036 : i32 to index
        %get3A_1048 = arith.constant 0 : index
        %get3A_1049 = tpu.vector_load %arg16[%get3A_1046, %get3A_1047, %get3A_1048] {strides = array<i32>} : memref<3x128x48xf32, #tpu.memory_space<vmem>>, vector<16xf32>,
        %mul3A_1050 = arith.mulf %get3A_1049, %select_n3A_1043 : vector<16xf32>
        tpu.vector_store_idx %arg9[%gather3A_1044, %iota3A], %mul3A_1050 {add = true} : memref<1568x48xf32, #tpu.memory_space<vmem>>[vector<16xi32>, vector<16xi32>], vector<16xf32>,
        %get3A_1051 = arith.constant 1 : i32
        %get3A_1052 = arith.index_cast %get3A_1051 : i32 to index
        %get3A_1053 = arith.index_cast %add3A_1036 : i32 to index
        %get3A_1054 = arith.constant 16 : index
        %get3A_1055 = tpu.vector_load %arg16[%get3A_1052, %get3A_1053, %get3A_1054] {strides = array<i32>} : memref<3x128x48xf32, #tpu.memory_space<vmem>>, vector<16xf32>,
        %mul3A_1056 = arith.mulf %get3A_1055, %select_n3A_1043 : vector<16xf32>
        tpu.vector_store_idx %arg9[%gather3A_1044, %add3A_8], %mul3A_1056 {add = true} : memref<1568x48xf32, #tpu.memory_space<vmem>>[vector<16xi32>, vector<16xi32>], vector<16xf32>,
        %get3A_1057 = arith.constant 1 : i32
        %get3A_1058 = arith.index_cast %get3A_1057 : i32 to index
        %get3A_1059 = arith.index_cast %add3A_1036 : i32 to index
        %get3A_1060 = arith.constant 32 : index
        %get3A_1061 = tpu.vector_load %arg16[%get3A_1058, %get3A_1059, %get3A_1060] {strides = array<i32>} : memref<3x128x48xf32, #tpu.memory_space<vmem>>, vector<16xf32>,
        %mul3A_1062 = arith.mulf %get3A_1061, %select_n3A_1043 : vector<16xf32>
        tpu.vector_store_idx %arg9[%gather3A_1044, %add3A_11], %mul3A_1062 {add = true} : memref<1568x48xf32, #tpu.memory_space<vmem>>[vector<16xi32>, vector<16xi32>], vector<16xf32>,
        %mul3A_1063 = arith.constant 4 : i32
        %mul3A_1064 = arith.muli %scan3A_974, %mul3A_1063 : i32
        %add3A_1065 = arith.constant 3 : i32
        %add3A_1066 = arith.addi %mul3A_1064, %add3A_1065 : i32
        %broadcast_in_dim3A_1067 = vector.broadcast %add3A_1066 : i32 to vector<16xi32>
        %add3A_1068 = arith.constant 128 : i32
        %add3A_1069 = vector.broadcast %add3A_1068 : i32 to vector<16xi32>
        %add3A_1070 = arith.addi %broadcast_in_dim3A_1067, %add3A_1069 : vector<16xi32>
        %gather3A_1071 = tpu.vector_load_idx %arg14[%add3A_1070] : memref<384xf32, #tpu.memory_space<vmem>>[vector<16xi32>], vector<16xf32>,
        %lt3A_1072 = arith.cmpi slt, %broadcast_in_dim3A_1067, %broadcast_in_dim3A_619 : vector<16xi32>
        %select_n3A_1073 = arith.select %lt3A_1072, %gather3A_1071, %broadcast_in_dim3A_12 : vector<16xi1>, vector<16xf32>
        %gather3A_1074 = tpu.vector_load_idx %arg12[%broadcast_in_dim3A_621, %broadcast_in_dim3A_1067] : memref<3x128xi32, #tpu.memory_space<vmem>>[vector<16xi32>, vector<16xi32>], vector<16xi32>,
        %get3A_1075 = arith.constant 1 : i32
        %get3A_1076 = arith.index_cast %get3A_1075 : i32 to index
        %get3A_1077 = arith.index_cast %add3A_1066 : i32 to index
        %get3A_1078 = arith.constant 0 : index
        %get3A_1079 = tpu.vector_load %arg16[%get3A_1076, %get3A_1077, %get3A_1078] {strides = array<i32>} : memref<3x128x48xf32, #tpu.memory_space<vmem>>, vector<16xf32>,
        %mul3A_1080 = arith.mulf %get3A_1079, %select_n3A_1073 : vector<16xf32>
        tpu.vector_store_idx %arg9[%gather3A_1074, %iota3A], %mul3A_1080 {add = true} : memref<1568x48xf32, #tpu.memory_space<vmem>>[vector<16xi32>, vector<16xi32>], vector<16xf32>,
        %get3A_1081 = arith.constant 1 : i32
        %get3A_1082 = arith.index_cast %get3A_1081 : i32 to index
        %get3A_1083 = arith.index_cast %add3A_1066 : i32 to index
        %get3A_1084 = arith.constant 16 : index
        %get3A_1085 = tpu.vector_load %arg16[%get3A_1082, %get3A_1083, %get3A_1084] {strides = array<i32>} : memref<3x128x48xf32, #tpu.memory_space<vmem>>, vector<16xf32>,
        %mul3A_1086 = arith.mulf %get3A_1085, %select_n3A_1073 : vector<16xf32>
        tpu.vector_store_idx %arg9[%gather3A_1074, %add3A_8], %mul3A_1086 {add = true} : memref<1568x48xf32, #tpu.memory_space<vmem>>[vector<16xi32>, vector<16xi32>], vector<16xf32>,
        %get3A_1087 = arith.constant 1 : i32
        %get3A_1088 = arith.index_cast %get3A_1087 : i32 to index
        %get3A_1089 = arith.index_cast %add3A_1066 : i32 to index
        %get3A_1090 = arith.constant 32 : index
        %get3A_1091 = tpu.vector_load %arg16[%get3A_1088, %get3A_1089, %get3A_1090] {strides = array<i32>} : memref<3x128x48xf32, #tpu.memory_space<vmem>>, vector<16xf32>,
        %mul3A_1092 = arith.mulf %get3A_1091, %select_n3A_1073 : vector<16xf32>
        tpu.vector_store_idx %arg9[%gather3A_1074, %add3A_11], %mul3A_1092 {add = true} : memref<1568x48xf32, #tpu.memory_space<vmem>>[vector<16xi32>, vector<16xi32>], vector<16xf32>,
      }
      %scan3A_627 = arith.constant 32 : i32
      %sub3A_628 = arith.constant 256 : i32
      %sub3A_629 = arith.subi %sub3A_605, %sub3A_628 : i32
      %broadcast_in_dim3A_630 = vector.broadcast %sub3A_629 : i32 to vector<16xi32>
      %broadcast_in_dim3A_631 = arith.constant 2 : i32
      %broadcast_in_dim3A_632 = vector.broadcast %broadcast_in_dim3A_631 : i32 to vector<16xi32>
      %scan3A_633 = arith.constant 0 : i32
      %scan3A_634 = arith.constant 0 : i32
      %scan3A_635 = arith.constant 32 : i32
      %scan3A_636 = arith.addi %scan3A_634, %scan3A_635 : i32
      %scan3A_637 = arith.constant 1 : i32
      scf.for %scan3A_974 = %scan3A_634 to %scan3A_636 step %scan3A_637  : i32 {
        %mul3A_975 = arith.constant 4 : i32
        %mul3A_976 = arith.muli %scan3A_974, %mul3A_975 : i32
        %add3A_977 = arith.constant 0 : i32
        %add3A_978 = arith.addi %mul3A_976, %add3A_977 : i32
        %broadcast_in_dim3A_979 = vector.broadcast %add3A_978 : i32 to vector<16xi32>
        %add3A_980 = arith.constant 256 : i32
        %add3A_981 = vector.broadcast %add3A_980 : i32 to vector<16xi32>
        %add3A_982 = arith.addi %broadcast_in_dim3A_979, %add3A_981 : vector<16xi32>
        %gather3A = tpu.vector_load_idx %arg14[%add3A_982] : memref<384xf32, #tpu.memory_space<vmem>>[vector<16xi32>], vector<16xf32>,
        %lt3A = arith.cmpi slt, %broadcast_in_dim3A_979, %broadcast_in_dim3A_630 : vector<16xi32>
        %select_n3A_983 = arith.select %lt3A, %gather3A, %broadcast_in_dim3A_12 : vector<16xi1>, vector<16xf32>
        %gather3A_984 = tpu.vector_load_idx %arg12[%broadcast_in_dim3A_632, %broadcast_in_dim3A_979] : memref<3x128xi32, #tpu.memory_space<vmem>>[vector<16xi32>, vector<16xi32>], vector<16xi32>,
        %get3A_985 = arith.constant 2 : i32
        %get3A_986 = arith.index_cast %get3A_985 : i32 to index
        %get3A_987 = arith.index_cast %add3A_978 : i32 to index
        %get3A_988 = arith.constant 0 : index
        %get3A_989 = tpu.vector_load %arg16[%get3A_986, %get3A_987, %get3A_988] {strides = array<i32>} : memref<3x128x48xf32, #tpu.memory_space<vmem>>, vector<16xf32>,
        %mul3A_990 = arith.mulf %get3A_989, %select_n3A_983 : vector<16xf32>
        tpu.vector_store_idx %arg9[%gather3A_984, %iota3A], %mul3A_990 {add = true} : memref<1568x48xf32, #tpu.memory_space<vmem>>[vector<16xi32>, vector<16xi32>], vector<16xf32>,
        %get3A_991 = arith.constant 2 : i32
        %get3A_992 = arith.index_cast %get3A_991 : i32 to index
        %get3A_993 = arith.index_cast %add3A_978 : i32 to index
        %get3A_994 = arith.constant 16 : index
        %get3A_995 = tpu.vector_load %arg16[%get3A_992, %get3A_993, %get3A_994] {strides = array<i32>} : memref<3x128x48xf32, #tpu.memory_space<vmem>>, vector<16xf32>,
        %mul3A_996 = arith.mulf %get3A_995, %select_n3A_983 : vector<16xf32>
        tpu.vector_store_idx %arg9[%gather3A_984, %add3A_8], %mul3A_996 {add = true} : memref<1568x48xf32, #tpu.memory_space<vmem>>[vector<16xi32>, vector<16xi32>], vector<16xf32>,
        %get3A_997 = arith.constant 2 : i32
        %get3A_998 = arith.index_cast %get3A_997 : i32 to index
        %get3A_999 = arith.index_cast %add3A_978 : i32 to index
        %get3A_1000 = arith.constant 32 : index
        %get3A_1001 = tpu.vector_load %arg16[%get3A_998, %get3A_999, %get3A_1000] {strides = array<i32>} : memref<3x128x48xf32, #tpu.memory_space<vmem>>, vector<16xf32>,
        %mul3A_1002 = arith.mulf %get3A_1001, %select_n3A_983 : vector<16xf32>
        tpu.vector_store_idx %arg9[%gather3A_984, %add3A_11], %mul3A_1002 {add = true} : memref<1568x48xf32, #tpu.memory_space<vmem>>[vector<16xi32>, vector<16xi32>], vector<16xf32>,
        %mul3A_1003 = arith.constant 4 : i32
        %mul3A_1004 = arith.muli %scan3A_974, %mul3A_1003 : i32
        %add3A_1005 = arith.constant 1 : i32
        %add3A_1006 = arith.addi %mul3A_1004, %add3A_1005 : i32
        %broadcast_in_dim3A_1007 = vector.broadcast %add3A_1006 : i32 to vector<16xi32>
        %add3A_1008 = arith.constant 256 : i32
        %add3A_1009 = vector.broadcast %add3A_1008 : i32 to vector<16xi32>
        %add3A_1010 = arith.addi %broadcast_in_dim3A_1007, %add3A_1009 : vector<16xi32>
        %gather3A_1011 = tpu.vector_load_idx %arg14[%add3A_1010] : memref<384xf32, #tpu.memory_space<vmem>>[vector<16xi32>], vector<16xf32>,
        %lt3A_1012 = arith.cmpi slt, %broadcast_in_dim3A_1007, %broadcast_in_dim3A_630 : vector<16xi32>
        %select_n3A_1013 = arith.select %lt3A_1012, %gather3A_1011, %broadcast_in_dim3A_12 : vector<16xi1>, vector<16xf32>
        %gather3A_1014 = tpu.vector_load_idx %arg12[%broadcast_in_dim3A_632, %broadcast_in_dim3A_1007] : memref<3x128xi32, #tpu.memory_space<vmem>>[vector<16xi32>, vector<16xi32>], vector<16xi32>,
        %get3A_1015 = arith.constant 2 : i32
        %get3A_1016 = arith.index_cast %get3A_1015 : i32 to index
        %get3A_1017 = arith.index_cast %add3A_1006 : i32 to index
        %get3A_1018 = arith.constant 0 : index
        %get3A_1019 = tpu.vector_load %arg16[%get3A_1016, %get3A_1017, %get3A_1018] {strides = array<i32>} : memref<3x128x48xf32, #tpu.memory_space<vmem>>, vector<16xf32>,
        %mul3A_1020 = arith.mulf %get3A_1019, %select_n3A_1013 : vector<16xf32>
        tpu.vector_store_idx %arg9[%gather3A_1014, %iota3A], %mul3A_1020 {add = true} : memref<1568x48xf32, #tpu.memory_space<vmem>>[vector<16xi32>, vector<16xi32>], vector<16xf32>,
        %get3A_1021 = arith.constant 2 : i32
        %get3A_1022 = arith.index_cast %get3A_1021 : i32 to index
        %get3A_1023 = arith.index_cast %add3A_1006 : i32 to index
        %get3A_1024 = arith.constant 16 : index
        %get3A_1025 = tpu.vector_load %arg16[%get3A_1022, %get3A_1023, %get3A_1024] {strides = array<i32>} : memref<3x128x48xf32, #tpu.memory_space<vmem>>, vector<16xf32>,
        %mul3A_1026 = arith.mulf %get3A_1025, %select_n3A_1013 : vector<16xf32>
        tpu.vector_store_idx %arg9[%gather3A_1014, %add3A_8], %mul3A_1026 {add = true} : memref<1568x48xf32, #tpu.memory_space<vmem>>[vector<16xi32>, vector<16xi32>], vector<16xf32>,
        %get3A_1027 = arith.constant 2 : i32
        %get3A_1028 = arith.index_cast %get3A_1027 : i32 to index
        %get3A_1029 = arith.index_cast %add3A_1006 : i32 to index
        %get3A_1030 = arith.constant 32 : index
        %get3A_1031 = tpu.vector_load %arg16[%get3A_1028, %get3A_1029, %get3A_1030] {strides = array<i32>} : memref<3x128x48xf32, #tpu.memory_space<vmem>>, vector<16xf32>,
        %mul3A_1032 = arith.mulf %get3A_1031, %select_n3A_1013 : vector<16xf32>
        tpu.vector_store_idx %arg9[%gather3A_1014, %add3A_11], %mul3A_1032 {add = true} : memref<1568x48xf32, #tpu.memory_space<vmem>>[vector<16xi32>, vector<16xi32>], vector<16xf32>,
        %mul3A_1033 = arith.constant 4 : i32
        %mul3A_1034 = arith.muli %scan3A_974, %mul3A_1033 : i32
        %add3A_1035 = arith.constant 2 : i32
        %add3A_1036 = arith.addi %mul3A_1034, %add3A_1035 : i32
        %broadcast_in_dim3A_1037 = vector.broadcast %add3A_1036 : i32 to vector<16xi32>
        %add3A_1038 = arith.constant 256 : i32
        %add3A_1039 = vector.broadcast %add3A_1038 : i32 to vector<16xi32>
        %add3A_1040 = arith.addi %broadcast_in_dim3A_1037, %add3A_1039 : vector<16xi32>
        %gather3A_1041 = tpu.vector_load_idx %arg14[%add3A_1040] : memref<384xf32, #tpu.memory_space<vmem>>[vector<16xi32>], vector<16xf32>,
        %lt3A_1042 = arith.cmpi slt, %broadcast_in_dim3A_1037, %broadcast_in_dim3A_630 : vector<16xi32>
        %select_n3A_1043 = arith.select %lt3A_1042, %gather3A_1041, %broadcast_in_dim3A_12 : vector<16xi1>, vector<16xf32>
        %gather3A_1044 = tpu.vector_load_idx %arg12[%broadcast_in_dim3A_632, %broadcast_in_dim3A_1037] : memref<3x128xi32, #tpu.memory_space<vmem>>[vector<16xi32>, vector<16xi32>], vector<16xi32>,
        %get3A_1045 = arith.constant 2 : i32
        %get3A_1046 = arith.index_cast %get3A_1045 : i32 to index
        %get3A_1047 = arith.index_cast %add3A_1036 : i32 to index
        %get3A_1048 = arith.constant 0 : index
        %get3A_1049 = tpu.vector_load %arg16[%get3A_1046, %get3A_1047, %get3A_1048] {strides = array<i32>} : memref<3x128x48xf32, #tpu.memory_space<vmem>>, vector<16xf32>,
        %mul3A_1050 = arith.mulf %get3A_1049, %select_n3A_1043 : vector<16xf32>
        tpu.vector_store_idx %arg9[%gather3A_1044, %iota3A], %mul3A_1050 {add = true} : memref<1568x48xf32, #tpu.memory_space<vmem>>[vector<16xi32>, vector<16xi32>], vector<16xf32>,
        %get3A_1051 = arith.constant 2 : i32
        %get3A_1052 = arith.index_cast %get3A_1051 : i32 to index
        %get3A_1053 = arith.index_cast %add3A_1036 : i32 to index
        %get3A_1054 = arith.constant 16 : index
        %get3A_1055 = tpu.vector_load %arg16[%get3A_1052, %get3A_1053, %get3A_1054] {strides = array<i32>} : memref<3x128x48xf32, #tpu.memory_space<vmem>>, vector<16xf32>,
        %mul3A_1056 = arith.mulf %get3A_1055, %select_n3A_1043 : vector<16xf32>
        tpu.vector_store_idx %arg9[%gather3A_1044, %add3A_8], %mul3A_1056 {add = true} : memref<1568x48xf32, #tpu.memory_space<vmem>>[vector<16xi32>, vector<16xi32>], vector<16xf32>,
        %get3A_1057 = arith.constant 2 : i32
        %get3A_1058 = arith.index_cast %get3A_1057 : i32 to index
        %get3A_1059 = arith.index_cast %add3A_1036 : i32 to index
        %get3A_1060 = arith.constant 32 : index
        %get3A_1061 = tpu.vector_load %arg16[%get3A_1058, %get3A_1059, %get3A_1060] {strides = array<i32>} : memref<3x128x48xf32, #tpu.memory_space<vmem>>, vector<16xf32>,
        %mul3A_1062 = arith.mulf %get3A_1061, %select_n3A_1043 : vector<16xf32>
        tpu.vector_store_idx %arg9[%gather3A_1044, %add3A_11], %mul3A_1062 {add = true} : memref<1568x48xf32, #tpu.memory_space<vmem>>[vector<16xi32>, vector<16xi32>], vector<16xf32>,
        %mul3A_1063 = arith.constant 4 : i32
        %mul3A_1064 = arith.muli %scan3A_974, %mul3A_1063 : i32
        %add3A_1065 = arith.constant 3 : i32
        %add3A_1066 = arith.addi %mul3A_1064, %add3A_1065 : i32
        %broadcast_in_dim3A_1067 = vector.broadcast %add3A_1066 : i32 to vector<16xi32>
        %add3A_1068 = arith.constant 256 : i32
        %add3A_1069 = vector.broadcast %add3A_1068 : i32 to vector<16xi32>
        %add3A_1070 = arith.addi %broadcast_in_dim3A_1067, %add3A_1069 : vector<16xi32>
        %gather3A_1071 = tpu.vector_load_idx %arg14[%add3A_1070] : memref<384xf32, #tpu.memory_space<vmem>>[vector<16xi32>], vector<16xf32>,
        %lt3A_1072 = arith.cmpi slt, %broadcast_in_dim3A_1067, %broadcast_in_dim3A_630 : vector<16xi32>
        %select_n3A_1073 = arith.select %lt3A_1072, %gather3A_1071, %broadcast_in_dim3A_12 : vector<16xi1>, vector<16xf32>
        %gather3A_1074 = tpu.vector_load_idx %arg12[%broadcast_in_dim3A_632, %broadcast_in_dim3A_1067] : memref<3x128xi32, #tpu.memory_space<vmem>>[vector<16xi32>, vector<16xi32>], vector<16xi32>,
        %get3A_1075 = arith.constant 2 : i32
        %get3A_1076 = arith.index_cast %get3A_1075 : i32 to index
        %get3A_1077 = arith.index_cast %add3A_1066 : i32 to index
        %get3A_1078 = arith.constant 0 : index
        %get3A_1079 = tpu.vector_load %arg16[%get3A_1076, %get3A_1077, %get3A_1078] {strides = array<i32>} : memref<3x128x48xf32, #tpu.memory_space<vmem>>, vector<16xf32>,
        %mul3A_1080 = arith.mulf %get3A_1079, %select_n3A_1073 : vector<16xf32>
        tpu.vector_store_idx %arg9[%gather3A_1074, %iota3A], %mul3A_1080 {add = true} : memref<1568x48xf32, #tpu.memory_space<vmem>>[vector<16xi32>, vector<16xi32>], vector<16xf32>,
        %get3A_1081 = arith.constant 2 : i32
        %get3A_1082 = arith.index_cast %get3A_1081 : i32 to index
        %get3A_1083 = arith.index_cast %add3A_1066 : i32 to index
        %get3A_1084 = arith.constant 16 : index
        %get3A_1085 = tpu.vector_load %arg16[%get3A_1082, %get3A_1083, %get3A_1084] {strides = array<i32>} : memref<3x128x48xf32, #tpu.memory_space<vmem>>, vector<16xf32>,
        %mul3A_1086 = arith.mulf %get3A_1085, %select_n3A_1073 : vector<16xf32>
        tpu.vector_store_idx %arg9[%gather3A_1074, %add3A_8], %mul3A_1086 {add = true} : memref<1568x48xf32, #tpu.memory_space<vmem>>[vector<16xi32>, vector<16xi32>], vector<16xf32>,
        %get3A_1087 = arith.constant 2 : i32
        %get3A_1088 = arith.index_cast %get3A_1087 : i32 to index
        %get3A_1089 = arith.index_cast %add3A_1066 : i32 to index
        %get3A_1090 = arith.constant 32 : index
        %get3A_1091 = tpu.vector_load %arg16[%get3A_1088, %get3A_1089, %get3A_1090] {strides = array<i32>} : memref<3x128x48xf32, #tpu.memory_space<vmem>>, vector<16xf32>,
        %mul3A_1092 = arith.mulf %get3A_1091, %select_n3A_1073 : vector<16xf32>
        tpu.vector_store_idx %arg9[%gather3A_1074, %add3A_11], %mul3A_1092 {add = true} : memref<1568x48xf32, #tpu.memory_space<vmem>>[vector<16xi32>, vector<16xi32>], vector<16xf32>,
      }
      %scan3A_638 = arith.constant 32 : i32
      %add3A_639 = arith.constant 2 : i32
      %add3A_640 = arith.addi %mul3A_455, %add3A_639 : i32
      %mul3A_641 = arith.constant 384 : i32
      %mul3A_642 = arith.muli %add3A_640, %mul3A_641 : i32
      %min3A_643 = arith.minsi %mul3A_642, %mul3A_48 : i32
      %multiple_of3A_644 = tpu.assume_multiple %min3A_643, 128 : i32
      %add3A_645 = arith.addi %multiple_of3A_5, %multiple_of3A_644 : i32
      %dma_start3A_646 = tpu.memref_slice %arg6[%add3A_645] : memref<25690112xf32, #tpu.memory_space<hbm>> -> memref<384xf32, #tpu.memory_space<hbm>>
      %dma_start3A_647 = tpu.memref_slice %arg6[%add3A_645] : memref<25690112xf32, #tpu.memory_space<hbm>> -> memref<384xf32, #tpu.memory_space<hbm>>
      tpu.enqueue_dma source(%dma_start3A_647 : memref<384xf32, #tpu.memory_space<hbm>>) target(%arg14 : memref<384xf32, #tpu.memory_space<vmem>>) target_semaphore(%arg19 : memref<!tpu.dma_semaphore, #tpu.memory_space<semaphore_mem>>)
      %add3A_648 = arith.constant 0 : i32
      %add3A_649 = arith.addi %add3A_645, %add3A_648 : i32
      %dma_start3A_650 = arith.constant 0 : i32
      %dma_start3A_651 = arith.constant 0 : i32
      %dma_start3A_652 = tpu.memref_slice %arg10[%dma_start3A_650, %dma_start3A_651] : memref<3x128xi32, #tpu.memory_space<vmem>> -> memref<1x128xi32, #tpu.memory_space<vmem>>
      %dma_start3A_653 = tpu.memref_squeeze %dma_start3A_652 : memref<1x128xi32, #tpu.memory_space<vmem>> -> memref<128xi32, #tpu.memory_space<vmem>>
      %dma_start3A_654 = tpu.memref_slice %arg4[%add3A_649] : memref<25690112xi32, #tpu.memory_space<hbm>> -> memref<128xi32, #tpu.memory_space<hbm>>
      %dma_start3A_655 = arith.constant 0 : i32
      %dma_start3A_656 = tpu.memref_slice %arg10[%dma_start3A_650, %dma_start3A_655] : memref<3x128xi32, #tpu.memory_space<vmem>> -> memref<1x128xi32, #tpu.memory_space<vmem>>
      %dma_start3A_657 = tpu.memref_squeeze %dma_start3A_656 : memref<1x128xi32, #tpu.memory_space<vmem>> -> memref<128xi32, #tpu.memory_space<vmem>>
      %dma_start3A_658 = tpu.memref_slice %arg4[%add3A_649] : memref<25690112xi32, #tpu.memory_space<hbm>> -> memref<128xi32, #tpu.memory_space<hbm>>
      tpu.enqueue_dma source(%dma_start3A_658 : memref<128xi32, #tpu.memory_space<hbm>>) target(%dma_start3A_657 : memref<128xi32, #tpu.memory_space<vmem>>) target_semaphore(%arg19 : memref<!tpu.dma_semaphore, #tpu.memory_space<semaphore_mem>>)
      %add3A_659 = arith.constant 0 : i32
      %add3A_660 = arith.addi %add3A_645, %add3A_659 : i32
      %dma_start3A_661 = arith.constant 0 : i32
      %dma_start3A_662 = arith.constant 0 : i32
      %dma_start3A_663 = tpu.memref_slice %arg12[%dma_start3A_661, %dma_start3A_662] : memref<3x128xi32, #tpu.memory_space<vmem>> -> memref<1x128xi32, #tpu.memory_space<vmem>>
      %dma_start3A_664 = tpu.memref_squeeze %dma_start3A_663 : memref<1x128xi32, #tpu.memory_space<vmem>> -> memref<128xi32, #tpu.memory_space<vmem>>
      %dma_start3A_665 = tpu.memref_slice %arg5[%add3A_660] : memref<25690112xi32, #tpu.memory_space<hbm>> -> memref<128xi32, #tpu.memory_space<hbm>>
      %dma_start3A_666 = arith.constant 0 : i32
      %dma_start3A_667 = tpu.memref_slice %arg12[%dma_start3A_661, %dma_start3A_666] : memref<3x128xi32, #tpu.memory_space<vmem>> -> memref<1x128xi32, #tpu.memory_space<vmem>>
      %dma_start3A_668 = tpu.memref_squeeze %dma_start3A_667 : memref<1x128xi32, #tpu.memory_space<vmem>> -> memref<128xi32, #tpu.memory_space<vmem>>
      %dma_start3A_669 = tpu.memref_slice %arg5[%add3A_660] : memref<25690112xi32, #tpu.memory_space<hbm>> -> memref<128xi32, #tpu.memory_space<hbm>>
      tpu.enqueue_dma source(%dma_start3A_669 : memref<128xi32, #tpu.memory_space<hbm>>) target(%dma_start3A_668 : memref<128xi32, #tpu.memory_space<vmem>>) target_semaphore(%arg19 : memref<!tpu.dma_semaphore, #tpu.memory_space<semaphore_mem>>)
      %add3A_670 = arith.constant 128 : i32
      %add3A_671 = arith.addi %add3A_645, %add3A_670 : i32
      %dma_start3A_672 = arith.constant 1 : i32
      %dma_start3A_673 = arith.constant 0 : i32
      %dma_start3A_674 = tpu.memref_slice %arg10[%dma_start3A_672, %dma_start3A_673] : memref<3x128xi32, #tpu.memory_space<vmem>> -> memref<1x128xi32, #tpu.memory_space<vmem>>
      %dma_start3A_675 = tpu.memref_squeeze %dma_start3A_674 : memref<1x128xi32, #tpu.memory_space<vmem>> -> memref<128xi32, #tpu.memory_space<vmem>>
      %dma_start3A_676 = tpu.memref_slice %arg4[%add3A_671] : memref<25690112xi32, #tpu.memory_space<hbm>> -> memref<128xi32, #tpu.memory_space<hbm>>
      %dma_start3A_677 = arith.constant 0 : i32
      %dma_start3A_678 = tpu.memref_slice %arg10[%dma_start3A_672, %dma_start3A_677] : memref<3x128xi32, #tpu.memory_space<vmem>> -> memref<1x128xi32, #tpu.memory_space<vmem>>
      %dma_start3A_679 = tpu.memref_squeeze %dma_start3A_678 : memref<1x128xi32, #tpu.memory_space<vmem>> -> memref<128xi32, #tpu.memory_space<vmem>>
      %dma_start3A_680 = tpu.memref_slice %arg4[%add3A_671] : memref<25690112xi32, #tpu.memory_space<hbm>> -> memref<128xi32, #tpu.memory_space<hbm>>
      tpu.enqueue_dma source(%dma_start3A_680 : memref<128xi32, #tpu.memory_space<hbm>>) target(%dma_start3A_679 : memref<128xi32, #tpu.memory_space<vmem>>) target_semaphore(%arg19 : memref<!tpu.dma_semaphore, #tpu.memory_space<semaphore_mem>>)
      %add3A_681 = arith.constant 128 : i32
      %add3A_682 = arith.addi %add3A_645, %add3A_681 : i32
      %dma_start3A_683 = arith.constant 1 : i32
      %dma_start3A_684 = arith.constant 0 : i32
      %dma_start3A_685 = tpu.memref_slice %arg12[%dma_start3A_683, %dma_start3A_684] : memref<3x128xi32, #tpu.memory_space<vmem>> -> memref<1x128xi32, #tpu.memory_space<vmem>>
      %dma_start3A_686 = tpu.memref_squeeze %dma_start3A_685 : memref<1x128xi32, #tpu.memory_space<vmem>> -> memref<128xi32, #tpu.memory_space<vmem>>
      %dma_start3A_687 = tpu.memref_slice %arg5[%add3A_682] : memref<25690112xi32, #tpu.memory_space<hbm>> -> memref<128xi32, #tpu.memory_space<hbm>>
      %dma_start3A_688 = arith.constant 0 : i32
      %dma_start3A_689 = tpu.memref_slice %arg12[%dma_start3A_683, %dma_start3A_688] : memref<3x128xi32, #tpu.memory_space<vmem>> -> memref<1x128xi32, #tpu.memory_space<vmem>>
      %dma_start3A_690 = tpu.memref_squeeze %dma_start3A_689 : memref<1x128xi32, #tpu.memory_space<vmem>> -> memref<128xi32, #tpu.memory_space<vmem>>
      %dma_start3A_691 = tpu.memref_slice %arg5[%add3A_682] : memref<25690112xi32, #tpu.memory_space<hbm>> -> memref<128xi32, #tpu.memory_space<hbm>>
      tpu.enqueue_dma source(%dma_start3A_691 : memref<128xi32, #tpu.memory_space<hbm>>) target(%dma_start3A_690 : memref<128xi32, #tpu.memory_space<vmem>>) target_semaphore(%arg19 : memref<!tpu.dma_semaphore, #tpu.memory_space<semaphore_mem>>)
      %add3A_692 = arith.constant 256 : i32
      %add3A_693 = arith.addi %add3A_645, %add3A_692 : i32
      %dma_start3A_694 = arith.constant 2 : i32
      %dma_start3A_695 = arith.constant 0 : i32
      %dma_start3A_696 = tpu.memref_slice %arg10[%dma_start3A_694, %dma_start3A_695] : memref<3x128xi32, #tpu.memory_space<vmem>> -> memref<1x128xi32, #tpu.memory_space<vmem>>
      %dma_start3A_697 = tpu.memref_squeeze %dma_start3A_696 : memref<1x128xi32, #tpu.memory_space<vmem>> -> memref<128xi32, #tpu.memory_space<vmem>>
      %dma_start3A_698 = tpu.memref_slice %arg4[%add3A_693] : memref<25690112xi32, #tpu.memory_space<hbm>> -> memref<128xi32, #tpu.memory_space<hbm>>
      %dma_start3A_699 = arith.constant 0 : i32
      %dma_start3A_700 = tpu.memref_slice %arg10[%dma_start3A_694, %dma_start3A_699] : memref<3x128xi32, #tpu.memory_space<vmem>> -> memref<1x128xi32, #tpu.memory_space<vmem>>
      %dma_start3A_701 = tpu.memref_squeeze %dma_start3A_700 : memref<1x128xi32, #tpu.memory_space<vmem>> -> memref<128xi32, #tpu.memory_space<vmem>>
      %dma_start3A_702 = tpu.memref_slice %arg4[%add3A_693] : memref<25690112xi32, #tpu.memory_space<hbm>> -> memref<128xi32, #tpu.memory_space<hbm>>
      tpu.enqueue_dma source(%dma_start3A_702 : memref<128xi32, #tpu.memory_space<hbm>>) target(%dma_start3A_701 : memref<128xi32, #tpu.memory_space<vmem>>) target_semaphore(%arg19 : memref<!tpu.dma_semaphore, #tpu.memory_space<semaphore_mem>>)
      %add3A_703 = arith.constant 256 : i32
      %add3A_704 = arith.addi %add3A_645, %add3A_703 : i32
      %dma_start3A_705 = arith.constant 2 : i32
      %dma_start3A_706 = arith.constant 0 : i32
      %dma_start3A_707 = tpu.memref_slice %arg12[%dma_start3A_705, %dma_start3A_706] : memref<3x128xi32, #tpu.memory_space<vmem>> -> memref<1x128xi32, #tpu.memory_space<vmem>>
      %dma_start3A_708 = tpu.memref_squeeze %dma_start3A_707 : memref<1x128xi32, #tpu.memory_space<vmem>> -> memref<128xi32, #tpu.memory_space<vmem>>
      %dma_start3A_709 = tpu.memref_slice %arg5[%add3A_704] : memref<25690112xi32, #tpu.memory_space<hbm>> -> memref<128xi32, #tpu.memory_space<hbm>>
      %dma_start3A_710 = arith.constant 0 : i32
      %dma_start3A_711 = tpu.memref_slice %arg12[%dma_start3A_705, %dma_start3A_710] : memref<3x128xi32, #tpu.memory_space<vmem>> -> memref<1x128xi32, #tpu.memory_space<vmem>>
      %dma_start3A_712 = tpu.memref_squeeze %dma_start3A_711 : memref<1x128xi32, #tpu.memory_space<vmem>> -> memref<128xi32, #tpu.memory_space<vmem>>
      %dma_start3A_713 = tpu.memref_slice %arg5[%add3A_704] : memref<25690112xi32, #tpu.memory_space<hbm>> -> memref<128xi32, #tpu.memory_space<hbm>>
      tpu.enqueue_dma source(%dma_start3A_713 : memref<128xi32, #tpu.memory_space<hbm>>) target(%dma_start3A_712 : memref<128xi32, #tpu.memory_space<vmem>>) target_semaphore(%arg19 : memref<!tpu.dma_semaphore, #tpu.memory_space<semaphore_mem>>)
      %dma_wait3A_714 = arith.constant 0 : i32
      %dma_wait3A_715 = arith.constant 0 : i32
      %dma_wait3A_716 = arith.constant 0 : i32
      %dma_wait3A_717 = arith.constant 0 : i32
      %dma_wait3A_718 = tpu.memref_slice %arg17[%dma_wait3A_715, %dma_wait3A_716, %dma_wait3A_717] : memref<3x128x48xf32, #tpu.memory_space<vmem>> -> memref<1x128x48xf32, #tpu.memory_space<vmem>>
      %dma_wait3A_719 = tpu.memref_squeeze %dma_wait3A_718 : memref<1x128x48xf32, #tpu.memory_space<vmem>> -> memref<128x48xf32, #tpu.memory_space<vmem>>
      %dma_wait3A_720 = arith.constant 0 : i32
      %dma_wait3A_721 = tpu.memref_slice %arg11[%dma_wait3A_714, %dma_wait3A_720] : memref<3x128xi32, #tpu.memory_space<vmem>> -> memref<1x128xi32, #tpu.memory_space<vmem>>
      %dma_wait3A_722 = tpu.memref_squeeze %dma_wait3A_721 : memref<1x128xi32, #tpu.memory_space<vmem>> -> memref<128xi32, #tpu.memory_space<vmem>>
      %dma_wait3A_723 = arith.constant 0 : i32
      %dma_wait3A_724 = arith.constant 0 : i32
      %dma_wait3A_725 = tpu.memref_slice %arg2[%dma_wait3A_723, %dma_wait3A_724] : memref<50176x48xf32, #tpu.memory_space<hbm>> -> memref<50176x48xf32, #tpu.memory_space<hbm>>
      tpu.wait_indirect_dma semaphore(%arg22 : memref<!tpu.dma_semaphore, #tpu.memory_space<semaphore_mem>>) src(%dma_wait3A_725 : memref<50176x48xf32, #tpu.memory_space<hbm>>) dst(%dma_wait3A_719 : memref<128x48xf32, #tpu.memory_space<vmem>>)
      %dma_wait3A_726 = arith.constant 1 : i32
      %dma_wait3A_727 = arith.constant 1 : i32
      %dma_wait3A_728 = arith.constant 0 : i32
      %dma_wait3A_729 = arith.constant 0 : i32
      %dma_wait3A_730 = tpu.memref_slice %arg17[%dma_wait3A_727, %dma_wait3A_728, %dma_wait3A_729] : memref<3x128x48xf32, #tpu.memory_space<vmem>> -> memref<1x128x48xf32, #tpu.memory_space<vmem>>
      %dma_wait3A_731 = tpu.memref_squeeze %dma_wait3A_730 : memref<1x128x48xf32, #tpu.memory_space<vmem>> -> memref<128x48xf32, #tpu.memory_space<vmem>>
      %dma_wait3A_732 = arith.constant 0 : i32
      %dma_wait3A_733 = tpu.memref_slice %arg11[%dma_wait3A_726, %dma_wait3A_732] : memref<3x128xi32, #tpu.memory_space<vmem>> -> memref<1x128xi32, #tpu.memory_space<vmem>>
      %dma_wait3A_734 = tpu.memref_squeeze %dma_wait3A_733 : memref<1x128xi32, #tpu.memory_space<vmem>> -> memref<128xi32, #tpu.memory_space<vmem>>
      %dma_wait3A_735 = arith.constant 0 : i32
      %dma_wait3A_736 = arith.constant 0 : i32
      %dma_wait3A_737 = tpu.memref_slice %arg2[%dma_wait3A_735, %dma_wait3A_736] : memref<50176x48xf32, #tpu.memory_space<hbm>> -> memref<50176x48xf32, #tpu.memory_space<hbm>>
      tpu.wait_indirect_dma semaphore(%arg22 : memref<!tpu.dma_semaphore, #tpu.memory_space<semaphore_mem>>) src(%dma_wait3A_737 : memref<50176x48xf32, #tpu.memory_space<hbm>>) dst(%dma_wait3A_731 : memref<128x48xf32, #tpu.memory_space<vmem>>)
      %dma_wait3A_738 = arith.constant 2 : i32
      %dma_wait3A_739 = arith.constant 2 : i32
      %dma_wait3A_740 = arith.constant 0 : i32
      %dma_wait3A_741 = arith.constant 0 : i32
      %dma_wait3A_742 = tpu.memref_slice %arg17[%dma_wait3A_739, %dma_wait3A_740, %dma_wait3A_741] : memref<3x128x48xf32, #tpu.memory_space<vmem>> -> memref<1x128x48xf32, #tpu.memory_space<vmem>>
      %dma_wait3A_743 = tpu.memref_squeeze %dma_wait3A_742 : memref<1x128x48xf32, #tpu.memory_space<vmem>> -> memref<128x48xf32, #tpu.memory_space<vmem>>
      %dma_wait3A_744 = arith.constant 0 : i32
      %dma_wait3A_745 = tpu.memref_slice %arg11[%dma_wait3A_738, %dma_wait3A_744] : memref<3x128xi32, #tpu.memory_space<vmem>> -> memref<1x128xi32, #tpu.memory_space<vmem>>
      %dma_wait3A_746 = tpu.memref_squeeze %dma_wait3A_745 : memref<1x128xi32, #tpu.memory_space<vmem>> -> memref<128xi32, #tpu.memory_space<vmem>>
      %dma_wait3A_747 = arith.constant 0 : i32
      %dma_wait3A_748 = arith.constant 0 : i32
      %dma_wait3A_749 = tpu.memref_slice %arg2[%dma_wait3A_747, %dma_wait3A_748] : memref<50176x48xf32, #tpu.memory_space<hbm>> -> memref<50176x48xf32, #tpu.memory_space<hbm>>
      tpu.wait_indirect_dma semaphore(%arg22 : memref<!tpu.dma_semaphore, #tpu.memory_space<semaphore_mem>>) src(%dma_wait3A_749 : memref<50176x48xf32, #tpu.memory_space<hbm>>) dst(%dma_wait3A_743 : memref<128x48xf32, #tpu.memory_space<vmem>>)
      %add3A_750 = arith.constant 2 : i32
      %add3A_751 = arith.addi %mul3A_455, %add3A_750 : i32
      %mul3A_752 = arith.constant 384 : i32
      %mul3A_753 = arith.muli %add3A_751, %mul3A_752 : i32
      %min3A_754 = arith.minsi %mul3A_753, %mul3A_48 : i32
      %multiple_of3A_755 = tpu.assume_multiple %min3A_754, 128 : i32
      %add3A_756 = arith.addi %multiple_of3A_5, %multiple_of3A_755 : i32
      %dma_wait3A_757 = tpu.memref_slice %arg6[%add3A_756] : memref<25690112xf32, #tpu.memory_space<hbm>> -> memref<384xf32, #tpu.memory_space<hbm>>
      %dma_wait3A_758 = tpu.memref_slice %arg6[%add3A_756] : memref<25690112xf32, #tpu.memory_space<hbm>> -> memref<384xf32, #tpu.memory_space<hbm>>
      tpu.wait_dma2 semaphore(%arg19 : memref<!tpu.dma_semaphore, #tpu.memory_space<semaphore_mem>>) src(%dma_wait3A_758 : memref<384xf32, #tpu.memory_space<hbm>>) dst(%arg14 : memref<384xf32, #tpu.memory_space<vmem>>)
      %add3A_759 = arith.constant 0 : i32
      %add3A_760 = arith.addi %add3A_756, %add3A_759 : i32
      %dma_wait3A_761 = arith.constant 0 : i32
      %dma_wait3A_762 = arith.constant 0 : i32
      %dma_wait3A_763 = tpu.memref_slice %arg10[%dma_wait3A_761, %dma_wait3A_762] : memref<3x128xi32, #tpu.memory_space<vmem>> -> memref<1x128xi32, #tpu.memory_space<vmem>>
      %dma_wait3A_764 = tpu.memref_squeeze %dma_wait3A_763 : memref<1x128xi32, #tpu.memory_space<vmem>> -> memref<128xi32, #tpu.memory_space<vmem>>
      %dma_wait3A_765 = tpu.memref_slice %arg4[%add3A_760] : memref<25690112xi32, #tpu.memory_space<hbm>> -> memref<128xi32, #tpu.memory_space<hbm>>
      %dma_wait3A_766 = arith.constant 0 : i32
      %dma_wait3A_767 = tpu.memref_slice %arg10[%dma_wait3A_761, %dma_wait3A_766] : memref<3x128xi32, #tpu.memory_space<vmem>> -> memref<1x128xi32, #tpu.memory_space<vmem>>
      %dma_wait3A_768 = tpu.memref_squeeze %dma_wait3A_767 : memref<1x128xi32, #tpu.memory_space<vmem>> -> memref<128xi32, #tpu.memory_space<vmem>>
      %dma_wait3A_769 = tpu.memref_slice %arg4[%add3A_760] : memref<25690112xi32, #tpu.memory_space<hbm>> -> memref<128xi32, #tpu.memory_space<hbm>>
      tpu.wait_dma2 semaphore(%arg19 : memref<!tpu.dma_semaphore, #tpu.memory_space<semaphore_mem>>) src(%dma_wait3A_769 : memref<128xi32, #tpu.memory_space<hbm>>) dst(%dma_wait3A_768 : memref<128xi32, #tpu.memory_space<vmem>>)
      %add3A_770 = arith.constant 0 : i32
      %add3A_771 = arith.addi %add3A_756, %add3A_770 : i32
      %dma_wait3A_772 = arith.constant 0 : i32
      %dma_wait3A_773 = arith.constant 0 : i32
      %dma_wait3A_774 = tpu.memref_slice %arg12[%dma_wait3A_772, %dma_wait3A_773] : memref<3x128xi32, #tpu.memory_space<vmem>> -> memref<1x128xi32, #tpu.memory_space<vmem>>
      %dma_wait3A_775 = tpu.memref_squeeze %dma_wait3A_774 : memref<1x128xi32, #tpu.memory_space<vmem>> -> memref<128xi32, #tpu.memory_space<vmem>>
      %dma_wait3A_776 = tpu.memref_slice %arg5[%add3A_771] : memref<25690112xi32, #tpu.memory_space<hbm>> -> memref<128xi32, #tpu.memory_space<hbm>>
      %dma_wait3A_777 = arith.constant 0 : i32
      %dma_wait3A_778 = tpu.memref_slice %arg12[%dma_wait3A_772, %dma_wait3A_777] : memref<3x128xi32, #tpu.memory_space<vmem>> -> memref<1x128xi32, #tpu.memory_space<vmem>>
      %dma_wait3A_779 = tpu.memref_squeeze %dma_wait3A_778 : memref<1x128xi32, #tpu.memory_space<vmem>> -> memref<128xi32, #tpu.memory_space<vmem>>
      %dma_wait3A_780 = tpu.memref_slice %arg5[%add3A_771] : memref<25690112xi32, #tpu.memory_space<hbm>> -> memref<128xi32, #tpu.memory_space<hbm>>
      tpu.wait_dma2 semaphore(%arg19 : memref<!tpu.dma_semaphore, #tpu.memory_space<semaphore_mem>>) src(%dma_wait3A_780 : memref<128xi32, #tpu.memory_space<hbm>>) dst(%dma_wait3A_779 : memref<128xi32, #tpu.memory_space<vmem>>)
      %add3A_781 = arith.constant 128 : i32
      %add3A_782 = arith.addi %add3A_756, %add3A_781 : i32
      %dma_wait3A_783 = arith.constant 1 : i32
      %dma_wait3A_784 = arith.constant 0 : i32
      %dma_wait3A_785 = tpu.memref_slice %arg10[%dma_wait3A_783, %dma_wait3A_784] : memref<3x128xi32, #tpu.memory_space<vmem>> -> memref<1x128xi32, #tpu.memory_space<vmem>>
      %dma_wait3A_786 = tpu.memref_squeeze %dma_wait3A_785 : memref<1x128xi32, #tpu.memory_space<vmem>> -> memref<128xi32, #tpu.memory_space<vmem>>
      %dma_wait3A_787 = tpu.memref_slice %arg4[%add3A_782] : memref<25690112xi32, #tpu.memory_space<hbm>> -> memref<128xi32, #tpu.memory_space<hbm>>
      %dma_wait3A_788 = arith.constant 0 : i32
      %dma_wait3A_789 = tpu.memref_slice %arg10[%dma_wait3A_783, %dma_wait3A_788] : memref<3x128xi32, #tpu.memory_space<vmem>> -> memref<1x128xi32, #tpu.memory_space<vmem>>
      %dma_wait3A_790 = tpu.memref_squeeze %dma_wait3A_789 : memref<1x128xi32, #tpu.memory_space<vmem>> -> memref<128xi32, #tpu.memory_space<vmem>>
      %dma_wait3A_791 = tpu.memref_slice %arg4[%add3A_782] : memref<25690112xi32, #tpu.memory_space<hbm>> -> memref<128xi32, #tpu.memory_space<hbm>>
      tpu.wait_dma2 semaphore(%arg19 : memref<!tpu.dma_semaphore, #tpu.memory_space<semaphore_mem>>) src(%dma_wait3A_791 : memref<128xi32, #tpu.memory_space<hbm>>) dst(%dma_wait3A_790 : memref<128xi32, #tpu.memory_space<vmem>>)
      %add3A_792 = arith.constant 128 : i32
      %add3A_793 = arith.addi %add3A_756, %add3A_792 : i32
      %dma_wait3A_794 = arith.constant 1 : i32
      %dma_wait3A_795 = arith.constant 0 : i32
      %dma_wait3A_796 = tpu.memref_slice %arg12[%dma_wait3A_794, %dma_wait3A_795] : memref<3x128xi32, #tpu.memory_space<vmem>> -> memref<1x128xi32, #tpu.memory_space<vmem>>
      %dma_wait3A_797 = tpu.memref_squeeze %dma_wait3A_796 : memref<1x128xi32, #tpu.memory_space<vmem>> -> memref<128xi32, #tpu.memory_space<vmem>>
      %dma_wait3A_798 = tpu.memref_slice %arg5[%add3A_793] : memref<25690112xi32, #tpu.memory_space<hbm>> -> memref<128xi32, #tpu.memory_space<hbm>>
      %dma_wait3A_799 = arith.constant 0 : i32
      %dma_wait3A_800 = tpu.memref_slice %arg12[%dma_wait3A_794, %dma_wait3A_799] : memref<3x128xi32, #tpu.memory_space<vmem>> -> memref<1x128xi32, #tpu.memory_space<vmem>>
      %dma_wait3A_801 = tpu.memref_squeeze %dma_wait3A_800 : memref<1x128xi32, #tpu.memory_space<vmem>> -> memref<128xi32, #tpu.memory_space<vmem>>
      %dma_wait3A_802 = tpu.memref_slice %arg5[%add3A_793] : memref<25690112xi32, #tpu.memory_space<hbm>> -> memref<128xi32, #tpu.memory_space<hbm>>
      tpu.wait_dma2 semaphore(%arg19 : memref<!tpu.dma_semaphore, #tpu.memory_space<semaphore_mem>>) src(%dma_wait3A_802 : memref<128xi32, #tpu.memory_space<hbm>>) dst(%dma_wait3A_801 : memref<128xi32, #tpu.memory_space<vmem>>)
      %add3A_803 = arith.constant 256 : i32
      %add3A_804 = arith.addi %add3A_756, %add3A_803 : i32
      %dma_wait3A_805 = arith.constant 2 : i32
      %dma_wait3A_806 = arith.constant 0 : i32
      %dma_wait3A_807 = tpu.memref_slice %arg10[%dma_wait3A_805, %dma_wait3A_806] : memref<3x128xi32, #tpu.memory_space<vmem>> -> memref<1x128xi32, #tpu.memory_space<vmem>>
      %dma_wait3A_808 = tpu.memref_squeeze %dma_wait3A_807 : memref<1x128xi32, #tpu.memory_space<vmem>> -> memref<128xi32, #tpu.memory_space<vmem>>
      %dma_wait3A_809 = tpu.memref_slice %arg4[%add3A_804] : memref<25690112xi32, #tpu.memory_space<hbm>> -> memref<128xi32, #tpu.memory_space<hbm>>
      %dma_wait3A_810 = arith.constant 0 : i32
      %dma_wait3A_811 = tpu.memref_slice %arg10[%dma_wait3A_805, %dma_wait3A_810] : memref<3x128xi32, #tpu.memory_space<vmem>> -> memref<1x128xi32, #tpu.memory_space<vmem>>
      %dma_wait3A_812 = tpu.memref_squeeze %dma_wait3A_811 : memref<1x128xi32, #tpu.memory_space<vmem>> -> memref<128xi32, #tpu.memory_space<vmem>>
      %dma_wait3A_813 = tpu.memref_slice %arg4[%add3A_804] : memref<25690112xi32, #tpu.memory_space<hbm>> -> memref<128xi32, #tpu.memory_space<hbm>>
      tpu.wait_dma2 semaphore(%arg19 : memref<!tpu.dma_semaphore, #tpu.memory_space<semaphore_mem>>) src(%dma_wait3A_813 : memref<128xi32, #tpu.memory_space<hbm>>) dst(%dma_wait3A_812 : memref<128xi32, #tpu.memory_space<vmem>>)
      %add3A_814 = arith.constant 256 : i32
      %add3A_815 = arith.addi %add3A_756, %add3A_814 : i32
      %dma_wait3A_816 = arith.constant 2 : i32
      %dma_wait3A_817 = arith.constant 0 : i32
      %dma_wait3A_818 = tpu.memref_slice %arg12[%dma_wait3A_816, %dma_wait3A_817] : memref<3x128xi32, #tpu.memory_space<vmem>> -> memref<1x128xi32, #tpu.memory_space<vmem>>
      %dma_wait3A_819 = tpu.memref_squeeze %dma_wait3A_818 : memref<1x128xi32, #tpu.memory_space<vmem>> -> memref<128xi32, #tpu.memory_space<vmem>>
      %dma_wait3A_820 = tpu.memref_slice %arg5[%add3A_815] : memref<25690112xi32, #tpu.memory_space<hbm>> -> memref<128xi32, #tpu.memory_space<hbm>>
      %dma_wait3A_821 = arith.constant 0 : i32
      %dma_wait3A_822 = tpu.memref_slice %arg12[%dma_wait3A_816, %dma_wait3A_821] : memref<3x128xi32, #tpu.memory_space<vmem>> -> memref<1x128xi32, #tpu.memory_space<vmem>>
      %dma_wait3A_823 = tpu.memref_squeeze %dma_wait3A_822 : memref<1x128xi32, #tpu.memory_space<vmem>> -> memref<128xi32, #tpu.memory_space<vmem>>
      %dma_wait3A_824 = tpu.memref_slice %arg5[%add3A_815] : memref<25690112xi32, #tpu.memory_space<hbm>> -> memref<128xi32, #tpu.memory_space<hbm>>
      tpu.wait_dma2 semaphore(%arg19 : memref<!tpu.dma_semaphore, #tpu.memory_space<semaphore_mem>>) src(%dma_wait3A_824 : memref<128xi32, #tpu.memory_space<hbm>>) dst(%dma_wait3A_823 : memref<128xi32, #tpu.memory_space<vmem>>)
      %dma_start3A_825 = arith.constant 0 : i32
      %dma_start3A_826 = arith.constant 0 : i32
      %dma_start3A_827 = arith.constant 0 : i32
      %dma_start3A_828 = arith.constant 0 : i32
      %dma_start3A_829 = tpu.memref_slice %arg16[%dma_start3A_826, %dma_start3A_827, %dma_start3A_828] : memref<3x128x48xf32, #tpu.memory_space<vmem>> -> memref<1x128x48xf32, #tpu.memory_space<vmem>>
      %dma_start3A_830 = tpu.memref_squeeze %dma_start3A_829 : memref<1x128x48xf32, #tpu.memory_space<vmem>> -> memref<128x48xf32, #tpu.memory_space<vmem>>
      %dma_start3A_831 = arith.constant 0 : i32
      %dma_start3A_832 = tpu.memref_slice %arg10[%dma_start3A_825, %dma_start3A_831] : memref<3x128xi32, #tpu.memory_space<vmem>> -> memref<1x128xi32, #tpu.memory_space<vmem>>
      %dma_start3A_833 = tpu.memref_squeeze %dma_start3A_832 : memref<1x128xi32, #tpu.memory_space<vmem>> -> memref<128xi32, #tpu.memory_space<vmem>>
      %dma_start3A_834 = arith.constant 0 : i32
      %dma_start3A_835 = arith.constant 0 : i32
      %dma_start3A_836 = tpu.memref_slice %arg2[%dma_start3A_834, %dma_start3A_835] : memref<50176x48xf32, #tpu.memory_space<hbm>> -> memref<50176x48xf32, #tpu.memory_space<hbm>>
      tpu.enqueue_indirect_dma source(%dma_start3A_836 : memref<50176x48xf32, #tpu.memory_space<hbm>>) target(%dma_start3A_830 : memref<128x48xf32, #tpu.memory_space<vmem>>) offsets(%dma_start3A_833 : memref<128xi32, #tpu.memory_space<vmem>>) semaphore(%arg21 : memref<!tpu.dma_semaphore, #tpu.memory_space<semaphore_mem>>)
      %dma_start3A_837 = arith.constant 1 : i32
      %dma_start3A_838 = arith.constant 1 : i32
      %dma_start3A_839 = arith.constant 0 : i32
      %dma_start3A_840 = arith.constant 0 : i32
      %dma_start3A_841 = tpu.memref_slice %arg16[%dma_start3A_838, %dma_start3A_839, %dma_start3A_840] : memref<3x128x48xf32, #tpu.memory_space<vmem>> -> memref<1x128x48xf32, #tpu.memory_space<vmem>>
      %dma_start3A_842 = tpu.memref_squeeze %dma_start3A_841 : memref<1x128x48xf32, #tpu.memory_space<vmem>> -> memref<128x48xf32, #tpu.memory_space<vmem>>
      %dma_start3A_843 = arith.constant 0 : i32
      %dma_start3A_844 = tpu.memref_slice %arg10[%dma_start3A_837, %dma_start3A_843] : memref<3x128xi32, #tpu.memory_space<vmem>> -> memref<1x128xi32, #tpu.memory_space<vmem>>
      %dma_start3A_845 = tpu.memref_squeeze %dma_start3A_844 : memref<1x128xi32, #tpu.memory_space<vmem>> -> memref<128xi32, #tpu.memory_space<vmem>>
      %dma_start3A_846 = arith.constant 0 : i32
      %dma_start3A_847 = arith.constant 0 : i32
      %dma_start3A_848 = tpu.memref_slice %arg2[%dma_start3A_846, %dma_start3A_847] : memref<50176x48xf32, #tpu.memory_space<hbm>> -> memref<50176x48xf32, #tpu.memory_space<hbm>>
      tpu.enqueue_indirect_dma source(%dma_start3A_848 : memref<50176x48xf32, #tpu.memory_space<hbm>>) target(%dma_start3A_842 : memref<128x48xf32, #tpu.memory_space<vmem>>) offsets(%dma_start3A_845 : memref<128xi32, #tpu.memory_space<vmem>>) semaphore(%arg21 : memref<!tpu.dma_semaphore, #tpu.memory_space<semaphore_mem>>)
      %dma_start3A_849 = arith.constant 2 : i32
      %dma_start3A_850 = arith.constant 2 : i32
      %dma_start3A_851 = arith.constant 0 : i32
      %dma_start3A_852 = arith.constant 0 : i32
      %dma_start3A_853 = tpu.memref_slice %arg16[%dma_start3A_850, %dma_start3A_851, %dma_start3A_852] : memref<3x128x48xf32, #tpu.memory_space<vmem>> -> memref<1x128x48xf32, #tpu.memory_space<vmem>>
      %dma_start3A_854 = tpu.memref_squeeze %dma_start3A_853 : memref<1x128x48xf32, #tpu.memory_space<vmem>> -> memref<128x48xf32, #tpu.memory_space<vmem>>
      %dma_start3A_855 = arith.constant 0 : i32
      %dma_start3A_856 = tpu.memref_slice %arg10[%dma_start3A_849, %dma_start3A_855] : memref<3x128xi32, #tpu.memory_space<vmem>> -> memref<1x128xi32, #tpu.memory_space<vmem>>
      %dma_start3A_857 = tpu.memref_squeeze %dma_start3A_856 : memref<1x128xi32, #tpu.memory_space<vmem>> -> memref<128xi32, #tpu.memory_space<vmem>>
      %dma_start3A_858 = arith.constant 0 : i32
      %dma_start3A_859 = arith.constant 0 : i32
      %dma_start3A_860 = tpu.memref_slice %arg2[%dma_start3A_858, %dma_start3A_859] : memref<50176x48xf32, #tpu.memory_space<hbm>> -> memref<50176x48xf32, #tpu.memory_space<hbm>>
      tpu.enqueue_indirect_dma source(%dma_start3A_860 : memref<50176x48xf32, #tpu.memory_space<hbm>>) target(%dma_start3A_854 : memref<128x48xf32, #tpu.memory_space<vmem>>) offsets(%dma_start3A_857 : memref<128xi32, #tpu.memory_space<vmem>>) semaphore(%arg21 : memref<!tpu.dma_semaphore, #tpu.memory_space<semaphore_mem>>)
      %add3A_861 = arith.constant 1 : i32
      %add3A_862 = arith.addi %mul3A_455, %add3A_861 : i32
      %mul3A_863 = arith.constant 384 : i32
      %mul3A_864 = arith.muli %add3A_862, %mul3A_863 : i32
      %sub3A_865 = arith.subi %reduce_max3A_23, %mul3A_864 : i32
      %sub3A_866 = arith.constant 0 : i32
      %sub3A_867 = arith.subi %sub3A_865, %sub3A_866 : i32
      %broadcast_in_dim3A_868 = vector.broadcast %sub3A_867 : i32 to vector<16xi32>
      %broadcast_in_dim3A_869 = arith.constant 0 : i32
      %broadcast_in_dim3A_870 = vector.broadcast %broadcast_in_dim3A_869 : i32 to vector<16xi32>
      %scan3A_871 = arith.constant 0 : i32
      %scan3A_872 = arith.constant 0 : i32
      %scan3A_873 = arith.constant 32 : i32
      %scan3A_874 = arith.addi %scan3A_872, %scan3A_873 : i32
      %scan3A_875 = arith.constant 1 : i32
      scf.for %scan3A_974 = %scan3A_872 to %scan3A_874 step %scan3A_875  : i32 {
        %mul3A_975 = arith.constant 4 : i32
        %mul3A_976 = arith.muli %scan3A_974, %mul3A_975 : i32
        %add3A_977 = arith.constant 0 : i32
        %add3A_978 = arith.addi %mul3A_976, %add3A_977 : i32
        %broadcast_in_dim3A_979 = vector.broadcast %add3A_978 : i32 to vector<16xi32>
        %add3A_980 = arith.constant 0 : i32
        %add3A_981 = vector.broadcast %add3A_980 : i32 to vector<16xi32>
        %add3A_982 = arith.addi %broadcast_in_dim3A_979, %add3A_981 : vector<16xi32>
        %gather3A = tpu.vector_load_idx %arg15[%add3A_982] : memref<384xf32, #tpu.memory_space<vmem>>[vector<16xi32>], vector<16xf32>,
        %lt3A = arith.cmpi slt, %broadcast_in_dim3A_979, %broadcast_in_dim3A_868 : vector<16xi32>
        %select_n3A_983 = arith.select %lt3A, %gather3A, %broadcast_in_dim3A_12 : vector<16xi1>, vector<16xf32>
        %gather3A_984 = tpu.vector_load_idx %arg13[%broadcast_in_dim3A_870, %broadcast_in_dim3A_979] : memref<3x128xi32, #tpu.memory_space<vmem>>[vector<16xi32>, vector<16xi32>], vector<16xi32>,
        %get3A_985 = arith.constant 0 : i32
        %get3A_986 = arith.index_cast %get3A_985 : i32 to index
        %get3A_987 = arith.index_cast %add3A_978 : i32 to index
        %get3A_988 = arith.constant 0 : index
        %get3A_989 = tpu.vector_load %arg17[%get3A_986, %get3A_987, %get3A_988] {strides = array<i32>} : memref<3x128x48xf32, #tpu.memory_space<vmem>>, vector<16xf32>,
        %mul3A_990 = arith.mulf %get3A_989, %select_n3A_983 : vector<16xf32>
        tpu.vector_store_idx %arg9[%gather3A_984, %iota3A], %mul3A_990 {add = true} : memref<1568x48xf32, #tpu.memory_space<vmem>>[vector<16xi32>, vector<16xi32>], vector<16xf32>,
        %get3A_991 = arith.constant 0 : i32
        %get3A_992 = arith.index_cast %get3A_991 : i32 to index
        %get3A_993 = arith.index_cast %add3A_978 : i32 to index
        %get3A_994 = arith.constant 16 : index
        %get3A_995 = tpu.vector_load %arg17[%get3A_992, %get3A_993, %get3A_994] {strides = array<i32>} : memref<3x128x48xf32, #tpu.memory_space<vmem>>, vector<16xf32>,
        %mul3A_996 = arith.mulf %get3A_995, %select_n3A_983 : vector<16xf32>
        tpu.vector_store_idx %arg9[%gather3A_984, %add3A_8], %mul3A_996 {add = true} : memref<1568x48xf32, #tpu.memory_space<vmem>>[vector<16xi32>, vector<16xi32>], vector<16xf32>,
        %get3A_997 = arith.constant 0 : i32
        %get3A_998 = arith.index_cast %get3A_997 : i32 to index
        %get3A_999 = arith.index_cast %add3A_978 : i32 to index
        %get3A_1000 = arith.constant 32 : index
        %get3A_1001 = tpu.vector_load %arg17[%get3A_998, %get3A_999, %get3A_1000] {strides = array<i32>} : memref<3x128x48xf32, #tpu.memory_space<vmem>>, vector<16xf32>,
        %mul3A_1002 = arith.mulf %get3A_1001, %select_n3A_983 : vector<16xf32>
        tpu.vector_store_idx %arg9[%gather3A_984, %add3A_11], %mul3A_1002 {add = true} : memref<1568x48xf32, #tpu.memory_space<vmem>>[vector<16xi32>, vector<16xi32>], vector<16xf32>,
        %mul3A_1003 = arith.constant 4 : i32
        %mul3A_1004 = arith.muli %scan3A_974, %mul3A_1003 : i32
        %add3A_1005 = arith.constant 1 : i32
        %add3A_1006 = arith.addi %mul3A_1004, %add3A_1005 : i32
        %broadcast_in_dim3A_1007 = vector.broadcast %add3A_1006 : i32 to vector<16xi32>
        %add3A_1008 = arith.constant 0 : i32
        %add3A_1009 = vector.broadcast %add3A_1008 : i32 to vector<16xi32>
        %add3A_1010 = arith.addi %broadcast_in_dim3A_1007, %add3A_1009 : vector<16xi32>
        %gather3A_1011 = tpu.vector_load_idx %arg15[%add3A_1010] : memref<384xf32, #tpu.memory_space<vmem>>[vector<16xi32>], vector<16xf32>,
        %lt3A_1012 = arith.cmpi slt, %broadcast_in_dim3A_1007, %broadcast_in_dim3A_868 : vector<16xi32>
        %select_n3A_1013 = arith.select %lt3A_1012, %gather3A_1011, %broadcast_in_dim3A_12 : vector<16xi1>, vector<16xf32>
        %gather3A_1014 = tpu.vector_load_idx %arg13[%broadcast_in_dim3A_870, %broadcast_in_dim3A_1007] : memref<3x128xi32, #tpu.memory_space<vmem>>[vector<16xi32>, vector<16xi32>], vector<16xi32>,
        %get3A_1015 = arith.constant 0 : i32
        %get3A_1016 = arith.index_cast %get3A_1015 : i32 to index
        %get3A_1017 = arith.index_cast %add3A_1006 : i32 to index
        %get3A_1018 = arith.constant 0 : index
        %get3A_1019 = tpu.vector_load %arg17[%get3A_1016, %get3A_1017, %get3A_1018] {strides = array<i32>} : memref<3x128x48xf32, #tpu.memory_space<vmem>>, vector<16xf32>,
        %mul3A_1020 = arith.mulf %get3A_1019, %select_n3A_1013 : vector<16xf32>
        tpu.vector_store_idx %arg9[%gather3A_1014, %iota3A], %mul3A_1020 {add = true} : memref<1568x48xf32, #tpu.memory_space<vmem>>[vector<16xi32>, vector<16xi32>], vector<16xf32>,
        %get3A_1021 = arith.constant 0 : i32
        %get3A_1022 = arith.index_cast %get3A_1021 : i32 to index
        %get3A_1023 = arith.index_cast %add3A_1006 : i32 to index
        %get3A_1024 = arith.constant 16 : index
        %get3A_1025 = tpu.vector_load %arg17[%get3A_1022, %get3A_1023, %get3A_1024] {strides = array<i32>} : memref<3x128x48xf32, #tpu.memory_space<vmem>>, vector<16xf32>,
        %mul3A_1026 = arith.mulf %get3A_1025, %select_n3A_1013 : vector<16xf32>
        tpu.vector_store_idx %arg9[%gather3A_1014, %add3A_8], %mul3A_1026 {add = true} : memref<1568x48xf32, #tpu.memory_space<vmem>>[vector<16xi32>, vector<16xi32>], vector<16xf32>,
        %get3A_1027 = arith.constant 0 : i32
        %get3A_1028 = arith.index_cast %get3A_1027 : i32 to index
        %get3A_1029 = arith.index_cast %add3A_1006 : i32 to index
        %get3A_1030 = arith.constant 32 : index
        %get3A_1031 = tpu.vector_load %arg17[%get3A_1028, %get3A_1029, %get3A_1030] {strides = array<i32>} : memref<3x128x48xf32, #tpu.memory_space<vmem>>, vector<16xf32>,
        %mul3A_1032 = arith.mulf %get3A_1031, %select_n3A_1013 : vector<16xf32>
        tpu.vector_store_idx %arg9[%gather3A_1014, %add3A_11], %mul3A_1032 {add = true} : memref<1568x48xf32, #tpu.memory_space<vmem>>[vector<16xi32>, vector<16xi32>], vector<16xf32>,
        %mul3A_1033 = arith.constant 4 : i32
        %mul3A_1034 = arith.muli %scan3A_974, %mul3A_1033 : i32
        %add3A_1035 = arith.constant 2 : i32
        %add3A_1036 = arith.addi %mul3A_1034, %add3A_1035 : i32
        %broadcast_in_dim3A_1037 = vector.broadcast %add3A_1036 : i32 to vector<16xi32>
        %add3A_1038 = arith.constant 0 : i32
        %add3A_1039 = vector.broadcast %add3A_1038 : i32 to vector<16xi32>
        %add3A_1040 = arith.addi %broadcast_in_dim3A_1037, %add3A_1039 : vector<16xi32>
        %gather3A_1041 = tpu.vector_load_idx %arg15[%add3A_1040] : memref<384xf32, #tpu.memory_space<vmem>>[vector<16xi32>], vector<16xf32>,
        %lt3A_1042 = arith.cmpi slt, %broadcast_in_dim3A_1037, %broadcast_in_dim3A_868 : vector<16xi32>
        %select_n3A_1043 = arith.select %lt3A_1042, %gather3A_1041, %broadcast_in_dim3A_12 : vector<16xi1>, vector<16xf32>
        %gather3A_1044 = tpu.vector_load_idx %arg13[%broadcast_in_dim3A_870, %broadcast_in_dim3A_1037] : memref<3x128xi32, #tpu.memory_space<vmem>>[vector<16xi32>, vector<16xi32>], vector<16xi32>,
        %get3A_1045 = arith.constant 0 : i32
        %get3A_1046 = arith.index_cast %get3A_1045 : i32 to index
        %get3A_1047 = arith.index_cast %add3A_1036 : i32 to index
        %get3A_1048 = arith.constant 0 : index
        %get3A_1049 = tpu.vector_load %arg17[%get3A_1046, %get3A_1047, %get3A_1048] {strides = array<i32>} : memref<3x128x48xf32, #tpu.memory_space<vmem>>, vector<16xf32>,
        %mul3A_1050 = arith.mulf %get3A_1049, %select_n3A_1043 : vector<16xf32>
        tpu.vector_store_idx %arg9[%gather3A_1044, %iota3A], %mul3A_1050 {add = true} : memref<1568x48xf32, #tpu.memory_space<vmem>>[vector<16xi32>, vector<16xi32>], vector<16xf32>,
        %get3A_1051 = arith.constant 0 : i32
        %get3A_1052 = arith.index_cast %get3A_1051 : i32 to index
        %get3A_1053 = arith.index_cast %add3A_1036 : i32 to index
        %get3A_1054 = arith.constant 16 : index
        %get3A_1055 = tpu.vector_load %arg17[%get3A_1052, %get3A_1053, %get3A_1054] {strides = array<i32>} : memref<3x128x48xf32, #tpu.memory_space<vmem>>, vector<16xf32>,
        %mul3A_1056 = arith.mulf %get3A_1055, %select_n3A_1043 : vector<16xf32>
        tpu.vector_store_idx %arg9[%gather3A_1044, %add3A_8], %mul3A_1056 {add = true} : memref<1568x48xf32, #tpu.memory_space<vmem>>[vector<16xi32>, vector<16xi32>], vector<16xf32>,
        %get3A_1057 = arith.constant 0 : i32
        %get3A_1058 = arith.index_cast %get3A_1057 : i32 to index
        %get3A_1059 = arith.index_cast %add3A_1036 : i32 to index
        %get3A_1060 = arith.constant 32 : index
        %get3A_1061 = tpu.vector_load %arg17[%get3A_1058, %get3A_1059, %get3A_1060] {strides = array<i32>} : memref<3x128x48xf32, #tpu.memory_space<vmem>>, vector<16xf32>,
        %mul3A_1062 = arith.mulf %get3A_1061, %select_n3A_1043 : vector<16xf32>
        tpu.vector_store_idx %arg9[%gather3A_1044, %add3A_11], %mul3A_1062 {add = true} : memref<1568x48xf32, #tpu.memory_space<vmem>>[vector<16xi32>, vector<16xi32>], vector<16xf32>,
        %mul3A_1063 = arith.constant 4 : i32
        %mul3A_1064 = arith.muli %scan3A_974, %mul3A_1063 : i32
        %add3A_1065 = arith.constant 3 : i32
        %add3A_1066 = arith.addi %mul3A_1064, %add3A_1065 : i32
        %broadcast_in_dim3A_1067 = vector.broadcast %add3A_1066 : i32 to vector<16xi32>
        %add3A_1068 = arith.constant 0 : i32
        %add3A_1069 = vector.broadcast %add3A_1068 : i32 to vector<16xi32>
        %add3A_1070 = arith.addi %broadcast_in_dim3A_1067, %add3A_1069 : vector<16xi32>
        %gather3A_1071 = tpu.vector_load_idx %arg15[%add3A_1070] : memref<384xf32, #tpu.memory_space<vmem>>[vector<16xi32>], vector<16xf32>,
        %lt3A_1072 = arith.cmpi slt, %broadcast_in_dim3A_1067, %broadcast_in_dim3A_868 : vector<16xi32>
        %select_n3A_1073 = arith.select %lt3A_1072, %gather3A_1071, %broadcast_in_dim3A_12 : vector<16xi1>, vector<16xf32>
        %gather3A_1074 = tpu.vector_load_idx %arg13[%broadcast_in_dim3A_870, %broadcast_in_dim3A_1067] : memref<3x128xi32, #tpu.memory_space<vmem>>[vector<16xi32>, vector<16xi32>], vector<16xi32>,
        %get3A_1075 = arith.constant 0 : i32
        %get3A_1076 = arith.index_cast %get3A_1075 : i32 to index
        %get3A_1077 = arith.index_cast %add3A_1066 : i32 to index
        %get3A_1078 = arith.constant 0 : index
        %get3A_1079 = tpu.vector_load %arg17[%get3A_1076, %get3A_1077, %get3A_1078] {strides = array<i32>} : memref<3x128x48xf32, #tpu.memory_space<vmem>>, vector<16xf32>,
        %mul3A_1080 = arith.mulf %get3A_1079, %select_n3A_1073 : vector<16xf32>
        tpu.vector_store_idx %arg9[%gather3A_1074, %iota3A], %mul3A_1080 {add = true} : memref<1568x48xf32, #tpu.memory_space<vmem>>[vector<16xi32>, vector<16xi32>], vector<16xf32>,
        %get3A_1081 = arith.constant 0 : i32
        %get3A_1082 = arith.index_cast %get3A_1081 : i32 to index
        %get3A_1083 = arith.index_cast %add3A_1066 : i32 to index
        %get3A_1084 = arith.constant 16 : index
        %get3A_1085 = tpu.vector_load %arg17[%get3A_1082, %get3A_1083, %get3A_1084] {strides = array<i32>} : memref<3x128x48xf32, #tpu.memory_space<vmem>>, vector<16xf32>,
        %mul3A_1086 = arith.mulf %get3A_1085, %select_n3A_1073 : vector<16xf32>
        tpu.vector_store_idx %arg9[%gather3A_1074, %add3A_8], %mul3A_1086 {add = true} : memref<1568x48xf32, #tpu.memory_space<vmem>>[vector<16xi32>, vector<16xi32>], vector<16xf32>,
        %get3A_1087 = arith.constant 0 : i32
        %get3A_1088 = arith.index_cast %get3A_1087 : i32 to index
        %get3A_1089 = arith.index_cast %add3A_1066 : i32 to index
        %get3A_1090 = arith.constant 32 : index
        %get3A_1091 = tpu.vector_load %arg17[%get3A_1088, %get3A_1089, %get3A_1090] {strides = array<i32>} : memref<3x128x48xf32, #tpu.memory_space<vmem>>, vector<16xf32>,
        %mul3A_1092 = arith.mulf %get3A_1091, %select_n3A_1073 : vector<16xf32>
        tpu.vector_store_idx %arg9[%gather3A_1074, %add3A_11], %mul3A_1092 {add = true} : memref<1568x48xf32, #tpu.memory_space<vmem>>[vector<16xi32>, vector<16xi32>], vector<16xf32>,
      }
      %scan3A_876 = arith.constant 32 : i32
      %sub3A_877 = arith.constant 128 : i32
      %sub3A_878 = arith.subi %sub3A_865, %sub3A_877 : i32
      %broadcast_in_dim3A_879 = vector.broadcast %sub3A_878 : i32 to vector<16xi32>
      %broadcast_in_dim3A_880 = arith.constant 1 : i32
      %broadcast_in_dim3A_881 = vector.broadcast %broadcast_in_dim3A_880 : i32 to vector<16xi32>
      %scan3A_882 = arith.constant 0 : i32
      %scan3A_883 = arith.constant 0 : i32
      %scan3A_884 = arith.constant 32 : i32
      %scan3A_885 = arith.addi %scan3A_883, %scan3A_884 : i32
      %scan3A_886 = arith.constant 1 : i32
      scf.for %scan3A_974 = %scan3A_883 to %scan3A_885 step %scan3A_886  : i32 {
        %mul3A_975 = arith.constant 4 : i32
        %mul3A_976 = arith.muli %scan3A_974, %mul3A_975 : i32
        %add3A_977 = arith.constant 0 : i32
        %add3A_978 = arith.addi %mul3A_976, %add3A_977 : i32
        %broadcast_in_dim3A_979 = vector.broadcast %add3A_978 : i32 to vector<16xi32>
        %add3A_980 = arith.constant 128 : i32
        %add3A_981 = vector.broadcast %add3A_980 : i32 to vector<16xi32>
        %add3A_982 = arith.addi %broadcast_in_dim3A_979, %add3A_981 : vector<16xi32>
        %gather3A = tpu.vector_load_idx %arg15[%add3A_982] : memref<384xf32, #tpu.memory_space<vmem>>[vector<16xi32>], vector<16xf32>,
        %lt3A = arith.cmpi slt, %broadcast_in_dim3A_979, %broadcast_in_dim3A_879 : vector<16xi32>
        %select_n3A_983 = arith.select %lt3A, %gather3A, %broadcast_in_dim3A_12 : vector<16xi1>, vector<16xf32>
        %gather3A_984 = tpu.vector_load_idx %arg13[%broadcast_in_dim3A_881, %broadcast_in_dim3A_979] : memref<3x128xi32, #tpu.memory_space<vmem>>[vector<16xi32>, vector<16xi32>], vector<16xi32>,
        %get3A_985 = arith.constant 1 : i32
        %get3A_986 = arith.index_cast %get3A_985 : i32 to index
        %get3A_987 = arith.index_cast %add3A_978 : i32 to index
        %get3A_988 = arith.constant 0 : index
        %get3A_989 = tpu.vector_load %arg17[%get3A_986, %get3A_987, %get3A_988] {strides = array<i32>} : memref<3x128x48xf32, #tpu.memory_space<vmem>>, vector<16xf32>,
        %mul3A_990 = arith.mulf %get3A_989, %select_n3A_983 : vector<16xf32>
        tpu.vector_store_idx %arg9[%gather3A_984, %iota3A], %mul3A_990 {add = true} : memref<1568x48xf32, #tpu.memory_space<vmem>>[vector<16xi32>, vector<16xi32>], vector<16xf32>,
        %get3A_991 = arith.constant 1 : i32
        %get3A_992 = arith.index_cast %get3A_991 : i32 to index
        %get3A_993 = arith.index_cast %add3A_978 : i32 to index
        %get3A_994 = arith.constant 16 : index
        %get3A_995 = tpu.vector_load %arg17[%get3A_992, %get3A_993, %get3A_994] {strides = array<i32>} : memref<3x128x48xf32, #tpu.memory_space<vmem>>, vector<16xf32>,
        %mul3A_996 = arith.mulf %get3A_995, %select_n3A_983 : vector<16xf32>
        tpu.vector_store_idx %arg9[%gather3A_984, %add3A_8], %mul3A_996 {add = true} : memref<1568x48xf32, #tpu.memory_space<vmem>>[vector<16xi32>, vector<16xi32>], vector<16xf32>,
        %get3A_997 = arith.constant 1 : i32
        %get3A_998 = arith.index_cast %get3A_997 : i32 to index
        %get3A_999 = arith.index_cast %add3A_978 : i32 to index
        %get3A_1000 = arith.constant 32 : index
        %get3A_1001 = tpu.vector_load %arg17[%get3A_998, %get3A_999, %get3A_1000] {strides = array<i32>} : memref<3x128x48xf32, #tpu.memory_space<vmem>>, vector<16xf32>,
        %mul3A_1002 = arith.mulf %get3A_1001, %select_n3A_983 : vector<16xf32>
        tpu.vector_store_idx %arg9[%gather3A_984, %add3A_11], %mul3A_1002 {add = true} : memref<1568x48xf32, #tpu.memory_space<vmem>>[vector<16xi32>, vector<16xi32>], vector<16xf32>,
        %mul3A_1003 = arith.constant 4 : i32
        %mul3A_1004 = arith.muli %scan3A_974, %mul3A_1003 : i32
        %add3A_1005 = arith.constant 1 : i32
        %add3A_1006 = arith.addi %mul3A_1004, %add3A_1005 : i32
        %broadcast_in_dim3A_1007 = vector.broadcast %add3A_1006 : i32 to vector<16xi32>
        %add3A_1008 = arith.constant 128 : i32
        %add3A_1009 = vector.broadcast %add3A_1008 : i32 to vector<16xi32>
        %add3A_1010 = arith.addi %broadcast_in_dim3A_1007, %add3A_1009 : vector<16xi32>
        %gather3A_1011 = tpu.vector_load_idx %arg15[%add3A_1010] : memref<384xf32, #tpu.memory_space<vmem>>[vector<16xi32>], vector<16xf32>,
        %lt3A_1012 = arith.cmpi slt, %broadcast_in_dim3A_1007, %broadcast_in_dim3A_879 : vector<16xi32>
        %select_n3A_1013 = arith.select %lt3A_1012, %gather3A_1011, %broadcast_in_dim3A_12 : vector<16xi1>, vector<16xf32>
        %gather3A_1014 = tpu.vector_load_idx %arg13[%broadcast_in_dim3A_881, %broadcast_in_dim3A_1007] : memref<3x128xi32, #tpu.memory_space<vmem>>[vector<16xi32>, vector<16xi32>], vector<16xi32>,
        %get3A_1015 = arith.constant 1 : i32
        %get3A_1016 = arith.index_cast %get3A_1015 : i32 to index
        %get3A_1017 = arith.index_cast %add3A_1006 : i32 to index
        %get3A_1018 = arith.constant 0 : index
        %get3A_1019 = tpu.vector_load %arg17[%get3A_1016, %get3A_1017, %get3A_1018] {strides = array<i32>} : memref<3x128x48xf32, #tpu.memory_space<vmem>>, vector<16xf32>,
        %mul3A_1020 = arith.mulf %get3A_1019, %select_n3A_1013 : vector<16xf32>
        tpu.vector_store_idx %arg9[%gather3A_1014, %iota3A], %mul3A_1020 {add = true} : memref<1568x48xf32, #tpu.memory_space<vmem>>[vector<16xi32>, vector<16xi32>], vector<16xf32>,
        %get3A_1021 = arith.constant 1 : i32
        %get3A_1022 = arith.index_cast %get3A_1021 : i32 to index
        %get3A_1023 = arith.index_cast %add3A_1006 : i32 to index
        %get3A_1024 = arith.constant 16 : index
        %get3A_1025 = tpu.vector_load %arg17[%get3A_1022, %get3A_1023, %get3A_1024] {strides = array<i32>} : memref<3x128x48xf32, #tpu.memory_space<vmem>>, vector<16xf32>,
        %mul3A_1026 = arith.mulf %get3A_1025, %select_n3A_1013 : vector<16xf32>
        tpu.vector_store_idx %arg9[%gather3A_1014, %add3A_8], %mul3A_1026 {add = true} : memref<1568x48xf32, #tpu.memory_space<vmem>>[vector<16xi32>, vector<16xi32>], vector<16xf32>,
        %get3A_1027 = arith.constant 1 : i32
        %get3A_1028 = arith.index_cast %get3A_1027 : i32 to index
        %get3A_1029 = arith.index_cast %add3A_1006 : i32 to index
        %get3A_1030 = arith.constant 32 : index
        %get3A_1031 = tpu.vector_load %arg17[%get3A_1028, %get3A_1029, %get3A_1030] {strides = array<i32>} : memref<3x128x48xf32, #tpu.memory_space<vmem>>, vector<16xf32>,
        %mul3A_1032 = arith.mulf %get3A_1031, %select_n3A_1013 : vector<16xf32>
        tpu.vector_store_idx %arg9[%gather3A_1014, %add3A_11], %mul3A_1032 {add = true} : memref<1568x48xf32, #tpu.memory_space<vmem>>[vector<16xi32>, vector<16xi32>], vector<16xf32>,
        %mul3A_1033 = arith.constant 4 : i32
        %mul3A_1034 = arith.muli %scan3A_974, %mul3A_1033 : i32
        %add3A_1035 = arith.constant 2 : i32
        %add3A_1036 = arith.addi %mul3A_1034, %add3A_1035 : i32
        %broadcast_in_dim3A_1037 = vector.broadcast %add3A_1036 : i32 to vector<16xi32>
        %add3A_1038 = arith.constant 128 : i32
        %add3A_1039 = vector.broadcast %add3A_1038 : i32 to vector<16xi32>
        %add3A_1040 = arith.addi %broadcast_in_dim3A_1037, %add3A_1039 : vector<16xi32>
        %gather3A_1041 = tpu.vector_load_idx %arg15[%add3A_1040] : memref<384xf32, #tpu.memory_space<vmem>>[vector<16xi32>], vector<16xf32>,
        %lt3A_1042 = arith.cmpi slt, %broadcast_in_dim3A_1037, %broadcast_in_dim3A_879 : vector<16xi32>
        %select_n3A_1043 = arith.select %lt3A_1042, %gather3A_1041, %broadcast_in_dim3A_12 : vector<16xi1>, vector<16xf32>
        %gather3A_1044 = tpu.vector_load_idx %arg13[%broadcast_in_dim3A_881, %broadcast_in_dim3A_1037] : memref<3x128xi32, #tpu.memory_space<vmem>>[vector<16xi32>, vector<16xi32>], vector<16xi32>,
        %get3A_1045 = arith.constant 1 : i32
        %get3A_1046 = arith.index_cast %get3A_1045 : i32 to index
        %get3A_1047 = arith.index_cast %add3A_1036 : i32 to index
        %get3A_1048 = arith.constant 0 : index
        %get3A_1049 = tpu.vector_load %arg17[%get3A_1046, %get3A_1047, %get3A_1048] {strides = array<i32>} : memref<3x128x48xf32, #tpu.memory_space<vmem>>, vector<16xf32>,
        %mul3A_1050 = arith.mulf %get3A_1049, %select_n3A_1043 : vector<16xf32>
        tpu.vector_store_idx %arg9[%gather3A_1044, %iota3A], %mul3A_1050 {add = true} : memref<1568x48xf32, #tpu.memory_space<vmem>>[vector<16xi32>, vector<16xi32>], vector<16xf32>,
        %get3A_1051 = arith.constant 1 : i32
        %get3A_1052 = arith.index_cast %get3A_1051 : i32 to index
        %get3A_1053 = arith.index_cast %add3A_1036 : i32 to index
        %get3A_1054 = arith.constant 16 : index
        %get3A_1055 = tpu.vector_load %arg17[%get3A_1052, %get3A_1053, %get3A_1054] {strides = array<i32>} : memref<3x128x48xf32, #tpu.memory_space<vmem>>, vector<16xf32>,
        %mul3A_1056 = arith.mulf %get3A_1055, %select_n3A_1043 : vector<16xf32>
        tpu.vector_store_idx %arg9[%gather3A_1044, %add3A_8], %mul3A_1056 {add = true} : memref<1568x48xf32, #tpu.memory_space<vmem>>[vector<16xi32>, vector<16xi32>], vector<16xf32>,
        %get3A_1057 = arith.constant 1 : i32
        %get3A_1058 = arith.index_cast %get3A_1057 : i32 to index
        %get3A_1059 = arith.index_cast %add3A_1036 : i32 to index
        %get3A_1060 = arith.constant 32 : index
        %get3A_1061 = tpu.vector_load %arg17[%get3A_1058, %get3A_1059, %get3A_1060] {strides = array<i32>} : memref<3x128x48xf32, #tpu.memory_space<vmem>>, vector<16xf32>,
        %mul3A_1062 = arith.mulf %get3A_1061, %select_n3A_1043 : vector<16xf32>
        tpu.vector_store_idx %arg9[%gather3A_1044, %add3A_11], %mul3A_1062 {add = true} : memref<1568x48xf32, #tpu.memory_space<vmem>>[vector<16xi32>, vector<16xi32>], vector<16xf32>,
        %mul3A_1063 = arith.constant 4 : i32
        %mul3A_1064 = arith.muli %scan3A_974, %mul3A_1063 : i32
        %add3A_1065 = arith.constant 3 : i32
        %add3A_1066 = arith.addi %mul3A_1064, %add3A_1065 : i32
        %broadcast_in_dim3A_1067 = vector.broadcast %add3A_1066 : i32 to vector<16xi32>
        %add3A_1068 = arith.constant 128 : i32
        %add3A_1069 = vector.broadcast %add3A_1068 : i32 to vector<16xi32>
        %add3A_1070 = arith.addi %broadcast_in_dim3A_1067, %add3A_1069 : vector<16xi32>
        %gather3A_1071 = tpu.vector_load_idx %arg15[%add3A_1070] : memref<384xf32, #tpu.memory_space<vmem>>[vector<16xi32>], vector<16xf32>,
        %lt3A_1072 = arith.cmpi slt, %broadcast_in_dim3A_1067, %broadcast_in_dim3A_879 : vector<16xi32>
        %select_n3A_1073 = arith.select %lt3A_1072, %gather3A_1071, %broadcast_in_dim3A_12 : vector<16xi1>, vector<16xf32>
        %gather3A_1074 = tpu.vector_load_idx %arg13[%broadcast_in_dim3A_881, %broadcast_in_dim3A_1067] : memref<3x128xi32, #tpu.memory_space<vmem>>[vector<16xi32>, vector<16xi32>], vector<16xi32>,
        %get3A_1075 = arith.constant 1 : i32
        %get3A_1076 = arith.index_cast %get3A_1075 : i32 to index
        %get3A_1077 = arith.index_cast %add3A_1066 : i32 to index
        %get3A_1078 = arith.constant 0 : index
        %get3A_1079 = tpu.vector_load %arg17[%get3A_1076, %get3A_1077, %get3A_1078] {strides = array<i32>} : memref<3x128x48xf32, #tpu.memory_space<vmem>>, vector<16xf32>,
        %mul3A_1080 = arith.mulf %get3A_1079, %select_n3A_1073 : vector<16xf32>
        tpu.vector_store_idx %arg9[%gather3A_1074, %iota3A], %mul3A_1080 {add = true} : memref<1568x48xf32, #tpu.memory_space<vmem>>[vector<16xi32>, vector<16xi32>], vector<16xf32>,
        %get3A_1081 = arith.constant 1 : i32
        %get3A_1082 = arith.index_cast %get3A_1081 : i32 to index
        %get3A_1083 = arith.index_cast %add3A_1066 : i32 to index
        %get3A_1084 = arith.constant 16 : index
        %get3A_1085 = tpu.vector_load %arg17[%get3A_1082, %get3A_1083, %get3A_1084] {strides = array<i32>} : memref<3x128x48xf32, #tpu.memory_space<vmem>>, vector<16xf32>,
        %mul3A_1086 = arith.mulf %get3A_1085, %select_n3A_1073 : vector<16xf32>
        tpu.vector_store_idx %arg9[%gather3A_1074, %add3A_8], %mul3A_1086 {add = true} : memref<1568x48xf32, #tpu.memory_space<vmem>>[vector<16xi32>, vector<16xi32>], vector<16xf32>,
        %get3A_1087 = arith.constant 1 : i32
        %get3A_1088 = arith.index_cast %get3A_1087 : i32 to index
        %get3A_1089 = arith.index_cast %add3A_1066 : i32 to index
        %get3A_1090 = arith.constant 32 : index
        %get3A_1091 = tpu.vector_load %arg17[%get3A_1088, %get3A_1089, %get3A_1090] {strides = array<i32>} : memref<3x128x48xf32, #tpu.memory_space<vmem>>, vector<16xf32>,
        %mul3A_1092 = arith.mulf %get3A_1091, %select_n3A_1073 : vector<16xf32>
        tpu.vector_store_idx %arg9[%gather3A_1074, %add3A_11], %mul3A_1092 {add = true} : memref<1568x48xf32, #tpu.memory_space<vmem>>[vector<16xi32>, vector<16xi32>], vector<16xf32>,
      }
      %scan3A_887 = arith.constant 32 : i32
      %sub3A_888 = arith.constant 256 : i32
      %sub3A_889 = arith.subi %sub3A_865, %sub3A_888 : i32
      %broadcast_in_dim3A_890 = vector.broadcast %sub3A_889 : i32 to vector<16xi32>
      %broadcast_in_dim3A_891 = arith.constant 2 : i32
      %broadcast_in_dim3A_892 = vector.broadcast %broadcast_in_dim3A_891 : i32 to vector<16xi32>
      %scan3A_893 = arith.constant 0 : i32
      %scan3A_894 = arith.constant 0 : i32
      %scan3A_895 = arith.constant 32 : i32
      %scan3A_896 = arith.addi %scan3A_894, %scan3A_895 : i32
      %scan3A_897 = arith.constant 1 : i32
      scf.for %scan3A_974 = %scan3A_894 to %scan3A_896 step %scan3A_897  : i32 {
        %mul3A_975 = arith.constant 4 : i32
        %mul3A_976 = arith.muli %scan3A_974, %mul3A_975 : i32
        %add3A_977 = arith.constant 0 : i32
        %add3A_978 = arith.addi %mul3A_976, %add3A_977 : i32
        %broadcast_in_dim3A_979 = vector.broadcast %add3A_978 : i32 to vector<16xi32>
        %add3A_980 = arith.constant 256 : i32
        %add3A_981 = vector.broadcast %add3A_980 : i32 to vector<16xi32>
        %add3A_982 = arith.addi %broadcast_in_dim3A_979, %add3A_981 : vector<16xi32>
        %gather3A = tpu.vector_load_idx %arg15[%add3A_982] : memref<384xf32, #tpu.memory_space<vmem>>[vector<16xi32>], vector<16xf32>,
        %lt3A = arith.cmpi slt, %broadcast_in_dim3A_979, %broadcast_in_dim3A_890 : vector<16xi32>
        %select_n3A_983 = arith.select %lt3A, %gather3A, %broadcast_in_dim3A_12 : vector<16xi1>, vector<16xf32>
        %gather3A_984 = tpu.vector_load_idx %arg13[%broadcast_in_dim3A_892, %broadcast_in_dim3A_979] : memref<3x128xi32, #tpu.memory_space<vmem>>[vector<16xi32>, vector<16xi32>], vector<16xi32>,
        %get3A_985 = arith.constant 2 : i32
        %get3A_986 = arith.index_cast %get3A_985 : i32 to index
        %get3A_987 = arith.index_cast %add3A_978 : i32 to index
        %get3A_988 = arith.constant 0 : index
        %get3A_989 = tpu.vector_load %arg17[%get3A_986, %get3A_987, %get3A_988] {strides = array<i32>} : memref<3x128x48xf32, #tpu.memory_space<vmem>>, vector<16xf32>,
        %mul3A_990 = arith.mulf %get3A_989, %select_n3A_983 : vector<16xf32>
        tpu.vector_store_idx %arg9[%gather3A_984, %iota3A], %mul3A_990 {add = true} : memref<1568x48xf32, #tpu.memory_space<vmem>>[vector<16xi32>, vector<16xi32>], vector<16xf32>,
        %get3A_991 = arith.constant 2 : i32
        %get3A_992 = arith.index_cast %get3A_991 : i32 to index
        %get3A_993 = arith.index_cast %add3A_978 : i32 to index
        %get3A_994 = arith.constant 16 : index
        %get3A_995 = tpu.vector_load %arg17[%get3A_992, %get3A_993, %get3A_994] {strides = array<i32>} : memref<3x128x48xf32, #tpu.memory_space<vmem>>, vector<16xf32>,
        %mul3A_996 = arith.mulf %get3A_995, %select_n3A_983 : vector<16xf32>
        tpu.vector_store_idx %arg9[%gather3A_984, %add3A_8], %mul3A_996 {add = true} : memref<1568x48xf32, #tpu.memory_space<vmem>>[vector<16xi32>, vector<16xi32>], vector<16xf32>,
        %get3A_997 = arith.constant 2 : i32
        %get3A_998 = arith.index_cast %get3A_997 : i32 to index
        %get3A_999 = arith.index_cast %add3A_978 : i32 to index
        %get3A_1000 = arith.constant 32 : index
        %get3A_1001 = tpu.vector_load %arg17[%get3A_998, %get3A_999, %get3A_1000] {strides = array<i32>} : memref<3x128x48xf32, #tpu.memory_space<vmem>>, vector<16xf32>,
        %mul3A_1002 = arith.mulf %get3A_1001, %select_n3A_983 : vector<16xf32>
        tpu.vector_store_idx %arg9[%gather3A_984, %add3A_11], %mul3A_1002 {add = true} : memref<1568x48xf32, #tpu.memory_space<vmem>>[vector<16xi32>, vector<16xi32>], vector<16xf32>,
        %mul3A_1003 = arith.constant 4 : i32
        %mul3A_1004 = arith.muli %scan3A_974, %mul3A_1003 : i32
        %add3A_1005 = arith.constant 1 : i32
        %add3A_1006 = arith.addi %mul3A_1004, %add3A_1005 : i32
        %broadcast_in_dim3A_1007 = vector.broadcast %add3A_1006 : i32 to vector<16xi32>
        %add3A_1008 = arith.constant 256 : i32
        %add3A_1009 = vector.broadcast %add3A_1008 : i32 to vector<16xi32>
        %add3A_1010 = arith.addi %broadcast_in_dim3A_1007, %add3A_1009 : vector<16xi32>
        %gather3A_1011 = tpu.vector_load_idx %arg15[%add3A_1010] : memref<384xf32, #tpu.memory_space<vmem>>[vector<16xi32>], vector<16xf32>,
        %lt3A_1012 = arith.cmpi slt, %broadcast_in_dim3A_1007, %broadcast_in_dim3A_890 : vector<16xi32>
        %select_n3A_1013 = arith.select %lt3A_1012, %gather3A_1011, %broadcast_in_dim3A_12 : vector<16xi1>, vector<16xf32>
        %gather3A_1014 = tpu.vector_load_idx %arg13[%broadcast_in_dim3A_892, %broadcast_in_dim3A_1007] : memref<3x128xi32, #tpu.memory_space<vmem>>[vector<16xi32>, vector<16xi32>], vector<16xi32>,
        %get3A_1015 = arith.constant 2 : i32
        %get3A_1016 = arith.index_cast %get3A_1015 : i32 to index
        %get3A_1017 = arith.index_cast %add3A_1006 : i32 to index
        %get3A_1018 = arith.constant 0 : index
        %get3A_1019 = tpu.vector_load %arg17[%get3A_1016, %get3A_1017, %get3A_1018] {strides = array<i32>} : memref<3x128x48xf32, #tpu.memory_space<vmem>>, vector<16xf32>,
        %mul3A_1020 = arith.mulf %get3A_1019, %select_n3A_1013 : vector<16xf32>
        tpu.vector_store_idx %arg9[%gather3A_1014, %iota3A], %mul3A_1020 {add = true} : memref<1568x48xf32, #tpu.memory_space<vmem>>[vector<16xi32>, vector<16xi32>], vector<16xf32>,
        %get3A_1021 = arith.constant 2 : i32
        %get3A_1022 = arith.index_cast %get3A_1021 : i32 to index
        %get3A_1023 = arith.index_cast %add3A_1006 : i32 to index
        %get3A_1024 = arith.constant 16 : index
        %get3A_1025 = tpu.vector_load %arg17[%get3A_1022, %get3A_1023, %get3A_1024] {strides = array<i32>} : memref<3x128x48xf32, #tpu.memory_space<vmem>>, vector<16xf32>,
        %mul3A_1026 = arith.mulf %get3A_1025, %select_n3A_1013 : vector<16xf32>
        tpu.vector_store_idx %arg9[%gather3A_1014, %add3A_8], %mul3A_1026 {add = true} : memref<1568x48xf32, #tpu.memory_space<vmem>>[vector<16xi32>, vector<16xi32>], vector<16xf32>,
        %get3A_1027 = arith.constant 2 : i32
        %get3A_1028 = arith.index_cast %get3A_1027 : i32 to index
        %get3A_1029 = arith.index_cast %add3A_1006 : i32 to index
        %get3A_1030 = arith.constant 32 : index
        %get3A_1031 = tpu.vector_load %arg17[%get3A_1028, %get3A_1029, %get3A_1030] {strides = array<i32>} : memref<3x128x48xf32, #tpu.memory_space<vmem>>, vector<16xf32>,
        %mul3A_1032 = arith.mulf %get3A_1031, %select_n3A_1013 : vector<16xf32>
        tpu.vector_store_idx %arg9[%gather3A_1014, %add3A_11], %mul3A_1032 {add = true} : memref<1568x48xf32, #tpu.memory_space<vmem>>[vector<16xi32>, vector<16xi32>], vector<16xf32>,
        %mul3A_1033 = arith.constant 4 : i32
        %mul3A_1034 = arith.muli %scan3A_974, %mul3A_1033 : i32
        %add3A_1035 = arith.constant 2 : i32
        %add3A_1036 = arith.addi %mul3A_1034, %add3A_1035 : i32
        %broadcast_in_dim3A_1037 = vector.broadcast %add3A_1036 : i32 to vector<16xi32>
        %add3A_1038 = arith.constant 256 : i32
        %add3A_1039 = vector.broadcast %add3A_1038 : i32 to vector<16xi32>
        %add3A_1040 = arith.addi %broadcast_in_dim3A_1037, %add3A_1039 : vector<16xi32>
        %gather3A_1041 = tpu.vector_load_idx %arg15[%add3A_1040] : memref<384xf32, #tpu.memory_space<vmem>>[vector<16xi32>], vector<16xf32>,
        %lt3A_1042 = arith.cmpi slt, %broadcast_in_dim3A_1037, %broadcast_in_dim3A_890 : vector<16xi32>
        %select_n3A_1043 = arith.select %lt3A_1042, %gather3A_1041, %broadcast_in_dim3A_12 : vector<16xi1>, vector<16xf32>
        %gather3A_1044 = tpu.vector_load_idx %arg13[%broadcast_in_dim3A_892, %broadcast_in_dim3A_1037] : memref<3x128xi32, #tpu.memory_space<vmem>>[vector<16xi32>, vector<16xi32>], vector<16xi32>,
        %get3A_1045 = arith.constant 2 : i32
        %get3A_1046 = arith.index_cast %get3A_1045 : i32 to index
        %get3A_1047 = arith.index_cast %add3A_1036 : i32 to index
        %get3A_1048 = arith.constant 0 : index
        %get3A_1049 = tpu.vector_load %arg17[%get3A_1046, %get3A_1047, %get3A_1048] {strides = array<i32>} : memref<3x128x48xf32, #tpu.memory_space<vmem>>, vector<16xf32>,
        %mul3A_1050 = arith.mulf %get3A_1049, %select_n3A_1043 : vector<16xf32>
        tpu.vector_store_idx %arg9[%gather3A_1044, %iota3A], %mul3A_1050 {add = true} : memref<1568x48xf32, #tpu.memory_space<vmem>>[vector<16xi32>, vector<16xi32>], vector<16xf32>,
        %get3A_1051 = arith.constant 2 : i32
        %get3A_1052 = arith.index_cast %get3A_1051 : i32 to index
        %get3A_1053 = arith.index_cast %add3A_1036 : i32 to index
        %get3A_1054 = arith.constant 16 : index
        %get3A_1055 = tpu.vector_load %arg17[%get3A_1052, %get3A_1053, %get3A_1054] {strides = array<i32>} : memref<3x128x48xf32, #tpu.memory_space<vmem>>, vector<16xf32>,
        %mul3A_1056 = arith.mulf %get3A_1055, %select_n3A_1043 : vector<16xf32>
        tpu.vector_store_idx %arg9[%gather3A_1044, %add3A_8], %mul3A_1056 {add = true} : memref<1568x48xf32, #tpu.memory_space<vmem>>[vector<16xi32>, vector<16xi32>], vector<16xf32>,
        %get3A_1057 = arith.constant 2 : i32
        %get3A_1058 = arith.index_cast %get3A_1057 : i32 to index
        %get3A_1059 = arith.index_cast %add3A_1036 : i32 to index
        %get3A_1060 = arith.constant 32 : index
        %get3A_1061 = tpu.vector_load %arg17[%get3A_1058, %get3A_1059, %get3A_1060] {strides = array<i32>} : memref<3x128x48xf32, #tpu.memory_space<vmem>>, vector<16xf32>,
        %mul3A_1062 = arith.mulf %get3A_1061, %select_n3A_1043 : vector<16xf32>
        tpu.vector_store_idx %arg9[%gather3A_1044, %add3A_11], %mul3A_1062 {add = true} : memref<1568x48xf32, #tpu.memory_space<vmem>>[vector<16xi32>, vector<16xi32>], vector<16xf32>,
        %mul3A_1063 = arith.constant 4 : i32
        %mul3A_1064 = arith.muli %scan3A_974, %mul3A_1063 : i32
        %add3A_1065 = arith.constant 3 : i32
        %add3A_1066 = arith.addi %mul3A_1064, %add3A_1065 : i32
        %broadcast_in_dim3A_1067 = vector.broadcast %add3A_1066 : i32 to vector<16xi32>
        %add3A_1068 = arith.constant 256 : i32
        %add3A_1069 = vector.broadcast %add3A_1068 : i32 to vector<16xi32>
        %add3A_1070 = arith.addi %broadcast_in_dim3A_1067, %add3A_1069 : vector<16xi32>
        %gather3A_1071 = tpu.vector_load_idx %arg15[%add3A_1070] : memref<384xf32, #tpu.memory_space<vmem>>[vector<16xi32>], vector<16xf32>,
        %lt3A_1072 = arith.cmpi slt, %broadcast_in_dim3A_1067, %broadcast_in_dim3A_890 : vector<16xi32>
        %select_n3A_1073 = arith.select %lt3A_1072, %gather3A_1071, %broadcast_in_dim3A_12 : vector<16xi1>, vector<16xf32>
        %gather3A_1074 = tpu.vector_load_idx %arg13[%broadcast_in_dim3A_892, %broadcast_in_dim3A_1067] : memref<3x128xi32, #tpu.memory_space<vmem>>[vector<16xi32>, vector<16xi32>], vector<16xi32>,
        %get3A_1075 = arith.constant 2 : i32
        %get3A_1076 = arith.index_cast %get3A_1075 : i32 to index
        %get3A_1077 = arith.index_cast %add3A_1066 : i32 to index
        %get3A_1078 = arith.constant 0 : index
        %get3A_1079 = tpu.vector_load %arg17[%get3A_1076, %get3A_1077, %get3A_1078] {strides = array<i32>} : memref<3x128x48xf32, #tpu.memory_space<vmem>>, vector<16xf32>,
        %mul3A_1080 = arith.mulf %get3A_1079, %select_n3A_1073 : vector<16xf32>
        tpu.vector_store_idx %arg9[%gather3A_1074, %iota3A], %mul3A_1080 {add = true} : memref<1568x48xf32, #tpu.memory_space<vmem>>[vector<16xi32>, vector<16xi32>], vector<16xf32>,
        %get3A_1081 = arith.constant 2 : i32
        %get3A_1082 = arith.index_cast %get3A_1081 : i32 to index
        %get3A_1083 = arith.index_cast %add3A_1066 : i32 to index
        %get3A_1084 = arith.constant 16 : index
        %get3A_1085 = tpu.vector_load %arg17[%get3A_1082, %get3A_1083, %get3A_1084] {strides = array<i32>} : memref<3x128x48xf32, #tpu.memory_space<vmem>>, vector<16xf32>,
        %mul3A_1086 = arith.mulf %get3A_1085, %select_n3A_1073 : vector<16xf32>
        tpu.vector_store_idx %arg9[%gather3A_1074, %add3A_8], %mul3A_1086 {add = true} : memref<1568x48xf32, #tpu.memory_space<vmem>>[vector<16xi32>, vector<16xi32>], vector<16xf32>,
        %get3A_1087 = arith.constant 2 : i32
        %get3A_1088 = arith.index_cast %get3A_1087 : i32 to index
        %get3A_1089 = arith.index_cast %add3A_1066 : i32 to index
        %get3A_1090 = arith.constant 32 : index
        %get3A_1091 = tpu.vector_load %arg17[%get3A_1088, %get3A_1089, %get3A_1090] {strides = array<i32>} : memref<3x128x48xf32, #tpu.memory_space<vmem>>, vector<16xf32>,
        %mul3A_1092 = arith.mulf %get3A_1091, %select_n3A_1073 : vector<16xf32>
        tpu.vector_store_idx %arg9[%gather3A_1074, %add3A_11], %mul3A_1092 {add = true} : memref<1568x48xf32, #tpu.memory_space<vmem>>[vector<16xi32>, vector<16xi32>], vector<16xf32>,
      }
      %scan3A_898 = arith.constant 32 : i32
      %add3A_899 = arith.constant 3 : i32
      %add3A_900 = arith.addi %mul3A_455, %add3A_899 : i32
      %mul3A_901 = arith.constant 384 : i32
      %mul3A_902 = arith.muli %add3A_900, %mul3A_901 : i32
      %min3A_903 = arith.minsi %mul3A_902, %mul3A_48 : i32
      %multiple_of3A_904 = tpu.assume_multiple %min3A_903, 128 : i32
      %add3A_905 = arith.addi %multiple_of3A_5, %multiple_of3A_904 : i32
      %dma_start3A_906 = tpu.memref_slice %arg6[%add3A_905] : memref<25690112xf32, #tpu.memory_space<hbm>> -> memref<384xf32, #tpu.memory_space<hbm>>
      %dma_start3A_907 = tpu.memref_slice %arg6[%add3A_905] : memref<25690112xf32, #tpu.memory_space<hbm>> -> memref<384xf32, #tpu.memory_space<hbm>>
      tpu.enqueue_dma source(%dma_start3A_907 : memref<384xf32, #tpu.memory_space<hbm>>) target(%arg15 : memref<384xf32, #tpu.memory_space<vmem>>) target_semaphore(%arg20 : memref<!tpu.dma_semaphore, #tpu.memory_space<semaphore_mem>>)
      %add3A_908 = arith.constant 0 : i32
      %add3A_909 = arith.addi %add3A_905, %add3A_908 : i32
      %dma_start3A_910 = arith.constant 0 : i32
      %dma_start3A_911 = arith.constant 0 : i32
      %dma_start3A_912 = tpu.memref_slice %arg11[%dma_start3A_910, %dma_start3A_911] : memref<3x128xi32, #tpu.memory_space<vmem>> -> memref<1x128xi32, #tpu.memory_space<vmem>>
      %dma_start3A_913 = tpu.memref_squeeze %dma_start3A_912 : memref<1x128xi32, #tpu.memory_space<vmem>> -> memref<128xi32, #tpu.memory_space<vmem>>
      %dma_start3A_914 = tpu.memref_slice %arg4[%add3A_909] : memref<25690112xi32, #tpu.memory_space<hbm>> -> memref<128xi32, #tpu.memory_space<hbm>>
      %dma_start3A_915 = arith.constant 0 : i32
      %dma_start3A_916 = tpu.memref_slice %arg11[%dma_start3A_910, %dma_start3A_915] : memref<3x128xi32, #tpu.memory_space<vmem>> -> memref<1x128xi32, #tpu.memory_space<vmem>>
      %dma_start3A_917 = tpu.memref_squeeze %dma_start3A_916 : memref<1x128xi32, #tpu.memory_space<vmem>> -> memref<128xi32, #tpu.memory_space<vmem>>
      %dma_start3A_918 = tpu.memref_slice %arg4[%add3A_909] : memref<25690112xi32, #tpu.memory_space<hbm>> -> memref<128xi32, #tpu.memory_space<hbm>>
      tpu.enqueue_dma source(%dma_start3A_918 : memref<128xi32, #tpu.memory_space<hbm>>) target(%dma_start3A_917 : memref<128xi32, #tpu.memory_space<vmem>>) target_semaphore(%arg20 : memref<!tpu.dma_semaphore, #tpu.memory_space<semaphore_mem>>)
      %add3A_919 = arith.constant 0 : i32
      %add3A_920 = arith.addi %add3A_905, %add3A_919 : i32
      %dma_start3A_921 = arith.constant 0 : i32
      %dma_start3A_922 = arith.constant 0 : i32
      %dma_start3A_923 = tpu.memref_slice %arg13[%dma_start3A_921, %dma_start3A_922] : memref<3x128xi32, #tpu.memory_space<vmem>> -> memref<1x128xi32, #tpu.memory_space<vmem>>
      %dma_start3A_924 = tpu.memref_squeeze %dma_start3A_923 : memref<1x128xi32, #tpu.memory_space<vmem>> -> memref<128xi32, #tpu.memory_space<vmem>>
      %dma_start3A_925 = tpu.memref_slice %arg5[%add3A_920] : memref<25690112xi32, #tpu.memory_space<hbm>> -> memref<128xi32, #tpu.memory_space<hbm>>
      %dma_start3A_926 = arith.constant 0 : i32
      %dma_start3A_927 = tpu.memref_slice %arg13[%dma_start3A_921, %dma_start3A_926] : memref<3x128xi32, #tpu.memory_space<vmem>> -> memref<1x128xi32, #tpu.memory_space<vmem>>
      %dma_start3A_928 = tpu.memref_squeeze %dma_start3A_927 : memref<1x128xi32, #tpu.memory_space<vmem>> -> memref<128xi32, #tpu.memory_space<vmem>>
      %dma_start3A_929 = tpu.memref_slice %arg5[%add3A_920] : memref<25690112xi32, #tpu.memory_space<hbm>> -> memref<128xi32, #tpu.memory_space<hbm>>
      tpu.enqueue_dma source(%dma_start3A_929 : memref<128xi32, #tpu.memory_space<hbm>>) target(%dma_start3A_928 : memref<128xi32, #tpu.memory_space<vmem>>) target_semaphore(%arg20 : memref<!tpu.dma_semaphore, #tpu.memory_space<semaphore_mem>>)
      %add3A_930 = arith.constant 128 : i32
      %add3A_931 = arith.addi %add3A_905, %add3A_930 : i32
      %dma_start3A_932 = arith.constant 1 : i32
      %dma_start3A_933 = arith.constant 0 : i32
      %dma_start3A_934 = tpu.memref_slice %arg11[%dma_start3A_932, %dma_start3A_933] : memref<3x128xi32, #tpu.memory_space<vmem>> -> memref<1x128xi32, #tpu.memory_space<vmem>>
      %dma_start3A_935 = tpu.memref_squeeze %dma_start3A_934 : memref<1x128xi32, #tpu.memory_space<vmem>> -> memref<128xi32, #tpu.memory_space<vmem>>
      %dma_start3A_936 = tpu.memref_slice %arg4[%add3A_931] : memref<25690112xi32, #tpu.memory_space<hbm>> -> memref<128xi32, #tpu.memory_space<hbm>>
      %dma_start3A_937 = arith.constant 0 : i32
      %dma_start3A_938 = tpu.memref_slice %arg11[%dma_start3A_932, %dma_start3A_937] : memref<3x128xi32, #tpu.memory_space<vmem>> -> memref<1x128xi32, #tpu.memory_space<vmem>>
      %dma_start3A_939 = tpu.memref_squeeze %dma_start3A_938 : memref<1x128xi32, #tpu.memory_space<vmem>> -> memref<128xi32, #tpu.memory_space<vmem>>
      %dma_start3A_940 = tpu.memref_slice %arg4[%add3A_931] : memref<25690112xi32, #tpu.memory_space<hbm>> -> memref<128xi32, #tpu.memory_space<hbm>>
      tpu.enqueue_dma source(%dma_start3A_940 : memref<128xi32, #tpu.memory_space<hbm>>) target(%dma_start3A_939 : memref<128xi32, #tpu.memory_space<vmem>>) target_semaphore(%arg20 : memref<!tpu.dma_semaphore, #tpu.memory_space<semaphore_mem>>)
      %add3A_941 = arith.constant 128 : i32
      %add3A_942 = arith.addi %add3A_905, %add3A_941 : i32
      %dma_start3A_943 = arith.constant 1 : i32
      %dma_start3A_944 = arith.constant 0 : i32
      %dma_start3A_945 = tpu.memref_slice %arg13[%dma_start3A_943, %dma_start3A_944] : memref<3x128xi32, #tpu.memory_space<vmem>> -> memref<1x128xi32, #tpu.memory_space<vmem>>
      %dma_start3A_946 = tpu.memref_squeeze %dma_start3A_945 : memref<1x128xi32, #tpu.memory_space<vmem>> -> memref<128xi32, #tpu.memory_space<vmem>>
      %dma_start3A_947 = tpu.memref_slice %arg5[%add3A_942] : memref<25690112xi32, #tpu.memory_space<hbm>> -> memref<128xi32, #tpu.memory_space<hbm>>
      %dma_start3A_948 = arith.constant 0 : i32
      %dma_start3A_949 = tpu.memref_slice %arg13[%dma_start3A_943, %dma_start3A_948] : memref<3x128xi32, #tpu.memory_space<vmem>> -> memref<1x128xi32, #tpu.memory_space<vmem>>
      %dma_start3A_950 = tpu.memref_squeeze %dma_start3A_949 : memref<1x128xi32, #tpu.memory_space<vmem>> -> memref<128xi32, #tpu.memory_space<vmem>>
      %dma_start3A_951 = tpu.memref_slice %arg5[%add3A_942] : memref<25690112xi32, #tpu.memory_space<hbm>> -> memref<128xi32, #tpu.memory_space<hbm>>
      tpu.enqueue_dma source(%dma_start3A_951 : memref<128xi32, #tpu.memory_space<hbm>>) target(%dma_start3A_950 : memref<128xi32, #tpu.memory_space<vmem>>) target_semaphore(%arg20 : memref<!tpu.dma_semaphore, #tpu.memory_space<semaphore_mem>>)
      %add3A_952 = arith.constant 256 : i32
      %add3A_953 = arith.addi %add3A_905, %add3A_952 : i32
      %dma_start3A_954 = arith.constant 2 : i32
      %dma_start3A_955 = arith.constant 0 : i32
      %dma_start3A_956 = tpu.memref_slice %arg11[%dma_start3A_954, %dma_start3A_955] : memref<3x128xi32, #tpu.memory_space<vmem>> -> memref<1x128xi32, #tpu.memory_space<vmem>>
      %dma_start3A_957 = tpu.memref_squeeze %dma_start3A_956 : memref<1x128xi32, #tpu.memory_space<vmem>> -> memref<128xi32, #tpu.memory_space<vmem>>
      %dma_start3A_958 = tpu.memref_slice %arg4[%add3A_953] : memref<25690112xi32, #tpu.memory_space<hbm>> -> memref<128xi32, #tpu.memory_space<hbm>>
      %dma_start3A_959 = arith.constant 0 : i32
      %dma_start3A_960 = tpu.memref_slice %arg11[%dma_start3A_954, %dma_start3A_959] : memref<3x128xi32, #tpu.memory_space<vmem>> -> memref<1x128xi32, #tpu.memory_space<vmem>>
      %dma_start3A_961 = tpu.memref_squeeze %dma_start3A_960 : memref<1x128xi32, #tpu.memory_space<vmem>> -> memref<128xi32, #tpu.memory_space<vmem>>
      %dma_start3A_962 = tpu.memref_slice %arg4[%add3A_953] : memref<25690112xi32, #tpu.memory_space<hbm>> -> memref<128xi32, #tpu.memory_space<hbm>>
      tpu.enqueue_dma source(%dma_start3A_962 : memref<128xi32, #tpu.memory_space<hbm>>) target(%dma_start3A_961 : memref<128xi32, #tpu.memory_space<vmem>>) target_semaphore(%arg20 : memref<!tpu.dma_semaphore, #tpu.memory_space<semaphore_mem>>)
      %add3A_963 = arith.constant 256 : i32
      %add3A_964 = arith.addi %add3A_905, %add3A_963 : i32
      %dma_start3A_965 = arith.constant 2 : i32
      %dma_start3A_966 = arith.constant 0 : i32
      %dma_start3A_967 = tpu.memref_slice %arg13[%dma_start3A_965, %dma_start3A_966] : memref<3x128xi32, #tpu.memory_space<vmem>> -> memref<1x128xi32, #tpu.memory_space<vmem>>
      %dma_start3A_968 = tpu.memref_squeeze %dma_start3A_967 : memref<1x128xi32, #tpu.memory_space<vmem>> -> memref<128xi32, #tpu.memory_space<vmem>>
      %dma_start3A_969 = tpu.memref_slice %arg5[%add3A_964] : memref<25690112xi32, #tpu.memory_space<hbm>> -> memref<128xi32, #tpu.memory_space<hbm>>
      %dma_start3A_970 = arith.constant 0 : i32
      %dma_start3A_971 = tpu.memref_slice %arg13[%dma_start3A_965, %dma_start3A_970] : memref<3x128xi32, #tpu.memory_space<vmem>> -> memref<1x128xi32, #tpu.memory_space<vmem>>
      %dma_start3A_972 = tpu.memref_squeeze %dma_start3A_971 : memref<1x128xi32, #tpu.memory_space<vmem>> -> memref<128xi32, #tpu.memory_space<vmem>>
      %dma_start3A_973 = tpu.memref_slice %arg5[%add3A_964] : memref<25690112xi32, #tpu.memory_space<hbm>> -> memref<128xi32, #tpu.memory_space<hbm>>
      tpu.enqueue_dma source(%dma_start3A_973 : memref<128xi32, #tpu.memory_space<hbm>>) target(%dma_start3A_972 : memref<128xi32, #tpu.memory_space<vmem>>) target_semaphore(%arg20 : memref<!tpu.dma_semaphore, #tpu.memory_space<semaphore_mem>>)
    }
    %dma_wait3A_335 = arith.constant 0 : i32
    %dma_wait3A_336 = arith.constant 0 : i32
    %dma_wait3A_337 = arith.constant 0 : i32
    %dma_wait3A_338 = arith.constant 0 : i32
    %dma_wait3A_339 = tpu.memref_slice %arg16[%dma_wait3A_336, %dma_wait3A_337, %dma_wait3A_338] : memref<3x128x48xf32, #tpu.memory_space<vmem>> -> memref<1x128x48xf32, #tpu.memory_space<vmem>>
    %dma_wait3A_340 = tpu.memref_squeeze %dma_wait3A_339 : memref<1x128x48xf32, #tpu.memory_space<vmem>> -> memref<128x48xf32, #tpu.memory_space<vmem>>
    %dma_wait3A_341 = arith.constant 0 : i32
    %dma_wait3A_342 = tpu.memref_slice %arg10[%dma_wait3A_335, %dma_wait3A_341] : memref<3x128xi32, #tpu.memory_space<vmem>> -> memref<1x128xi32, #tpu.memory_space<vmem>>
    %dma_wait3A_343 = tpu.memref_squeeze %dma_wait3A_342 : memref<1x128xi32, #tpu.memory_space<vmem>> -> memref<128xi32, #tpu.memory_space<vmem>>
    %dma_wait3A_344 = arith.constant 0 : i32
    %dma_wait3A_345 = arith.constant 0 : i32
    %dma_wait3A_346 = tpu.memref_slice %arg2[%dma_wait3A_344, %dma_wait3A_345] : memref<50176x48xf32, #tpu.memory_space<hbm>> -> memref<50176x48xf32, #tpu.memory_space<hbm>>
    tpu.wait_indirect_dma semaphore(%arg21 : memref<!tpu.dma_semaphore, #tpu.memory_space<semaphore_mem>>) src(%dma_wait3A_346 : memref<50176x48xf32, #tpu.memory_space<hbm>>) dst(%dma_wait3A_340 : memref<128x48xf32, #tpu.memory_space<vmem>>)
    %dma_wait3A_347 = arith.constant 1 : i32
    %dma_wait3A_348 = arith.constant 1 : i32
    %dma_wait3A_349 = arith.constant 0 : i32
    %dma_wait3A_350 = arith.constant 0 : i32
    %dma_wait3A_351 = tpu.memref_slice %arg16[%dma_wait3A_348, %dma_wait3A_349, %dma_wait3A_350] : memref<3x128x48xf32, #tpu.memory_space<vmem>> -> memref<1x128x48xf32, #tpu.memory_space<vmem>>
    %dma_wait3A_352 = tpu.memref_squeeze %dma_wait3A_351 : memref<1x128x48xf32, #tpu.memory_space<vmem>> -> memref<128x48xf32, #tpu.memory_space<vmem>>
    %dma_wait3A_353 = arith.constant 0 : i32
    %dma_wait3A_354 = tpu.memref_slice %arg10[%dma_wait3A_347, %dma_wait3A_353] : memref<3x128xi32, #tpu.memory_space<vmem>> -> memref<1x128xi32, #tpu.memory_space<vmem>>
    %dma_wait3A_355 = tpu.memref_squeeze %dma_wait3A_354 : memref<1x128xi32, #tpu.memory_space<vmem>> -> memref<128xi32, #tpu.memory_space<vmem>>
    %dma_wait3A_356 = arith.constant 0 : i32
    %dma_wait3A_357 = arith.constant 0 : i32
    %dma_wait3A_358 = tpu.memref_slice %arg2[%dma_wait3A_356, %dma_wait3A_357] : memref<50176x48xf32, #tpu.memory_space<hbm>> -> memref<50176x48xf32, #tpu.memory_space<hbm>>
    tpu.wait_indirect_dma semaphore(%arg21 : memref<!tpu.dma_semaphore, #tpu.memory_space<semaphore_mem>>) src(%dma_wait3A_358 : memref<50176x48xf32, #tpu.memory_space<hbm>>) dst(%dma_wait3A_352 : memref<128x48xf32, #tpu.memory_space<vmem>>)
    %dma_wait3A_359 = arith.constant 2 : i32
    %dma_wait3A_360 = arith.constant 2 : i32
    %dma_wait3A_361 = arith.constant 0 : i32
    %dma_wait3A_362 = arith.constant 0 : i32
    %dma_wait3A_363 = tpu.memref_slice %arg16[%dma_wait3A_360, %dma_wait3A_361, %dma_wait3A_362] : memref<3x128x48xf32, #tpu.memory_space<vmem>> -> memref<1x128x48xf32, #tpu.memory_space<vmem>>
    %dma_wait3A_364 = tpu.memref_squeeze %dma_wait3A_363 : memref<1x128x48xf32, #tpu.memory_space<vmem>> -> memref<128x48xf32, #tpu.memory_space<vmem>>
    %dma_wait3A_365 = arith.constant 0 : i32
    %dma_wait3A_366 = tpu.memref_slice %arg10[%dma_wait3A_359, %dma_wait3A_365] : memref<3x128xi32, #tpu.memory_space<vmem>> -> memref<1x128xi32, #tpu.memory_space<vmem>>
    %dma_wait3A_367 = tpu.memref_squeeze %dma_wait3A_366 : memref<1x128xi32, #tpu.memory_space<vmem>> -> memref<128xi32, #tpu.memory_space<vmem>>
    %dma_wait3A_368 = arith.constant 0 : i32
    %dma_wait3A_369 = arith.constant 0 : i32
    %dma_wait3A_370 = tpu.memref_slice %arg2[%dma_wait3A_368, %dma_wait3A_369] : memref<50176x48xf32, #tpu.memory_space<hbm>> -> memref<50176x48xf32, #tpu.memory_space<hbm>>
    tpu.wait_indirect_dma semaphore(%arg21 : memref<!tpu.dma_semaphore, #tpu.memory_space<semaphore_mem>>) src(%dma_wait3A_370 : memref<50176x48xf32, #tpu.memory_space<hbm>>) dst(%dma_wait3A_364 : memref<128x48xf32, #tpu.memory_space<vmem>>)
    %mul3A_371 = arith.constant 2 : i32
    %mul3A_372 = arith.muli %mul3A_371, %select_n3A_325 : i32
    %add3A_373 = arith.constant 1 : i32
    %add3A_374 = arith.addi %mul3A_372, %add3A_373 : i32
    %mul3A_375 = arith.constant 384 : i32
    %mul3A_376 = arith.muli %add3A_374, %mul3A_375 : i32
    %min3A_377 = arith.minsi %mul3A_376, %mul3A_48 : i32
    %multiple_of3A_378 = tpu.assume_multiple %min3A_377, 128 : i32
    %add3A_379 = arith.addi %multiple_of3A_5, %multiple_of3A_378 : i32
    %dma_wait3A_380 = tpu.memref_slice %arg6[%add3A_379] : memref<25690112xf32, #tpu.memory_space<hbm>> -> memref<384xf32, #tpu.memory_space<hbm>>
    %dma_wait3A_381 = tpu.memref_slice %arg6[%add3A_379] : memref<25690112xf32, #tpu.memory_space<hbm>> -> memref<384xf32, #tpu.memory_space<hbm>>
    tpu.wait_dma2 semaphore(%arg20 : memref<!tpu.dma_semaphore, #tpu.memory_space<semaphore_mem>>) src(%dma_wait3A_381 : memref<384xf32, #tpu.memory_space<hbm>>) dst(%arg15 : memref<384xf32, #tpu.memory_space<vmem>>)
    %add3A_382 = arith.constant 0 : i32
    %add3A_383 = arith.addi %add3A_379, %add3A_382 : i32
    %dma_wait3A_384 = arith.constant 0 : i32
    %dma_wait3A_385 = arith.constant 0 : i32
    %dma_wait3A_386 = tpu.memref_slice %arg11[%dma_wait3A_384, %dma_wait3A_385] : memref<3x128xi32, #tpu.memory_space<vmem>> -> memref<1x128xi32, #tpu.memory_space<vmem>>
    %dma_wait3A_387 = tpu.memref_squeeze %dma_wait3A_386 : memref<1x128xi32, #tpu.memory_space<vmem>> -> memref<128xi32, #tpu.memory_space<vmem>>
    %dma_wait3A_388 = tpu.memref_slice %arg4[%add3A_383] : memref<25690112xi32, #tpu.memory_space<hbm>> -> memref<128xi32, #tpu.memory_space<hbm>>
    %dma_wait3A_389 = arith.constant 0 : i32
    %dma_wait3A_390 = tpu.memref_slice %arg11[%dma_wait3A_384, %dma_wait3A_389] : memref<3x128xi32, #tpu.memory_space<vmem>> -> memref<1x128xi32, #tpu.memory_space<vmem>>
    %dma_wait3A_391 = tpu.memref_squeeze %dma_wait3A_390 : memref<1x128xi32, #tpu.memory_space<vmem>> -> memref<128xi32, #tpu.memory_space<vmem>>
    %dma_wait3A_392 = tpu.memref_slice %arg4[%add3A_383] : memref<25690112xi32, #tpu.memory_space<hbm>> -> memref<128xi32, #tpu.memory_space<hbm>>
    tpu.wait_dma2 semaphore(%arg20 : memref<!tpu.dma_semaphore, #tpu.memory_space<semaphore_mem>>) src(%dma_wait3A_392 : memref<128xi32, #tpu.memory_space<hbm>>) dst(%dma_wait3A_391 : memref<128xi32, #tpu.memory_space<vmem>>)
    %add3A_393 = arith.constant 0 : i32
    %add3A_394 = arith.addi %add3A_379, %add3A_393 : i32
    %dma_wait3A_395 = arith.constant 0 : i32
    %dma_wait3A_396 = arith.constant 0 : i32
    %dma_wait3A_397 = tpu.memref_slice %arg13[%dma_wait3A_395, %dma_wait3A_396] : memref<3x128xi32, #tpu.memory_space<vmem>> -> memref<1x128xi32, #tpu.memory_space<vmem>>
    %dma_wait3A_398 = tpu.memref_squeeze %dma_wait3A_397 : memref<1x128xi32, #tpu.memory_space<vmem>> -> memref<128xi32, #tpu.memory_space<vmem>>
    %dma_wait3A_399 = tpu.memref_slice %arg5[%add3A_394] : memref<25690112xi32, #tpu.memory_space<hbm>> -> memref<128xi32, #tpu.memory_space<hbm>>
    %dma_wait3A_400 = arith.constant 0 : i32
    %dma_wait3A_401 = tpu.memref_slice %arg13[%dma_wait3A_395, %dma_wait3A_400] : memref<3x128xi32, #tpu.memory_space<vmem>> -> memref<1x128xi32, #tpu.memory_space<vmem>>
    %dma_wait3A_402 = tpu.memref_squeeze %dma_wait3A_401 : memref<1x128xi32, #tpu.memory_space<vmem>> -> memref<128xi32, #tpu.memory_space<vmem>>
    %dma_wait3A_403 = tpu.memref_slice %arg5[%add3A_394] : memref<25690112xi32, #tpu.memory_space<hbm>> -> memref<128xi32, #tpu.memory_space<hbm>>
    tpu.wait_dma2 semaphore(%arg20 : memref<!tpu.dma_semaphore, #tpu.memory_space<semaphore_mem>>) src(%dma_wait3A_403 : memref<128xi32, #tpu.memory_space<hbm>>) dst(%dma_wait3A_402 : memref<128xi32, #tpu.memory_space<vmem>>)
    %add3A_404 = arith.constant 128 : i32
    %add3A_405 = arith.addi %add3A_379, %add3A_404 : i32
    %dma_wait3A_406 = arith.constant 1 : i32
    %dma_wait3A_407 = arith.constant 0 : i32
    %dma_wait3A_408 = tpu.memref_slice %arg11[%dma_wait3A_406, %dma_wait3A_407] : memref<3x128xi32, #tpu.memory_space<vmem>> -> memref<1x128xi32, #tpu.memory_space<vmem>>
    %dma_wait3A_409 = tpu.memref_squeeze %dma_wait3A_408 : memref<1x128xi32, #tpu.memory_space<vmem>> -> memref<128xi32, #tpu.memory_space<vmem>>
    %dma_wait3A_410 = tpu.memref_slice %arg4[%add3A_405] : memref<25690112xi32, #tpu.memory_space<hbm>> -> memref<128xi32, #tpu.memory_space<hbm>>
    %dma_wait3A_411 = arith.constant 0 : i32
    %dma_wait3A_412 = tpu.memref_slice %arg11[%dma_wait3A_406, %dma_wait3A_411] : memref<3x128xi32, #tpu.memory_space<vmem>> -> memref<1x128xi32, #tpu.memory_space<vmem>>
    %dma_wait3A_413 = tpu.memref_squeeze %dma_wait3A_412 : memref<1x128xi32, #tpu.memory_space<vmem>> -> memref<128xi32, #tpu.memory_space<vmem>>
    %dma_wait3A_414 = tpu.memref_slice %arg4[%add3A_405] : memref<25690112xi32, #tpu.memory_space<hbm>> -> memref<128xi32, #tpu.memory_space<hbm>>
    tpu.wait_dma2 semaphore(%arg20 : memref<!tpu.dma_semaphore, #tpu.memory_space<semaphore_mem>>) src(%dma_wait3A_414 : memref<128xi32, #tpu.memory_space<hbm>>) dst(%dma_wait3A_413 : memref<128xi32, #tpu.memory_space<vmem>>)
    %add3A_415 = arith.constant 128 : i32
    %add3A_416 = arith.addi %add3A_379, %add3A_415 : i32
    %dma_wait3A_417 = arith.constant 1 : i32
    %dma_wait3A_418 = arith.constant 0 : i32
    %dma_wait3A_419 = tpu.memref_slice %arg13[%dma_wait3A_417, %dma_wait3A_418] : memref<3x128xi32, #tpu.memory_space<vmem>> -> memref<1x128xi32, #tpu.memory_space<vmem>>
    %dma_wait3A_420 = tpu.memref_squeeze %dma_wait3A_419 : memref<1x128xi32, #tpu.memory_space<vmem>> -> memref<128xi32, #tpu.memory_space<vmem>>
    %dma_wait3A_421 = tpu.memref_slice %arg5[%add3A_416] : memref<25690112xi32, #tpu.memory_space<hbm>> -> memref<128xi32, #tpu.memory_space<hbm>>
    %dma_wait3A_422 = arith.constant 0 : i32
    %dma_wait3A_423 = tpu.memref_slice %arg13[%dma_wait3A_417, %dma_wait3A_422] : memref<3x128xi32, #tpu.memory_space<vmem>> -> memref<1x128xi32, #tpu.memory_space<vmem>>
    %dma_wait3A_424 = tpu.memref_squeeze %dma_wait3A_423 : memref<1x128xi32, #tpu.memory_space<vmem>> -> memref<128xi32, #tpu.memory_space<vmem>>
    %dma_wait3A_425 = tpu.memref_slice %arg5[%add3A_416] : memref<25690112xi32, #tpu.memory_space<hbm>> -> memref<128xi32, #tpu.memory_space<hbm>>
    tpu.wait_dma2 semaphore(%arg20 : memref<!tpu.dma_semaphore, #tpu.memory_space<semaphore_mem>>) src(%dma_wait3A_425 : memref<128xi32, #tpu.memory_space<hbm>>) dst(%dma_wait3A_424 : memref<128xi32, #tpu.memory_space<vmem>>)
    %add3A_426 = arith.constant 256 : i32
    %add3A_427 = arith.addi %add3A_379, %add3A_426 : i32
    %dma_wait3A_428 = arith.constant 2 : i32
    %dma_wait3A_429 = arith.constant 0 : i32
    %dma_wait3A_430 = tpu.memref_slice %arg11[%dma_wait3A_428, %dma_wait3A_429] : memref<3x128xi32, #tpu.memory_space<vmem>> -> memref<1x128xi32, #tpu.memory_space<vmem>>
    %dma_wait3A_431 = tpu.memref_squeeze %dma_wait3A_430 : memref<1x128xi32, #tpu.memory_space<vmem>> -> memref<128xi32, #tpu.memory_space<vmem>>
    %dma_wait3A_432 = tpu.memref_slice %arg4[%add3A_427] : memref<25690112xi32, #tpu.memory_space<hbm>> -> memref<128xi32, #tpu.memory_space<hbm>>
    %dma_wait3A_433 = arith.constant 0 : i32
    %dma_wait3A_434 = tpu.memref_slice %arg11[%dma_wait3A_428, %dma_wait3A_433] : memref<3x128xi32, #tpu.memory_space<vmem>> -> memref<1x128xi32, #tpu.memory_space<vmem>>
    %dma_wait3A_435 = tpu.memref_squeeze %dma_wait3A_434 : memref<1x128xi32, #tpu.memory_space<vmem>> -> memref<128xi32, #tpu.memory_space<vmem>>
    %dma_wait3A_436 = tpu.memref_slice %arg4[%add3A_427] : memref<25690112xi32, #tpu.memory_space<hbm>> -> memref<128xi32, #tpu.memory_space<hbm>>
    tpu.wait_dma2 semaphore(%arg20 : memref<!tpu.dma_semaphore, #tpu.memory_space<semaphore_mem>>) src(%dma_wait3A_436 : memref<128xi32, #tpu.memory_space<hbm>>) dst(%dma_wait3A_435 : memref<128xi32, #tpu.memory_space<vmem>>)
    %add3A_437 = arith.constant 256 : i32
    %add3A_438 = arith.addi %add3A_379, %add3A_437 : i32
    %dma_wait3A_439 = arith.constant 2 : i32
    %dma_wait3A_440 = arith.constant 0 : i32
    %dma_wait3A_441 = tpu.memref_slice %arg13[%dma_wait3A_439, %dma_wait3A_440] : memref<3x128xi32, #tpu.memory_space<vmem>> -> memref<1x128xi32, #tpu.memory_space<vmem>>
    %dma_wait3A_442 = tpu.memref_squeeze %dma_wait3A_441 : memref<1x128xi32, #tpu.memory_space<vmem>> -> memref<128xi32, #tpu.memory_space<vmem>>
    %dma_wait3A_443 = tpu.memref_slice %arg5[%add3A_438] : memref<25690112xi32, #tpu.memory_space<hbm>> -> memref<128xi32, #tpu.memory_space<hbm>>
    %dma_wait3A_444 = arith.constant 0 : i32
    %dma_wait3A_445 = tpu.memref_slice %arg13[%dma_wait3A_439, %dma_wait3A_444] : memref<3x128xi32, #tpu.memory_space<vmem>> -> memref<1x128xi32, #tpu.memory_space<vmem>>
    %dma_wait3A_446 = tpu.memref_squeeze %dma_wait3A_445 : memref<1x128xi32, #tpu.memory_space<vmem>> -> memref<128xi32, #tpu.memory_space<vmem>>
    %dma_wait3A_447 = tpu.memref_slice %arg5[%add3A_438] : memref<25690112xi32, #tpu.memory_space<hbm>> -> memref<128xi32, #tpu.memory_space<hbm>>
    tpu.wait_dma2 semaphore(%arg20 : memref<!tpu.dma_semaphore, #tpu.memory_space<semaphore_mem>>) src(%dma_wait3A_447 : memref<128xi32, #tpu.memory_space<hbm>>) dst(%dma_wait3A_446 : memref<128xi32, #tpu.memory_space<vmem>>)
    %scan3A = arith.constant 0 : i32
    %scan3A_448 = arith.constant 0 : i32
    %scan3A_449 = arith.constant 1568 : i32
    %scan3A_450 = arith.addi %scan3A_448, %scan3A_449 : i32
    %scan3A_451 = arith.constant 1 : i32
    scf.for %scan3A_453 = %scan3A_448 to %scan3A_450 step %scan3A_451  : i32 {
      %get3A_454 = arith.index_cast %scan3A_453 : i32 to index
      %get3A_455 = arith.constant 0 : index
      %get3A_456 = tpu.vector_load %arg9[%get3A_454, %get3A_455] {strides = array<i32>} : memref<1568x48xf32, #tpu.memory_space<vmem>>, vector<16xf32>,
      %max3A_457 = arith.constant 0.000000e+00 : f32
      %max3A_458 = vector.broadcast %max3A_457 : f32 to vector<16xf32>
      %max3A_459 = arith.maximumf %get3A_456, %max3A_458 : vector<16xf32>
      %min3A_460 = arith.constant 1.000000e+00 : f32
      %min3A_461 = vector.broadcast %min3A_460 : f32 to vector<16xf32>
      %min3A_462 = arith.minimumf %max3A_459, %min3A_461 : vector<16xf32>
      %swap3A = arith.index_cast %scan3A_453 : i32 to index
      %swap3A_463 = arith.constant 0 : index
      %swap3A_464 = tpu.vector_load %arg9[%swap3A, %swap3A_463] {strides = array<i32>} : memref<1568x48xf32, #tpu.memory_space<vmem>>, vector<16xf32>,
      tpu.vector_store %arg9[%swap3A, %swap3A_463], %min3A_462 {strides = array<i32>} : memref<1568x48xf32, #tpu.memory_space<vmem>>, vector<16xf32>,
      %get3A_465 = arith.index_cast %scan3A_453 : i32 to index
      %get3A_466 = arith.constant 16 : index
      %get3A_467 = tpu.vector_load %arg9[%get3A_465, %get3A_466] {strides = array<i32>} : memref<1568x48xf32, #tpu.memory_space<vmem>>, vector<16xf32>,
      %max3A_468 = arith.constant 0.000000e+00 : f32
      %max3A_469 = vector.broadcast %max3A_468 : f32 to vector<16xf32>
      %max3A_470 = arith.maximumf %get3A_467, %max3A_469 : vector<16xf32>
      %min3A_471 = arith.constant 1.000000e+00 : f32
      %min3A_472 = vector.broadcast %min3A_471 : f32 to vector<16xf32>
      %min3A_473 = arith.minimumf %max3A_470, %min3A_472 : vector<16xf32>
      %swap3A_474 = arith.index_cast %scan3A_453 : i32 to index
      %swap3A_475 = arith.constant 16 : index
      %swap3A_476 = tpu.vector_load %arg9[%swap3A_474, %swap3A_475] {strides = array<i32>} : memref<1568x48xf32, #tpu.memory_space<vmem>>, vector<16xf32>,
      tpu.vector_store %arg9[%swap3A_474, %swap3A_475], %min3A_473 {strides = array<i32>} : memref<1568x48xf32, #tpu.memory_space<vmem>>, vector<16xf32>,
      %get3A_477 = arith.index_cast %scan3A_453 : i32 to index
      %get3A_478 = arith.constant 32 : index
      %get3A_479 = tpu.vector_load %arg9[%get3A_477, %get3A_478] {strides = array<i32>} : memref<1568x48xf32, #tpu.memory_space<vmem>>, vector<16xf32>,
      %max3A_480 = arith.constant 0.000000e+00 : f32
      %max3A_481 = vector.broadcast %max3A_480 : f32 to vector<16xf32>
      %max3A_482 = arith.maximumf %get3A_479, %max3A_481 : vector<16xf32>
      %min3A_483 = arith.constant 1.000000e+00 : f32
      %min3A_484 = vector.broadcast %min3A_483 : f32 to vector<16xf32>
      %min3A_485 = arith.minimumf %max3A_482, %min3A_484 : vector<16xf32>
      %swap3A_486 = arith.index_cast %scan3A_453 : i32 to index
      %swap3A_487 = arith.constant 32 : index
      %swap3A_488 = tpu.vector_load %arg9[%swap3A_486, %swap3A_487] {strides = array<i32>} : memref<1568x48xf32, #tpu.memory_space<vmem>>, vector<16xf32>,
      tpu.vector_store %arg9[%swap3A_486, %swap3A_487], %min3A_485 {strides = array<i32>} : memref<1568x48xf32, #tpu.memory_space<vmem>>, vector<16xf32>,
    }
    %scan3A_452 = arith.constant 1568 : i32
    "tpu.region"() ({
      %run_scoped3A = tpu.sem_alloc : memref<!tpu.dma_semaphore, #tpu.memory_space<semaphore_mem>>
      %dma_start3A_453 = arith.constant 0 : i32
      %dma_start3A_454 = tpu.memref_slice %arg8[%multiple_of3A, %dma_start3A_453] : memref<50176x48xf32, #tpu.memory_space<hbm>> -> memref<1568x48xf32, #tpu.memory_space<hbm>>
      %dma_start3A_455 = arith.constant 0 : i32
      %dma_start3A_456 = tpu.memref_slice %arg8[%multiple_of3A, %dma_start3A_455] : memref<50176x48xf32, #tpu.memory_space<hbm>> -> memref<1568x48xf32, #tpu.memory_space<hbm>>
      tpu.enqueue_dma source(%arg9 : memref<1568x48xf32, #tpu.memory_space<vmem>>) target(%dma_start3A_456 : memref<1568x48xf32, #tpu.memory_space<hbm>>) target_semaphore(%run_scoped3A : memref<!tpu.dma_semaphore, #tpu.memory_space<semaphore_mem>>)
      %dma_wait3A_457 = arith.constant 0 : i32
      %dma_wait3A_458 = tpu.memref_slice %arg8[%multiple_of3A, %dma_wait3A_457] : memref<50176x48xf32, #tpu.memory_space<hbm>> -> memref<1568x48xf32, #tpu.memory_space<hbm>>
      %dma_wait3A_459 = arith.constant 0 : i32
      %dma_wait3A_460 = tpu.memref_slice %arg8[%multiple_of3A, %dma_wait3A_459] : memref<50176x48xf32, #tpu.memory_space<hbm>> -> memref<1568x48xf32, #tpu.memory_space<hbm>>
      tpu.wait_dma2 semaphore(%run_scoped3A : memref<!tpu.dma_semaphore, #tpu.memory_space<semaphore_mem>>) src(%arg9 : memref<1568x48xf32, #tpu.memory_space<vmem>>) dst(%dma_wait3A_460 : memref<1568x48xf32, #tpu.memory_space<hbm>>)
      tpu.yield
    }) : () -> ()
    return
  }
}

module attributes {stable_mosaic.version = 14 : i64} {
  func.func @_rsqrt_body(%arg0: memref<392x128xf32, #tpu.memory_space<vmem>>, %arg1: memref<392x128xf32, #tpu.memory_space<vmem>>) attributes {dimension_semantics = [], scalar_prefetch = 0 : i64, scratch_operands = 0 : i64, tpu.core_type = #tpu.core_type<tc>} {
    %get3A = arith.constant 0 : index
    %get3A_0 = arith.constant 0 : index
    %get3A_1 = vector.load %arg0[%get3A, %get3A_0] : memref<392x128xf32, #tpu.memory_space<vmem>>, vector<392x128xf32>
    %gt3A = arith.constant 0.000000e+00 : f32
    %gt3A_2 = vector.broadcast %gt3A : f32 to vector<392x128xf32>
    %gt3A_3 = arith.cmpf ogt, %get3A_1, %gt3A_2 : vector<392x128xf32>
    %rsqrt3A = math.rsqrt %get3A_1 : vector<392x128xf32>
    %jit3A = arith.constant 0.000000e+00 : f32
    %broadcast_in_dim3A = vector.broadcast %jit3A : f32 to vector<392x128xf32>
    %select_n3A = arith.select %gt3A_3, %rsqrt3A, %broadcast_in_dim3A : vector<392x128xi1>, vector<392x128xf32>
    %swap3A = arith.constant 0 : index
    %swap3A_4 = arith.constant 0 : index
    %swap3A_5 = vector.load %arg1[%swap3A, %swap3A_4] : memref<392x128xf32, #tpu.memory_space<vmem>>, vector<392x128xf32>
    tpu.vector_store %arg1[%swap3A, %swap3A_4], %select_n3A {strides = array<i32>} : memref<392x128xf32, #tpu.memory_space<vmem>>, vector<392x128xf32>,
    return
  }
}

module attributes {stable_mosaic.version = 14 : i64} {
  func.func @_init_body(%arg0: i32, %arg1: memref<512x48xf32, #tpu.memory_space<vmem>>, %arg2: memref<512x1xf32, #tpu.memory_space<vmem>>, %arg3: memref<512x48xf32, #tpu.memory_space<vmem>>, %arg4: memref<512x48xf32, #tpu.memory_space<vmem>>) attributes {dimension_semantics = [#tpu.dimension_semantics<arbitrary>], iteration_bounds = array<i64: 98>, scalar_prefetch = 0 : i64, scratch_operands = 0 : i64, tpu.core_type = #tpu.core_type<tc>, window_params = [{transform_indices = @transform_0, window_bounds = array<i64: 512, 48>}, {transform_indices = @transform_1, window_bounds = array<i64: 512, 1>}, {transform_indices = @transform_2, window_bounds = array<i64: 512, 48>}, {transform_indices = @transform_3, window_bounds = array<i64: 512, 48>}]} {
    %get3A = arith.constant 0 : index
    %get3A_0 = arith.constant 0 : index
    %get3A_1 = vector.load %arg1[%get3A, %get3A_0] : memref<512x48xf32, #tpu.memory_space<vmem>>, vector<512x48xf32>
    %get3A_2 = arith.constant 0 : index
    %get3A_3 = arith.constant 0 : index
    %get3A_4 = vector.load %arg2[%get3A_2, %get3A_3] : memref<512x1xf32, #tpu.memory_space<vmem>>, vector<512x1xf32>
    %mul3A = vector.broadcast %get3A_4 : vector<512x1xf32> to vector<512x48xf32>
    %mul3A_5 = arith.mulf %get3A_1, %mul3A : vector<512x48xf32>
    %swap3A = arith.constant 0 : index
    %swap3A_6 = arith.constant 0 : index
    %swap3A_7 = vector.load %arg3[%swap3A, %swap3A_6] : memref<512x48xf32, #tpu.memory_space<vmem>>, vector<512x48xf32>
    tpu.vector_store %arg3[%swap3A, %swap3A_6], %mul3A_5 {strides = array<i32>} : memref<512x48xf32, #tpu.memory_space<vmem>>, vector<512x48xf32>,
    %mul3A_8 = arith.constant 1.000000e-01 : f32
    %mul3A_9 = vector.broadcast %mul3A_8 : f32 to vector<512x48xf32>
    %mul3A_10 = arith.mulf %mul3A_5, %mul3A_9 : vector<512x48xf32>
    %swap3A_11 = arith.constant 0 : index
    %swap3A_12 = arith.constant 0 : index
    %swap3A_13 = vector.load %arg4[%swap3A_11, %swap3A_12] : memref<512x48xf32, #tpu.memory_space<vmem>>, vector<512x48xf32>
    tpu.vector_store %arg4[%swap3A_11, %swap3A_12], %mul3A_10 {strides = array<i32>} : memref<512x48xf32, #tpu.memory_space<vmem>>, vector<512x48xf32>,
    return
  }
  func.func @transform_0(%arg0: i32) -> (i32, i32) {
    %c0_i32 = arith.constant 0 : i32
    %c0_i32_0 = arith.constant 0 : i32
    return %arg0, %c0_i32 : i32, i32
  }
  func.func @transform_1(%arg0: i32) -> (i32, i32) {
    %c0_i32 = arith.constant 0 : i32
    %c0_i32_0 = arith.constant 0 : i32
    return %arg0, %c0_i32 : i32, i32
  }
  func.func @transform_2(%arg0: i32) -> (i32, i32) {
    %c0_i32 = arith.constant 0 : i32
    %c0_i32_0 = arith.constant 0 : i32
    return %arg0, %c0_i32 : i32, i32
  }
  func.func @transform_3(%arg0: i32) -> (i32, i32) {
    %c0_i32 = arith.constant 0 : i32
    %c0_i32_0 = arith.constant 0 : i32
    return %arg0, %c0_i32 : i32, i32
  }
}

</mosaic_0001>

<sc_bundles>
// kernel: closed_call.7.cloned.1.call-start
scs
__scs_entry_jumppad:
0x0: {  	(pc) =	sbr.rel $0x88, $3  }
0x1: {  	(tag) =	ssettag $0x0;
	lr =	simm.s32 $0x1  }
0x2: {  	[smem:$0x3F9E] =	sst lr;
	_ =	strace $0xD0000000  }
0x3: {  	_ = 	snop  }
0x4: {  	_ = 	snop  }
0x5: {  	_ = 	snop  }
0x6: {  	_ = 	snop  }
0x7: {  	_ = 	snop  }
__scs_overlays_trampoline_lowered:
0x8: {  	[smem:$0x3FAD] =	sst s0  }
0x9: {  	[smem:$0x3FAE] =	sst s1  }
0xa: {  	[smem:$0x3FAF] =	sst s2  }
0xb: {  	[smem:$0x3FB0] =	sst s3  }
0xc: {  	[smem:$0x3FB1] =	sst s4  }
0xd: {  	[smem:$0x3FB2] =	sst s5  }
0xe: {  	[smem:$0x3FB3] =	sst s6  }
0xf: {  	[smem:$0x3FB4] =	sst s7  }
0x10: {  	[smem:$0x3FB5] =	sst s8  }
0x11: {  	[smem:$0x3FB6] =	sst s9;
	s0 =	simm.s32 @!p0 $0x0  }
0x12: {  	s1 =	sld [smem:$0x3F9C];
	s0 =	simm.s32 @p0 $0x1  }
0x13: {  	[smem:$0x3FB7] =	sst s0;
	s0 =	simm.s32 @!p1 $0x0  }
0x14: {  	s2 =	sld [smem:$0x3F9B];
	s0 =	simm.s32 @p1 $0x1  }
0x15: {  	[smem:$0x3FB8] =	sst s0;
	s0 =	simm.s32 @!p2 $0x0  }
0x16: {  	s3 =	sld [smem:$0x3FDB];
	s0 =	simm.s32 @p2 $0x1  }
0x17: {  	s4 =	simm.s32 $0x1BF5;
	[smem:$0x3FBA] =	sst s0  }
0x18: {  	s0 =	sld [smem:$0x3F9D];
	_ =	swait.ge [sflag:s4], $0x0  }
0x19: {  	s7 =	sld [smem:$0x3F9E]  }
0x1a: {  	s8 =	sadd.s32 $0xFFFFE003, lr  }
0x1b: {  	s9 =	sadd.s32 $0xFFFFFEF7, lr;
	s5 =	simm.s32 $0xFFFFFFFF;
	p2 =	slt.u32 s8, $0xFFFFF086  }
0x1c: {  	p1 =	slt.u32 s9, $0xF7A;
	s5 =	simm.s32 @!p2 $0x0  }
0x1d: {  	s5 =	simm.s32 @p1 $0x1;
	p0 =	seq.s32 s7, s2  }
0x1e: {  	s7 =	smul.u32 @!p0 $0xF7A, s2;
	p2 =	seq.s32 @!p0 s5, $0x0  }
0x1f: {  	s9 =	smul.u32 $0xF7A, s1;
	s8 =	simm.s32 @!p0 $0x1BF5;
	p2 =	por !p2, p0  }
0x20: {  	[sflag:s8] =	ssyncset.s32 @!p0 $0xFFFFF086;
	s6 =	sadd.s32 @!p0 s3, s7;
	s7 =	simm.s32 @!p0 $0x108  }
0x21: {  	s3 =	sadd.s32 s3, s9;
	s6 =	sadd.s32 @!p0 $0x88, s6;
	s7 =	simm.s32 @p2 $0x1082  }
0x22: {  	[simem:s7], [sflag:s8] =	dma.local @!p0 [hbm:s6], $0xF7A  }
0x23: {  	s9 =	sor.u32 $0xD0000000, s2;
	s6 =	simm.s32 $0x108;
	_ =	swait.ge @!p0 [sflag:s8], $0x0  }
0x24: {  	s3 =	sadd.s32 $0x88, s3;
	s6 =	simm.s32 @!p1 $0x1082;
	[sflag:s4] =	ssyncset.s32 $0xFFFFF086  }
0x25: {  	[simem:s6], [sflag:s4] =	dma.local [hbm:s3], $0xF7A  }
0x26: {  	[smem:$0x3F9E] =	sst s1;
	(tag) =	ssettag s2;
	_ =	strace s9  }
0x27: {  	s1 =	sld [smem:$0x3FAE]  }
0x28: {  	s2 =	sld [smem:$0x3FAF]  }
0x29: {  	s4 =	sld [smem:$0x3FB1]  }
0x2a: {  	p0 =	seq.s32 s5, $0x0;
	s5 =	sld [smem:$0x3FB2]  }
0x2b: {  	s6 =	sld [smem:$0x3FB3]  }
0x2c: {  	s7 =	sld [smem:$0x3FB4]  }
0x2d: {  	s3 =	simm.s32 $0x108;
	s8 =	sld [smem:$0x3FB5]  }
0x2e: {  	s3 =	simm.s32 @!p0 $0x1082;
	s9 =	sld [smem:$0x3FB6]  }
0x2f: {  	lr =	sadd.s32 s0, s3;
	s0 =	sld [smem:$0x3FAD]  }
0x30: {  	s3 =	sld [smem:$0x3FB0]  }
0x31: {  	[smem:$0x3FB9] =	sst s10  }
0x32: {  	s10 =	sld [smem:$0x3FB7];
	_ =	sdelay $0x3  }
0x33: {  	p0 =	seq.s32 s10, $0x1;
	s10 =	sld [smem:$0x3FB9];
	_ =	sdelay $0x3  }
0x34: {  	[smem:$0x3FB9] =	sst s10  }
0x35: {  	s10 =	sld [smem:$0x3FB8];
	_ =	sdelay $0x3  }
0x36: {  	p1 =	seq.s32 s10, $0x1;
	s10 =	sld [smem:$0x3FB9];
	_ =	sdelay $0x3  }
0x37: {  	[smem:$0x3FB9] =	sst s10  }
0x38: {  	s10 =	sld [smem:$0x3FBA]  }
0x39: {  	_ = 	snop;
	(pc) =	sbr.ind lr, $3  }
0x3a: {  	_ = 	snop  }
0x3b: {  	_ = 	snop  }
0x3c: {  	p2 =	seq.s32 s10, $0x1;
	s10 =	sld [smem:$0x3FB9]  }
0x3d: {  	_ =	shalt  }
0x3e: {  	_ =	shalt  }
0x3f: {  	_ =	shalt  }
0x40: {  	_ =	shalt  }
0x41: {  	_ =	shalt  }
0x42: {  	_ =	shalt  }
0x43: {  	_ =	shalt  }
0x44: {  	_ =	shalt  }
0x45: {  	_ =	shalt  }
0x46: {  	_ =	shalt  }
0x47: {  	_ =	shalt  }
0x48: {  	_ =	shalt  }
0x49: {  	_ =	shalt  }
0x4a: {  	_ =	shalt  }
0x4b: {  	_ =	shalt  }
0x4c: {  	_ =	shalt  }
0x4d: {  	_ =	shalt  }
0x4e: {  	_ =	shalt  }
0x4f: {  	_ =	shalt  }
0x50: {  	_ =	shalt  }
0x51: {  	_ =	shalt  }
0x52: {  	_ =	shalt  }
0x53: {  	_ =	shalt  }
0x54: {  	_ =	shalt  }
0x55: {  	_ =	shalt  }
0x56: {  	_ =	shalt  }
0x57: {  	_ =	shalt  }
0x58: {  	_ =	shalt  }
0x59: {  	_ =	shalt  }
0x5a: {  	_ =	shalt  }
0x5b: {  	_ =	shalt  }
0x5c: {  	_ =	shalt  }
0x5d: {  	_ =	shalt  }
0x5e: {  	_ =	shalt  }
0x5f: {  	_ =	shalt  }
0x60: {  	_ =	shalt  }
0x61: {  	_ =	shalt  }
0x62: {  	_ =	shalt  }
0x63: {  	_ =	shalt  }
0x64: {  	_ =	shalt  }
0x65: {  	_ =	shalt  }
0x66: {  	_ =	shalt  }
0x67: {  	_ =	shalt  }
0x68: {  	_ =	shalt  }
0x69: {  	_ =	shalt  }
0x6a: {  	_ =	shalt  }
0x6b: {  	_ =	shalt  }
0x6c: {  	_ =	shalt  }
0x6d: {  	_ =	shalt  }
0x6e: {  	_ =	shalt  }
0x6f: {  	_ =	shalt  }
0x70: {  	_ =	shalt  }
0x71: {  	_ =	shalt  }
0x72: {  	_ =	shalt  }
0x73: {  	_ =	shalt  }
0x74: {  	_ =	shalt  }
0x75: {  	_ =	shalt  }
0x76: {  	_ =	shalt  }
0x77: {  	_ =	shalt  }
0x78: {  	_ =	shalt  }
0x79: {  	_ =	shalt  }
0x7a: {  	_ =	shalt  }
0x7b: {  	_ =	shalt  }
0x7c: {  	_ =	shalt  }
0x7d: {  	_ =	shalt  }
0x7e: {  	_ =	shalt  }
0x7f: {  	_ =	shalt  }
0x80: {  	_ =	shalt  }
0x81: {  	_ =	shalt  }
0x82: {  	_ =	shalt  }
0x83: {  	_ =	shalt  }
0x84: {  	_ =	shalt  }
0x85: {  	_ =	shalt  }
0x86: {  	_ =	shalt  }
0x87: {  	_ =	shalt  }
.Lfunc_end0:
.L_simem_size_0:
called_computation_lowered:
.L_overlay_start_0:
0x88: {  	s2 =	sld [smem:$0x3FD9]  }
0x89: {  	s3 =	sld [smem:$0x3FFE];
	_ =	sdelay $0x1  }
0x8a: {  	s1 =	srdreg.scid  }
0x8b: {  	s0 =	sand.u32 $0x1, s1  }
0x8c: {  	s16 =	sshll.u32 s0, $0xA;
	s2 =	sadd.s32 s3, s2  }
0x8d: {  	s2 =	sadd.s32 s2, s16  }
0x8e: {  	[smem:$0x3FC5] =	sst s2  }
0x8f: {  	_ = 	snop  }
0x90: {  	(tm) =	ssettm $0x1  }
0x91: {  	s17 =	sld [smem:$0x3FFB];
	_ =	sdelay $0x3  }
0x92: {  	_ =	strace s17  }
0x93: {  	s2 =	sld [smem:$0x3FFC];
	_ =	sdelay $0x3  }
0x94: {  	_ =	strace s2  }
0x95: {  	s2 =	sld [smem:$0x3FFD];
	_ =	sdelay $0x3  }
0x96: {  	_ =	strace s2  }
0x97: {  	_ =	strace $0x8FFFFFFF  }
0x98: {  	s18 =	sld [smem:$0x3FDB];
	_ =	sdelay $0x1  }
0x99: {  	s19 =	simm.s32 $_scs_section_size  }
0x9a: {  	s4 =	simm.s32 $_size__tile_overlayer_lowered;
	s5 =	simm.s32 $_tile_overlayer_lowered  }
0x9b: {  	s22 =	simm.s32 $0x1BFF;
	s21 =	sshll.u32 s5, $0x1;
	s2 =	sadd.s32 s19, s18  }
0x9c: {  	s6 =	simm.s32 $0x0;
	s20 =	sshll.u32 s4, $0x1;
	s4 =	sadd.s32 s21, s2  }
0x9d: {  	[timem:s6], [sflag:s22] =	dma.local [hbm:s4], s20  }
0x9e: {  	_ =	swait.ge [sflag:s22], s20  }
0x9f: {  	s3 =	ssub.s32 $0x0, s20;
	[sflag:s22] =	ssyncset.done $0x0  }
0xa0: {  	[sflag:s22] =	ssyncadd.s32 s3;
	_ =	sdelay $0x1  }
0xa1: {  	s23 =	simm.s32 $0x1B8B  }
0xa2: {  	_ =	swait.ge [sflag:s23], $0x1  }
0xa3: {  	[sflag:s23] =	ssyncset.done $0x0  }
0xa4: {  	s25 =	simm.s32 $0x1B8E;
	s24 =	sld [smem:$0x3FFE];
	[sflag:s23] =	ssyncadd.s32 $0xFFFFFFFF  }
0xa5: {  	s26 =	simm.s32 $execute0_lowered;
	[smem:$0x3FD2] =	sst s25  }
0xa6: {  	s4 =	sshll.u32 s26, $0x1;
	_ =	strace $0x8000004C;
	[dreg:$0x1] =	wrdreg $0xFFFFFFFF  }
0xa7: {  	s28 =	simm.s32 $_size_execute0_lowered;
	s2 =	sadd.s32 s2, s4;
	[dreg:$0x0] =	wrdreg $0x0  }
0xa8: {  	s4 =	sshll.u32 s28, $0x1;
	[dreg:$0x2] =	wrdreg s2  }
0xa9: {  	[dreg:$0x3] =	wrdreg s4  }
0xaa: {  	[dreg:$0x4] =	wrdreg $0xC0  }
0xab: {  	_ =	task [dreg:s6], $0x5FFFF  }
0xac: {  	[dreg:$0x1] =	wrdreg $0xFFFFFFFF  }
0xad: {  	[dreg:$0x0] =	wrdreg $0x60  }
0xae: {  	[dreg:$0x2] =	wrdreg s24  }
0xaf: {  	[dreg:$0x3] =	wrdreg $0x9  }
0xb0: {  	_ =	task.clear_ibuf [dreg:s6], $0x4FFFF;
	_ =	strace $0x9000004C  }
0xb1: {  	s29 =	simm.s32 $0x9;
	_ =	strace $0x8000004E  }
0xb2: {  	_ =	swait.ge [sflag:s29], $0x1  }
0xb3: {  	[sflag:s29] =	ssyncadd.s32 $0xFFFFFFFF  }
0xb4: {  	_ =	strace $0x9000004E  }
0xb5: {  	_ =	sfence  }
0xb6: {  	s30 =	sld [smem:$0x0];
	_ =	sdelay $0x2  }
0xb7: {  	s31 =	sshll.u32 s1, $0xD;
	s1 =	sshrl.u32 s1, $0x2  }
0xb8: {  	s3 =	sand.u32 $0x4000, s31;
	s1 =	sadd.s32 s1, s30  }
0xb9: {  	s0 =	sor.u32 s3, s0;
	s1 =	sshll.u32 s1, $0x11  }
0xba: {  	s0 =	sor.u32 s1, s0  }
0xbb: {  	s0 =	sadd.s32 $0x8F2B, s0  }
0xbc: {  	[sflag:s0] =	ssyncadd.remote.s32 $0x1  }
0xbd: {  	_ =	sfence.sel $0xFFFF  }
0xbe: {  	[dreg:$0x0] =	wrdreg $0xFFFFFFFF;
	(pc) =	sbr.abs _section_cstart, $3  }
0xbf: {  	[dreg:$0x1] =	wrdreg $0xFFFFFFFF  }
0xc0: {  	_ =	task.clear_ibuf [dreg:s6], $0x2FFFF;
	_ =	strace $0x9FFFFFFF  }
0xc1: {  	(tm) =	ssettm $0x7FFFFFFF  }
tec
execute0_lowered:
.L_overlay_start_1:
0x0: {  	(tag) =	ssettag $0x1  }
0x1: {  	s0 =	rddreg [dreg:$0x0];
	s2 =	simm.s32 $0x0;
	s1 =	srdreg.scid  }
0x2: {  	s4 =	stileid.u32;
	s28 =	simm.s32 $0x12700;
	s30 =	simm.s32 $0x80  }
0x3: {  	s13 =	simm.s32 $0x12780;
	s12 =	simm.s32 $0x12880;
	s14 =	simm.s32 $0x3  }
0x4: {  	s15 =	simm.s32 $0x2;
	s19 =	simm.s32 $0x4;
	[smem:$0x7FF] =	sst s2  }
0x5: {  	s3 =	sadd.s32 $0x995200, s0;
	s6 =	sshll.u32 s4, $0x1;
	s4 =	sadd.s32 $0x1B800, s0  }
0x6: {  	s1 =	sand.u32 $0x1, s1;
	s5 =	sadd.s32 $0x32B800, s0;
	_ =	strace $0x8000004D  }
0x7: {  	s7 =	sor.u32 s1, s6;
	s6 =	sadd.s32 $0x63BA00, s0;
	s1 =	ssub.s32 $0x2, s1  }
0x8: {  	s8 =	smul.u32 $0x24C0, s7;
	s9 =	sshll.u32 s7, $0x1;
	s10 =	sshrl.u32 s1, $0x1  }
0x9: {  	s7 =	smul.u32 $0xC4000, s7;
	s9 =	sadd.s32 s9, s0;
	s1 =	ssub.s32 s1, s10  }
0xa: {  	s10 =	simm.s32 $0x12800;
	s0 =	sadd.s32 s8, s0;
	s20 =	sadd.s32 $0x63B800, s9  }
0xb: {  	s21 =	sshrl.u32 s7, $0x3;
	s31 =	smax.u32 s1, $0x1;
	[dreg:$0x3] =	wrdreg s20  }
0xc: {  	s1 =	simm.s32 $0x5;
	s8 =	sadd.s32 $0x94BA00, s0;
	[dreg:$0xc] =	wrdreg s31  }
0xd: {  	s22 =	sadd.s32 s6, s21;
	s23 =	sadd.s32 s4, s21;
	[dreg:$0x2] =	wrdreg s8  }
0xe: {  	s24 =	sor.u32 $0x10, s21;
	s25 =	sadd.s32 s5, s21;
	[dreg:$0x4] =	wrdreg s22  }
0xf: {  	s0 =	sadd.s32 $0x9DEA00, s0;
	s20 =	simm.s32 $0x12D80;
	[dreg:$0x5] =	wrdreg s23  }
0x10: {  	[dreg:$0x6] =	wrdreg s25;
	s26 =	sadd.s32 s4, s24;
	s8 =	sor.u32 $0x20, s21  }
0x11: {  	s9 =	sadd.s32 s5, s24;
	[dreg:$0xb] =	wrdreg s0;
	s21 =	simm.s32 $0x1  }
0x12: {  	s22 =	simm.s32 $0x12C00;
	s23 =	simm.s32 $0x12600;
	[dreg:$0x7] =	wrdreg s26  }
0x13: {  	s24 =	simm.s32 $0x12900;
	[dreg:$0x8] =	wrdreg s9;
	s29 =	sadd.s32 s4, s8  }
0x14: {  	v0 =	vlaneseq.u32;
	s25 =	simm.s32 $0x12680;
	s8 =	sadd.s32 s5, s8;
	[dreg:$0x9] =	wrdreg s29  }
0x15: {  	v1 =	vor.u32 $0x10, v0;
	v2 =	vor.u32 $0x20, v0;
	s9 =	simm.s32 $0x12A80;
	[dreg:$0xa] =	wrdreg s8;
	s8 =	simm.s32 $0x0  }
.LBB2_1:
0x16: {  	[dreg:$0xd] =	wrdreg s8  }
0x17: {  	s0 =	rddreg [dreg:$0x2]  }
0x18: {  	[tilespmem:s2], [sflag:$0x5] =	stream.linear.gather [hbm4b:s0+s2], $0x12600, $0x38;
	[tilespmem:$0x1BF10] =	vst v63  }
0x19: {  	_ =	swait.ge [sflag:s1], $0x12600  }
0x1a: {  	[sflag:s1] =	ssyncset.done $0x0  }
0x1b: {  	s17 =	simm.s32 $0x1BF00;
	s16 =	rddreg [dreg:$0x3];
	[sflag:s1] =	ssyncadd.s32 $0xFFFEDA00  }
0x1c: {  	[tilespmem:s17], [sflag:$0x5] =	stream.linear.gather [hbm4b:s16+s2], $0x10, $0x38;
	[tilespmem:$0x1BF10] =	vst v63  }
0x1d: {  	_ =	swait.ge [sflag:s1], $0x10  }
0x1e: {  	[sflag:s1] =	ssyncset.done $0x0  }
0x1f: {  	[sflag:s1] =	ssyncadd.s32 $0xFFFFFFF0  }
0x20: {  	v3 =	vld [tilespmem:$0x1BF00];
	_ =	sdelay $0x4  }
0x21: {  	v3 =	vxor.u32 $0x80000000, v3  }
0x22: {  	(xrf0) =	vmax.scan.msk.u32 $0xffff, v3;
	_ =	sdelay $0x5  }
0x23: {  	v3, _, _ =	vpop (xrf0)  }
0x24: {  	(v2sf) =	vpush v3, $0xF  }
0x25: {  	s18 =	rddreg [dreg:$0x4]  }
0x26: {  	[tilespmem:s22], [sflag:$0x1] =	stream.linear.gather [hbm4b:s18+s2], $0x180, $0x38;
	[tilespmem:$0x1BF10] =	vst v63  }
0x27: {  	s26 =	rddreg [dreg:$0x5]  }
0x28: {  	[tilespmem:s23], [sflag:$0x1] =	stream.linear.gather [hbm4b:s26+s2], $0x80, $0x38;
	[tilespmem:$0x1BF10] =	vst v63  }
0x29: {  	s31 =	rddreg [dreg:$0x6]  }
0x2a: {  	[tilespmem:s24], [sflag:$0x1] =	stream.linear.gather [hbm4b:s31+s2], $0x80, $0x38;
	[tilespmem:$0x1BF10] =	vst v63  }
0x2b: {  	s1 =	rddreg [dreg:$0x7]  }
0x2c: {  	[tilespmem:s25], [sflag:$0x1] =	stream.linear.gather [hbm4b:s1+s2], $0x80, $0x38;
	[tilespmem:$0x1BF10] =	vst v63  }
0x2d: {  	s11 =	simm.s32 $0x12980;
	s8 =	rddreg [dreg:$0x8]  }
0x2e: {  	[tilespmem:s11], [sflag:$0x1] =	stream.linear.gather [hbm4b:s8+s2], $0x80, $0x38;
	[tilespmem:$0x1BF10] =	vst v63  }
0x2f: {  	s16 =	rddreg [dreg:$0x9]  }
0x30: {  	[tilespmem:s28], [sflag:$0x1] =	stream.linear.gather [hbm4b:s16+s2], $0x80, $0x38;
	[tilespmem:$0x1BF10] =	vst v63  }
0x31: {  	s17 =	rddreg [dreg:$0xa];
	s18 =	simm.s32 $0x12A00  }
0x32: {  	[tilespmem:s18], [sflag:$0x1] =	stream.linear.gather [hbm4b:s17+s2], $0x80, $0x38;
	[tilespmem:$0x1BF10] =	vst v63  }
0x33: {  	s0 =	spop (v2sf)  }
0x34: {  	_ =	swait.ge [sflag:s21], $0x180  }
0x35: {  	[sflag:s21] =	ssyncset.done $0x0  }
0x36: {  	[sflag:s21] =	ssyncadd.s32 $0xFFFFFE80  }
0x37: {  	_ =	swait.ge [sflag:s21], $0x80  }
0x38: {  	[sflag:s21] =	ssyncset.done $0x0  }
0x39: {  	s26 =	sadd.s32 $0x8000017F, s0;
	[sflag:s21] =	ssyncadd.s32 $0xFFFFFF80  }
0x3a: {  	s11 =	smulhi.u32 $0x2AAAAAAB, s26;
	s16 =	sshra.s32 s26, $0x1F;
	_ =	swait.ge [sflag:s21], $0x80  }
0x3b: {  	s16 =	smul.u32 $0x2AAAAAAB, s16;
	[sflag:s21] =	ssyncset.done $0x0  }
0x3c: {  	[sflag:s21] =	ssyncadd.s32 $0xFFFFFF80  }
0x3d: {  	s11 =	sadd.s32 s16, s11;
	_ =	swait.ge [sflag:s21], $0x80  }
0x3e: {  	s16 =	sshrl.u32 s11, $0x1F;
	s11 =	sshra.s32 s11, $0x6;
	[sflag:s21] =	ssyncset.done $0x0  }
0x3f: {  	s11 =	sadd.s32 s16, s11;
	[sflag:s21] =	ssyncadd.s32 $0xFFFFFF80  }
0x40: {  	s16 =	smul.u32 $0xFFFFFE80, s11;
	_ =	swait.ge [sflag:s21], $0x80  }
0x41: {  	s17 =	ssub.s32 $0x7FFFFE81, s0;
	[sflag:s21] =	ssyncset.done $0x0  }
0x42: {  	p0 =	slt.s32 s26, $0x1;
	p1 =	sne.s32 s16, s17;
	[sflag:s21] =	ssyncadd.s32 $0xFFFFFF80  }
0x43: {  	p0 =	por !p0, !p1;
	_ =	swait.ge [sflag:s21], $0x80  }
0x44: {  	s1 =	simm.s32 $0x1;
	p0 =	por !p0, !p0;
	[sflag:s21] =	ssyncset.done $0x0  }
0x45: {  	s1 =	simm.s32 @!p0 $0x0;
	[sflag:s21] =	ssyncadd.s32 $0xFFFFFF80  }
0x46: {  	s1 =	ssub.s32 s11, s1;
	_ =	swait.ge [sflag:s21], $0x80  }
0x47: {  	p0 =	sgt.s32 s1, $0x1;
	s11 =	smov.u32 s1;
	[sflag:s21] =	ssyncset.done $0x0  }
0x48: {  	s31 =	simm.s32 $0x12F00;
	s11 =	simm.s32 @!p0 $0x1;
	[sflag:s21] =	ssyncadd.s32 $0xFFFFFF80  }
0x49: {  	[tilespmem:s31], [sflag:$0x3] =	stream.indirect.gather [hbm4b:s3+s30], $0x30, s23, s30, $0xb8;
	[tilespmem:$0x1BF10] =	vst v63  }
0x4a: {  	s16 =	simm.s32 $0x14700;
	s11 =	smul.u32 $0x180, s11  }
0x4b: {  	[tilespmem:s16], [sflag:$0x3] =	stream.indirect.gather [hbm4b:s3+s30], $0x30, s25, s30, $0xb8;
	[tilespmem:$0x1BF10] =	vst v63  }
0x4c: {  	s16 =	sadd.s32 $0xFFFFFE80, s11  }
0x4d: {  	s17 =	simm.s32 $0x15F00;
	s11 =	smin.u32 s16, $0x180  }
0x4e: {  	[tilespmem:s17], [sflag:$0x3] =	stream.indirect.gather [hbm4b:s3+s30], $0x30, s28, s30, $0xb8;
	[tilespmem:$0x1BF10] =	vst v63  }
0x4f: {  	s11 =	sor.u32 s7, s11  }
0x50: {  	s11 =	sshrl.u32 s11, $0x3  }
0x51: {  	s18 =	sadd.s32 s6, s11  }
0x52: {  	[tilespmem:s20], [sflag:$0x2] =	stream.linear.gather [hbm4b:s18+s2], $0x180, $0x38;
	[tilespmem:$0x1BF10] =	vst v63  }
0x53: {  	p0 =	sgt.s32 s1, $0x2;
	s26 =	sadd.s32 s4, s11  }
0x54: {  	[tilespmem:s13], [sflag:$0x2] =	stream.linear.gather [hbm4b:s26+s2], $0x80, $0x38;
	[tilespmem:$0x1BF10] =	vst v63  }
0x55: {  	s1 =	simm.s32 @!p0 $0x2;
	s31 =	sadd.s32 s5, s11;
	s8 =	sadd.s32 $0x10, s11  }
0x56: {  	[tilespmem:s9], [sflag:$0x2] =	stream.linear.gather [hbm4b:s31+s2], $0x80, $0x38;
	[tilespmem:$0x1BF10] =	vst v63  }
0x57: {  	s29 =	simm.s32 $0x0;
	s1 =	sadd.s32 $0x1, s1;
	s18 =	sadd.s32 s4, s8  }
0x58: {  	[tilespmem:s10], [sflag:$0x2] =	stream.linear.gather [hbm4b:s18+s2], $0x80, $0x38;
	[tilespmem:$0x1BF10] =	vst v63  }
0x59: {  	s11 =	sadd.s32 $0x20, s11;
	s17 =	sadd.s32 s5, s8;
	s18 =	simm.s32 $0x12B00  }
0x5a: {  	[tilespmem:s18], [sflag:$0x2] =	stream.linear.gather [hbm4b:s17+s2], $0x80, $0x38;
	[tilespmem:$0x1BF10] =	vst v63  }
0x5b: {  	s26 =	sadd.s32 s4, s11;
	s11 =	sadd.s32 s5, s11;
	s31 =	simm.s32 $0x12B80  }
0x5c: {  	[tilespmem:s12], [sflag:$0x2] =	stream.linear.gather [hbm4b:s26+s2], $0x80, $0x38;
	[tilespmem:$0x1BF10] =	vst v63  }
0x5d: {  	s17 =	sxor.u32 $0x80000000, s0;
	s18 =	sshrl.u32 s1, $0x1;
	s26 =	sadd.s32 $0x7FFFFE80, s0  }
0x5e: {  	[tilespmem:s31], [sflag:$0x2] =	stream.linear.gather [hbm4b:s11+s2], $0x80, $0x38;
	[tilespmem:$0x1BF10] =	vst v63  }
.LBB2_2:
0x5f: {  	_ =	swait.ge [sflag:s14], $0x1800  }
0x60: {  	[sflag:s14] =	ssyncset.done $0x0  }
0x61: {  	[sflag:s14] =	ssyncadd.s32 $0xFFFFE800  }
0x62: {  	_ =	swait.ge [sflag:s14], $0x1800  }
0x63: {  	[sflag:s14] =	ssyncset.done $0x0  }
0x64: {  	[sflag:s14] =	ssyncadd.s32 $0xFFFFE800  }
0x65: {  	_ =	swait.ge [sflag:s14], $0x1800  }
0x66: {  	[sflag:s14] =	ssyncset.done $0x0  }
0x67: {  	[sflag:s14] =	ssyncadd.s32 $0xFFFFE800  }
0x68: {  	_ =	swait.ge [sflag:s15], $0x180  }
0x69: {  	[sflag:s15] =	ssyncset.done $0x0  }
0x6a: {  	[sflag:s15] =	ssyncadd.s32 $0xFFFFFE80  }
0x6b: {  	_ =	swait.ge [sflag:s15], $0x80  }
0x6c: {  	[sflag:s15] =	ssyncset.done $0x0  }
0x6d: {  	[sflag:s15] =	ssyncadd.s32 $0xFFFFFF80  }
0x6e: {  	_ =	swait.ge [sflag:s15], $0x80  }
0x6f: {  	[sflag:s15] =	ssyncset.done $0x0  }
0x70: {  	[sflag:s15] =	ssyncadd.s32 $0xFFFFFF80  }
0x71: {  	_ =	swait.ge [sflag:s15], $0x80  }
0x72: {  	[sflag:s15] =	ssyncset.done $0x0  }
0x73: {  	[sflag:s15] =	ssyncadd.s32 $0xFFFFFF80  }
0x74: {  	_ =	swait.ge [sflag:s15], $0x80  }
0x75: {  	[sflag:s15] =	ssyncset.done $0x0  }
0x76: {  	[sflag:s15] =	ssyncadd.s32 $0xFFFFFF80  }
0x77: {  	_ =	swait.ge [sflag:s15], $0x80  }
0x78: {  	[sflag:s15] =	ssyncset.done $0x0  }
0x79: {  	[sflag:s15] =	ssyncadd.s32 $0xFFFFFF80  }
0x7a: {  	_ =	swait.ge [sflag:s15], $0x80  }
0x7b: {  	[sflag:s15] =	ssyncset.done $0x0  }
0x7c: {  	s0 =	simm.s32 $0x17700;
	[sflag:s15] =	ssyncadd.s32 $0xFFFFFF80  }
0x7d: {  	[tilespmem:s0], [sflag:$0x4] =	stream.indirect.gather [hbm4b:s3+s30], $0x30, s13, s30, $0xb8;
	[tilespmem:$0x1BF10] =	vst v63  }
0x7e: {  	s11 =	simm.s32 $0x18F00;
	s31 =	smul.u32 $0xFFFFFD00, s29;
	s1 =	simm.s32 $0x0  }
0x7f: {  	[tilespmem:s11], [sflag:$0x4] =	stream.indirect.gather [hbm4b:s3+s30], $0x30, s10, s30, $0xb8;
	[tilespmem:$0x1BF10] =	vst v63  }
0x80: {  	s13 =	simm.s32 $0x1A700;
	s0 =	sadd.s32 s17, s31;
	s11 =	simm.s32 $0x12F60  }
0x81: {  	v3 =	vmov s0;
	[tilespmem:s13], [sflag:$0x4] =	stream.indirect.gather [hbm4b:s3+s30], $0x30, s12, s30, $0xb8;
	[tilespmem:$0x1BF10] =	vst v63  }
.LBB2_3:
0x82: {  	v4 =	vmov s1;
	_ =	sdelay $0x4  }
0x83: {  	v5 =	vld.idx.msk [tilespmem:v4+s24+$0x0], $0xffff;
	_ =	sdelay $0x3  }
0x84: {  	v6 =	vld.idx.msk [tilespmem:v4+s22+$0x0], $0xffff  }
0x85: {  	v7 =	vld [tilespmem:s11+$0xFFFFFFA0];
	v5 =	vmul.u32 $0x30, v5;
	_ =	sdelay $0x1  }
0x86: {  	v8 =	vor.u32 v0, v5  }
0x87: {  	vm0 =	vlt.s32 v4, v3  }
0x88: {  	v4 =	vnsel vm0, $0x0, v6  }
0x89: {  	v6 =	vmul.f32 v7, v4;
	_ =	sdelay $0x1  }
0x8a: {  	[tilespmem:v8+s2+$0x0] =	vst.idx.add.f32.msk $0xffff, v6  }
0x8b: {  	v6 =	vld [tilespmem:s11+$0xFFFFFFB0];
	_ =	sdelay $0x1  }
0x8c: {  	v51 =	vadd.s32 v1, v5;
	_ =	sdelay $0x2  }
0x8d: {  	v6 =	vmul.f32 v6, v4;
	_ =	sdelay $0x1  }
0x8e: {  	[tilespmem:v51+s2+$0x0] =	vst.idx.add.f32.msk $0xffff, v6  }
0x8f: {  	v6 =	vld [tilespmem:s11+$0xFFFFFFC0];
	_ =	sdelay $0x1  }
0x90: {  	s13 =	sadd.s32 $0x1, s1;
	v5 =	vadd.s32 v2, v5  }
0x91: {  	v52 =	vmov s13;
	_ =	sdelay $0x1  }
0x92: {  	v4 =	vmul.f32 v6, v4;
	_ =	sdelay $0x1  }
0x93: {  	[tilespmem:v5+s2+$0x0] =	vst.idx.add.f32.msk $0xffff, v4  }
0x94: {  	v4 =	vld.idx.msk [tilespmem:v52+s24+$0x0], $0xffff;
	_ =	sdelay $0x3  }
0x95: {  	v5 =	vld.idx.msk [tilespmem:v52+s22+$0x0], $0xffff  }
0x96: {  	v53 =	vld [tilespmem:s11+$0xFFFFFFD0];
	v4 =	vmul.u32 $0x30, v4;
	_ =	sdelay $0x1  }
0x97: {  	v54 =	vor.u32 v0, v4  }
0x98: {  	vm13 =	vlt.s32 v52, v3  }
0x99: {  	v5 =	vnsel vm13, $0x0, v5  }
0x9a: {  	v6 =	vmul.f32 v53, v5;
	_ =	sdelay $0x1  }
0x9b: {  	[tilespmem:v54+s2+$0x0] =	vst.idx.add.f32.msk $0xffff, v6  }
0x9c: {  	v6 =	vld [tilespmem:s11+$0xFFFFFFE0];
	_ =	sdelay $0x1  }
0x9d: {  	v55 =	vadd.s32 v1, v4;
	_ =	sdelay $0x2  }
0x9e: {  	v6 =	vmul.f32 v6, v5;
	_ =	sdelay $0x1  }
0x9f: {  	[tilespmem:v55+s2+$0x0] =	vst.idx.add.f32.msk $0xffff, v6  }
0xa0: {  	v6 =	vld [tilespmem:s11+$0xFFFFFFF0];
	_ =	sdelay $0x1  }
0xa1: {  	s8 =	sadd.s32 $0x2, s1;
	v4 =	vadd.s32 v2, v4  }
0xa2: {  	v56 =	vmov s8;
	_ =	sdelay $0x1  }
0xa3: {  	v5 =	vmul.f32 v6, v5;
	_ =	sdelay $0x1  }
0xa4: {  	[tilespmem:v4+s2+$0x0] =	vst.idx.add.f32.msk $0xffff, v5  }
0xa5: {  	v4 =	vld.idx.msk [tilespmem:v56+s24+$0x0], $0xffff;
	_ =	sdelay $0x3  }
0xa6: {  	v5 =	vld.idx.msk [tilespmem:v56+s22+$0x0], $0xffff  }
0xa7: {  	v57 =	vld [tilespmem:s11+$0x0];
	v4 =	vmul.u32 $0x30, v4;
	_ =	sdelay $0x1  }
0xa8: {  	v58 =	vor.u32 v0, v4  }
0xa9: {  	vm14 =	vlt.s32 v56, v3  }
0xaa: {  	v5 =	vnsel vm14, $0x0, v5  }
0xab: {  	v6 =	vmul.f32 v57, v5;
	_ =	sdelay $0x1  }
0xac: {  	[tilespmem:v58+s2+$0x0] =	vst.idx.add.f32.msk $0xffff, v6  }
0xad: {  	v6 =	vld [tilespmem:s11+$0x10];
	_ =	sdelay $0x1  }
0xae: {  	v59 =	vadd.s32 v1, v4;
	_ =	sdelay $0x2  }
0xaf: {  	v6 =	vmul.f32 v6, v5;
	_ =	sdelay $0x1  }
0xb0: {  	[tilespmem:v59+s2+$0x0] =	vst.idx.add.f32.msk $0xffff, v6  }
0xb1: {  	v6 =	vld [tilespmem:s11+$0x20];
	_ =	sdelay $0x1  }
0xb2: {  	s8 =	sadd.s32 $0x3, s1;
	v4 =	vadd.s32 v2, v4  }
0xb3: {  	v60 =	vmov s8;
	_ =	sdelay $0x1  }
0xb4: {  	v5 =	vmul.f32 v6, v5;
	_ =	sdelay $0x1  }
0xb5: {  	[tilespmem:v4+s2+$0x0] =	vst.idx.add.f32.msk $0xffff, v5  }
0xb6: {  	v4 =	vld.idx.msk [tilespmem:v60+s24+$0x0], $0xffff;
	_ =	sdelay $0x3  }
0xb7: {  	v5 =	vld.idx.msk [tilespmem:v60+s22+$0x0], $0xffff  }
0xb8: {  	v61 =	vld [tilespmem:s11+$0x30];
	v4 =	vmul.u32 $0x30, v4;
	_ =	sdelay $0x1  }
0xb9: {  	v62 =	vor.u32 v0, v4  }
0xba: {  	vm15 =	vlt.s32 v60, v3  }
0xbb: {  	v5 =	vnsel vm15, $0x0, v5  }
0xbc: {  	v6 =	vmul.f32 v61, v5;
	_ =	sdelay $0x1  }
0xbd: {  	[tilespmem:v62+s2+$0x0] =	vst.idx.add.f32.msk $0xffff, v6  }
0xbe: {  	v6 =	vld [tilespmem:s11+$0x40];
	_ =	sdelay $0x1  }
0xbf: {  	v63 =	vadd.s32 v1, v4;
	_ =	sdelay $0x2  }
0xc0: {  	v6 =	vmul.f32 v6, v5;
	_ =	sdelay $0x1  }
0xc1: {  	[tilespmem:v63+s2+$0x0] =	vst.idx.add.f32.msk $0xffff, v6  }
0xc2: {  	v6 =	vld [tilespmem:s11+$0x50];
	_ =	sdelay $0x1  }
0xc3: {  	p0 =	sne.s32 s1, $0x7C;
	v4 =	vadd.s32 v2, v4  }
.Ltmp0:
0xc4: {  	_ = 	snop;
	(pc) =	sbr.rel @p0 .LBB2_3-.Ltmp0, $3  }
0xc5: {  	_ = 	snop  }
0xc6: {  	v5 =	vmul.f32 v6, v5;
	_ =	sdelay $0x1  }
0xc7: {  	s1 =	sadd.s32 $0x4, s1;
	s11 =	sadd.s32 $0xC0, s11;
	[tilespmem:v4+s2+$0x0] =	vst.idx.add.f32.msk $0xffff, v5  }
0xc8: {  	s1 =	sadd.s32 $0xFFFFFF80, s0  }
0xc9: {  	s11 =	simm.s32 $0x147B0;
	v3 =	vmov s1;
	s1 =	simm.s32 $0x0  }
.LBB2_5:
0xca: {  	v4 =	vmov s1  }
0xcb: {  	v5 =	vor.u32 $0x80, v4;
	_ =	sdelay $0x4  }
0xcc: {  	v6 =	vld.idx.msk [tilespmem:v5+s24+$0x0], $0xffff;
	_ =	sdelay $0x3  }
0xcd: {  	v5 =	vld.idx.msk [tilespmem:v5+s22+$0x0], $0xffff  }
0xce: {  	v7 =	vld [tilespmem:s11+$0xFFFFFF50];
	v6 =	vmul.u32 $0x30, v6;
	_ =	sdelay $0x1  }
0xcf: {  	v8 =	vor.u32 v0, v6  }
0xd0: {  	vm0 =	vlt.s32 v4, v3  }
0xd1: {  	v4 =	vnsel vm0, $0x0, v5  }
0xd2: {  	v5 =	vmul.f32 v7, v4;
	_ =	sdelay $0x1  }
0xd3: {  	[tilespmem:v8+s2+$0x0] =	vst.idx.add.f32.msk $0xffff, v5  }
0xd4: {  	v5 =	vld [tilespmem:s11+$0xFFFFFF60];
	_ =	sdelay $0x1  }
0xd5: {  	v49 =	vadd.s32 v1, v6;
	_ =	sdelay $0x2  }
0xd6: {  	v5 =	vmul.f32 v5, v4;
	_ =	sdelay $0x1  }
0xd7: {  	[tilespmem:v49+s2+$0x0] =	vst.idx.add.f32.msk $0xffff, v5  }
0xd8: {  	v5 =	vld [tilespmem:s11+$0xFFFFFF70]  }
0xd9: {  	s13 =	sadd.s32 $0x1, s1  }
0xda: {  	v50 =	vmov s13;
	v6 =	vadd.s32 v2, v6  }
0xdb: {  	v51 =	vor.u32 $0x80, v50;
	_ =	sdelay $0x1  }
0xdc: {  	v4 =	vmul.f32 v5, v4;
	_ =	sdelay $0x1  }
0xdd: {  	[tilespmem:v6+s2+$0x0] =	vst.idx.add.f32.msk $0xffff, v4  }
0xde: {  	v4 =	vld.idx.msk [tilespmem:v51+s24+$0x0], $0xffff;
	_ =	sdelay $0x3  }
0xdf: {  	v5 =	vld.idx.msk [tilespmem:v51+s22+$0x0], $0xffff  }
0xe0: {  	v6 =	vld [tilespmem:s11+$0xFFFFFF80];
	v4 =	vmul.u32 $0x30, v4;
	_ =	sdelay $0x1  }
0xe1: {  	v52 =	vor.u32 v0, v4  }
0xe2: {  	vm13 =	vlt.s32 v50, v3  }
0xe3: {  	v5 =	vnsel vm13, $0x0, v5  }
0xe4: {  	v6 =	vmul.f32 v6, v5;
	_ =	sdelay $0x1  }
0xe5: {  	[tilespmem:v52+s2+$0x0] =	vst.idx.add.f32.msk $0xffff, v6  }
0xe6: {  	v6 =	vld [tilespmem:s11+$0xFFFFFF90];
	_ =	sdelay $0x1  }
0xe7: {  	v53 =	vadd.s32 v1, v4;
	_ =	sdelay $0x2  }
0xe8: {  	v6 =	vmul.f32 v6, v5;
	_ =	sdelay $0x1  }
0xe9: {  	[tilespmem:v53+s2+$0x0] =	vst.idx.add.f32.msk $0xffff, v6  }
0xea: {  	v6 =	vld [tilespmem:s11+$0xFFFFFFA0]  }
0xeb: {  	s8 =	sadd.s32 $0x2, s1  }
0xec: {  	v54 =	vmov s8;
	v4 =	vadd.s32 v2, v4  }
0xed: {  	v55 =	vor.u32 $0x80, v54;
	_ =	sdelay $0x1  }
0xee: {  	v5 =	vmul.f32 v6, v5;
	_ =	sdelay $0x1  }
0xef: {  	[tilespmem:v4+s2+$0x0] =	vst.idx.add.f32.msk $0xffff, v5  }
0xf0: {  	v4 =	vld.idx.msk [tilespmem:v55+s24+$0x0], $0xffff;
	_ =	sdelay $0x3  }
0xf1: {  	v5 =	vld.idx.msk [tilespmem:v55+s22+$0x0], $0xffff  }
0xf2: {  	v56 =	vld [tilespmem:s11+$0xFFFFFFB0];
	v4 =	vmul.u32 $0x30, v4;
	_ =	sdelay $0x1  }
0xf3: {  	v57 =	vor.u32 v0, v4  }
0xf4: {  	vm14 =	vlt.s32 v54, v3  }
0xf5: {  	v5 =	vnsel vm14, $0x0, v5  }
0xf6: {  	v6 =	vmul.f32 v56, v5;
	_ =	sdelay $0x1  }
0xf7: {  	[tilespmem:v57+s2+$0x0] =	vst.idx.add.f32.msk $0xffff, v6  }
0xf8: {  	v6 =	vld [tilespmem:s11+$0xFFFFFFC0];
	_ =	sdelay $0x1  }
0xf9: {  	v58 =	vadd.s32 v1, v4;
	_ =	sdelay $0x2  }
0xfa: {  	v6 =	vmul.f32 v6, v5;
	_ =	sdelay $0x1  }
0xfb: {  	[tilespmem:v58+s2+$0x0] =	vst.idx.add.f32.msk $0xffff, v6  }
0xfc: {  	v6 =	vld [tilespmem:s11+$0xFFFFFFD0]  }
0xfd: {  	s8 =	sadd.s32 $0x3, s1  }
0xfe: {  	v59 =	vmov s8;
	v4 =	vadd.s32 v2, v4  }
0xff: {  	v60 =	vor.u32 $0x80, v59;
	_ =	sdelay $0x1  }
0x100: {  	v5 =	vmul.f32 v6, v5;
	_ =	sdelay $0x1  }
0x101: {  	[tilespmem:v4+s2+$0x0] =	vst.idx.add.f32.msk $0xffff, v5  }
0x102: {  	v4 =	vld.idx.msk [tilespmem:v60+s24+$0x0], $0xffff;
	_ =	sdelay $0x3  }
0x103: {  	v5 =	vld.idx.msk [tilespmem:v60+s22+$0x0], $0xffff  }
0x104: {  	v61 =	vld [tilespmem:s11+$0xFFFFFFE0];
	v4 =	vmul.u32 $0x30, v4;
	_ =	sdelay $0x1  }
0x105: {  	v62 =	vor.u32 v0, v4  }
0x106: {  	vm15 =	vlt.s32 v59, v3  }
0x107: {  	v5 =	vnsel vm15, $0x0, v5  }
0x108: {  	v6 =	vmul.f32 v61, v5;
	_ =	sdelay $0x1  }
0x109: {  	[tilespmem:v62+s2+$0x0] =	vst.idx.add.f32.msk $0xffff, v6  }
0x10a: {  	v6 =	vld [tilespmem:s11+$0xFFFFFFF0];
	_ =	sdelay $0x1  }
0x10b: {  	v63 =	vadd.s32 v1, v4;
	_ =	sdelay $0x2  }
0x10c: {  	v6 =	vmul.f32 v6, v5;
	_ =	sdelay $0x1  }
0x10d: {  	[tilespmem:v63+s2+$0x0] =	vst.idx.add.f32.msk $0xffff, v6  }
0x10e: {  	v6 =	vld [tilespmem:s11+$0x0];
	_ =	sdelay $0x1  }
0x10f: {  	p0 =	sne.s32 s1, $0x7C;
	v4 =	vadd.s32 v2, v4  }
.Ltmp1:
0x110: {  	_ = 	snop;
	(pc) =	sbr.rel @p0 .LBB2_5-.Ltmp1, $3  }
0x111: {  	_ = 	snop  }
0x112: {  	v5 =	vmul.f32 v6, v5;
	_ =	sdelay $0x1  }
0x113: {  	s1 =	sadd.s32 $0x4, s1;
	s11 =	sadd.s32 $0xC0, s11;
	[tilespmem:v4+s2+$0x0] =	vst.idx.add.f32.msk $0xffff, v5  }
0x114: {  	s0 =	sadd.s32 $0xFFFFFF00, s0  }
0x115: {  	s1 =	simm.s32 $0x15FB0;
	v3 =	vmov s0;
	s0 =	simm.s32 $0x0  }
.LBB2_7:
0x116: {  	v4 =	vmov s0  }
0x117: {  	v5 =	vor.u32 $0x100, v4;
	_ =	sdelay $0x4  }
0x118: {  	v6 =	vld.idx.msk [tilespmem:v5+s24+$0x0], $0xffff;
	_ =	sdelay $0x3  }
0x119: {  	v5 =	vld.idx.msk [tilespmem:v5+s22+$0x0], $0xffff  }
0x11a: {  	v7 =	vld [tilespmem:s1+$0xFFFFFF50];
	v6 =	vmul.u32 $0x30, v6;
	_ =	sdelay $0x1  }
0x11b: {  	v8 =	vor.u32 v0, v6  }
0x11c: {  	vm0 =	vlt.s32 v4, v3  }
0x11d: {  	v4 =	vnsel vm0, $0x0, v5  }
0x11e: {  	v5 =	vmul.f32 v7, v4;
	_ =	sdelay $0x1  }
0x11f: {  	[tilespmem:v8+s2+$0x0] =	vst.idx.add.f32.msk $0xffff, v5  }
0x120: {  	v5 =	vld [tilespmem:s1+$0xFFFFFF60];
	_ =	sdelay $0x1  }
0x121: {  	v49 =	vadd.s32 v1, v6;
	_ =	sdelay $0x2  }
0x122: {  	v5 =	vmul.f32 v5, v4;
	_ =	sdelay $0x1  }
0x123: {  	[tilespmem:v49+s2+$0x0] =	vst.idx.add.f32.msk $0xffff, v5  }
0x124: {  	v5 =	vld [tilespmem:s1+$0xFFFFFF70]  }
0x125: {  	s11 =	sadd.s32 $0x1, s0  }
0x126: {  	v50 =	vmov s11;
	v6 =	vadd.s32 v2, v6  }
0x127: {  	v51 =	vor.u32 $0x100, v50;
	_ =	sdelay $0x1  }
0x128: {  	v4 =	vmul.f32 v5, v4;
	_ =	sdelay $0x1  }
0x129: {  	[tilespmem:v6+s2+$0x0] =	vst.idx.add.f32.msk $0xffff, v4  }
0x12a: {  	v4 =	vld.idx.msk [tilespmem:v51+s24+$0x0], $0xffff;
	_ =	sdelay $0x3  }
0x12b: {  	v5 =	vld.idx.msk [tilespmem:v51+s22+$0x0], $0xffff  }
0x12c: {  	v6 =	vld [tilespmem:s1+$0xFFFFFF80];
	v4 =	vmul.u32 $0x30, v4;
	_ =	sdelay $0x1  }
0x12d: {  	v52 =	vor.u32 v0, v4  }
0x12e: {  	vm13 =	vlt.s32 v50, v3  }
0x12f: {  	v5 =	vnsel vm13, $0x0, v5  }
0x130: {  	v6 =	vmul.f32 v6, v5;
	_ =	sdelay $0x1  }
0x131: {  	[tilespmem:v52+s2+$0x0] =	vst.idx.add.f32.msk $0xffff, v6  }
0x132: {  	v6 =	vld [tilespmem:s1+$0xFFFFFF90];
	_ =	sdelay $0x1  }
0x133: {  	v53 =	vadd.s32 v1, v4;
	_ =	sdelay $0x2  }
0x134: {  	v6 =	vmul.f32 v6, v5;
	_ =	sdelay $0x1  }
0x135: {  	[tilespmem:v53+s2+$0x0] =	vst.idx.add.f32.msk $0xffff, v6  }
0x136: {  	v6 =	vld [tilespmem:s1+$0xFFFFFFA0]  }
0x137: {  	s8 =	sadd.s32 $0x2, s0  }
0x138: {  	v54 =	vmov s8;
	v4 =	vadd.s32 v2, v4  }
0x139: {  	v55 =	vor.u32 $0x100, v54;
	_ =	sdelay $0x1  }
0x13a: {  	v5 =	vmul.f32 v6, v5;
	_ =	sdelay $0x1  }
0x13b: {  	[tilespmem:v4+s2+$0x0] =	vst.idx.add.f32.msk $0xffff, v5  }
0x13c: {  	v4 =	vld.idx.msk [tilespmem:v55+s24+$0x0], $0xffff;
	_ =	sdelay $0x3  }
0x13d: {  	v5 =	vld.idx.msk [tilespmem:v55+s22+$0x0], $0xffff  }
0x13e: {  	v56 =	vld [tilespmem:s1+$0xFFFFFFB0];
	v4 =	vmul.u32 $0x30, v4;
	_ =	sdelay $0x1  }
0x13f: {  	v57 =	vor.u32 v0, v4  }
0x140: {  	vm14 =	vlt.s32 v54, v3  }
0x141: {  	v5 =	vnsel vm14, $0x0, v5  }
0x142: {  	v6 =	vmul.f32 v56, v5;
	_ =	sdelay $0x1  }
0x143: {  	[tilespmem:v57+s2+$0x0] =	vst.idx.add.f32.msk $0xffff, v6  }
0x144: {  	v6 =	vld [tilespmem:s1+$0xFFFFFFC0];
	_ =	sdelay $0x1  }
0x145: {  	v58 =	vadd.s32 v1, v4;
	_ =	sdelay $0x2  }
0x146: {  	v6 =	vmul.f32 v6, v5;
	_ =	sdelay $0x1  }
0x147: {  	[tilespmem:v58+s2+$0x0] =	vst.idx.add.f32.msk $0xffff, v6  }
0x148: {  	v6 =	vld [tilespmem:s1+$0xFFFFFFD0]  }
0x149: {  	s13 =	sadd.s32 $0x3, s0  }
0x14a: {  	v59 =	vmov s13;
	v4 =	vadd.s32 v2, v4  }
0x14b: {  	v60 =	vor.u32 $0x100, v59;
	_ =	sdelay $0x1  }
0x14c: {  	v5 =	vmul.f32 v6, v5;
	_ =	sdelay $0x1  }
0x14d: {  	[tilespmem:v4+s2+$0x0] =	vst.idx.add.f32.msk $0xffff, v5  }
0x14e: {  	v4 =	vld.idx.msk [tilespmem:v60+s24+$0x0], $0xffff;
	_ =	sdelay $0x3  }
0x14f: {  	v5 =	vld.idx.msk [tilespmem:v60+s22+$0x0], $0xffff  }
0x150: {  	v61 =	vld [tilespmem:s1+$0xFFFFFFE0];
	v4 =	vmul.u32 $0x30, v4;
	_ =	sdelay $0x1  }
0x151: {  	v62 =	vor.u32 v0, v4  }
0x152: {  	vm15 =	vlt.s32 v59, v3  }
0x153: {  	v5 =	vnsel vm15, $0x0, v5  }
0x154: {  	v6 =	vmul.f32 v61, v5;
	_ =	sdelay $0x1  }
0x155: {  	[tilespmem:v62+s2+$0x0] =	vst.idx.add.f32.msk $0xffff, v6  }
0x156: {  	v6 =	vld [tilespmem:s1+$0xFFFFFFF0];
	_ =	sdelay $0x1  }
0x157: {  	v63 =	vadd.s32 v1, v4;
	_ =	sdelay $0x2  }
0x158: {  	v6 =	vmul.f32 v6, v5;
	_ =	sdelay $0x1  }
0x159: {  	[tilespmem:v63+s2+$0x0] =	vst.idx.add.f32.msk $0xffff, v6  }
0x15a: {  	v6 =	vld [tilespmem:s1+$0x0];
	_ =	sdelay $0x1  }
0x15b: {  	p0 =	sne.s32 s0, $0x7C;
	v4 =	vadd.s32 v2, v4  }
.Ltmp2:
0x15c: {  	_ = 	snop;
	(pc) =	sbr.rel @p0 .LBB2_7-.Ltmp2, $3  }
0x15d: {  	_ = 	snop  }
0x15e: {  	v5 =	vmul.f32 v6, v5;
	_ =	sdelay $0x1  }
0x15f: {  	s0 =	sadd.s32 $0x4, s0;
	s1 =	sadd.s32 $0xC0, s1;
	[tilespmem:v4+s2+$0x0] =	vst.idx.add.f32.msk $0xffff, v5  }
0x160: {  	s0 =	smul.u32 $0x300, s29;
	_ =	sdelay $0x1  }
0x161: {  	s1 =	sadd.s32 $0x300, s0  }
0x162: {  	s11 =	smov.u32 s16;
	p0 =	slt.s32 s1, s16  }
0x163: {  	s11 =	smov.u32 @p0 s1  }
0x164: {  	s11 =	sadd.s32 s7, s11  }
0x165: {  	s13 =	sshrl.u32 s11, $0x3  }
0x166: {  	s1 =	simm.s32 $0x0;
	s8 =	sadd.s32 s6, s13  }
0x167: {  	[tilespmem:s22], [sflag:$0x1] =	stream.linear.gather [hbm4b:s8+s1], $0x180, $0x38;
	[tilespmem:$0x1BF10] =	vst v63  }
0x168: {  	s8 =	sadd.s32 s4, s13  }
0x169: {  	[tilespmem:s23], [sflag:$0x1] =	stream.linear.gather [hbm4b:s8+s1], $0x80, $0x38;
	[tilespmem:$0x1BF10] =	vst v63  }
0x16a: {  	s13 =	sadd.s32 s5, s13  }
0x16b: {  	[tilespmem:s24], [sflag:$0x1] =	stream.linear.gather [hbm4b:s13+s1], $0x80, $0x38;
	[tilespmem:$0x1BF10] =	vst v63  }
0x16c: {  	s13 =	sadd.s32 $0x80, s11  }
0x16d: {  	s8 =	sshrl.u32 s13, $0x3  }
0x16e: {  	s13 =	sadd.s32 s4, s8  }
0x16f: {  	[tilespmem:s25], [sflag:$0x1] =	stream.linear.gather [hbm4b:s13+s1], $0x80, $0x38;
	[tilespmem:$0x1BF10] =	vst v63  }
0x170: {  	s11 =	sadd.s32 $0x100, s11;
	s8 =	sadd.s32 s5, s8;
	s13 =	simm.s32 $0x12980  }
0x171: {  	[tilespmem:s13], [sflag:$0x1] =	stream.linear.gather [hbm4b:s8+s1], $0x80, $0x38;
	[tilespmem:$0x1BF10] =	vst v63  }
0x172: {  	s8 =	sshrl.u32 s11, $0x3  }
0x173: {  	s13 =	sadd.s32 s4, s8  }
0x174: {  	[tilespmem:s28], [sflag:$0x1] =	stream.linear.gather [hbm4b:s13+s1], $0x80, $0x38;
	[tilespmem:$0x1BF10] =	vst v63  }
0x175: {  	s8 =	sadd.s32 s5, s8;
	s13 =	simm.s32 $0x12A00  }
0x176: {  	[tilespmem:s13], [sflag:$0x1] =	stream.linear.gather [hbm4b:s8+s1], $0x80, $0x38;
	[tilespmem:$0x1BF10] =	vst v63  }
0x177: {  	_ =	swait.ge [sflag:s19], $0x1800  }
0x178: {  	[sflag:s19] =	ssyncset.done $0x0  }
0x179: {  	[sflag:s19] =	ssyncadd.s32 $0xFFFFE800  }
0x17a: {  	_ =	swait.ge [sflag:s19], $0x1800  }
0x17b: {  	[sflag:s19] =	ssyncset.done $0x0  }
0x17c: {  	[sflag:s19] =	ssyncadd.s32 $0xFFFFE800  }
0x17d: {  	_ =	swait.ge [sflag:s19], $0x1800  }
0x17e: {  	[sflag:s19] =	ssyncset.done $0x0  }
0x17f: {  	[sflag:s19] =	ssyncadd.s32 $0xFFFFE800  }
0x180: {  	_ =	swait.ge [sflag:s21], $0x180  }
0x181: {  	[sflag:s21] =	ssyncset.done $0x0  }
0x182: {  	[sflag:s21] =	ssyncadd.s32 $0xFFFFFE80  }
0x183: {  	_ =	swait.ge [sflag:s21], $0x80  }
0x184: {  	[sflag:s21] =	ssyncset.done $0x0  }
0x185: {  	[sflag:s21] =	ssyncadd.s32 $0xFFFFFF80  }
0x186: {  	_ =	swait.ge [sflag:s21], $0x80  }
0x187: {  	[sflag:s21] =	ssyncset.done $0x0  }
0x188: {  	[sflag:s21] =	ssyncadd.s32 $0xFFFFFF80  }
0x189: {  	_ =	swait.ge [sflag:s21], $0x80  }
0x18a: {  	[sflag:s21] =	ssyncset.done $0x0  }
0x18b: {  	[sflag:s21] =	ssyncadd.s32 $0xFFFFFF80  }
0x18c: {  	_ =	swait.ge [sflag:s21], $0x80  }
0x18d: {  	[sflag:s21] =	ssyncset.done $0x0  }
0x18e: {  	[sflag:s21] =	ssyncadd.s32 $0xFFFFFF80  }
0x18f: {  	_ =	swait.ge [sflag:s21], $0x80  }
0x190: {  	[sflag:s21] =	ssyncset.done $0x0  }
0x191: {  	[sflag:s21] =	ssyncadd.s32 $0xFFFFFF80  }
0x192: {  	_ =	swait.ge [sflag:s21], $0x80  }
0x193: {  	[sflag:s21] =	ssyncset.done $0x0  }
0x194: {  	s13 =	simm.s32 $0x12F00;
	[sflag:s21] =	ssyncadd.s32 $0xFFFFFF80  }
0x195: {  	[tilespmem:s13], [sflag:$0x3] =	stream.indirect.gather [hbm4b:s3+s30], $0x30, s23, s30, $0xb8;
	[tilespmem:$0x1BF10] =	vst v63  }
0x196: {  	s11 =	simm.s32 $0x14700  }
0x197: {  	[tilespmem:s11], [sflag:$0x3] =	stream.indirect.gather [hbm4b:s3+s30], $0x30, s25, s30, $0xb8;
	[tilespmem:$0x1BF10] =	vst v63  }
0x198: {  	s31 =	sadd.s32 s31, s26;
	s13 =	simm.s32 $0x15F00;
	s11 =	simm.s32 $0x17760  }
0x199: {  	v3 =	vmov s31;
	[tilespmem:s13], [sflag:$0x3] =	stream.indirect.gather [hbm4b:s3+s30], $0x30, s28, s30, $0xb8;
	[tilespmem:$0x1BF10] =	vst v63  }
.LBB2_9:
0x19a: {  	v4 =	vmov s1;
	_ =	sdelay $0x4  }
0x19b: {  	v5 =	vld.idx.msk [tilespmem:v4+s9+$0x0], $0xffff;
	_ =	sdelay $0x3  }
0x19c: {  	v6 =	vld.idx.msk [tilespmem:v4+s20+$0x0], $0xffff  }
0x19d: {  	v7 =	vld [tilespmem:s11+$0xFFFFFFA0];
	v5 =	vmul.u32 $0x30, v5;
	_ =	sdelay $0x1  }
0x19e: {  	v8 =	vor.u32 v0, v5  }
0x19f: {  	vm0 =	vlt.s32 v4, v3  }
0x1a0: {  	v4 =	vnsel vm0, $0x0, v6  }
0x1a1: {  	v6 =	vmul.f32 v7, v4;
	_ =	sdelay $0x1  }
0x1a2: {  	[tilespmem:v8+s2+$0x0] =	vst.idx.add.f32.msk $0xffff, v6  }
0x1a3: {  	v6 =	vld [tilespmem:s11+$0xFFFFFFB0];
	_ =	sdelay $0x1  }
0x1a4: {  	v51 =	vadd.s32 v1, v5;
	_ =	sdelay $0x2  }
0x1a5: {  	v6 =	vmul.f32 v6, v4;
	_ =	sdelay $0x1  }
0x1a6: {  	[tilespmem:v51+s2+$0x0] =	vst.idx.add.f32.msk $0xffff, v6  }
0x1a7: {  	v6 =	vld [tilespmem:s11+$0xFFFFFFC0];
	_ =	sdelay $0x1  }
0x1a8: {  	s8 =	sadd.s32 $0x1, s1;
	v5 =	vadd.s32 v2, v5  }
0x1a9: {  	v52 =	vmov s8;
	_ =	sdelay $0x1  }
0x1aa: {  	v4 =	vmul.f32 v6, v4;
	_ =	sdelay $0x1  }
0x1ab: {  	[tilespmem:v5+s2+$0x0] =	vst.idx.add.f32.msk $0xffff, v4  }
0x1ac: {  	v4 =	vld.idx.msk [tilespmem:v52+s9+$0x0], $0xffff;
	_ =	sdelay $0x3  }
0x1ad: {  	v5 =	vld.idx.msk [tilespmem:v52+s20+$0x0], $0xffff  }
0x1ae: {  	v53 =	vld [tilespmem:s11+$0xFFFFFFD0];
	v4 =	vmul.u32 $0x30, v4;
	_ =	sdelay $0x1  }
0x1af: {  	v54 =	vor.u32 v0, v4  }
0x1b0: {  	vm13 =	vlt.s32 v52, v3  }
0x1b1: {  	v5 =	vnsel vm13, $0x0, v5  }
0x1b2: {  	v6 =	vmul.f32 v53, v5;
	_ =	sdelay $0x1  }
0x1b3: {  	[tilespmem:v54+s2+$0x0] =	vst.idx.add.f32.msk $0xffff, v6  }
0x1b4: {  	v6 =	vld [tilespmem:s11+$0xFFFFFFE0];
	_ =	sdelay $0x1  }
0x1b5: {  	v55 =	vadd.s32 v1, v4;
	_ =	sdelay $0x2  }
0x1b6: {  	v6 =	vmul.f32 v6, v5;
	_ =	sdelay $0x1  }
0x1b7: {  	[tilespmem:v55+s2+$0x0] =	vst.idx.add.f32.msk $0xffff, v6  }
0x1b8: {  	v6 =	vld [tilespmem:s11+$0xFFFFFFF0];
	_ =	sdelay $0x1  }
0x1b9: {  	s13 =	sadd.s32 $0x2, s1;
	v4 =	vadd.s32 v2, v4  }
0x1ba: {  	v56 =	vmov s13;
	_ =	sdelay $0x1  }
0x1bb: {  	v5 =	vmul.f32 v6, v5;
	_ =	sdelay $0x1  }
0x1bc: {  	[tilespmem:v4+s2+$0x0] =	vst.idx.add.f32.msk $0xffff, v5  }
0x1bd: {  	v4 =	vld.idx.msk [tilespmem:v56+s9+$0x0], $0xffff;
	_ =	sdelay $0x3  }
0x1be: {  	v5 =	vld.idx.msk [tilespmem:v56+s20+$0x0], $0xffff  }
0x1bf: {  	v57 =	vld [tilespmem:s11+$0x0];
	v4 =	vmul.u32 $0x30, v4;
	_ =	sdelay $0x1  }
0x1c0: {  	v58 =	vor.u32 v0, v4  }
0x1c1: {  	vm14 =	vlt.s32 v56, v3  }
0x1c2: {  	v5 =	vnsel vm14, $0x0, v5  }
0x1c3: {  	v6 =	vmul.f32 v57, v5;
	_ =	sdelay $0x1  }
0x1c4: {  	[tilespmem:v58+s2+$0x0] =	vst.idx.add.f32.msk $0xffff, v6  }
0x1c5: {  	v6 =	vld [tilespmem:s11+$0x10];
	_ =	sdelay $0x1  }
0x1c6: {  	v59 =	vadd.s32 v1, v4;
	_ =	sdelay $0x2  }
0x1c7: {  	v6 =	vmul.f32 v6, v5;
	_ =	sdelay $0x1  }
0x1c8: {  	[tilespmem:v59+s2+$0x0] =	vst.idx.add.f32.msk $0xffff, v6  }
0x1c9: {  	v6 =	vld [tilespmem:s11+$0x20];
	_ =	sdelay $0x1  }
0x1ca: {  	s13 =	sadd.s32 $0x3, s1;
	v4 =	vadd.s32 v2, v4  }
0x1cb: {  	v60 =	vmov s13;
	_ =	sdelay $0x1  }
0x1cc: {  	v5 =	vmul.f32 v6, v5;
	_ =	sdelay $0x1  }
0x1cd: {  	[tilespmem:v4+s2+$0x0] =	vst.idx.add.f32.msk $0xffff, v5  }
0x1ce: {  	v4 =	vld.idx.msk [tilespmem:v60+s9+$0x0], $0xffff;
	_ =	sdelay $0x3  }
0x1cf: {  	v5 =	vld.idx.msk [tilespmem:v60+s20+$0x0], $0xffff  }
0x1d0: {  	v61 =	vld [tilespmem:s11+$0x30];
	v4 =	vmul.u32 $0x30, v4;
	_ =	sdelay $0x1  }
0x1d1: {  	v62 =	vor.u32 v0, v4  }
0x1d2: {  	vm15 =	vlt.s32 v60, v3  }
0x1d3: {  	v5 =	vnsel vm15, $0x0, v5  }
0x1d4: {  	v6 =	vmul.f32 v61, v5;
	_ =	sdelay $0x1  }
0x1d5: {  	[tilespmem:v62+s2+$0x0] =	vst.idx.add.f32.msk $0xffff, v6  }
0x1d6: {  	v6 =	vld [tilespmem:s11+$0x40];
	_ =	sdelay $0x1  }
0x1d7: {  	v63 =	vadd.s32 v1, v4;
	_ =	sdelay $0x2  }
0x1d8: {  	v6 =	vmul.f32 v6, v5;
	_ =	sdelay $0x1  }
0x1d9: {  	[tilespmem:v63+s2+$0x0] =	vst.idx.add.f32.msk $0xffff, v6  }
0x1da: {  	v6 =	vld [tilespmem:s11+$0x50];
	_ =	sdelay $0x1  }
0x1db: {  	p0 =	sne.s32 s1, $0x7C;
	v4 =	vadd.s32 v2, v4  }
.Ltmp3:
0x1dc: {  	_ = 	snop;
	(pc) =	sbr.rel @p0 .LBB2_9-.Ltmp3, $3  }
0x1dd: {  	_ = 	snop  }
0x1de: {  	v5 =	vmul.f32 v6, v5;
	_ =	sdelay $0x1  }
0x1df: {  	s1 =	sadd.s32 $0x4, s1;
	s11 =	sadd.s32 $0xC0, s11;
	[tilespmem:v4+s2+$0x0] =	vst.idx.add.f32.msk $0xffff, v5  }
0x1e0: {  	s1 =	sadd.s32 $0xFFFFFF80, s31  }
0x1e1: {  	s11 =	simm.s32 $0x18FB0;
	s13 =	simm.s32 $0x12780;
	v3 =	vmov s1;
	s1 =	simm.s32 $0x0  }
.LBB2_11:
0x1e2: {  	v4 =	vmov s1  }
0x1e3: {  	v5 =	vor.u32 $0x80, v4;
	_ =	sdelay $0x4  }
0x1e4: {  	v6 =	vld.idx.msk [tilespmem:v5+s9+$0x0], $0xffff;
	_ =	sdelay $0x3  }
0x1e5: {  	v5 =	vld.idx.msk [tilespmem:v5+s20+$0x0], $0xffff  }
0x1e6: {  	v7 =	vld [tilespmem:s11+$0xFFFFFF50];
	v6 =	vmul.u32 $0x30, v6;
	_ =	sdelay $0x1  }
0x1e7: {  	v8 =	vor.u32 v0, v6  }
0x1e8: {  	vm0 =	vlt.s32 v4, v3  }
0x1e9: {  	v4 =	vnsel vm0, $0x0, v5  }
0x1ea: {  	v5 =	vmul.f32 v7, v4;
	_ =	sdelay $0x1  }
0x1eb: {  	[tilespmem:v8+s2+$0x0] =	vst.idx.add.f32.msk $0xffff, v5  }
0x1ec: {  	v5 =	vld [tilespmem:s11+$0xFFFFFF60];
	_ =	sdelay $0x1  }
0x1ed: {  	v49 =	vadd.s32 v1, v6;
	_ =	sdelay $0x2  }
0x1ee: {  	v5 =	vmul.f32 v5, v4;
	_ =	sdelay $0x1  }
0x1ef: {  	[tilespmem:v49+s2+$0x0] =	vst.idx.add.f32.msk $0xffff, v5  }
0x1f0: {  	v5 =	vld [tilespmem:s11+$0xFFFFFF70]  }
0x1f1: {  	s8 =	sadd.s32 $0x1, s1  }
0x1f2: {  	v50 =	vmov s8;
	v6 =	vadd.s32 v2, v6  }
0x1f3: {  	v51 =	vor.u32 $0x80, v50;
	_ =	sdelay $0x1  }
0x1f4: {  	v4 =	vmul.f32 v5, v4;
	_ =	sdelay $0x1  }
0x1f5: {  	[tilespmem:v6+s2+$0x0] =	vst.idx.add.f32.msk $0xffff, v4  }
0x1f6: {  	v4 =	vld.idx.msk [tilespmem:v51+s9+$0x0], $0xffff;
	_ =	sdelay $0x3  }
0x1f7: {  	v5 =	vld.idx.msk [tilespmem:v51+s20+$0x0], $0xffff  }
0x1f8: {  	v6 =	vld [tilespmem:s11+$0xFFFFFF80];
	v4 =	vmul.u32 $0x30, v4;
	_ =	sdelay $0x1  }
0x1f9: {  	v52 =	vor.u32 v0, v4  }
0x1fa: {  	vm13 =	vlt.s32 v50, v3  }
0x1fb: {  	v5 =	vnsel vm13, $0x0, v5  }
0x1fc: {  	v6 =	vmul.f32 v6, v5;
	_ =	sdelay $0x1  }
0x1fd: {  	[tilespmem:v52+s2+$0x0] =	vst.idx.add.f32.msk $0xffff, v6  }
0x1fe: {  	v6 =	vld [tilespmem:s11+$0xFFFFFF90];
	_ =	sdelay $0x1  }
0x1ff: {  	v53 =	vadd.s32 v1, v4;
	_ =	sdelay $0x2  }
0x200: {  	v6 =	vmul.f32 v6, v5;
	_ =	sdelay $0x1  }
0x201: {  	[tilespmem:v53+s2+$0x0] =	vst.idx.add.f32.msk $0xffff, v6  }
0x202: {  	v6 =	vld [tilespmem:s11+$0xFFFFFFA0]  }
0x203: {  	s8 =	sadd.s32 $0x2, s1  }
0x204: {  	v54 =	vmov s8;
	v4 =	vadd.s32 v2, v4  }
0x205: {  	v55 =	vor.u32 $0x80, v54;
	_ =	sdelay $0x1  }
0x206: {  	v5 =	vmul.f32 v6, v5;
	_ =	sdelay $0x1  }
0x207: {  	[tilespmem:v4+s2+$0x0] =	vst.idx.add.f32.msk $0xffff, v5  }
0x208: {  	v4 =	vld.idx.msk [tilespmem:v55+s9+$0x0], $0xffff;
	_ =	sdelay $0x3  }
0x209: {  	v5 =	vld.idx.msk [tilespmem:v55+s20+$0x0], $0xffff  }
0x20a: {  	v56 =	vld [tilespmem:s11+$0xFFFFFFB0];
	v4 =	vmul.u32 $0x30, v4;
	_ =	sdelay $0x1  }
0x20b: {  	v57 =	vor.u32 v0, v4  }
0x20c: {  	vm14 =	vlt.s32 v54, v3  }
0x20d: {  	v5 =	vnsel vm14, $0x0, v5  }
0x20e: {  	v6 =	vmul.f32 v56, v5;
	_ =	sdelay $0x1  }
0x20f: {  	[tilespmem:v57+s2+$0x0] =	vst.idx.add.f32.msk $0xffff, v6  }
0x210: {  	v6 =	vld [tilespmem:s11+$0xFFFFFFC0];
	_ =	sdelay $0x1  }
0x211: {  	v58 =	vadd.s32 v1, v4;
	_ =	sdelay $0x2  }
0x212: {  	v6 =	vmul.f32 v6, v5;
	_ =	sdelay $0x1  }
0x213: {  	[tilespmem:v58+s2+$0x0] =	vst.idx.add.f32.msk $0xffff, v6  }
0x214: {  	v6 =	vld [tilespmem:s11+$0xFFFFFFD0]  }
0x215: {  	s8 =	sadd.s32 $0x3, s1  }
0x216: {  	v59 =	vmov s8;
	v4 =	vadd.s32 v2, v4  }
0x217: {  	v60 =	vor.u32 $0x80, v59;
	_ =	sdelay $0x1  }
0x218: {  	v5 =	vmul.f32 v6, v5;
	_ =	sdelay $0x1  }
0x219: {  	[tilespmem:v4+s2+$0x0] =	vst.idx.add.f32.msk $0xffff, v5  }
0x21a: {  	v4 =	vld.idx.msk [tilespmem:v60+s9+$0x0], $0xffff;
	_ =	sdelay $0x3  }
0x21b: {  	v5 =	vld.idx.msk [tilespmem:v60+s20+$0x0], $0xffff  }
0x21c: {  	v61 =	vld [tilespmem:s11+$0xFFFFFFE0];
	v4 =	vmul.u32 $0x30, v4;
	_ =	sdelay $0x1  }
0x21d: {  	v62 =	vor.u32 v0, v4  }
0x21e: {  	vm15 =	vlt.s32 v59, v3  }
0x21f: {  	v5 =	vnsel vm15, $0x0, v5  }
0x220: {  	v6 =	vmul.f32 v61, v5;
	_ =	sdelay $0x1  }
0x221: {  	[tilespmem:v62+s2+$0x0] =	vst.idx.add.f32.msk $0xffff, v6  }
0x222: {  	v6 =	vld [tilespmem:s11+$0xFFFFFFF0];
	_ =	sdelay $0x1  }
0x223: {  	v63 =	vadd.s32 v1, v4;
	_ =	sdelay $0x2  }
0x224: {  	v6 =	vmul.f32 v6, v5;
	_ =	sdelay $0x1  }
0x225: {  	[tilespmem:v63+s2+$0x0] =	vst.idx.add.f32.msk $0xffff, v6  }
0x226: {  	v6 =	vld [tilespmem:s11+$0x0];
	_ =	sdelay $0x1  }
0x227: {  	p0 =	sne.s32 s1, $0x7C;
	v4 =	vadd.s32 v2, v4  }
.Ltmp4:
0x228: {  	_ = 	snop;
	(pc) =	sbr.rel @p0 .LBB2_11-.Ltmp4, $3  }
0x229: {  	_ = 	snop  }
0x22a: {  	v5 =	vmul.f32 v6, v5;
	_ =	sdelay $0x1  }
0x22b: {  	s1 =	sadd.s32 $0x4, s1;
	s11 =	sadd.s32 $0xC0, s11;
	[tilespmem:v4+s2+$0x0] =	vst.idx.add.f32.msk $0xffff, v5  }
0x22c: {  	s1 =	sadd.s32 $0xFFFFFF00, s31  }
0x22d: {  	s11 =	simm.s32 $0x1A7B0;
	v3 =	vmov s1;
	s1 =	simm.s32 $0x0  }
.LBB2_13:
0x22e: {  	v4 =	vmov s1  }
0x22f: {  	v5 =	vor.u32 $0x100, v4;
	_ =	sdelay $0x4  }
0x230: {  	v6 =	vld.idx.msk [tilespmem:v5+s9+$0x0], $0xffff;
	_ =	sdelay $0x3  }
0x231: {  	v5 =	vld.idx.msk [tilespmem:v5+s20+$0x0], $0xffff  }
0x232: {  	v7 =	vld [tilespmem:s11+$0xFFFFFF50];
	v6 =	vmul.u32 $0x30, v6;
	_ =	sdelay $0x1  }
0x233: {  	v8 =	vor.u32 v0, v6  }
0x234: {  	vm0 =	vlt.s32 v4, v3  }
0x235: {  	v4 =	vnsel vm0, $0x0, v5  }
0x236: {  	v5 =	vmul.f32 v7, v4;
	_ =	sdelay $0x1  }
0x237: {  	[tilespmem:v8+s2+$0x0] =	vst.idx.add.f32.msk $0xffff, v5  }
0x238: {  	v5 =	vld [tilespmem:s11+$0xFFFFFF60];
	_ =	sdelay $0x1  }
0x239: {  	v49 =	vadd.s32 v1, v6;
	_ =	sdelay $0x2  }
0x23a: {  	v5 =	vmul.f32 v5, v4;
	_ =	sdelay $0x1  }
0x23b: {  	[tilespmem:v49+s2+$0x0] =	vst.idx.add.f32.msk $0xffff, v5  }
0x23c: {  	v5 =	vld [tilespmem:s11+$0xFFFFFF70]  }
0x23d: {  	s8 =	sadd.s32 $0x1, s1  }
0x23e: {  	v50 =	vmov s8;
	v6 =	vadd.s32 v2, v6  }
0x23f: {  	v51 =	vor.u32 $0x100, v50;
	_ =	sdelay $0x1  }
0x240: {  	v4 =	vmul.f32 v5, v4;
	_ =	sdelay $0x1  }
0x241: {  	[tilespmem:v6+s2+$0x0] =	vst.idx.add.f32.msk $0xffff, v4  }
0x242: {  	v4 =	vld.idx.msk [tilespmem:v51+s9+$0x0], $0xffff;
	_ =	sdelay $0x3  }
0x243: {  	v5 =	vld.idx.msk [tilespmem:v51+s20+$0x0], $0xffff  }
0x244: {  	v6 =	vld [tilespmem:s11+$0xFFFFFF80];
	v4 =	vmul.u32 $0x30, v4;
	_ =	sdelay $0x1  }
0x245: {  	v52 =	vor.u32 v0, v4  }
0x246: {  	vm13 =	vlt.s32 v50, v3  }
0x247: {  	v5 =	vnsel vm13, $0x0, v5  }
0x248: {  	v6 =	vmul.f32 v6, v5;
	_ =	sdelay $0x1  }
0x249: {  	[tilespmem:v52+s2+$0x0] =	vst.idx.add.f32.msk $0xffff, v6  }
0x24a: {  	v6 =	vld [tilespmem:s11+$0xFFFFFF90];
	_ =	sdelay $0x1  }
0x24b: {  	v53 =	vadd.s32 v1, v4;
	_ =	sdelay $0x2  }
0x24c: {  	v6 =	vmul.f32 v6, v5;
	_ =	sdelay $0x1  }
0x24d: {  	[tilespmem:v53+s2+$0x0] =	vst.idx.add.f32.msk $0xffff, v6  }
0x24e: {  	v6 =	vld [tilespmem:s11+$0xFFFFFFA0]  }
0x24f: {  	s31 =	sadd.s32 $0x2, s1  }
0x250: {  	v54 =	vmov s31;
	v4 =	vadd.s32 v2, v4  }
0x251: {  	v55 =	vor.u32 $0x100, v54;
	_ =	sdelay $0x1  }
0x252: {  	v5 =	vmul.f32 v6, v5;
	_ =	sdelay $0x1  }
0x253: {  	[tilespmem:v4+s2+$0x0] =	vst.idx.add.f32.msk $0xffff, v5  }
0x254: {  	v4 =	vld.idx.msk [tilespmem:v55+s9+$0x0], $0xffff;
	_ =	sdelay $0x3  }
0x255: {  	v5 =	vld.idx.msk [tilespmem:v55+s20+$0x0], $0xffff  }
0x256: {  	v56 =	vld [tilespmem:s11+$0xFFFFFFB0];
	v4 =	vmul.u32 $0x30, v4;
	_ =	sdelay $0x1  }
0x257: {  	v57 =	vor.u32 v0, v4  }
0x258: {  	vm14 =	vlt.s32 v54, v3  }
0x259: {  	v5 =	vnsel vm14, $0x0, v5  }
0x25a: {  	v6 =	vmul.f32 v56, v5;
	_ =	sdelay $0x1  }
0x25b: {  	[tilespmem:v57+s2+$0x0] =	vst.idx.add.f32.msk $0xffff, v6  }
0x25c: {  	v6 =	vld [tilespmem:s11+$0xFFFFFFC0];
	_ =	sdelay $0x1  }
0x25d: {  	v58 =	vadd.s32 v1, v4;
	_ =	sdelay $0x2  }
0x25e: {  	v6 =	vmul.f32 v6, v5;
	_ =	sdelay $0x1  }
0x25f: {  	[tilespmem:v58+s2+$0x0] =	vst.idx.add.f32.msk $0xffff, v6  }
0x260: {  	v6 =	vld [tilespmem:s11+$0xFFFFFFD0]  }
0x261: {  	s31 =	sadd.s32 $0x3, s1  }
0x262: {  	v59 =	vmov s31;
	v4 =	vadd.s32 v2, v4  }
0x263: {  	v60 =	vor.u32 $0x100, v59;
	_ =	sdelay $0x1  }
0x264: {  	v5 =	vmul.f32 v6, v5;
	_ =	sdelay $0x1  }
0x265: {  	[tilespmem:v4+s2+$0x0] =	vst.idx.add.f32.msk $0xffff, v5  }
0x266: {  	v4 =	vld.idx.msk [tilespmem:v60+s9+$0x0], $0xffff;
	_ =	sdelay $0x3  }
0x267: {  	v5 =	vld.idx.msk [tilespmem:v60+s20+$0x0], $0xffff  }
0x268: {  	v61 =	vld [tilespmem:s11+$0xFFFFFFE0];
	v4 =	vmul.u32 $0x30, v4;
	_ =	sdelay $0x1  }
0x269: {  	v62 =	vor.u32 v0, v4  }
0x26a: {  	vm15 =	vlt.s32 v59, v3  }
0x26b: {  	v5 =	vnsel vm15, $0x0, v5  }
0x26c: {  	v6 =	vmul.f32 v61, v5;
	_ =	sdelay $0x1  }
0x26d: {  	[tilespmem:v62+s2+$0x0] =	vst.idx.add.f32.msk $0xffff, v6  }
0x26e: {  	v6 =	vld [tilespmem:s11+$0xFFFFFFF0];
	_ =	sdelay $0x1  }
0x26f: {  	v63 =	vadd.s32 v1, v4;
	_ =	sdelay $0x2  }
0x270: {  	v6 =	vmul.f32 v6, v5;
	_ =	sdelay $0x1  }
0x271: {  	[tilespmem:v63+s2+$0x0] =	vst.idx.add.f32.msk $0xffff, v6  }
0x272: {  	v6 =	vld [tilespmem:s11+$0x0];
	_ =	sdelay $0x1  }
0x273: {  	p0 =	sne.s32 s1, $0x7C;
	v4 =	vadd.s32 v2, v4  }
.Ltmp5:
0x274: {  	_ = 	snop;
	(pc) =	sbr.rel @p0 .LBB2_13-.Ltmp5, $3  }
0x275: {  	_ = 	snop  }
0x276: {  	v5 =	vmul.f32 v6, v5;
	_ =	sdelay $0x1  }
0x277: {  	s1 =	sadd.s32 $0x4, s1;
	s11 =	sadd.s32 $0xC0, s11;
	[tilespmem:v4+s2+$0x0] =	vst.idx.add.f32.msk $0xffff, v5  }
0x278: {  	s0 =	sadd.s32 $0x480, s0  }
0x279: {  	s1 =	smov.u32 s16;
	p0 =	slt.s32 s0, s16  }
0x27a: {  	s1 =	smov.u32 @p0 s0  }
0x27b: {  	s0 =	sadd.s32 s7, s1  }
0x27c: {  	s1 =	sshrl.u32 s0, $0x3  }
0x27d: {  	s8 =	sadd.s32 s6, s1  }
0x27e: {  	[tilespmem:s20], [sflag:$0x2] =	stream.linear.gather [hbm4b:s8+s2], $0x180, $0x38;
	[tilespmem:$0x1BF10] =	vst v63  }
0x27f: {  	s31 =	sadd.s32 s4, s1  }
0x280: {  	[tilespmem:s13], [sflag:$0x2] =	stream.linear.gather [hbm4b:s31+s2], $0x80, $0x38;
	[tilespmem:$0x1BF10] =	vst v63  }
0x281: {  	s1 =	sadd.s32 s5, s1;
	s8 =	sadd.s32 $0x80, s0  }
0x282: {  	[tilespmem:s9], [sflag:$0x2] =	stream.linear.gather [hbm4b:s1+s2], $0x80, $0x38;
	[tilespmem:$0x1BF10] =	vst v63  }
0x283: {  	s29 =	sadd.s32 $0x1, s29;
	s1 =	sshrl.u32 s8, $0x3  }
0x284: {  	p0 =	sne.s32 s29, s18;
	s11 =	sadd.s32 s4, s1  }
0x285: {  	[tilespmem:s10], [sflag:$0x2] =	stream.linear.gather [hbm4b:s11+s2], $0x80, $0x38;
	[tilespmem:$0x1BF10] =	vst v63  }
0x286: {  	s0 =	sadd.s32 $0x100, s0;
	s31 =	simm.s32 $0x12B00;
	s1 =	sadd.s32 s5, s1  }
0x287: {  	[tilespmem:s31], [sflag:$0x2] =	stream.linear.gather [hbm4b:s1+s2], $0x80, $0x38;
	[tilespmem:$0x1BF10] =	vst v63  }
.Ltmp6:
0x288: {  	s0 =	sshrl.u32 s0, $0x3;
	(pc) =	sbr.rel @p0 .LBB2_2-.Ltmp6, $4  }
0x289: {  	s11 =	sadd.s32 s4, s0  }
0x28a: {  	[tilespmem:s12], [sflag:$0x2] =	stream.linear.gather [hbm4b:s11+s2], $0x80, $0x38;
	[tilespmem:$0x1BF10] =	vst v63  }
0x28b: {  	s0 =	sadd.s32 s5, s0;
	s31 =	simm.s32 $0x12B80  }
0x28c: {  	[tilespmem:s31], [sflag:$0x2] =	stream.linear.gather [hbm4b:s0+s2], $0x80, $0x38;
	[tilespmem:$0x1BF10] =	vst v63  }
0x28d: {  	_ =	swait.ge [sflag:s14], $0x1800  }
0x28e: {  	[sflag:s14] =	ssyncset.done $0x0  }
0x28f: {  	[sflag:s14] =	ssyncadd.s32 $0xFFFFE800  }
0x290: {  	_ =	swait.ge [sflag:s14], $0x1800  }
0x291: {  	[sflag:s14] =	ssyncset.done $0x0  }
0x292: {  	[sflag:s14] =	ssyncadd.s32 $0xFFFFE800  }
0x293: {  	_ =	swait.ge [sflag:s14], $0x1800  }
0x294: {  	[sflag:s14] =	ssyncset.done $0x0  }
0x295: {  	[sflag:s14] =	ssyncadd.s32 $0xFFFFE800  }
0x296: {  	_ =	swait.ge [sflag:s15], $0x180  }
0x297: {  	[sflag:s15] =	ssyncset.done $0x0  }
0x298: {  	[sflag:s15] =	ssyncadd.s32 $0xFFFFFE80  }
0x299: {  	_ =	swait.ge [sflag:s15], $0x80  }
0x29a: {  	[sflag:s15] =	ssyncset.done $0x0  }
0x29b: {  	[sflag:s15] =	ssyncadd.s32 $0xFFFFFF80  }
0x29c: {  	_ =	swait.ge [sflag:s15], $0x80  }
0x29d: {  	[sflag:s15] =	ssyncset.done $0x0  }
0x29e: {  	[sflag:s15] =	ssyncadd.s32 $0xFFFFFF80  }
0x29f: {  	_ =	swait.ge [sflag:s15], $0x80  }
0x2a0: {  	[sflag:s15] =	ssyncset.done $0x0  }
0x2a1: {  	[sflag:s15] =	ssyncadd.s32 $0xFFFFFF80  }
0x2a2: {  	_ =	swait.ge [sflag:s15], $0x80  }
0x2a3: {  	[sflag:s15] =	ssyncset.done $0x0  }
0x2a4: {  	[sflag:s15] =	ssyncadd.s32 $0xFFFFFF80  }
0x2a5: {  	_ =	swait.ge [sflag:s15], $0x80  }
0x2a6: {  	[sflag:s15] =	ssyncset.done $0x0  }
0x2a7: {  	[sflag:s15] =	ssyncadd.s32 $0xFFFFFF80  }
0x2a8: {  	_ =	swait.ge [sflag:s15], $0x80  }
0x2a9: {  	[sflag:s15] =	ssyncset.done $0x0  }
0x2aa: {  	s0 =	simm.s32 $0x0;
	[sflag:s15] =	ssyncadd.s32 $0xFFFFFF80  }
0x2ab: {  	v3 =	vld [tilespmem:s0+$0x0]  }
0x2ac: {  	s1 =	simm.s32 $0xC0;
	v4 =	vld [tilespmem:s0+$0x10]  }
.LBB2_16:
0x2ad: {  	p0 =	sne.s32 s1, $0x49740;
	v5 =	vld [tilespmem:s0+$0x20];
	_ =	sdelay $0x2  }
.Ltmp7:
0x2ae: {  	v3 =	vmax.f32 v3, $0.0e+00;
	(pc) =	sbr.rel @p0 .LBB2_16-.Ltmp7, $4  }
0x2af: {  	v3 =	vmin.f32 v3, $1.000000000e+00;
	v4 =	vmax.f32 v4, $0.0e+00  }
0x2b0: {  	s8 =	sshra.s32 s1, $0x2;
	[tilespmem:s0+$0x0] =	vst v3;
	v4 =	vmin.f32 v4, $1.000000000e+00;
	v5 =	vmax.f32 v5, $0.0e+00  }
0x2b1: {  	v3 =	vld [tilespmem:s8+$0x0];
	[tilespmem:s0+$0x10] =	vst v4;
	v5 =	vmin.f32 v5, $1.000000000e+00  }
0x2b2: {  	s1 =	sadd.s32 $0xC0, s1;
	v4 =	vld [tilespmem:s8+$0x10];
	[tilespmem:s0+$0x20] =	vst v5;
	s0 =	smov.u32 s8  }
0x2b3: {  	v5 =	vld [tilespmem:s0+$0x20];
	_ =	sdelay $0x2  }
0x2b4: {  	v3 =	vmax.f32 v3, $0.0e+00  }
0x2b5: {  	v3 =	vmin.f32 v3, $1.000000000e+00;
	v4 =	vmax.f32 v4, $0.0e+00  }
0x2b6: {  	[tilespmem:s0+$0x0] =	vst v3;
	v3 =	vmin.f32 v4, $1.000000000e+00;
	v63 =	vmax.f32 v5, $0.0e+00  }
0x2b7: {  	[tilespmem:s0+$0x10] =	vst v3;
	v3 =	vmin.f32 v63, $1.000000000e+00  }
0x2b8: {  	s29 =	rddreg [dreg:$0xb];
	s1 =	simm.s32 $0x5;
	[tilespmem:s0+$0x20] =	vst v3  }
0x2b9: {  	[hbm4b:s29+s2] =	stream.linear.scatter [tilespmem:s2], [sflag:$0x5], $0x12600, $0x38;
	[tilespmem:$0x1BF10] =	vst v63  }
0x2ba: {  	_ =	swait.ge [sflag:s1], $0x12600  }
0x2bb: {  	s8 =	rddreg [dreg:$0xd]  }
0x2bc: {  	s31 =	rddreg [dreg:$0xc];
	s8 =	sadd.s32 $0x1, s8  }
0x2bd: {  	p0 =	sne.s32 s8, s31  }
.Ltmp8:
0x2be: {  	_ = 	snop;
	(pc) =	sbr.rel @p0 .LBB2_1-.Ltmp8, $3  }
0x2bf: {  	_ =	sdelay $0x1  }
0x2c0: {  	[sflag:s1] =	ssyncset.done $0x0  }
0x2c1: {  	[sflag:s1] =	ssyncadd.s32 $0xFFFEDA00  }
0x2c2: {  	_ =	sfence.sel $0x180000  }
0x2c3: {  	[bflag:$0x0] =	sbarrier.arrive $0xFFFF  }
0x2c4: {  	_ =	strace $0x9000004D  }
0x2c5: {  	s0 =	stileid.u32;
	[bflag:$0x2] =	sbarrier.arrive $0xFFFF  }
0x2c6: {  	p0 =	sne.s32 s0, $0x0;
	s0 =	rddreg [dreg:$0x1]  }
0x2c7: {  	s0 =	sadd.s32 @!p0 $0x100000, s0  }
0x2c8: {  	[sflag:s0] =	ssyncadd.tile.s32 @!p0 $0x1;
	_ =	shalt  }
.Lfunc_end2:
_tile_overlayer_lowered:
.L_overlay_start_2:
0x2c9: {  	(tag) =	ssettag $0x2  }
0x2ca: {  	s0 =	rddreg [dreg:$0x0];
	s2 =	stileid.u32  }
0x2cb: {  	s1 =	rddreg [dreg:$0x1];
	p0 =	sne.s32 s2, $0x0  }
0x2cc: {  	s3 =	rddreg [dreg:$0x2];
	[bflag:$0x3] =	sbarrier.arrive $0xFFFF;
	s2 =	simm.s32 @!p0 $0x1C05  }
0x2cd: {  	[timem:s3], [sflag:s2] =	dma.local @!p0 [hbm:s0], s1  }
0x2ce: {  	s0 =	simm.s32 @!p0 $0x5  }
0x2cf: {  	_ =	swait.ge @!p0 [sflag:s0], s1  }
0x2d0: {  	s1 =	ssub.s32 @!p0 $0x0, s1;
	[sflag:s0] =	ssyncset.done @!p0 $0x0  }
0x2d1: {  	[sflag:s0] =	ssyncadd.s32 @!p0 s1  }
0x2d2: {  	[bflag:$0x3] =	sbarrier.arrive $0xFFFF  }
0x2d3: {  	_ =	shalt  }

// kernel: kernel.6.cloned.1.call-start
scs
__scs_entry_jumppad:
0x0: {  	(pc) =	sbr.rel $0x88, $3  }
0x1: {  	(tag) =	ssettag $0x0;
	lr =	simm.s32 $0x1  }
0x2: {  	[smem:$0x3F9E] =	sst lr;
	_ =	strace $0xD0000000  }
0x3: {  	_ = 	snop  }
0x4: {  	_ = 	snop  }
0x5: {  	_ = 	snop  }
0x6: {  	_ = 	snop  }
0x7: {  	_ = 	snop  }
__scs_overlays_trampoline_lowered:
0x8: {  	[smem:$0x3FAD] =	sst s0  }
0x9: {  	[smem:$0x3FAE] =	sst s1  }
0xa: {  	[smem:$0x3FAF] =	sst s2  }
0xb: {  	[smem:$0x3FB0] =	sst s3  }
0xc: {  	[smem:$0x3FB1] =	sst s4  }
0xd: {  	[smem:$0x3FB2] =	sst s5  }
0xe: {  	[smem:$0x3FB3] =	sst s6  }
0xf: {  	[smem:$0x3FB4] =	sst s7  }
0x10: {  	[smem:$0x3FB5] =	sst s8  }
0x11: {  	[smem:$0x3FB6] =	sst s9;
	s0 =	simm.s32 @!p0 $0x0  }
0x12: {  	s1 =	sld [smem:$0x3F9C];
	s0 =	simm.s32 @p0 $0x1  }
0x13: {  	[smem:$0x3FB7] =	sst s0;
	s0 =	simm.s32 @!p1 $0x0  }
0x14: {  	s2 =	sld [smem:$0x3F9B];
	s0 =	simm.s32 @p1 $0x1  }
0x15: {  	[smem:$0x3FB8] =	sst s0;
	s0 =	simm.s32 @!p2 $0x0  }
0x16: {  	s3 =	sld [smem:$0x3FDB];
	s0 =	simm.s32 @p2 $0x1  }
0x17: {  	s4 =	simm.s32 $0x1BF5;
	[smem:$0x3FBA] =	sst s0  }
0x18: {  	s0 =	sld [smem:$0x3F9D];
	_ =	swait.ge [sflag:s4], $0x0  }
0x19: {  	s7 =	sld [smem:$0x3F9E]  }
0x1a: {  	s8 =	sadd.s32 $0xFFFFE003, lr  }
0x1b: {  	s9 =	sadd.s32 $0xFFFFFEF7, lr;
	s5 =	simm.s32 $0xFFFFFFFF;
	p2 =	slt.u32 s8, $0xFFFFF086  }
0x1c: {  	p1 =	slt.u32 s9, $0xF7A;
	s5 =	simm.s32 @!p2 $0x0  }
0x1d: {  	s5 =	simm.s32 @p1 $0x1;
	p0 =	seq.s32 s7, s2  }
0x1e: {  	s7 =	smul.u32 @!p0 $0xF7A, s2;
	p2 =	seq.s32 @!p0 s5, $0x0  }
0x1f: {  	s9 =	smul.u32 $0xF7A, s1;
	s8 =	simm.s32 @!p0 $0x1BF5;
	p2 =	por !p2, p0  }
0x20: {  	[sflag:s8] =	ssyncset.s32 @!p0 $0xFFFFF086;
	s6 =	sadd.s32 @!p0 s3, s7;
	s7 =	simm.s32 @!p0 $0x108  }
0x21: {  	s3 =	sadd.s32 s3, s9;
	s6 =	sadd.s32 @!p0 $0x88, s6;
	s7 =	simm.s32 @p2 $0x1082  }
0x22: {  	[simem:s7], [sflag:s8] =	dma.local @!p0 [hbm:s6], $0xF7A  }
0x23: {  	s9 =	sor.u32 $0xD0000000, s2;
	s6 =	simm.s32 $0x108;
	_ =	swait.ge @!p0 [sflag:s8], $0x0  }
0x24: {  	s3 =	sadd.s32 $0x88, s3;
	s6 =	simm.s32 @!p1 $0x1082;
	[sflag:s4] =	ssyncset.s32 $0xFFFFF086  }
0x25: {  	[simem:s6], [sflag:s4] =	dma.local [hbm:s3], $0xF7A  }
0x26: {  	[smem:$0x3F9E] =	sst s1;
	(tag) =	ssettag s2;
	_ =	strace s9  }
0x27: {  	s1 =	sld [smem:$0x3FAE]  }
0x28: {  	s2 =	sld [smem:$0x3FAF]  }
0x29: {  	s4 =	sld [smem:$0x3FB1]  }
0x2a: {  	p0 =	seq.s32 s5, $0x0;
	s5 =	sld [smem:$0x3FB2]  }
0x2b: {  	s6 =	sld [smem:$0x3FB3]  }
0x2c: {  	s7 =	sld [smem:$0x3FB4]  }
0x2d: {  	s3 =	simm.s32 $0x108;
	s8 =	sld [smem:$0x3FB5]  }
0x2e: {  	s3 =	simm.s32 @!p0 $0x1082;
	s9 =	sld [smem:$0x3FB6]  }
0x2f: {  	lr =	sadd.s32 s0, s3;
	s0 =	sld [smem:$0x3FAD]  }
0x30: {  	s3 =	sld [smem:$0x3FB0]  }
0x31: {  	[smem:$0x3FB9] =	sst s10  }
0x32: {  	s10 =	sld [smem:$0x3FB7];
	_ =	sdelay $0x3  }
0x33: {  	p0 =	seq.s32 s10, $0x1;
	s10 =	sld [smem:$0x3FB9];
	_ =	sdelay $0x3  }
0x34: {  	[smem:$0x3FB9] =	sst s10  }
0x35: {  	s10 =	sld [smem:$0x3FB8];
	_ =	sdelay $0x3  }
0x36: {  	p1 =	seq.s32 s10, $0x1;
	s10 =	sld [smem:$0x3FB9];
	_ =	sdelay $0x3  }
0x37: {  	[smem:$0x3FB9] =	sst s10  }
0x38: {  	s10 =	sld [smem:$0x3FBA]  }
0x39: {  	_ = 	snop;
	(pc) =	sbr.ind lr, $3  }
0x3a: {  	_ = 	snop  }
0x3b: {  	_ = 	snop  }
0x3c: {  	p2 =	seq.s32 s10, $0x1;
	s10 =	sld [smem:$0x3FB9]  }
0x3d: {  	_ =	shalt  }
0x3e: {  	_ =	shalt  }
0x3f: {  	_ =	shalt  }
0x40: {  	_ =	shalt  }
0x41: {  	_ =	shalt  }
0x42: {  	_ =	shalt  }
0x43: {  	_ =	shalt  }
0x44: {  	_ =	shalt  }
0x45: {  	_ =	shalt  }
0x46: {  	_ =	shalt  }
0x47: {  	_ =	shalt  }
0x48: {  	_ =	shalt  }
0x49: {  	_ =	shalt  }
0x4a: {  	_ =	shalt  }
0x4b: {  	_ =	shalt  }
0x4c: {  	_ =	shalt  }
0x4d: {  	_ =	shalt  }
0x4e: {  	_ =	shalt  }
0x4f: {  	_ =	shalt  }
0x50: {  	_ =	shalt  }
0x51: {  	_ =	shalt  }
0x52: {  	_ =	shalt  }
0x53: {  	_ =	shalt  }
0x54: {  	_ =	shalt  }
0x55: {  	_ =	shalt  }
0x56: {  	_ =	shalt  }
0x57: {  	_ =	shalt  }
0x58: {  	_ =	shalt  }
0x59: {  	_ =	shalt  }
0x5a: {  	_ =	shalt  }
0x5b: {  	_ =	shalt  }
0x5c: {  	_ =	shalt  }
0x5d: {  	_ =	shalt  }
0x5e: {  	_ =	shalt  }
0x5f: {  	_ =	shalt  }
0x60: {  	_ =	shalt  }
0x61: {  	_ =	shalt  }
0x62: {  	_ =	shalt  }
0x63: {  	_ =	shalt  }
0x64: {  	_ =	shalt  }
0x65: {  	_ =	shalt  }
0x66: {  	_ =	shalt  }
0x67: {  	_ =	shalt  }
0x68: {  	_ =	shalt  }
0x69: {  	_ =	shalt  }
0x6a: {  	_ =	shalt  }
0x6b: {  	_ =	shalt  }
0x6c: {  	_ =	shalt  }
0x6d: {  	_ =	shalt  }
0x6e: {  	_ =	shalt  }
0x6f: {  	_ =	shalt  }
0x70: {  	_ =	shalt  }
0x71: {  	_ =	shalt  }
0x72: {  	_ =	shalt  }
0x73: {  	_ =	shalt  }
0x74: {  	_ =	shalt  }
0x75: {  	_ =	shalt  }
0x76: {  	_ =	shalt  }
0x77: {  	_ =	shalt  }
0x78: {  	_ =	shalt  }
0x79: {  	_ =	shalt  }
0x7a: {  	_ =	shalt  }
0x7b: {  	_ =	shalt  }
0x7c: {  	_ =	shalt  }
0x7d: {  	_ =	shalt  }
0x7e: {  	_ =	shalt  }
0x7f: {  	_ =	shalt  }
0x80: {  	_ =	shalt  }
0x81: {  	_ =	shalt  }
0x82: {  	_ =	shalt  }
0x83: {  	_ =	shalt  }
0x84: {  	_ =	shalt  }
0x85: {  	_ =	shalt  }
0x86: {  	_ =	shalt  }
0x87: {  	_ =	shalt  }
.Lfunc_end0:
.L_simem_size_0:
called_computation.1_lowered:
.L_overlay_start_0:
0x88: {  	s2 =	sld [smem:$0x3FD9]  }
0x89: {  	s3 =	sld [smem:$0x3FFE];
	_ =	sdelay $0x1  }
0x8a: {  	s1 =	srdreg.scid  }
0x8b: {  	s0 =	sand.u32 $0x1, s1  }
0x8c: {  	s17 =	sshll.u32 s0, $0xA;
	s2 =	sadd.s32 s3, s2  }
0x8d: {  	s2 =	sadd.s32 s2, s17  }
0x8e: {  	[smem:$0x3FC5] =	sst s2  }
0x8f: {  	_ = 	snop  }
0x90: {  	s2 =	sld [smem:$0x3FD0];
	(tm) =	ssettm $0x1  }
0x91: {  	s18 =	sld [smem:$0x3FFB];
	_ =	sdelay $0x3  }
0x92: {  	_ =	strace s18  }
0x93: {  	s3 =	sld [smem:$0x3FFC];
	_ =	sdelay $0x3  }
0x94: {  	_ =	strace s3  }
0x95: {  	s3 =	sld [smem:$0x3FFD];
	_ =	sdelay $0x3  }
0x96: {  	_ =	strace s3  }
0x97: {  	_ =	strace $0x8FFFFFFF  }
0x98: {  	s19 =	sld [smem:$0x3FDB];
	_ =	sdelay $0x1  }
0x99: {  	s4 =	simm.s32 $_scs_section_size  }
0x9a: {  	s5 =	simm.s32 $_size__tile_overlayer_lowered;
	s6 =	simm.s32 $_tile_overlayer_lowered  }
0x9b: {  	s22 =	simm.s32 $0x1BFF;
	s21 =	sshll.u32 s6, $0x1;
	s3 =	sadd.s32 s4, s19  }
0x9c: {  	s7 =	simm.s32 $0x0;
	s20 =	sshll.u32 s5, $0x1;
	s5 =	sadd.s32 s21, s3  }
0x9d: {  	[timem:s7], [sflag:s22] =	dma.local [hbm:s5], s20  }
0x9e: {  	_ =	swait.ge [sflag:s22], s20  }
0x9f: {  	s4 =	ssub.s32 $0x0, s20;
	[sflag:s22] =	ssyncset.done $0x0  }
0xa0: {  	[sflag:s22] =	ssyncadd.s32 s4;
	_ =	sdelay $0x1  }
0xa1: {  	s23 =	simm.s32 $0x1B8B  }
0xa2: {  	_ =	swait.ge [sflag:s23], $0x1  }
0xa3: {  	[sflag:s23] =	ssyncset.done $0x0  }
0xa4: {  	s25 =	simm.s32 $0x1B8E;
	s24 =	sld [smem:$0x3FFE];
	[sflag:s23] =	ssyncadd.s32 $0xFFFFFFFF  }
0xa5: {  	s26 =	simm.s32 $execute0_lowered;
	[smem:$0x3FD2] =	sst s25  }
0xa6: {  	s5 =	sshll.u32 s26, $0x1;
	_ =	strace $0x80000046;
	[dreg:$0x1] =	wrdreg $0xFFFFFFFF  }
0xa7: {  	s28 =	simm.s32 $_size_execute0_lowered;
	s3 =	sadd.s32 s3, s5;
	[dreg:$0x0] =	wrdreg $0x0  }
0xa8: {  	s5 =	sshll.u32 s28, $0x1;
	[dreg:$0x2] =	wrdreg s3  }
0xa9: {  	[dreg:$0x3] =	wrdreg s5  }
0xaa: {  	[dreg:$0x4] =	wrdreg $0xC0  }
0xab: {  	_ =	task [dreg:s7], $0x5FFFF  }
0xac: {  	[dreg:$0x1] =	wrdreg $0xFFFFFFFF  }
0xad: {  	[dreg:$0x0] =	wrdreg $0x60  }
0xae: {  	[dreg:$0x2] =	wrdreg s24  }
0xaf: {  	[dreg:$0x3] =	wrdreg s2  }
0xb0: {  	[dreg:$0x4] =	wrdreg $0x9  }
0xb1: {  	_ =	task.clear_ibuf [dreg:s7], $0x5FFFF;
	_ =	strace $0x90000046  }
0xb2: {  	s29 =	simm.s32 $0x9;
	_ =	strace $0x80000048  }
0xb3: {  	_ =	swait.ge [sflag:s29], $0x1  }
0xb4: {  	[sflag:s29] =	ssyncadd.s32 $0xFFFFFFFF  }
0xb5: {  	_ =	strace $0x90000048  }
0xb6: {  	_ =	sfence  }
0xb7: {  	s30 =	sld [smem:$0x0];
	_ =	sdelay $0x2  }
0xb8: {  	s31 =	sshll.u32 s1, $0xD;
	s1 =	sshrl.u32 s1, $0x2  }
0xb9: {  	s3 =	sand.u32 $0x4000, s31;
	s1 =	sadd.s32 s1, s30  }
0xba: {  	s0 =	sor.u32 s3, s0;
	s1 =	sshll.u32 s1, $0x11  }
0xbb: {  	s0 =	sor.u32 s1, s0  }
0xbc: {  	s0 =	sadd.s32 $0x8F2B, s0  }
0xbd: {  	[sflag:s0] =	ssyncadd.remote.s32 $0x1  }
0xbe: {  	_ =	sfence.sel $0xFFFF  }
0xbf: {  	[dreg:$0x0] =	wrdreg $0xFFFFFFFF;
	(pc) =	sbr.abs _section_cstart, $3  }
0xc0: {  	[dreg:$0x1] =	wrdreg $0xFFFFFFFF  }
0xc1: {  	_ =	task.clear_ibuf [dreg:s7], $0x2FFFF;
	_ =	strace $0x9FFFFFFF  }
0xc2: {  	(tm) =	ssettm $0x7FFFFFFF  }
0xc3: {  	_ =	shalt  }
tec
execute0_lowered:
.L_overlay_start_1:
0x0: {  	(tag) =	ssettag $0x1  }
0x1: {  	s7 =	rddreg [dreg:$0x0]  }
0x2: {  	s2 =	rddreg [dreg:$0x1]  }
0x3: {  	s0 =	rddreg [dreg:$0x2];
	s3 =	simm.s32 $0x0;
	s4 =	srdreg.scid  }
0x4: {  	s1 =	stileid.u32;
	s15 =	simm.s32 $0x2FA0;
	s16 =	simm.s32 $0x97C0  }
0x5: {  	s17 =	simm.s32 $0x91A0;
	s18 =	simm.s32 $0x0;
	[smem:$0x7FF] =	sst s3  }
0x6: {  	s8 =	sand.u32 $0x1, s4;
	s31 =	sshll.u32 s1, $0x1;
	s4 =	sadd.s32 $0x1600, s7  }
0x7: {  	s5 =	sadd.s32 $0x1B800, s7;
	s6 =	sadd.s32 $0x32B800, s7;
	s9 =	sor.u32 s8, s31  }
0x8: {  	s8 =	ssub.s32 $0x2, s8;
	s10 =	smul.u32 $0x620, s9;
	s11 =	sshll.u32 s9, $0x1  }
0x9: {  	_ =	strace $0x80000047;
	s13 =	sshrl.u32 s8, $0x1;
	s11 =	sadd.s32 s11, s7  }
0xa: {  	s13 =	ssub.s32 s8, s13;
	s12 =	sshrl.u32 s10, $0x3;
	s14 =	sadd.s32 $0x620, s10  }
0xb: {  	s8 =	sadd.s32 $0x63B800, s11;
	v0 =	vmov s10;
	s10 =	smax.u32 s13, $0x1;
	s11 =	simm.s32 $0x1  }
0xc: {  	v2 =	vimm.f32 $0.0e+00;
	v4 =	vlaneseq.u32;
	v3 =	vimm.s32 $0x0;
	s13 =	simm.s32 $0xFA0;
	s12 =	sadd.s32 s12, s7;
	s7 =	smul.u32 $0xC4000, s9  }
0xd: {  	v5 =	vimm.f32 $1.000000000e+00;
	v4 =	vmul.u32 $0x620, v4;
	v1 =	vmov s14;
	s14 =	simm.s32 $0x1FA0;
	s9 =	sadd.s32 $0x19E00, s12;
	s12 =	simm.s32 $0x7D0  }
.LBB2_1:
0xe: {  	s19 =	simm.s32 $0x0;
	s20 =	simm.s32 $0x40  }
.LBB2_2:
0xf: {  	p0 =	sne.s32 s20, $0x1840;
	[tilespmem:s19+$0x8B80] =	vst v2  }
0x10: {  	[tilespmem:s19+$0x2FA0] =	vst v2  }
0x11: {  	[tilespmem:s19+$0x35C0] =	vst v2  }
0x12: {  	[tilespmem:s19+$0x3BE0] =	vst v2  }
0x13: {  	[tilespmem:s19+$0x4200] =	vst v2  }
0x14: {  	[tilespmem:s19+$0x4820] =	vst v2  }
0x15: {  	[tilespmem:s19+$0x4E40] =	vst v2  }
0x16: {  	[tilespmem:s19+$0x5460] =	vst v2  }
0x17: {  	[tilespmem:s19+$0x5A80] =	vst v2  }
0x18: {  	[tilespmem:s19+$0x60A0] =	vst v2  }
0x19: {  	[tilespmem:s19+$0x66C0] =	vst v2  }
.Ltmp0:
0x1a: {  	[tilespmem:s19+$0x6CE0] =	vst v2;
	(pc) =	sbr.rel @p0 .LBB2_2-.Ltmp0, $4  }
0x1b: {  	[tilespmem:s19+$0x7300] =	vst v2  }
0x1c: {  	[tilespmem:s19+$0x7920] =	vst v2  }
0x1d: {  	[tilespmem:s19+$0x7F40] =	vst v2  }
0x1e: {  	[tilespmem:s19+$0x8560] =	vst v2;
	s19 =	sshra.s32 s20, $0x2;
	s20 =	sadd.s32 $0x40, s20  }
0x1f: {  	[tilespmem:s19+$0x8B80] =	vst v2  }
0x20: {  	[tilespmem:s19+$0x2FA0] =	vst v2  }
0x21: {  	[tilespmem:s19+$0x35C0] =	vst v2  }
0x22: {  	[tilespmem:s19+$0x3BE0] =	vst v2  }
0x23: {  	[tilespmem:s19+$0x4200] =	vst v2  }
0x24: {  	[tilespmem:s19+$0x4820] =	vst v2  }
0x25: {  	[tilespmem:s19+$0x4E40] =	vst v2  }
0x26: {  	[tilespmem:s19+$0x5460] =	vst v2  }
0x27: {  	[tilespmem:s19+$0x5A80] =	vst v2  }
0x28: {  	[tilespmem:s19+$0x60A0] =	vst v2  }
0x29: {  	[tilespmem:s19+$0x66C0] =	vst v2  }
0x2a: {  	[tilespmem:s19+$0x6CE0] =	vst v2  }
0x2b: {  	[tilespmem:s19+$0x7300] =	vst v2  }
0x2c: {  	[tilespmem:s19+$0x7920] =	vst v2  }
0x2d: {  	[tilespmem:s19+$0x7F40] =	vst v2  }
0x2e: {  	s20 =	simm.s32 $0x0;
	[tilespmem:s19+$0x8560] =	vst v2;
	s19 =	simm.s32 $0x40;
	s21 =	simm.s32 $0x0  }
.LBB2_4:
0x2f: {  	p0 =	sne.s32 s19, $0x3FC0;
	[tilespmem:s21+$0xFA0] =	vst v3;
	s22 =	smov.u32 s19;
	s19 =	sadd.s32 $0x40, s19  }
.Ltmp1:
0x30: {  	[tilespmem:s21+$0x1FA0] =	vst v3;
	(pc) =	sbr.rel @p0 .LBB2_4-.Ltmp1, $2  }
0x31: {  	_ =	sdelay $0x2  }
0x32: {  	s21 =	sshra.s32 s22, $0x2  }
0x33: {  	[tilespmem:s21+$0xFA0] =	vst v3  }
0x34: {  	[tilespmem:s21+$0x1FA0] =	vst v3;
	s19 =	simm.s32 $0x0;
	s21 =	simm.s32 $0x0  }
.LBB2_6:
0x35: {  	s22 =	smul.u32 $0xFA, s21;
	_ =	sdelay $0x1  }
0x36: {  	s24 =	simm.s32 $0x0;
	s23 =	sadd.s32 s4, s22  }
0x37: {  	[tilespmem:s24], [sflag:$0x1] =	stream.linear.gather [hbm4b:s23+s24], $0x7D0, $0x38;
	[tilespmem:$0x97D0] =	vst v63  }
0x38: {  	_ =	swait.ge [sflag:s11], $0x7D0  }
0x39: {  	[sflag:s11] =	ssyncset.done $0x0  }
0x3a: {  	s22 =	sadd.s32 s2, s22;
	[sflag:s11] =	ssyncadd.s32 $0xFFFFF830  }
0x3b: {  	[tilespmem:s12], [sflag:$0x1] =	stream.linear.gather [hbm4b:s22+s24], $0x7D0, $0x38;
	[tilespmem:$0x97D0] =	vst v63  }
0x3c: {  	_ =	swait.ge [sflag:s11], $0x7D0  }
0x3d: {  	[sflag:s11] =	ssyncset.done $0x0  }
0x3e: {  	s31 =	simm.s32 $0x0;
	[sflag:s11] =	ssyncadd.s32 $0xFFFFF830  }
0x3f: {  	v6 =	vld [tilespmem:s31+$0x7D0];
	_ =	sdelay $0x4  }
0x40: {  	vm0 =	vge.s32 v6, v0;
	vm1 =	vlt.s32 v6, v1  }
0x41: {  	vm0 =	vmand vm0, vm1  }
0x42: {  	v7 =	vsel vm0, $0x1, v3  }
0x43: {  	(xrf0) =	vadd.scan.msk.s32 $0xffff, v7;
	_ =	sdelay $0x2  }
0x44: {  	v7 =	vmov s19  }
0x45: {  	v7 =	vadd.s32 $0xFFFFFFFF, v7  }
0x46: {  	v7 =	vbroadcast v7, $0x0  }
0x47: {  	v8, _, _ =	vpop (xrf0)  }
0x48: {  	v7 =	vadd.s32 v8, v7;
	(v2sf) =	vpush v8, $0xF  }
0x49: {  	v9 =	vshra.s32 v7, $0x1F  }
0x4a: {  	v9 =	vshrl.u32 v9, $0x14  }
0x4b: {  	v9 =	vadd.s32 v9, v7  }
0x4c: {  	v10 =	vsub.s32 v6, v0;
	v9 =	vand.u32 $0xFFFFF000, v9  }
0x4d: {  	v11 =	vld [tilespmem:s31+$0x0];
	v6 =	vand.u32 $0x7, v6;
	v63 =	vand.u32 $0xFFFFFFF8, v10;
	v7 =	vsub.s32 v7, v9  }
0x4e: {  	v6 =	vor.u32 v6, v63  }
0x4f: {  	v6 =	vadd.s32 v4, v6;
	_ =	sdelay $0x2  }
0x50: {  	[tilespmem:v7+s13+$0x0] =	vst.idx.msk vm0, v11  }
0x51: {  	[tilespmem:v7+s14+$0x0] =	vst.idx.msk vm0, v10  }
0x52: {  	s23 =	simm.s32 $0x10;
	s22 =	simm.s32 $0x80;
	[tilespmem:v6+s15+$0x0] =	vst.idx.add.f32.msk vm0, v5  }
.LBB2_7:
0x53: {  	p0 =	sne.s32 s22, $0x1F00;
	v6 =	vld [tilespmem:s23+$0x7D0]  }
0x54: {  	v7 =	vld [tilespmem:s23+$0x0]  }
0x55: {  	s23 =	spop (v2sf)  }
0x56: {  	s19 =	sadd.s32 s19, s23  }
0x57: {  	v8 =	vmov s19  }
0x58: {  	vm0 =	vge.s32 v6, v0;
	vm1 =	vlt.s32 v6, v1;
	v8 =	vadd.s32 $0xFFFFFFFF, v8  }
0x59: {  	v9 =	vsub.s32 v6, v0;
	vm0 =	vmand vm0, vm1;
	v8 =	vbroadcast v8, $0x0  }
0x5a: {  	v6 =	vand.u32 $0x7, v6;
	v10 =	vsel vm0, $0x1, v3  }
0x5b: {  	(xrf0) =	vadd.scan.msk.s32 $0xffff, v10;
	_ =	sdelay $0x5  }
0x5c: {  	v10, _, _ =	vpop (xrf0)  }
0x5d: {  	v8 =	vadd.s32 v10, v8;
	(v2sf) =	vpush v10, $0xF  }
0x5e: {  	v10 =	vshra.s32 v8, $0x1F  }
0x5f: {  	v10 =	vshrl.u32 v10, $0x14  }
0x60: {  	v10 =	vadd.s32 v10, v8  }
0x61: {  	v10 =	vand.u32 $0xFFFFF000, v10  }
0x62: {  	v8 =	vsub.s32 v8, v10;
	v10 =	vand.u32 $0xFFFFFFF8, v9  }
0x63: {  	v6 =	vor.u32 v6, v10  }
0x64: {  	v6 =	vadd.s32 v4, v6  }
.Ltmp2:
0x65: {  	(pc) =	sbr.rel @p0 .LBB2_7-.Ltmp2, $4  }
0x66: {  	_ = 	snop  }
0x67: {  	[tilespmem:v8+s13+$0x0] =	vst.idx.msk vm0, v7  }
0x68: {  	[tilespmem:v8+s14+$0x0] =	vst.idx.msk vm0, v9  }
0x69: {  	s23 =	sshra.s32 s22, $0x2;
	s22 =	sadd.s32 $0x40, s22;
	[tilespmem:v6+s15+$0x0] =	vst.idx.add.f32.msk vm0, v5  }
0x6a: {  	v6 =	vld [tilespmem:s23+$0x7D0];
	_ =	sdelay $0x4  }
0x6b: {  	vm0 =	vge.s32 v6, v0;
	vm1 =	vlt.s32 v6, v1  }
0x6c: {  	vm0 =	vmand vm0, vm1  }
0x6d: {  	v7 =	vsel vm0, $0x1, v3  }
0x6e: {  	(xrf0) =	vadd.scan.msk.s32 $0xffff, v7;
	_ =	sdelay $0x5  }
0x6f: {  	v7, _, _ =	vpop (xrf0)  }
0x70: {  	(v2sf) =	vpush v7, $0xF;
	_ =	sdelay $0x5  }
0x71: {  	s22 =	spop (v2sf)  }
0x72: {  	s19 =	sadd.s32 s19, s22  }
0x73: {  	v8 =	vmov s19  }
0x74: {  	v8 =	vadd.s32 $0xFFFFFFFF, v8  }
0x75: {  	v8 =	vbroadcast v8, $0x0;
	_ =	sdelay $0x1  }
0x76: {  	v7 =	vadd.s32 v7, v8  }
0x77: {  	v8 =	vshra.s32 v7, $0x1F  }
0x78: {  	v8 =	vshrl.u32 v8, $0x14  }
0x79: {  	v8 =	vadd.s32 v8, v7;
	s31 =	spop (v2sf)  }
0x7a: {  	v9 =	vsub.s32 v6, v0;
	v8 =	vand.u32 $0xFFFFF000, v8;
	s19 =	sadd.s32 s19, s31  }
0x7b: {  	v10 =	vld [tilespmem:s23+$0x0];
	v6 =	vand.u32 $0x7, v6;
	v63 =	vand.u32 $0xFFFFFFF8, v9;
	v7 =	vsub.s32 v7, v8;
	s22 =	ssub.s32 s19, s20  }
0x7c: {  	v6 =	vor.u32 v6, v63;
	p0 =	slt.s32 s22, $0x800  }
0x7d: {  	v6 =	vadd.s32 v4, v6;
	s22 =	sshra.s32 @!p0 s20, $0x1F  }
0x7e: {  	s22 =	sshrl.u32 @!p0 s22, $0x14  }
0x7f: {  	s22 =	sadd.s32 @!p0 s22, s20  }
0x80: {  	[tilespmem:v7+s13+$0x0] =	vst.idx.msk vm0, v10;
	s23 =	sadd.s32 @!p0 s7, s20;
	s22 =	sand.u32 @!p0 $0xFFFFF000, s22  }
0x81: {  	[tilespmem:v7+s14+$0x0] =	vst.idx.msk vm0, v9;
	s23 =	sshrl.u32 @!p0 s23, $0x3;
	s22 =	ssub.s32 @!p0 s20, s22  }
0x82: {  	[tilespmem:v6+s15+$0x0] =	vst.idx.add.f32.msk vm0, v5;
	s26 =	simm.s32 @!p0 $0x0;
	s24 =	sadd.s32 @!p0 s5, s23;
	s25 =	sadd.s32 @!p0 $0xFA0, s22  }
0x83: {  	[hbm4b:s24+s26] =	stream.linear.scatter @!p0 [tilespmem:s25], [sflag:$0x1], $0x800, $0x38;
	[tilespmem:$0x97D0] =	vst v63  }
0x84: {  	s24 =	simm.s32 @!p0 $0x1  }
0x85: {  	s21 =	sadd.s32 $0x1, s21;
	_ =	swait.ge @!p0 [sflag:s24], $0x800  }
0x86: {  	p1 =	sne.s32 s21, $0x190;
	s23 =	sadd.s32 @!p0 s6, s23;
	[sflag:s24] =	ssyncset.done @!p0 $0x0  }
.Ltmp3:
0x87: {  	s22 =	sadd.s32 @!p0 $0x1FA0, s22;
	[sflag:s24] =	ssyncadd.s32 @!p0 $0xFFFFF800;
	(pc) =	sbr.rel @p1 .LBB2_6-.Ltmp3, $4  }
0x88: {  	[hbm4b:s23+s26] =	stream.linear.scatter @!p0 [tilespmem:s22], [sflag:$0x1], $0x800, $0x38;
	[tilespmem:$0x97D0] =	vst v63  }
0x89: {  	s22 =	sadd.s32 @!p0 $0x800, s20;
	_ =	swait.ge @!p0 [sflag:s24], $0x800  }
0x8a: {  	s22 =	smov.u32 @p0 s20;
	[sflag:s24] =	ssyncset.done @!p0 $0x0  }
0x8b: {  	s20 =	smov.u32 s22;
	[sflag:s24] =	ssyncadd.s32 @!p0 $0xFFFFF800  }
0x8c: {  	s20 =	sshra.s32 s22, $0x1F  }
0x8d: {  	s20 =	sshrl.u32 s20, $0x14  }
0x8e: {  	s20 =	sadd.s32 s20, s22  }
0x8f: {  	s21 =	sadd.s32 s7, s22;
	s20 =	sand.u32 $0xFFFFF000, s20  }
0x90: {  	s28 =	sshrl.u32 s21, $0x3;
	s20 =	ssub.s32 s22, s20  }
0x91: {  	s25 =	simm.s32 $0x0;
	s23 =	sadd.s32 s5, s28;
	s24 =	sadd.s32 $0xFA0, s20  }
0x92: {  	[hbm4b:s23+s25] =	stream.linear.scatter [tilespmem:s24], [sflag:$0x1], $0x800, $0x38;
	[tilespmem:$0x97D0] =	vst v63  }
0x93: {  	_ =	swait.ge [sflag:s11], $0x800  }
0x94: {  	[sflag:s11] =	ssyncset.done $0x0  }
0x95: {  	s22 =	sadd.s32 s6, s28;
	s29 =	sadd.s32 $0x1FA0, s20;
	[sflag:s11] =	ssyncadd.s32 $0xFFFFF800  }
0x96: {  	[hbm4b:s22+s25] =	stream.linear.scatter [tilespmem:s29], [sflag:$0x1], $0x800, $0x38;
	[tilespmem:$0x97D0] =	vst v63  }
0x97: {  	s21 =	sadd.s32 $0x800, s21;
	_ =	swait.ge [sflag:s11], $0x800  }
0x98: {  	s21 =	sshrl.u32 s21, $0x3;
	[sflag:s11] =	ssyncset.done $0x0  }
0x99: {  	s30 =	sadd.s32 s5, s21;
	s31 =	ssub.s32 $0x17A0, s20;
	[sflag:s11] =	ssyncadd.s32 $0xFFFFF800  }
0x9a: {  	[hbm4b:s30+s25] =	stream.linear.scatter [tilespmem:s31], [sflag:$0x1], $0x800, $0x38;
	[tilespmem:$0x97D0] =	vst v63  }
0x9b: {  	_ =	swait.ge [sflag:s11], $0x800  }
0x9c: {  	[sflag:s11] =	ssyncset.done $0x0  }
0x9d: {  	s21 =	sadd.s32 s6, s21;
	s20 =	ssub.s32 $0x27A0, s20;
	[sflag:s11] =	ssyncadd.s32 $0xFFFFF800  }
0x9e: {  	[hbm4b:s21+s25] =	stream.linear.scatter [tilespmem:s20], [sflag:$0x1], $0x800, $0x38;
	[tilespmem:$0x97D0] =	vst v63  }
0x9f: {  	_ =	swait.ge [sflag:s11], $0x800  }
0xa0: {  	[sflag:s11] =	ssyncset.done $0x0  }
0xa1: {  	v6 =	vmov s19;
	[sflag:s11] =	ssyncadd.s32 $0xFFFFF800  }
0xa2: {  	[tilespmem:$0x97C0] =	vst v6  }
0xa3: {  	[hbm4b:s8+s25] =	stream.linear.scatter [tilespmem:s16], [sflag:$0x1], $0x10, $0x38;
	[tilespmem:$0x97D0] =	vst v63  }
0xa4: {  	_ =	swait.ge [sflag:s11], $0x10  }
0xa5: {  	[sflag:s11] =	ssyncset.done $0x0  }
0xa6: {  	s20 =	simm.s32 $0x0;
	[sflag:s11] =	ssyncadd.s32 $0xFFFFFFF0  }
0xa7: {  	v6 =	vld [tilespmem:s20+$0x2FA0];
	_ =	sdelay $0x1  }
0xa8: {  	v7 =	vld [tilespmem:s20+$0x35C0];
	_ =	sdelay $0x1  }
0xa9: {  	v8 =	vld [tilespmem:s20+$0x3BE0]  }
0xaa: {  	v6 =	vadd.f32 $0.0e+00, v6  }
0xab: {  	v9 =	vld [tilespmem:s20+$0x4200]  }
0xac: {  	v6 =	vadd.f32 v7, v6  }
0xad: {  	v7 =	vld [tilespmem:s20+$0x4820]  }
0xae: {  	v6 =	vadd.f32 v8, v6  }
0xaf: {  	v8 =	vld [tilespmem:s20+$0x4E40]  }
0xb0: {  	v6 =	vadd.f32 v9, v6  }
0xb1: {  	v9 =	vld [tilespmem:s20+$0x5460]  }
0xb2: {  	v6 =	vadd.f32 v7, v6  }
0xb3: {  	s19 =	simm.s32 $0x10;
	v7 =	vld [tilespmem:s20+$0x5A80]  }
0xb4: {  	v10 =	vld [tilespmem:s19+$0x2FA0];
	v6 =	vadd.f32 v8, v6  }
0xb5: {  	v8 =	vld [tilespmem:s20+$0x60A0]  }
0xb6: {  	v11 =	vld [tilespmem:s19+$0x35C0];
	v6 =	vadd.f32 v9, v6  }
0xb7: {  	v9 =	vld [tilespmem:s20+$0x66C0]  }
0xb8: {  	v12 =	vld [tilespmem:s19+$0x3BE0];
	v6 =	vadd.f32 v7, v6  }
0xb9: {  	v7 =	vld [tilespmem:s20+$0x6CE0]  }
0xba: {  	v13 =	vld [tilespmem:s19+$0x4200];
	v10 =	vadd.f32 $0.0e+00, v10;
	v6 =	vadd.f32 v8, v6  }
0xbb: {  	v8 =	vld [tilespmem:s20+$0x7300]  }
0xbc: {  	v14 =	vld [tilespmem:s19+$0x4820];
	v10 =	vadd.f32 v11, v10;
	v6 =	vadd.f32 v9, v6  }
0xbd: {  	v11 =	vld [tilespmem:s20+$0x7920]  }
0xbe: {  	v15 =	vld [tilespmem:s19+$0x4E40];
	v9 =	vadd.f32 v12, v10;
	v6 =	vadd.f32 v7, v6  }
0xbf: {  	v12 =	vld [tilespmem:s20+$0x7F40]  }
0xc0: {  	v7 =	vadd.f32 v13, v9;
	v9 =	vld [tilespmem:s19+$0x5460];
	v8 =	vadd.f32 v8, v6  }
0xc1: {  	v6 =	vld [tilespmem:s20+$0x8560]  }
0xc2: {  	v10 =	vld [tilespmem:s19+$0x5A80];
	v13 =	vadd.f32 v14, v7;
	v14 =	vadd.f32 v11, v8  }
0xc3: {  	v7 =	vld [tilespmem:s20+$0x8B80]  }
0xc4: {  	s22 =	simm.s32 $0xC0;
	s21 =	simm.s32 $0x20;
	v11 =	vadd.f32 v15, v13;
	v8 =	vld [tilespmem:s19+$0x60A0];
	v12 =	vadd.f32 v12, v14  }
.LBB2_10:
0xc5: {  	p0 =	sne.s32 s22, $0x1840;
	v13 =	vld [tilespmem:s21+$0x2FA0]  }
0xc6: {  	v9 =	vadd.f32 v9, v11;
	v11 =	vld [tilespmem:s19+$0x66C0];
	v6 =	vadd.f32 v6, v12  }
0xc7: {  	v12 =	vld [tilespmem:s21+$0x35C0]  }
0xc8: {  	v9 =	vadd.f32 v10, v9;
	v10 =	vld [tilespmem:s19+$0x6CE0];
	v6 =	vadd.f32 v7, v6  }
0xc9: {  	v7 =	vld [tilespmem:s21+$0x3BE0]  }
0xca: {  	v13 =	vadd.f32 $0.0e+00, v13;
	v8 =	vadd.f32 v8, v9;
	v9 =	vld [tilespmem:s19+$0x7300];
	[tilespmem:s20+$0x91A0] =	vst v6;
	s20 =	smov.u32 s19;
	s19 =	smov.u32 s21  }
0xcb: {  	v6 =	vld [tilespmem:s19+$0x4200]  }
0xcc: {  	v12 =	vadd.f32 v12, v13;
	v8 =	vadd.f32 v11, v8;
	v11 =	vld [tilespmem:s20+$0x7920]  }
0xcd: {  	v13 =	vld [tilespmem:s19+$0x4820]  }
0xce: {  	v7 =	vadd.f32 v7, v12;
	v8 =	vadd.f32 v10, v8;
	v12 =	vld [tilespmem:s20+$0x7F40]  }
0xcf: {  	v14 =	vld [tilespmem:s19+$0x4E40]  }
.Ltmp4:
0xd0: {  	v7 =	vadd.f32 v6, v7;
	v8 =	vadd.f32 v9, v8;
	v6 =	vld [tilespmem:s20+$0x8560];
	(pc) =	sbr.rel @p0 .LBB2_10-.Ltmp4, $4  }
0xd1: {  	v9 =	vld [tilespmem:s19+$0x5460]  }
0xd2: {  	v13 =	vadd.f32 v13, v7;
	v15 =	vadd.f32 v11, v8;
	v7 =	vld [tilespmem:s20+$0x8B80]  }
0xd3: {  	v10 =	vld [tilespmem:s19+$0x5A80]  }
0xd4: {  	s21 =	sshra.s32 s22, $0x2;
	s22 =	sadd.s32 $0x40, s22;
	v11 =	vadd.f32 v14, v13;
	v8 =	vld [tilespmem:s19+$0x60A0];
	v12 =	vadd.f32 v12, v15  }
0xd5: {  	v13 =	vld [tilespmem:s21+$0x2FA0]  }
0xd6: {  	v14 =	vld [tilespmem:s19+$0x66C0];
	v6 =	vadd.f32 v6, v12  }
0xd7: {  	v49 =	vld [tilespmem:s21+$0x35C0]  }
0xd8: {  	v15 =	vld [tilespmem:s19+$0x6CE0];
	v9 =	vadd.f32 v9, v11;
	v6 =	vadd.f32 v7, v6  }
0xd9: {  	v7 =	vld [tilespmem:s21+$0x3BE0]  }
0xda: {  	v50 =	vld [tilespmem:s19+$0x7300];
	v9 =	vadd.f32 v10, v9;
	v51 =	vadd.f32 $0.0e+00, v13;
	[tilespmem:s20+$0x91A0] =	vst v6  }
0xdb: {  	v6 =	vld [tilespmem:s21+$0x4200]  }
0xdc: {  	v8 =	vadd.f32 v8, v9;
	v52 =	vadd.f32 v49, v51  }
0xdd: {  	v53 =	vld [tilespmem:s21+$0x4820]  }
0xde: {  	v54 =	vld [tilespmem:s19+$0x7920];
	v8 =	vadd.f32 v14, v8;
	v7 =	vadd.f32 v7, v52  }
0xdf: {  	v55 =	vld [tilespmem:s21+$0x4E40]  }
0xe0: {  	v56 =	vld [tilespmem:s19+$0x7F40];
	v8 =	vadd.f32 v15, v8;
	v6 =	vadd.f32 v6, v7  }
0xe1: {  	v7 =	vld [tilespmem:s21+$0x5460]  }
0xe2: {  	v57 =	vld [tilespmem:s19+$0x8560];
	v8 =	vadd.f32 v50, v8;
	v6 =	vadd.f32 v53, v6  }
0xe3: {  	v58 =	vld [tilespmem:s21+$0x5A80]  }
0xe4: {  	v59 =	vld [tilespmem:s19+$0x8B80];
	v8 =	vadd.f32 v54, v8;
	v6 =	vadd.f32 v55, v6  }
0xe5: {  	v60 =	vld [tilespmem:s21+$0x60A0]  }
0xe6: {  	v8 =	vadd.f32 v56, v8;
	v6 =	vadd.f32 v7, v6  }
0xe7: {  	v7 =	vld [tilespmem:s21+$0x66C0]  }
0xe8: {  	v8 =	vadd.f32 v57, v8;
	v6 =	vadd.f32 v58, v6  }
0xe9: {  	v61 =	vld [tilespmem:s21+$0x6CE0]  }
0xea: {  	v8 =	vadd.f32 v59, v8;
	v6 =	vadd.f32 v60, v6  }
0xeb: {  	v62 =	vld [tilespmem:s21+$0x7300]  }
0xec: {  	[tilespmem:s19+$0x91A0] =	vst v8;
	v6 =	vadd.f32 v7, v6  }
0xed: {  	v7 =	vld [tilespmem:s21+$0x7920]  }
0xee: {  	v6 =	vadd.f32 v61, v6  }
0xef: {  	v8 =	vld [tilespmem:s21+$0x7F40]  }
0xf0: {  	v6 =	vadd.f32 v62, v6  }
0xf1: {  	v63 =	vld [tilespmem:s21+$0x8560]  }
0xf2: {  	v6 =	vadd.f32 v7, v6  }
0xf3: {  	v7 =	vld [tilespmem:s21+$0x8B80]  }
0xf4: {  	v6 =	vadd.f32 v8, v6;
	_ =	sdelay $0x1  }
0xf5: {  	v6 =	vadd.f32 v63, v6;
	_ =	sdelay $0x1  }
0xf6: {  	s18 =	sadd.s32 $0x1, s18;
	v6 =	vadd.f32 v7, v6  }
0xf7: {  	p0 =	sne.s32 s18, s10  }
.Ltmp5:
0xf8: {  	[tilespmem:s21+$0x91A0] =	vst v6;
	(pc) =	sbr.rel @p0 .LBB2_1-.Ltmp5, $4  }
0xf9: {  	[hbm4b:s9+s3] =	stream.linear.scatter [tilespmem:s17], [sflag:$0x1], $0x620, $0x38;
	[tilespmem:$0x97D0] =	vst v63  }
0xfa: {  	_ =	swait.ge [sflag:s11], $0x620  }
0xfb: {  	[sflag:s11] =	ssyncset.done $0x0  }
0xfc: {  	[sflag:s11] =	ssyncadd.s32 $0xFFFFF9E0  }
0xfd: {  	_ =	sfence.sel $0x180000  }
0xfe: {  	[bflag:$0x0] =	sbarrier.arrive $0xFFFF  }
0xff: {  	p0 =	sne.s32 s1, $0x0;
	_ =	strace $0x90000047  }
0x100: {  	s0 =	sadd.s32 @!p0 $0x100000, s0;
	[bflag:$0x2] =	sbarrier.arrive $0xFFFF  }
0x101: {  	[sflag:s0] =	ssyncadd.tile.s32 @!p0 $0x1;
	_ =	shalt  }
.Lfunc_end2:
_tile_overlayer_lowered:
.L_overlay_start_2:
0x102: {  	(tag) =	ssettag $0x2  }
0x103: {  	s0 =	rddreg [dreg:$0x0];
	s2 =	stileid.u32  }
0x104: {  	s1 =	rddreg [dreg:$0x1];
	p0 =	sne.s32 s2, $0x0  }
0x105: {  	s3 =	rddreg [dreg:$0x2];
	[bflag:$0x3] =	sbarrier.arrive $0xFFFF;
	s2 =	simm.s32 @!p0 $0x1C01  }
0x106: {  	[timem:s3], [sflag:s2] =	dma.local @!p0 [hbm:s0], s1  }
0x107: {  	s0 =	simm.s32 @!p0 $0x1  }
0x108: {  	_ =	swait.ge @!p0 [sflag:s0], s1  }
0x109: {  	s1 =	ssub.s32 @!p0 $0x0, s1;
	[sflag:s0] =	ssyncset.done @!p0 $0x0  }
0x10a: {  	[sflag:s0] =	ssyncadd.s32 @!p0 s1  }
0x10b: {  	[bflag:$0x3] =	sbarrier.arrive $0xFFFF  }
0x10c: {  	_ =	shalt  }

// kernel: kernel.9.cloned.1.call-start
scs
__scs_entry_jumppad:
0x0: {  	(pc) =	sbr.rel $0x88, $3  }
0x1: {  	(tag) =	ssettag $0x0;
	lr =	simm.s32 $0x1  }
0x2: {  	[smem:$0x3F9E] =	sst lr;
	_ =	strace $0xD0000000  }
0x3: {  	_ = 	snop  }
0x4: {  	_ = 	snop  }
0x5: {  	_ = 	snop  }
0x6: {  	_ = 	snop  }
0x7: {  	_ = 	snop  }
__scs_overlays_trampoline_lowered:
0x8: {  	[smem:$0x3FAD] =	sst s0  }
0x9: {  	[smem:$0x3FAE] =	sst s1  }
0xa: {  	[smem:$0x3FAF] =	sst s2  }
0xb: {  	[smem:$0x3FB0] =	sst s3  }
0xc: {  	[smem:$0x3FB1] =	sst s4  }
0xd: {  	[smem:$0x3FB2] =	sst s5  }
0xe: {  	[smem:$0x3FB3] =	sst s6  }
0xf: {  	[smem:$0x3FB4] =	sst s7  }
0x10: {  	[smem:$0x3FB5] =	sst s8  }
0x11: {  	[smem:$0x3FB6] =	sst s9;
	s0 =	simm.s32 @!p0 $0x0  }
0x12: {  	s1 =	sld [smem:$0x3F9C];
	s0 =	simm.s32 @p0 $0x1  }
0x13: {  	[smem:$0x3FB7] =	sst s0;
	s0 =	simm.s32 @!p1 $0x0  }
0x14: {  	s2 =	sld [smem:$0x3F9B];
	s0 =	simm.s32 @p1 $0x1  }
0x15: {  	[smem:$0x3FB8] =	sst s0;
	s0 =	simm.s32 @!p2 $0x0  }
0x16: {  	s3 =	sld [smem:$0x3FDB];
	s0 =	simm.s32 @p2 $0x1  }
0x17: {  	s4 =	simm.s32 $0x1BF5;
	[smem:$0x3FBA] =	sst s0  }
0x18: {  	s0 =	sld [smem:$0x3F9D];
	_ =	swait.ge [sflag:s4], $0x0  }
0x19: {  	s7 =	sld [smem:$0x3F9E]  }
0x1a: {  	s8 =	sadd.s32 $0xFFFFE003, lr  }
0x1b: {  	s9 =	sadd.s32 $0xFFFFFEF7, lr;
	s5 =	simm.s32 $0xFFFFFFFF;
	p2 =	slt.u32 s8, $0xFFFFF086  }
0x1c: {  	p1 =	slt.u32 s9, $0xF7A;
	s5 =	simm.s32 @!p2 $0x0  }
0x1d: {  	s5 =	simm.s32 @p1 $0x1;
	p0 =	seq.s32 s7, s2  }
0x1e: {  	s7 =	smul.u32 @!p0 $0xF7A, s2;
	p2 =	seq.s32 @!p0 s5, $0x0  }
0x1f: {  	s9 =	smul.u32 $0xF7A, s1;
	s8 =	simm.s32 @!p0 $0x1BF5;
	p2 =	por !p2, p0  }
0x20: {  	[sflag:s8] =	ssyncset.s32 @!p0 $0xFFFFF086;
	s6 =	sadd.s32 @!p0 s3, s7;
	s7 =	simm.s32 @!p0 $0x108  }
0x21: {  	s3 =	sadd.s32 s3, s9;
	s6 =	sadd.s32 @!p0 $0x88, s6;
	s7 =	simm.s32 @p2 $0x1082  }
0x22: {  	[simem:s7], [sflag:s8] =	dma.local @!p0 [hbm:s6], $0xF7A  }
0x23: {  	s9 =	sor.u32 $0xD0000000, s2;
	s6 =	simm.s32 $0x108;
	_ =	swait.ge @!p0 [sflag:s8], $0x0  }
0x24: {  	s3 =	sadd.s32 $0x88, s3;
	s6 =	simm.s32 @!p1 $0x1082;
	[sflag:s4] =	ssyncset.s32 $0xFFFFF086  }
0x25: {  	[simem:s6], [sflag:s4] =	dma.local [hbm:s3], $0xF7A  }
0x26: {  	[smem:$0x3F9E] =	sst s1;
	(tag) =	ssettag s2;
	_ =	strace s9  }
0x27: {  	s1 =	sld [smem:$0x3FAE]  }
0x28: {  	s2 =	sld [smem:$0x3FAF]  }
0x29: {  	s4 =	sld [smem:$0x3FB1]  }
0x2a: {  	p0 =	seq.s32 s5, $0x0;
	s5 =	sld [smem:$0x3FB2]  }
0x2b: {  	s6 =	sld [smem:$0x3FB3]  }
0x2c: {  	s7 =	sld [smem:$0x3FB4]  }
0x2d: {  	s3 =	simm.s32 $0x108;
	s8 =	sld [smem:$0x3FB5]  }
0x2e: {  	s3 =	simm.s32 @!p0 $0x1082;
	s9 =	sld [smem:$0x3FB6]  }
0x2f: {  	lr =	sadd.s32 s0, s3;
	s0 =	sld [smem:$0x3FAD]  }
0x30: {  	s3 =	sld [smem:$0x3FB0]  }
0x31: {  	[smem:$0x3FB9] =	sst s10  }
0x32: {  	s10 =	sld [smem:$0x3FB7];
	_ =	sdelay $0x3  }
0x33: {  	p0 =	seq.s32 s10, $0x1;
	s10 =	sld [smem:$0x3FB9];
	_ =	sdelay $0x3  }
0x34: {  	[smem:$0x3FB9] =	sst s10  }
0x35: {  	s10 =	sld [smem:$0x3FB8];
	_ =	sdelay $0x3  }
0x36: {  	p1 =	seq.s32 s10, $0x1;
	s10 =	sld [smem:$0x3FB9];
	_ =	sdelay $0x3  }
0x37: {  	[smem:$0x3FB9] =	sst s10  }
0x38: {  	s10 =	sld [smem:$0x3FBA]  }
0x39: {  	_ = 	snop;
	(pc) =	sbr.ind lr, $3  }
0x3a: {  	_ = 	snop  }
0x3b: {  	_ = 	snop  }
0x3c: {  	p2 =	seq.s32 s10, $0x1;
	s10 =	sld [smem:$0x3FB9]  }
0x3d: {  	_ =	shalt  }
0x3e: {  	_ =	shalt  }
0x3f: {  	_ =	shalt  }
0x40: {  	_ =	shalt  }
0x41: {  	_ =	shalt  }
0x42: {  	_ =	shalt  }
0x43: {  	_ =	shalt  }
0x44: {  	_ =	shalt  }
0x45: {  	_ =	shalt  }
0x46: {  	_ =	shalt  }
0x47: {  	_ =	shalt  }
0x48: {  	_ =	shalt  }
0x49: {  	_ =	shalt  }
0x4a: {  	_ =	shalt  }
0x4b: {  	_ =	shalt  }
0x4c: {  	_ =	shalt  }
0x4d: {  	_ =	shalt  }
0x4e: {  	_ =	shalt  }
0x4f: {  	_ =	shalt  }
0x50: {  	_ =	shalt  }
0x51: {  	_ =	shalt  }
0x52: {  	_ =	shalt  }
0x53: {  	_ =	shalt  }
0x54: {  	_ =	shalt  }
0x55: {  	_ =	shalt  }
0x56: {  	_ =	shalt  }
0x57: {  	_ =	shalt  }
0x58: {  	_ =	shalt  }
0x59: {  	_ =	shalt  }
0x5a: {  	_ =	shalt  }
0x5b: {  	_ =	shalt  }
0x5c: {  	_ =	shalt  }
0x5d: {  	_ =	shalt  }
0x5e: {  	_ =	shalt  }
0x5f: {  	_ =	shalt  }
0x60: {  	_ =	shalt  }
0x61: {  	_ =	shalt  }
0x62: {  	_ =	shalt  }
0x63: {  	_ =	shalt  }
0x64: {  	_ =	shalt  }
0x65: {  	_ =	shalt  }
0x66: {  	_ =	shalt  }
0x67: {  	_ =	shalt  }
0x68: {  	_ =	shalt  }
0x69: {  	_ =	shalt  }
0x6a: {  	_ =	shalt  }
0x6b: {  	_ =	shalt  }
0x6c: {  	_ =	shalt  }
0x6d: {  	_ =	shalt  }
0x6e: {  	_ =	shalt  }
0x6f: {  	_ =	shalt  }
0x70: {  	_ =	shalt  }
0x71: {  	_ =	shalt  }
0x72: {  	_ =	shalt  }
0x73: {  	_ =	shalt  }
0x74: {  	_ =	shalt  }
0x75: {  	_ =	shalt  }
0x76: {  	_ =	shalt  }
0x77: {  	_ =	shalt  }
0x78: {  	_ =	shalt  }
0x79: {  	_ =	shalt  }
0x7a: {  	_ =	shalt  }
0x7b: {  	_ =	shalt  }
0x7c: {  	_ =	shalt  }
0x7d: {  	_ =	shalt  }
0x7e: {  	_ =	shalt  }
0x7f: {  	_ =	shalt  }
0x80: {  	_ =	shalt  }
0x81: {  	_ =	shalt  }
0x82: {  	_ =	shalt  }
0x83: {  	_ =	shalt  }
0x84: {  	_ =	shalt  }
0x85: {  	_ =	shalt  }
0x86: {  	_ =	shalt  }
0x87: {  	_ =	shalt  }
.Lfunc_end0:
.L_simem_size_0:
called_computation.2_lowered:
.L_overlay_start_0:
0x88: {  	s2 =	sld [smem:$0x3FD9]  }
0x89: {  	s3 =	sld [smem:$0x3FFE];
	_ =	sdelay $0x1  }
0x8a: {  	s1 =	srdreg.scid  }
0x8b: {  	s0 =	sand.u32 $0x1, s1  }
0x8c: {  	s17 =	sshll.u32 s0, $0xA;
	s2 =	sadd.s32 s3, s2  }
0x8d: {  	s2 =	sadd.s32 s2, s17  }
0x8e: {  	[smem:$0x3FC5] =	sst s2  }
0x8f: {  	_ = 	snop  }
0x90: {  	s2 =	sld [smem:$0x3FD0];
	(tm) =	ssettm $0x1  }
0x91: {  	s18 =	sld [smem:$0x3FFB];
	_ =	sdelay $0x3  }
0x92: {  	_ =	strace s18  }
0x93: {  	s3 =	sld [smem:$0x3FFC];
	_ =	sdelay $0x3  }
0x94: {  	_ =	strace s3  }
0x95: {  	s3 =	sld [smem:$0x3FFD];
	_ =	sdelay $0x3  }
0x96: {  	_ =	strace s3  }
0x97: {  	_ =	strace $0x8FFFFFFF  }
0x98: {  	s19 =	sld [smem:$0x3FDB];
	_ =	sdelay $0x1  }
0x99: {  	s4 =	simm.s32 $_scs_section_size  }
0x9a: {  	s5 =	simm.s32 $_size__tile_overlayer_lowered;
	s6 =	simm.s32 $_tile_overlayer_lowered  }
0x9b: {  	s22 =	simm.s32 $0x1BFF;
	s21 =	sshll.u32 s6, $0x1;
	s3 =	sadd.s32 s4, s19  }
0x9c: {  	s7 =	simm.s32 $0x0;
	s20 =	sshll.u32 s5, $0x1;
	s5 =	sadd.s32 s21, s3  }
0x9d: {  	[timem:s7], [sflag:s22] =	dma.local [hbm:s5], s20  }
0x9e: {  	_ =	swait.ge [sflag:s22], s20  }
0x9f: {  	s4 =	ssub.s32 $0x0, s20;
	[sflag:s22] =	ssyncset.done $0x0  }
0xa0: {  	[sflag:s22] =	ssyncadd.s32 s4;
	_ =	sdelay $0x1  }
0xa1: {  	s23 =	simm.s32 $0x1B8B  }
0xa2: {  	_ =	swait.ge [sflag:s23], $0x1  }
0xa3: {  	[sflag:s23] =	ssyncset.done $0x0  }
0xa4: {  	s25 =	simm.s32 $0x1B8E;
	s24 =	sld [smem:$0x3FFE];
	[sflag:s23] =	ssyncadd.s32 $0xFFFFFFFF  }
0xa5: {  	s26 =	simm.s32 $execute0_lowered;
	[smem:$0x3FD2] =	sst s25  }
0xa6: {  	s5 =	sshll.u32 s26, $0x1;
	_ =	strace $0x80000049;
	[dreg:$0x1] =	wrdreg $0xFFFFFFFF  }
0xa7: {  	s28 =	simm.s32 $_size_execute0_lowered;
	s3 =	sadd.s32 s3, s5;
	[dreg:$0x0] =	wrdreg $0x0  }
0xa8: {  	s5 =	sshll.u32 s28, $0x1;
	[dreg:$0x2] =	wrdreg s3  }
0xa9: {  	[dreg:$0x3] =	wrdreg s5  }
0xaa: {  	[dreg:$0x4] =	wrdreg $0xC0  }
0xab: {  	_ =	task [dreg:s7], $0x5FFFF  }
0xac: {  	[dreg:$0x1] =	wrdreg $0xFFFFFFFF  }
0xad: {  	[dreg:$0x0] =	wrdreg $0x60  }
0xae: {  	[dreg:$0x2] =	wrdreg s24  }
0xaf: {  	[dreg:$0x3] =	wrdreg s2  }
0xb0: {  	[dreg:$0x4] =	wrdreg $0x9  }
0xb1: {  	_ =	task.clear_ibuf [dreg:s7], $0x5FFFF;
	_ =	strace $0x90000049  }
0xb2: {  	s29 =	simm.s32 $0x9;
	_ =	strace $0x8000004B  }
0xb3: {  	_ =	swait.ge [sflag:s29], $0x1  }
0xb4: {  	[sflag:s29] =	ssyncadd.s32 $0xFFFFFFFF  }
0xb5: {  	_ =	strace $0x9000004B  }
0xb6: {  	_ =	sfence  }
0xb7: {  	s30 =	sld [smem:$0x0];
	_ =	sdelay $0x2  }
0xb8: {  	s31 =	sshll.u32 s1, $0xD;
	s1 =	sshrl.u32 s1, $0x2  }
0xb9: {  	s3 =	sand.u32 $0x4000, s31;
	s1 =	sadd.s32 s1, s30  }
0xba: {  	s0 =	sor.u32 s3, s0;
	s1 =	sshll.u32 s1, $0x11  }
0xbb: {  	s0 =	sor.u32 s1, s0  }
0xbc: {  	s0 =	sadd.s32 $0x8F2B, s0  }
0xbd: {  	[sflag:s0] =	ssyncadd.remote.s32 $0x1  }
0xbe: {  	_ =	sfence.sel $0xFFFF  }
0xbf: {  	[dreg:$0x0] =	wrdreg $0xFFFFFFFF;
	(pc) =	sbr.abs _section_cstart, $3  }
0xc0: {  	[dreg:$0x1] =	wrdreg $0xFFFFFFFF  }
0xc1: {  	_ =	task.clear_ibuf [dreg:s7], $0x2FFFF;
	_ =	strace $0x9FFFFFFF  }
0xc2: {  	(tm) =	ssettm $0x7FFFFFFF  }
0xc3: {  	_ =	shalt  }
tec
execute0_lowered:
.L_overlay_start_1:
0x0: {  	(tag) =	ssettag $0x1  }
0x1: {  	s6 =	rddreg [dreg:$0x0]  }
0x2: {  	s2 =	rddreg [dreg:$0x1]  }
0x3: {  	s0 =	rddreg [dreg:$0x2]  }
0x4: {  	s3 =	simm.s32 $0x0;
	s4 =	srdreg.scid;
	s1 =	stileid.u32  }
0x5: {  	s11 =	simm.s32 $0xDC00;
	s12 =	simm.s32 $0xC400;
	s14 =	simm.s32 $0xD400  }
0x6: {  	s15 =	simm.s32 $0x0;
	[smem:$0x7FF] =	sst s3;
	s5 =	sand.u32 $0x1, s4  }
0x7: {  	s31 =	sshll.u32 s1, $0x1;
	s4 =	sadd.s32 $0x1B800, s6;
	_ =	strace $0x8000004A  }
.Ltmp0:
0x8: {  	s7 =	sor.u32 s5, s31;
	s9 =	ssub.s32 $0x2, s5;
	(pc) =	sbr.rel .LBB2_1-.Ltmp0, $4  }
0x9: {  	s5 =	sadd.s32 $0x32B800, s6;
	s8 =	sshll.u32 s7, $0x1;
	s13 =	smul.u32 $0x620, s7  }
0xa: {  	s10 =	sshrl.u32 s9, $0x1;
	s7 =	smul.u32 $0xC4000, s7;
	s8 =	sadd.s32 s8, s6  }
0xb: {  	s6 =	sadd.s32 $0x63BA00, s6;
	s9 =	ssub.s32 s9, s10;
	s10 =	simm.s32 $0x1  }
0xc: {  	v1 =	vlaneseq.u32;
	s8 =	sadd.s32 $0x63B800, s8;
	s9 =	smax.u32 s9, $0x1;
	v0 =	vmov s13;
	s13 =	simm.s32 $0xCC00  }
.LBB2_6:
0xd: {  	s15 =	sadd.s32 $0x1, s15  }
0xe: {  	p0 =	sne.s32 s15, s9  }
.Ltmp1:
0xf: {  	_ = 	snop;
	(pc) =	sbr.rel @!p0 .LBB2_7-.Ltmp1, $1  }
0x10: {  	_ =	sdelay $0x3  }
.LBB2_1:
0x11: {  	[tilespmem:s3], [sflag:$0x1] =	stream.linear.gather [hbm4b:s2+s3], $0xC400, $0x38;
	[tilespmem:$0xDC10] =	vst v63  }
0x12: {  	_ =	swait.ge [sflag:s10], $0xC400  }
0x13: {  	[sflag:s10] =	ssyncset.done $0x0  }
0x14: {  	[sflag:s10] =	ssyncadd.s32 $0xFFFF3C00  }
0x15: {  	[tilespmem:s11], [sflag:$0x1] =	stream.linear.gather [hbm4b:s8+s3], $0x10, $0x38;
	[tilespmem:$0xDC10] =	vst v63  }
0x16: {  	_ =	swait.ge [sflag:s10], $0x10  }
0x17: {  	[sflag:s10] =	ssyncset.done $0x0  }
0x18: {  	[sflag:s10] =	ssyncadd.s32 $0xFFFFFFF0  }
0x19: {  	v2 =	vld [tilespmem:$0xDC00];
	_ =	sdelay $0x4  }
0x1a: {  	v2 =	vxor.u32 $0x80000000, v2  }
0x1b: {  	(xrf0) =	vmax.scan.msk.u32 $0xffff, v2;
	_ =	sdelay $0x5  }
0x1c: {  	v2, _, _ =	vpop (xrf0)  }
0x1d: {  	(v2sf) =	vpush v2, $0xF;
	_ =	sdelay $0xe  }
0x1e: {  	s17 =	spop (v2sf)  }
0x1f: {  	s16 =	sadd.s32 $0x800007FF, s17  }
0x20: {  	s18 =	sand.u32 $0x7FF, s16  }
0x21: {  	s31 =	sshra.s32 s16, $0x1F;
	p1 =	slt.s32 s16, $0x1;
	p0 =	sne.s32 s18, $0x0  }
0x22: {  	s18 =	sshrl.u32 s31, $0x15;
	p0 =	por !p1, !p0  }
0x23: {  	s16 =	sadd.s32 s18, s16;
	s18 =	simm.s32 $0x1;
	p0 =	por !p0, !p0  }
0x24: {  	s16 =	sshra.s32 s16, $0xB;
	s18 =	simm.s32 @!p0 $0x0  }
0x25: {  	s16 =	ssub.s32 s16, s18  }
0x26: {  	p0 =	slt.s32 s16, $0x1  }
.Ltmp2:
0x27: {  	_ = 	snop;
	(pc) =	sbr.rel @p0 .LBB2_6-.Ltmp2, $1  }
0x28: {  	_ =	sdelay $0x3  }
0x29: {  	s17 =	sxor.u32 $0x80000000, s17  }
0x2a: {  	s18 =	simm.s32 $0x0;
	s19 =	simm.s32 $0x0;
	v2 =	vmov s17;
	s17 =	simm.s32 $0x0  }
.LBB2_3:
0x2b: {  	s20 =	sshll.u32 s19, $0xB  }
0x2c: {  	s20 =	sadd.s32 s7, s20  }
0x2d: {  	s20 =	sshrl.u32 s20, $0x3  }
0x2e: {  	s21 =	sadd.s32 s4, s20  }
0x2f: {  	[tilespmem:s12], [sflag:$0x1] =	stream.linear.gather [hbm4b:s21+s17], $0x800, $0x38;
	[tilespmem:$0xDC10] =	vst v63  }
0x30: {  	_ =	swait.ge [sflag:s10], $0x800  }
0x31: {  	[sflag:s10] =	ssyncset.done $0x0  }
0x32: {  	s31 =	sadd.s32 s5, s20;
	[sflag:s10] =	ssyncadd.s32 $0xFFFFF800  }
0x33: {  	[tilespmem:s13], [sflag:$0x1] =	stream.linear.gather [hbm4b:s31+s17], $0x800, $0x38;
	[tilespmem:$0xDC10] =	vst v63  }
0x34: {  	_ =	swait.ge [sflag:s10], $0x800  }
0x35: {  	[sflag:s10] =	ssyncset.done $0x0  }
0x36: {  	s21 =	simm.s32 $0x0;
	[sflag:s10] =	ssyncadd.s32 $0xFFFFF800  }
0x37: {  	v3 =	vld [tilespmem:s21+$0xCC00]  }
0x38: {  	v4 =	vld [tilespmem:s21+$0xC400]  }
0x39: {  	v5 =	vor.u32 s18, v1  }
0x3a: {  	vm0 =	vlt.s32 v5, v2;
	_ =	sdelay $0x1  }
0x3b: {  	v3 =	vadd.s32 v0, v3;
	_ =	sdelay $0x1  }
0x3c: {  	s22 =	simm.s32 $0x10  }
0x3d: {  	v5 =	vld [tilespmem:s22+$0xCC00]  }
0x3e: {  	v4 =	vld.idx.msk [tilespmem:v4+s3+$0x0], vm0  }
0x3f: {  	s24 =	simm.s32 $0x80;
	s23 =	smov.u32 s18;
	v3 =	vld.idx.msk [tilespmem:v3+s3+$0x0], vm0  }
.LBB2_4:
0x40: {  	p0 =	sne.s32 s24, $0x1FC0  }
0x41: {  	s23 =	sadd.s32 $0x10, s23  }
0x42: {  	v7 =	vor.u32 s23, v1;
	v6 =	vld [tilespmem:s22+$0xC400]  }
0x43: {  	vm0 =	vlt.s32 v7, v2  }
0x44: {  	v3 =	vmul.f32 v3, v4;
	v5 =	vadd.s32 v0, v5;
	_ =	sdelay $0x1  }
0x45: {  	v3 =	vmul.f32 $8.999999760e-01, v3  }
.Ltmp3:
0x46: {  	(pc) =	sbr.rel @p0 .LBB2_4-.Ltmp3, $4  }
0x47: {  	[tilespmem:s21+$0xD400] =	vst v3;
	s21 =	smov.u32 s22  }
0x48: {  	v3 =	vld.idx.msk [tilespmem:v5+s3+$0x0], vm0  }
0x49: {  	s22 =	sshra.s32 s24, $0x2;
	v4 =	vld.idx.msk [tilespmem:v6+s3+$0x0], vm0  }
0x4a: {  	s24 =	sadd.s32 $0x40, s24;
	v5 =	vld [tilespmem:s22+$0xCC00]  }
0x4b: {  	s23 =	sadd.s32 $0x10, s23;
	v6 =	vld [tilespmem:s22+$0xC400]  }
0x4c: {  	v7 =	vor.u32 s23, v1  }
0x4d: {  	vm0 =	vlt.s32 v7, v2  }
0x4e: {  	v3 =	vmul.f32 v3, v4  }
0x4f: {  	v5 =	vadd.s32 v0, v5  }
0x50: {  	v3 =	vmul.f32 $8.999999760e-01, v3;
	_ =	sdelay $0x1  }
0x51: {  	[tilespmem:s21+$0xD400] =	vst v3  }
0x52: {  	v63 =	vld.idx.msk [tilespmem:v6+s3+$0x0], vm0  }
0x53: {  	v3 =	vld.idx.msk [tilespmem:v5+s3+$0x0], vm0;
	_ =	sdelay $0x4  }
0x54: {  	v3 =	vmul.f32 v3, v63;
	_ =	sdelay $0x1  }
0x55: {  	v3 =	vmul.f32 $8.999999760e-01, v3  }
0x56: {  	s19 =	sadd.s32 $0x1, s19  }
0x57: {  	s20 =	sadd.s32 s6, s20;
	p0 =	sne.s32 s19, s16;
	[tilespmem:s22+$0xD400] =	vst v3  }
0x58: {  	[hbm4b:s20+s3] =	stream.linear.scatter [tilespmem:s14], [sflag:$0x1], $0x800, $0x38;
	[tilespmem:$0xDC10] =	vst v63  }
.Ltmp4:
0x59: {  	_ = 	snop;
	(pc) =	sbr.rel @p0 .LBB2_3-.Ltmp4, $4  }
.Ltmp5:
0x5a: {  	_ = 	snop;
	(pc) =	sbr.rel @!p0 .LBB2_6-.Ltmp5, $4  }
0x5b: {  	_ =	swait.ge [sflag:s10], $0x800  }
0x5c: {  	[sflag:s10] =	ssyncset.done $0x0  }
0x5d: {  	s18 =	sadd.s32 $0x800, s18;
	[sflag:s10] =	ssyncadd.s32 $0xFFFFF800  }
0x5e: {  	_ = 	snop  }
.LBB2_7:
0x5f: {  	_ =	sfence.sel $0x180000  }
0x60: {  	[bflag:$0x0] =	sbarrier.arrive $0xFFFF  }
0x61: {  	p0 =	sne.s32 s1, $0x0;
	_ =	strace $0x9000004A  }
0x62: {  	s0 =	sadd.s32 @!p0 $0x100000, s0;
	[bflag:$0x2] =	sbarrier.arrive $0xFFFF  }
0x63: {  	[sflag:s0] =	ssyncadd.tile.s32 @!p0 $0x1;
	_ =	shalt  }
.Lfunc_end2:
_tile_overlayer_lowered:
.L_overlay_start_2:
0x64: {  	(tag) =	ssettag $0x2  }
0x65: {  	s0 =	rddreg [dreg:$0x0];
	s2 =	stileid.u32  }
0x66: {  	s1 =	rddreg [dreg:$0x1];
	p0 =	sne.s32 s2, $0x0  }
0x67: {  	s3 =	rddreg [dreg:$0x2];
	[bflag:$0x3] =	sbarrier.arrive $0xFFFF;
	s2 =	simm.s32 @!p0 $0x1C01  }
0x68: {  	[timem:s3], [sflag:s2] =	dma.local @!p0 [hbm:s0], s1  }
0x69: {  	s0 =	simm.s32 @!p0 $0x1  }
0x6a: {  	_ =	swait.ge @!p0 [sflag:s0], s1  }
0x6b: {  	s1 =	ssub.s32 @!p0 $0x0, s1;
	[sflag:s0] =	ssyncset.done @!p0 $0x0  }
0x6c: {  	[sflag:s0] =	ssyncadd.s32 @!p0 s1  }
0x6d: {  	[bflag:$0x3] =	sbarrier.arrive $0xFFFF  }
0x6e: {  	_ =	shalt  }

</sc_bundles>
